<compile_context>
chip_gen: v7x
topology: tpu7x:2x2x1
jax: 0.10.2.dev20260603
libtpu: 0.0.44.dev20260713+nightly
codegen_flags: <defaults>
</compile_context>

<pallas_src>
import functools

import jax
import jax.numpy as jnp
from jax import lax
from jax.experimental import pallas as pl
from jax.experimental.pallas import tpu as pltpu
from jax.experimental.pallas import tpu_sc as plsc

_info = plsc.get_sparse_core_info()
_NC, _NS, _NL = _info.num_cores, _info.num_subcores, _info.num_lanes
_NW = _NC * _NS

_SENT = -2


@functools.cache
def _make_kernel(v: int, d: int, b: int, h: int):
    assert d == 32 and _NL == 16
    sup = v // 4
    nblk_full = v // 128
    tail = v - nblk_full * 128
    main_blk = (nblk_full // _NW) & ~1
    extra_lo = main_blk * _NW
    n_extra = nblk_full - extra_lo
    hb = b // 128
    units = h * hb
    per_w = units // _NW
    assert units % _NW == 0 and per_w % 2 == 0

    mesh = plsc.VectorSubcoreMesh(core_axis_name="c", subcore_axis_name="s")

    @functools.partial(
        pl.kernel,
        mesh=mesh,
        out_type=(
            jax.ShapeDtypeStruct((h, d, b), jnp.float32),
            jax.ShapeDtypeStruct((sup, 128), jnp.float32),
        ),
        scratch_types=[
            pltpu.VMEM((2, 32, 128), jnp.float32),
            pltpu.VMEM((2, 32, 128), jnp.float32),
            pltpu.VMEM((2, 128, 128), jnp.float32),
            pltpu.VMEM((2, 32, 128), jnp.float32),
            pltpu.VMEM((h, 128 * (hb // _NW)), jnp.int32),
            pltpu.VMEM((2, 128), jnp.int32),
            pltpu.VMEM((16,), jnp.int32),
            pltpu.VMEM((16 * _NW,), jnp.int32),
            pltpu.SemaphoreType.DMA,
            pltpu.SemaphoreType.DMA,
            pltpu.SemaphoreType.DMA,
            pltpu.SemaphoreType.DMA,
            pltpu.SemaphoreType.DMA,
            pltpu.SemaphoreType.DMA,
            pltpu.SemaphoreType.DMA,
            pltpu.SemaphoreType.DMA,
        ],
        compiler_params=pltpu.CompilerParams(needs_layout_passes=False),
    )
    def emb_kernel(
        tab_t, idx_t, flg, tail_in, o3, tab_rm,
        blk, tblk, rows, oblk, idxall, sup2, sentb, fbuf,
        lsem0, lsem1, ssem0, ssem1, gsem0, gsem1, osem0, osem1,
    ):
        w = lax.axis_index("c") * _NS + lax.axis_index("s")
        iota = lax.iota(jnp.int32, _NL)

        cvecs = [jnp.bitwise_and(iota + 16 * k, 31) for k in range(8)]
        rqs = [lax.shift_right_logical(iota + 16 * k, 5) for k in range(8)]

        def transpose_blk(pb, ncol):
            pbv = iota * 0 + pb

            @plsc.parallel_loop(0, ncol // 4, unroll=16)
            def _(sp):
                s4v = iota * 0 + sp * 4
                for k in range(8):
                    val = plsc.load_gather(blk, [pbv, cvecs[k], rqs[k] + s4v])
                    tblk[pb, sp, pl.ds(16 * k, 16)] = val

        def a_load(jcol, pb, sem):
            return pltpu.async_copy(
                tab_t.at[:, pl.ds(jcol * 128, 128)], blk.at[pb], sem
            )

        def a_load_wait(pb, sem):
            pltpu.make_async_copy(
                tab_t.at[:, pl.ds(0, 128)], blk.at[pb], sem
            ).wait()

        def a_store(jcol, pb, sem):
            return pltpu.async_copy(
                tblk.at[pb], tab_rm.at[pl.ds(jcol * 32, 32), :], sem
            )

        def a_store_wait(pb, sem):
            pltpu.make_async_copy(
                tblk.at[pb], tab_rm.at[pl.ds(0, 32), :], sem
            ).wait()

        lsems = (lsem0, lsem1)
        ssems = (ssem0, ssem1)
        a_load(w, 0, lsem0)

        def a_body(g, carry):
            for pb in range(2):
                t = 2 * g + pb
                j = w + _NW * t
                nxt = t + 1 < main_blk
                @pl.when(nxt)
                def _():
                    a_load(j + _NW, 1 - pb, lsems[1 - pb])
                a_load_wait(pb, lsems[pb])
                @pl.when(t >= 2)
                def _():
                    a_store_wait(pb, ssems[pb])
                transpose_blk(pb, 128)
                a_store(j, pb, ssems[pb])
            return carry

        lax.fori_loop(0, main_blk // 2, a_body, 0)
        a_store_wait(0, ssem0)
        a_store_wait(1, ssem1)

        @pl.when(w < n_extra)
        def _():
            j = extra_lo + w
            a_load(j, 0, lsem0).wait()
            transpose_blk(0, 128)
            a_store(j, 0, ssem0).wait()

        if tail:
            @pl.when(w == _NW - 1)
            def _():
                nt = tail // 4
                pltpu.sync_copy(tail_in, tblk.at[0, pl.ds(0, nt), :])
                pltpu.sync_copy(
                    tblk.at[0, pl.ds(0, nt), :],
                    tab_rm.at[pl.ds(sup - nt, nt), :],
                )

        sentb[...] = iota * 0 + _SENT
        pltpu.sync_copy(sentb, flg.at[pl.ds(16 * w, 16)])

        def poll_cond(tot):
            return tot < 16 * _NW

        def poll_body(tot):
            pltpu.sync_copy(flg, fbuf)
            acc = iota * 0
            one = iota * 0 + 1
            zero = iota * 0
            for r in range(_NW):
                eq = fbuf[pl.ds(16 * r, 16)] == _SENT
                acc = acc + jnp.where(eq, one, zero)
            return lax.reduce_sum(acc, axes=(0,))

        lax.while_loop(poll_cond, poll_body, jnp.int32(0))

        gsems = (gsem0, gsem1)
        nbq = hb // _NW
        pltpu.sync_copy(idx_t.at[:, pl.ds(128 * nbq * w, 128 * nbq)], idxall)

        def adv(hh, bq):
            wrap = hh == h - 1
            return jnp.where(wrap, 0, hh + 1), jnp.where(wrap, bq + 1, bq)

        def b_stage(hh, bq, pb):
            co = 128 * bq
            for rb in range(8):
                iv = idxall[hh, pl.ds(co + 16 * rb, 16)]
                sup2[pb, pl.ds(16 * rb, 16)] = lax.shift_right_logical(iv, 2)
            pltpu.async_copy(tab_rm.at[sup2.at[pb]], rows.at[pb], gsems[pb])

        osems = (osem0, osem1)

        def b_flush(hh, bq, pb, first):
            pltpu.make_async_copy(
                tab_rm.at[sup2.at[pb]], rows.at[pb], gsems[pb]
            ).wait()
            @pl.when(jnp.logical_not(first))
            def _():
                pltpu.make_async_copy(
                    oblk.at[pb], o3.at[0, :, pl.ds(0, 128)], osems[pb]
                ).wait()
            pbv = iota * 0 + pb
            co = 128 * bq
            svs = []
            jvs = []
            for rb in range(8):
                iv = idxall[hh, pl.ds(co + 16 * rb, 16)]
                svs.append(lax.shift_left(jnp.bitwise_and(iv, 3), 5))
                jvs.append(iota + 16 * rb)

            @plsc.parallel_loop(0, d, unroll=16)
            def _(c):
                cv = iota * 0 + c
                for rb in range(8):
                    val = plsc.load_gather(rows, [pbv, jvs[rb], svs[rb] + cv])
                    oblk[pb, c, pl.ds(16 * rb, 16)] = val
            bb = nbq * w + bq
            pltpu.async_copy(
                oblk.at[pb], o3.at[hh, :, pl.ds(128 * bb, 128)], osems[pb]
            )

        b_stage(0, 0, 0)

        def b_body(g, carry):
            hc, bqc = carry
            for pb in range(2):
                hn, bqn = adv(hc, bqc)
                last = jnp.logical_and(hc == h - 1, bqc == nbq - 1)
                @pl.when(jnp.logical_not(last))
                def _():
                    b_stage(hn, bqn, 1 - pb)
                b_flush(hc, bqc, pb, g == 0)
                hc, bqc = hn, bqn
            return hc, bqc

        lax.fori_loop(0, per_w // 2, b_body, (jnp.int32(0), jnp.int32(0)))
        pltpu.make_async_copy(
            oblk.at[0], o3.at[0, :, pl.ds(0, 128)], osem0
        ).wait()
        pltpu.make_async_copy(
            oblk.at[1], o3.at[0, :, pl.ds(0, 128)], osem1
        ).wait()

    return emb_kernel


def kernel(inputs, table):
    b, h = inputs.shape
    v, d = table.shape
    tab_t = table.T
    idx_t = inputs.T
    flg = inputs[:16 * _NW, 0]
    tail = v % 128
    tail_in = table[v - tail:, :].reshape(tail // 4, 128)
    o3, _ = _make_kernel(v, d, b, h)(tab_t, idx_t, flg, tail_in)
    return o3.transpose(2, 0, 1)

# --- scband reference (transcript-rebuilt; emitter-appended) ---
"""Pipeline reference for scband-embedding-24309514896114 (READ-ONLY COPY).

The authoritative reference and input builder live on the scoring server;
editing this copy changes nothing except your own understanding.
"""

import jax, jax.numpy as jnp
import numpy as np

VOCAB = 1000000
EMBED_DIM = 32
BATCH = 16384
HIST = 50

def setup_inputs(seed: int = 0) -> dict:
    key = jax.random.key(seed)
    k_idx, k_tab = jax.random.split(key)
    inputs = jax.random.randint(k_idx, (BATCH, HIST), 0, VOCAB, dtype=jnp.int64 if jax.config.jax_enable_x64 else jnp.int32)
    table = jax.random.normal(k_tab, (VOCAB, EMBED_DIM), dtype=jnp.float32) * 0.02
    return {"inputs": inputs, "table": table}

def reference(inputs, table):
    # nn.Embedding forward: gather rows of the weight table by index
    return jnp.take(table, inputs, axis=0)

if __name__ == "__main__":
    import jax
    _d = setup_inputs()
    print(jax.jit(kernel)(*tuple(_d.values())))

</pallas_src>

<mosaic_0001>
#map = affine_map<(d0, d1) -> (0, 0)>
#map1 = affine_map<(d0, d1) -> (0)>
#map2 = affine_map<(d0, d1) -> (0, 0, 0)>
module attributes {stable_mosaic.version = 14 : i64} {
  func.func @emb_kernel(%arg0: i32, %arg1: i32, %arg2: memref<32x1000000xf32, #tpu.memory_space<hbm>>, %arg3: memref<50x16384xi32, #tpu.memory_space<hbm>>, %arg4: memref<512xi32, #tpu.memory_space<hbm>>, %arg5: memref<16x128xf32, #tpu.memory_space<hbm>>, %arg6: memref<50x32x16384xf32, #tpu.memory_space<hbm>>, %arg7: memref<250000x128xf32, #tpu.memory_space<hbm>>, %arg8: memref<2x32x128xf32, #tpu.memory_space<vmem>>, %arg9: memref<2x32x128xf32, #tpu.memory_space<vmem>>, %arg10: memref<2x128x128xf32, #tpu.memory_space<vmem>>, %arg11: memref<2x32x128xf32, #tpu.memory_space<vmem>>, %arg12: memref<50x512xi32, #tpu.memory_space<vmem>>, %arg13: memref<2x128xi32, #tpu.memory_space<vmem>>, %arg14: memref<16xi32, #tpu.memory_space<vmem>>, %arg15: memref<512xi32, #tpu.memory_space<vmem>>, %arg16: memref<!tpu.dma_semaphore, #tpu.memory_space<semaphore_mem>>, %arg17: memref<!tpu.dma_semaphore, #tpu.memory_space<semaphore_mem>>, %arg18: memref<!tpu.dma_semaphore, #tpu.memory_space<semaphore_mem>>, %arg19: memref<!tpu.dma_semaphore, #tpu.memory_space<semaphore_mem>>, %arg20: memref<!tpu.dma_semaphore, #tpu.memory_space<semaphore_mem>>, %arg21: memref<!tpu.dma_semaphore, #tpu.memory_space<semaphore_mem>>, %arg22: memref<!tpu.dma_semaphore, #tpu.memory_space<semaphore_mem>>, %arg23: memref<!tpu.dma_semaphore, #tpu.memory_space<semaphore_mem>>) attributes {dimension_semantics = [#tpu.dimension_semantics<core_parallel>, #tpu.dimension_semantics<subcore_parallel>], iteration_bounds = array<i64: 2, 16>, scalar_prefetch = 0 : i64, scratch_operands = 16 : i64, tpu.core_type = #tpu.core_type<sc_vector_subcore>, window_params = [{transform_indices = #map}, {transform_indices = #map}, {transform_indices = #map1}, {transform_indices = #map}, {transform_indices = #map2}, {transform_indices = #map}]} {
    %mul3A = arith.constant 16 : i32
    %mul3A_0 = arith.muli %arg0, %mul3A : i32
    %add3A = arith.addi %mul3A_0, %arg1 : i32
    %iota3A = tpu.iota {dimensions = array<i32: 0>} : vector<16xi32>
    %add3A_1 = arith.constant 0 : i32
    %add3A_2 = vector.broadcast %add3A_1 : i32 to vector<16xi32>
    %add3A_3 = arith.addi %iota3A, %add3A_2 : vector<16xi32>
    %and3A = arith.constant 31 : i32
    %and3A_4 = vector.broadcast %and3A : i32 to vector<16xi32>
    %and3A_5 = arith.andi %add3A_3, %and3A_4 : vector<16xi32>
    %add3A_6 = arith.constant 16 : i32
    %add3A_7 = vector.broadcast %add3A_6 : i32 to vector<16xi32>
    %add3A_8 = arith.addi %iota3A, %add3A_7 : vector<16xi32>
    %and3A_9 = arith.constant 31 : i32
    %and3A_10 = vector.broadcast %and3A_9 : i32 to vector<16xi32>
    %and3A_11 = arith.andi %add3A_8, %and3A_10 : vector<16xi32>
    %add3A_12 = arith.constant 32 : i32
    %add3A_13 = vector.broadcast %add3A_12 : i32 to vector<16xi32>
    %add3A_14 = arith.addi %iota3A, %add3A_13 : vector<16xi32>
    %and3A_15 = arith.constant 31 : i32
    %and3A_16 = vector.broadcast %and3A_15 : i32 to vector<16xi32>
    %and3A_17 = arith.andi %add3A_14, %and3A_16 : vector<16xi32>
    %add3A_18 = arith.constant 48 : i32
    %add3A_19 = vector.broadcast %add3A_18 : i32 to vector<16xi32>
    %add3A_20 = arith.addi %iota3A, %add3A_19 : vector<16xi32>
    %and3A_21 = arith.constant 31 : i32
    %and3A_22 = vector.broadcast %and3A_21 : i32 to vector<16xi32>
    %and3A_23 = arith.andi %add3A_20, %and3A_22 : vector<16xi32>
    %add3A_24 = arith.constant 64 : i32
    %add3A_25 = vector.broadcast %add3A_24 : i32 to vector<16xi32>
    %add3A_26 = arith.addi %iota3A, %add3A_25 : vector<16xi32>
    %and3A_27 = arith.constant 31 : i32
    %and3A_28 = vector.broadcast %and3A_27 : i32 to vector<16xi32>
    %and3A_29 = arith.andi %add3A_26, %and3A_28 : vector<16xi32>
    %add3A_30 = arith.constant 80 : i32
    %add3A_31 = vector.broadcast %add3A_30 : i32 to vector<16xi32>
    %add3A_32 = arith.addi %iota3A, %add3A_31 : vector<16xi32>
    %and3A_33 = arith.constant 31 : i32
    %and3A_34 = vector.broadcast %and3A_33 : i32 to vector<16xi32>
    %and3A_35 = arith.andi %add3A_32, %and3A_34 : vector<16xi32>
    %add3A_36 = arith.constant 96 : i32
    %add3A_37 = vector.broadcast %add3A_36 : i32 to vector<16xi32>
    %add3A_38 = arith.addi %iota3A, %add3A_37 : vector<16xi32>
    %and3A_39 = arith.constant 31 : i32
    %and3A_40 = vector.broadcast %and3A_39 : i32 to vector<16xi32>
    %and3A_41 = arith.andi %add3A_38, %and3A_40 : vector<16xi32>
    %add3A_42 = arith.constant 112 : i32
    %add3A_43 = vector.broadcast %add3A_42 : i32 to vector<16xi32>
    %add3A_44 = arith.addi %iota3A, %add3A_43 : vector<16xi32>
    %and3A_45 = arith.constant 31 : i32
    %and3A_46 = vector.broadcast %and3A_45 : i32 to vector<16xi32>
    %and3A_47 = arith.andi %add3A_44, %and3A_46 : vector<16xi32>
    %add3A_48 = arith.constant 0 : i32
    %add3A_49 = vector.broadcast %add3A_48 : i32 to vector<16xi32>
    %add3A_50 = arith.addi %iota3A, %add3A_49 : vector<16xi32>
    %shift_right_logical3A = arith.constant 5 : i32
    %shift_right_logical3A_51 = vector.broadcast %shift_right_logical3A : i32 to vector<16xi32>
    %shift_right_logical3A_52 = arith.shrui %add3A_50, %shift_right_logical3A_51 : vector<16xi32>
    %add3A_53 = arith.constant 16 : i32
    %add3A_54 = vector.broadcast %add3A_53 : i32 to vector<16xi32>
    %add3A_55 = arith.addi %iota3A, %add3A_54 : vector<16xi32>
    %shift_right_logical3A_56 = arith.constant 5 : i32
    %shift_right_logical3A_57 = vector.broadcast %shift_right_logical3A_56 : i32 to vector<16xi32>
    %shift_right_logical3A_58 = arith.shrui %add3A_55, %shift_right_logical3A_57 : vector<16xi32>
    %add3A_59 = arith.constant 32 : i32
    %add3A_60 = vector.broadcast %add3A_59 : i32 to vector<16xi32>
    %add3A_61 = arith.addi %iota3A, %add3A_60 : vector<16xi32>
    %shift_right_logical3A_62 = arith.constant 5 : i32
    %shift_right_logical3A_63 = vector.broadcast %shift_right_logical3A_62 : i32 to vector<16xi32>
    %shift_right_logical3A_64 = arith.shrui %add3A_61, %shift_right_logical3A_63 : vector<16xi32>
    %add3A_65 = arith.constant 48 : i32
    %add3A_66 = vector.broadcast %add3A_65 : i32 to vector<16xi32>
    %add3A_67 = arith.addi %iota3A, %add3A_66 : vector<16xi32>
    %shift_right_logical3A_68 = arith.constant 5 : i32
    %shift_right_logical3A_69 = vector.broadcast %shift_right_logical3A_68 : i32 to vector<16xi32>
    %shift_right_logical3A_70 = arith.shrui %add3A_67, %shift_right_logical3A_69 : vector<16xi32>
    %add3A_71 = arith.constant 64 : i32
    %add3A_72 = vector.broadcast %add3A_71 : i32 to vector<16xi32>
    %add3A_73 = arith.addi %iota3A, %add3A_72 : vector<16xi32>
    %shift_right_logical3A_74 = arith.constant 5 : i32
    %shift_right_logical3A_75 = vector.broadcast %shift_right_logical3A_74 : i32 to vector<16xi32>
    %shift_right_logical3A_76 = arith.shrui %add3A_73, %shift_right_logical3A_75 : vector<16xi32>
    %add3A_77 = arith.constant 80 : i32
    %add3A_78 = vector.broadcast %add3A_77 : i32 to vector<16xi32>
    %add3A_79 = arith.addi %iota3A, %add3A_78 : vector<16xi32>
    %shift_right_logical3A_80 = arith.constant 5 : i32
    %shift_right_logical3A_81 = vector.broadcast %shift_right_logical3A_80 : i32 to vector<16xi32>
    %shift_right_logical3A_82 = arith.shrui %add3A_79, %shift_right_logical3A_81 : vector<16xi32>
    %add3A_83 = arith.constant 96 : i32
    %add3A_84 = vector.broadcast %add3A_83 : i32 to vector<16xi32>
    %add3A_85 = arith.addi %iota3A, %add3A_84 : vector<16xi32>
    %shift_right_logical3A_86 = arith.constant 5 : i32
    %shift_right_logical3A_87 = vector.broadcast %shift_right_logical3A_86 : i32 to vector<16xi32>
    %shift_right_logical3A_88 = arith.shrui %add3A_85, %shift_right_logical3A_87 : vector<16xi32>
    %add3A_89 = arith.constant 112 : i32
    %add3A_90 = vector.broadcast %add3A_89 : i32 to vector<16xi32>
    %add3A_91 = arith.addi %iota3A, %add3A_90 : vector<16xi32>
    %shift_right_logical3A_92 = arith.constant 5 : i32
    %shift_right_logical3A_93 = vector.broadcast %shift_right_logical3A_92 : i32 to vector<16xi32>
    %shift_right_logical3A_94 = arith.shrui %add3A_91, %shift_right_logical3A_93 : vector<16xi32>
    %mul3A_95 = arith.constant 128 : i32
    %mul3A_96 = arith.muli %add3A, %mul3A_95 : i32
    %dma_start3A = arith.constant 0 : i32
    %dma_start3A_97 = arith.constant 0 : i32
    %dma_start3A_98 = arith.constant 0 : i32
    %dma_start3A_99 = tpu.memref_slice %arg8[%dma_start3A, %dma_start3A_97, %dma_start3A_98] : memref<2x32x128xf32, #tpu.memory_space<vmem>> -> memref<1x32x128xf32, #tpu.memory_space<vmem>>
    %dma_start3A_100 = tpu.memref_squeeze %dma_start3A_99 : memref<1x32x128xf32, #tpu.memory_space<vmem>> -> memref<32x128xf32, #tpu.memory_space<vmem>>
    %dma_start3A_101 = arith.constant 0 : i32
    %dma_start3A_102 = tpu.memref_slice %arg2[%dma_start3A_101, %mul3A_96] : memref<32x1000000xf32, #tpu.memory_space<hbm>> -> memref<32x128xf32, #tpu.memory_space<hbm>>
    %dma_start3A_103 = arith.constant 0 : i32
    %dma_start3A_104 = arith.constant 0 : i32
    %dma_start3A_105 = tpu.memref_slice %arg8[%dma_start3A, %dma_start3A_103, %dma_start3A_104] : memref<2x32x128xf32, #tpu.memory_space<vmem>> -> memref<1x32x128xf32, #tpu.memory_space<vmem>>
    %dma_start3A_106 = tpu.memref_squeeze %dma_start3A_105 : memref<1x32x128xf32, #tpu.memory_space<vmem>> -> memref<32x128xf32, #tpu.memory_space<vmem>>
    %dma_start3A_107 = arith.constant 0 : i32
    %dma_start3A_108 = tpu.memref_slice %arg2[%dma_start3A_107, %mul3A_96] : memref<32x1000000xf32, #tpu.memory_space<hbm>> -> memref<32x128xf32, #tpu.memory_space<hbm>>
    tpu.enqueue_dma source(%dma_start3A_108 : memref<32x128xf32, #tpu.memory_space<hbm>>) target(%dma_start3A_106 : memref<32x128xf32, #tpu.memory_space<vmem>>) target_semaphore(%arg16 : memref<!tpu.dma_semaphore, #tpu.memory_space<semaphore_mem>>)
    %scan3A = arith.constant 0 : i32
    %scan3A_109 = arith.constant 0 : i32
    %scan3A_110 = arith.constant 122 : i32
    %scan3A_111 = arith.addi %scan3A_109, %scan3A_110 : i32
    %scan3A_112 = arith.constant 1 : i32
    scf.for %scan3A_304 = %scan3A_109 to %scan3A_111 step %scan3A_112  : i32 {
      %mul3A_305 = arith.constant 2 : i32
      %mul3A_306 = arith.muli %mul3A_305, %scan3A_304 : i32
      %add3A_307 = arith.constant 0 : i32
      %add3A_308 = arith.addi %mul3A_306, %add3A_307 : i32
      %mul3A_309 = arith.constant 32 : i32
      %mul3A_310 = arith.muli %mul3A_309, %add3A_308 : i32
      %add3A_311 = arith.addi %add3A, %mul3A_310 : i32
      %add3A_312 = arith.constant 1 : i32
      %add3A_313 = arith.addi %add3A_308, %add3A_312 : i32
      %lt3A_314 = arith.constant 244 : i32
      %lt3A_315 = arith.cmpi slt, %add3A_313, %lt3A_314 : i32
      %convert_element_type3A_316 = arith.extui %lt3A_315 : i1 to i32
      %cond3A_317 = arith.constant 0 : i32
      %cond3A_318 = arith.cmpi ne, %convert_element_type3A_316, %cond3A_317 : i32
      scf.if %cond3A_318 {
        %add3A_419 = arith.constant 32 : i32
        %add3A_420 = arith.addi %add3A_311, %add3A_419 : i32
        %mul3A_421 = arith.constant 128 : i32
        %mul3A_422 = arith.muli %add3A_420, %mul3A_421 : i32
        %dma_start3A_423 = arith.constant 1 : i32
        %dma_start3A_424 = arith.constant 0 : i32
        %dma_start3A_425 = arith.constant 0 : i32
        %dma_start3A_426 = tpu.memref_slice %arg8[%dma_start3A_423, %dma_start3A_424, %dma_start3A_425] : memref<2x32x128xf32, #tpu.memory_space<vmem>> -> memref<1x32x128xf32, #tpu.memory_space<vmem>>
        %dma_start3A_427 = tpu.memref_squeeze %dma_start3A_426 : memref<1x32x128xf32, #tpu.memory_space<vmem>> -> memref<32x128xf32, #tpu.memory_space<vmem>>
        %dma_start3A_428 = arith.constant 0 : i32
        %dma_start3A_429 = tpu.memref_slice %arg2[%dma_start3A_428, %mul3A_422] : memref<32x1000000xf32, #tpu.memory_space<hbm>> -> memref<32x128xf32, #tpu.memory_space<hbm>>
        %dma_start3A_430 = arith.constant 0 : i32
        %dma_start3A_431 = arith.constant 0 : i32
        %dma_start3A_432 = tpu.memref_slice %arg8[%dma_start3A_423, %dma_start3A_430, %dma_start3A_431] : memref<2x32x128xf32, #tpu.memory_space<vmem>> -> memref<1x32x128xf32, #tpu.memory_space<vmem>>
        %dma_start3A_433 = tpu.memref_squeeze %dma_start3A_432 : memref<1x32x128xf32, #tpu.memory_space<vmem>> -> memref<32x128xf32, #tpu.memory_space<vmem>>
        %dma_start3A_434 = arith.constant 0 : i32
        %dma_start3A_435 = tpu.memref_slice %arg2[%dma_start3A_434, %mul3A_422] : memref<32x1000000xf32, #tpu.memory_space<hbm>> -> memref<32x128xf32, #tpu.memory_space<hbm>>
        tpu.enqueue_dma source(%dma_start3A_435 : memref<32x128xf32, #tpu.memory_space<hbm>>) target(%dma_start3A_433 : memref<32x128xf32, #tpu.memory_space<vmem>>) target_semaphore(%arg17 : memref<!tpu.dma_semaphore, #tpu.memory_space<semaphore_mem>>)
      } else {
      }
      %dma_wait3A_319 = arith.constant 0 : i32
      %dma_wait3A_320 = arith.constant 0 : i32
      %dma_wait3A_321 = arith.constant 0 : i32
      %dma_wait3A_322 = tpu.memref_slice %arg8[%dma_wait3A_319, %dma_wait3A_320, %dma_wait3A_321] : memref<2x32x128xf32, #tpu.memory_space<vmem>> -> memref<1x32x128xf32, #tpu.memory_space<vmem>>
      %dma_wait3A_323 = tpu.memref_squeeze %dma_wait3A_322 : memref<1x32x128xf32, #tpu.memory_space<vmem>> -> memref<32x128xf32, #tpu.memory_space<vmem>>
      %dma_wait3A_324 = arith.constant 0 : i32
      %dma_wait3A_325 = arith.constant 0 : i32
      %dma_wait3A_326 = tpu.memref_slice %arg2[%dma_wait3A_324, %dma_wait3A_325] : memref<32x1000000xf32, #tpu.memory_space<hbm>> -> memref<32x128xf32, #tpu.memory_space<hbm>>
      %dma_wait3A_327 = arith.constant 0 : i32
      %dma_wait3A_328 = arith.constant 0 : i32
      %dma_wait3A_329 = tpu.memref_slice %arg8[%dma_wait3A_319, %dma_wait3A_327, %dma_wait3A_328] : memref<2x32x128xf32, #tpu.memory_space<vmem>> -> memref<1x32x128xf32, #tpu.memory_space<vmem>>
      %dma_wait3A_330 = tpu.memref_squeeze %dma_wait3A_329 : memref<1x32x128xf32, #tpu.memory_space<vmem>> -> memref<32x128xf32, #tpu.memory_space<vmem>>
      %dma_wait3A_331 = arith.constant 0 : i32
      %dma_wait3A_332 = arith.constant 0 : i32
      %dma_wait3A_333 = tpu.memref_slice %arg2[%dma_wait3A_331, %dma_wait3A_332] : memref<32x1000000xf32, #tpu.memory_space<hbm>> -> memref<32x128xf32, #tpu.memory_space<hbm>>
      tpu.wait_dma2 semaphore(%arg16 : memref<!tpu.dma_semaphore, #tpu.memory_space<semaphore_mem>>) src(%dma_wait3A_333 : memref<32x128xf32, #tpu.memory_space<hbm>>) dst(%dma_wait3A_330 : memref<32x128xf32, #tpu.memory_space<vmem>>)
      %ge3A = arith.constant 2 : i32
      %ge3A_334 = arith.cmpi sge, %add3A_308, %ge3A : i32
      %convert_element_type3A_335 = arith.extui %ge3A_334 : i1 to i32
      %cond3A_336 = arith.constant 0 : i32
      %cond3A_337 = arith.cmpi ne, %convert_element_type3A_335, %cond3A_336 : i32
      scf.if %cond3A_337 {
        %dma_wait3A_419 = arith.constant 0 : i32
        %dma_wait3A_420 = arith.constant 0 : i32
        %dma_wait3A_421 = arith.constant 0 : i32
        %dma_wait3A_422 = tpu.memref_slice %arg9[%dma_wait3A_419, %dma_wait3A_420, %dma_wait3A_421] : memref<2x32x128xf32, #tpu.memory_space<vmem>> -> memref<1x32x128xf32, #tpu.memory_space<vmem>>
        %dma_wait3A_423 = tpu.memref_squeeze %dma_wait3A_422 : memref<1x32x128xf32, #tpu.memory_space<vmem>> -> memref<32x128xf32, #tpu.memory_space<vmem>>
        %dma_wait3A_424 = arith.constant 0 : i32
        %dma_wait3A_425 = arith.constant 0 : i32
        %dma_wait3A_426 = tpu.memref_slice %arg7[%dma_wait3A_424, %dma_wait3A_425] : memref<250000x128xf32, #tpu.memory_space<hbm>> -> memref<32x128xf32, #tpu.memory_space<hbm>>
        %dma_wait3A_427 = arith.constant 0 : i32
        %dma_wait3A_428 = arith.constant 0 : i32
        %dma_wait3A_429 = tpu.memref_slice %arg7[%dma_wait3A_427, %dma_wait3A_428] : memref<250000x128xf32, #tpu.memory_space<hbm>> -> memref<32x128xf32, #tpu.memory_space<hbm>>
        %dma_wait3A_430 = arith.constant 0 : i32
        %dma_wait3A_431 = arith.constant 0 : i32
        %dma_wait3A_432 = tpu.memref_slice %arg9[%dma_wait3A_419, %dma_wait3A_430, %dma_wait3A_431] : memref<2x32x128xf32, #tpu.memory_space<vmem>> -> memref<1x32x128xf32, #tpu.memory_space<vmem>>
        %dma_wait3A_433 = tpu.memref_squeeze %dma_wait3A_432 : memref<1x32x128xf32, #tpu.memory_space<vmem>> -> memref<32x128xf32, #tpu.memory_space<vmem>>
        tpu.wait_dma2 semaphore(%arg18 : memref<!tpu.dma_semaphore, #tpu.memory_space<semaphore_mem>>) src(%dma_wait3A_433 : memref<32x128xf32, #tpu.memory_space<vmem>>) dst(%dma_wait3A_429 : memref<32x128xf32, #tpu.memory_space<hbm>>)
      } else {
      }
      %mul3A_338 = arith.constant 0 : i32
      %mul3A_339 = vector.broadcast %mul3A_338 : i32 to vector<16xi32>
      %mul3A_340 = arith.muli %iota3A, %mul3A_339 : vector<16xi32>
      %add3A_341 = arith.constant 0 : i32
      %add3A_342 = vector.broadcast %add3A_341 : i32 to vector<16xi32>
      %add3A_343 = arith.addi %mul3A_340, %add3A_342 : vector<16xi32>
      %parallel_loop3A = arith.constant 0 : i32
      %parallel_loop3A_344 = arith.constant 32 : i32
      %parallel_loop3A_345 = arith.constant 1 : i32
      scf.for %parallel_loop3A_419 = %parallel_loop3A to %parallel_loop3A_344 step %parallel_loop3A_345  : i32 {
        %parallel_loop3A_420 = arith.constant 0 : i32
        %parallel_loop3A_421 = vector.broadcast %parallel_loop3A_420 : i32 to vector<16xi32>
        %parallel_loop3A_422 = arith.muli %iota3A, %parallel_loop3A_421 : vector<16xi32>
        %parallel_loop3A_423 = arith.constant 4 : i32
        %parallel_loop3A_424 = arith.muli %parallel_loop3A_419, %parallel_loop3A_423 : i32
        %parallel_loop3A_425 = vector.broadcast %parallel_loop3A_424 : i32 to vector<16xi32>
        %parallel_loop3A_426 = arith.addi %parallel_loop3A_422, %parallel_loop3A_425 : vector<16xi32>
        %parallel_loop3A_427 = arith.addi %shift_right_logical3A_52, %parallel_loop3A_426 : vector<16xi32>
        %parallel_loop3A_428 = tpu.vector_load_idx %arg8[%add3A_343, %and3A_5, %parallel_loop3A_427] : memref<2x32x128xf32, #tpu.memory_space<vmem>>[vector<16xi32>, vector<16xi32>, vector<16xi32>], vector<16xf32>,
        %parallel_loop3A_429 = arith.constant 0 : i32
        %parallel_loop3A_430 = arith.index_cast %parallel_loop3A_429 : i32 to index
        %parallel_loop3A_431 = arith.index_cast %parallel_loop3A_419 : i32 to index
        %parallel_loop3A_432 = arith.constant 0 : index
        %parallel_loop3A_433 = tpu.vector_load %arg9[%parallel_loop3A_430, %parallel_loop3A_431, %parallel_loop3A_432] {strides = array<i32>} : memref<2x32x128xf32, #tpu.memory_space<vmem>>, vector<16xf32>,
        tpu.vector_store %arg9[%parallel_loop3A_430, %parallel_loop3A_431, %parallel_loop3A_432], %parallel_loop3A_428 {strides = array<i32>} : memref<2x32x128xf32, #tpu.memory_space<vmem>>, vector<16xf32>,
        %parallel_loop3A_434 = arith.addi %shift_right_logical3A_58, %parallel_loop3A_426 : vector<16xi32>
        %parallel_loop3A_435 = tpu.vector_load_idx %arg8[%add3A_343, %and3A_11, %parallel_loop3A_434] : memref<2x32x128xf32, #tpu.memory_space<vmem>>[vector<16xi32>, vector<16xi32>, vector<16xi32>], vector<16xf32>,
        %parallel_loop3A_436 = arith.constant 0 : i32
        %parallel_loop3A_437 = arith.index_cast %parallel_loop3A_436 : i32 to index
        %parallel_loop3A_438 = arith.index_cast %parallel_loop3A_419 : i32 to index
        %parallel_loop3A_439 = arith.constant 16 : index
        %parallel_loop3A_440 = tpu.vector_load %arg9[%parallel_loop3A_437, %parallel_loop3A_438, %parallel_loop3A_439] {strides = array<i32>} : memref<2x32x128xf32, #tpu.memory_space<vmem>>, vector<16xf32>,
        tpu.vector_store %arg9[%parallel_loop3A_437, %parallel_loop3A_438, %parallel_loop3A_439], %parallel_loop3A_435 {strides = array<i32>} : memref<2x32x128xf32, #tpu.memory_space<vmem>>, vector<16xf32>,
        %parallel_loop3A_441 = arith.addi %shift_right_logical3A_64, %parallel_loop3A_426 : vector<16xi32>
        %parallel_loop3A_442 = tpu.vector_load_idx %arg8[%add3A_343, %and3A_17, %parallel_loop3A_441] : memref<2x32x128xf32, #tpu.memory_space<vmem>>[vector<16xi32>, vector<16xi32>, vector<16xi32>], vector<16xf32>,
        %parallel_loop3A_443 = arith.constant 0 : i32
        %parallel_loop3A_444 = arith.index_cast %parallel_loop3A_443 : i32 to index
        %parallel_loop3A_445 = arith.index_cast %parallel_loop3A_419 : i32 to index
        %parallel_loop3A_446 = arith.constant 32 : index
        %parallel_loop3A_447 = tpu.vector_load %arg9[%parallel_loop3A_444, %parallel_loop3A_445, %parallel_loop3A_446] {strides = array<i32>} : memref<2x32x128xf32, #tpu.memory_space<vmem>>, vector<16xf32>,
        tpu.vector_store %arg9[%parallel_loop3A_444, %parallel_loop3A_445, %parallel_loop3A_446], %parallel_loop3A_442 {strides = array<i32>} : memref<2x32x128xf32, #tpu.memory_space<vmem>>, vector<16xf32>,
        %parallel_loop3A_448 = arith.addi %shift_right_logical3A_70, %parallel_loop3A_426 : vector<16xi32>
        %parallel_loop3A_449 = tpu.vector_load_idx %arg8[%add3A_343, %and3A_23, %parallel_loop3A_448] : memref<2x32x128xf32, #tpu.memory_space<vmem>>[vector<16xi32>, vector<16xi32>, vector<16xi32>], vector<16xf32>,
        %parallel_loop3A_450 = arith.constant 0 : i32
        %parallel_loop3A_451 = arith.index_cast %parallel_loop3A_450 : i32 to index
        %parallel_loop3A_452 = arith.index_cast %parallel_loop3A_419 : i32 to index
        %parallel_loop3A_453 = arith.constant 48 : index
        %parallel_loop3A_454 = tpu.vector_load %arg9[%parallel_loop3A_451, %parallel_loop3A_452, %parallel_loop3A_453] {strides = array<i32>} : memref<2x32x128xf32, #tpu.memory_space<vmem>>, vector<16xf32>,
        tpu.vector_store %arg9[%parallel_loop3A_451, %parallel_loop3A_452, %parallel_loop3A_453], %parallel_loop3A_449 {strides = array<i32>} : memref<2x32x128xf32, #tpu.memory_space<vmem>>, vector<16xf32>,
        %parallel_loop3A_455 = arith.addi %shift_right_logical3A_76, %parallel_loop3A_426 : vector<16xi32>
        %parallel_loop3A_456 = tpu.vector_load_idx %arg8[%add3A_343, %and3A_29, %parallel_loop3A_455] : memref<2x32x128xf32, #tpu.memory_space<vmem>>[vector<16xi32>, vector<16xi32>, vector<16xi32>], vector<16xf32>,
        %parallel_loop3A_457 = arith.constant 0 : i32
        %parallel_loop3A_458 = arith.index_cast %parallel_loop3A_457 : i32 to index
        %parallel_loop3A_459 = arith.index_cast %parallel_loop3A_419 : i32 to index
        %parallel_loop3A_460 = arith.constant 64 : index
        %parallel_loop3A_461 = tpu.vector_load %arg9[%parallel_loop3A_458, %parallel_loop3A_459, %parallel_loop3A_460] {strides = array<i32>} : memref<2x32x128xf32, #tpu.memory_space<vmem>>, vector<16xf32>,
        tpu.vector_store %arg9[%parallel_loop3A_458, %parallel_loop3A_459, %parallel_loop3A_460], %parallel_loop3A_456 {strides = array<i32>} : memref<2x32x128xf32, #tpu.memory_space<vmem>>, vector<16xf32>,
        %parallel_loop3A_462 = arith.addi %shift_right_logical3A_82, %parallel_loop3A_426 : vector<16xi32>
        %parallel_loop3A_463 = tpu.vector_load_idx %arg8[%add3A_343, %and3A_35, %parallel_loop3A_462] : memref<2x32x128xf32, #tpu.memory_space<vmem>>[vector<16xi32>, vector<16xi32>, vector<16xi32>], vector<16xf32>,
        %parallel_loop3A_464 = arith.constant 0 : i32
        %parallel_loop3A_465 = arith.index_cast %parallel_loop3A_464 : i32 to index
        %parallel_loop3A_466 = arith.index_cast %parallel_loop3A_419 : i32 to index
        %parallel_loop3A_467 = arith.constant 80 : index
        %parallel_loop3A_468 = tpu.vector_load %arg9[%parallel_loop3A_465, %parallel_loop3A_466, %parallel_loop3A_467] {strides = array<i32>} : memref<2x32x128xf32, #tpu.memory_space<vmem>>, vector<16xf32>,
        tpu.vector_store %arg9[%parallel_loop3A_465, %parallel_loop3A_466, %parallel_loop3A_467], %parallel_loop3A_463 {strides = array<i32>} : memref<2x32x128xf32, #tpu.memory_space<vmem>>, vector<16xf32>,
        %parallel_loop3A_469 = arith.addi %shift_right_logical3A_88, %parallel_loop3A_426 : vector<16xi32>
        %parallel_loop3A_470 = tpu.vector_load_idx %arg8[%add3A_343, %and3A_41, %parallel_loop3A_469] : memref<2x32x128xf32, #tpu.memory_space<vmem>>[vector<16xi32>, vector<16xi32>, vector<16xi32>], vector<16xf32>,
        %parallel_loop3A_471 = arith.constant 0 : i32
        %parallel_loop3A_472 = arith.index_cast %parallel_loop3A_471 : i32 to index
        %parallel_loop3A_473 = arith.index_cast %parallel_loop3A_419 : i32 to index
        %parallel_loop3A_474 = arith.constant 96 : index
        %parallel_loop3A_475 = tpu.vector_load %arg9[%parallel_loop3A_472, %parallel_loop3A_473, %parallel_loop3A_474] {strides = array<i32>} : memref<2x32x128xf32, #tpu.memory_space<vmem>>, vector<16xf32>,
        tpu.vector_store %arg9[%parallel_loop3A_472, %parallel_loop3A_473, %parallel_loop3A_474], %parallel_loop3A_470 {strides = array<i32>} : memref<2x32x128xf32, #tpu.memory_space<vmem>>, vector<16xf32>,
        %parallel_loop3A_476 = arith.addi %shift_right_logical3A_94, %parallel_loop3A_426 : vector<16xi32>
        %parallel_loop3A_477 = tpu.vector_load_idx %arg8[%add3A_343, %and3A_47, %parallel_loop3A_476] : memref<2x32x128xf32, #tpu.memory_space<vmem>>[vector<16xi32>, vector<16xi32>, vector<16xi32>], vector<16xf32>,
        %parallel_loop3A_478 = arith.constant 0 : i32
        %parallel_loop3A_479 = arith.index_cast %parallel_loop3A_478 : i32 to index
        %parallel_loop3A_480 = arith.index_cast %parallel_loop3A_419 : i32 to index
        %parallel_loop3A_481 = arith.constant 112 : index
        %parallel_loop3A_482 = tpu.vector_load %arg9[%parallel_loop3A_479, %parallel_loop3A_480, %parallel_loop3A_481] {strides = array<i32>} : memref<2x32x128xf32, #tpu.memory_space<vmem>>, vector<16xf32>,
        tpu.vector_store %arg9[%parallel_loop3A_479, %parallel_loop3A_480, %parallel_loop3A_481], %parallel_loop3A_477 {strides = array<i32>} : memref<2x32x128xf32, #tpu.memory_space<vmem>>, vector<16xf32>,
      } {sc.loop_unroll_factor = 16 : i64, sc.parallel_access}
      %mul3A_346 = arith.constant 32 : i32
      %mul3A_347 = arith.muli %add3A_311, %mul3A_346 : i32
      %dma_start3A_348 = arith.constant 0 : i32
      %dma_start3A_349 = arith.constant 0 : i32
      %dma_start3A_350 = arith.constant 0 : i32
      %dma_start3A_351 = tpu.memref_slice %arg9[%dma_start3A_348, %dma_start3A_349, %dma_start3A_350] : memref<2x32x128xf32, #tpu.memory_space<vmem>> -> memref<1x32x128xf32, #tpu.memory_space<vmem>>
      %dma_start3A_352 = tpu.memref_squeeze %dma_start3A_351 : memref<1x32x128xf32, #tpu.memory_space<vmem>> -> memref<32x128xf32, #tpu.memory_space<vmem>>
      %dma_start3A_353 = arith.constant 0 : i32
      %dma_start3A_354 = tpu.memref_slice %arg7[%mul3A_347, %dma_start3A_353] : memref<250000x128xf32, #tpu.memory_space<hbm>> -> memref<32x128xf32, #tpu.memory_space<hbm>>
      %dma_start3A_355 = arith.constant 0 : i32
      %dma_start3A_356 = tpu.memref_slice %arg7[%mul3A_347, %dma_start3A_355] : memref<250000x128xf32, #tpu.memory_space<hbm>> -> memref<32x128xf32, #tpu.memory_space<hbm>>
      %dma_start3A_357 = arith.constant 0 : i32
      %dma_start3A_358 = arith.constant 0 : i32
      %dma_start3A_359 = tpu.memref_slice %arg9[%dma_start3A_348, %dma_start3A_357, %dma_start3A_358] : memref<2x32x128xf32, #tpu.memory_space<vmem>> -> memref<1x32x128xf32, #tpu.memory_space<vmem>>
      %dma_start3A_360 = tpu.memref_squeeze %dma_start3A_359 : memref<1x32x128xf32, #tpu.memory_space<vmem>> -> memref<32x128xf32, #tpu.memory_space<vmem>>
      tpu.enqueue_dma source(%dma_start3A_360 : memref<32x128xf32, #tpu.memory_space<vmem>>) target(%dma_start3A_356 : memref<32x128xf32, #tpu.memory_space<hbm>>) target_semaphore(%arg18 : memref<!tpu.dma_semaphore, #tpu.memory_space<semaphore_mem>>)
      %mul3A_361 = arith.constant 2 : i32
      %mul3A_362 = arith.muli %mul3A_361, %scan3A_304 : i32
      %add3A_363 = arith.constant 1 : i32
      %add3A_364 = arith.addi %mul3A_362, %add3A_363 : i32
      %mul3A_365 = arith.constant 32 : i32
      %mul3A_366 = arith.muli %mul3A_365, %add3A_364 : i32
      %add3A_367 = arith.addi %add3A, %mul3A_366 : i32
      %add3A_368 = arith.constant 1 : i32
      %add3A_369 = arith.addi %add3A_364, %add3A_368 : i32
      %lt3A_370 = arith.constant 244 : i32
      %lt3A_371 = arith.cmpi slt, %add3A_369, %lt3A_370 : i32
      %convert_element_type3A_372 = arith.extui %lt3A_371 : i1 to i32
      %cond3A_373 = arith.constant 0 : i32
      %cond3A_374 = arith.cmpi ne, %convert_element_type3A_372, %cond3A_373 : i32
      scf.if %cond3A_374 {
        %add3A_419 = arith.constant 32 : i32
        %add3A_420 = arith.addi %add3A_367, %add3A_419 : i32
        %mul3A_421 = arith.constant 128 : i32
        %mul3A_422 = arith.muli %add3A_420, %mul3A_421 : i32
        %dma_start3A_423 = arith.constant 0 : i32
        %dma_start3A_424 = arith.constant 0 : i32
        %dma_start3A_425 = arith.constant 0 : i32
        %dma_start3A_426 = tpu.memref_slice %arg8[%dma_start3A_423, %dma_start3A_424, %dma_start3A_425] : memref<2x32x128xf32, #tpu.memory_space<vmem>> -> memref<1x32x128xf32, #tpu.memory_space<vmem>>
        %dma_start3A_427 = tpu.memref_squeeze %dma_start3A_426 : memref<1x32x128xf32, #tpu.memory_space<vmem>> -> memref<32x128xf32, #tpu.memory_space<vmem>>
        %dma_start3A_428 = arith.constant 0 : i32
        %dma_start3A_429 = tpu.memref_slice %arg2[%dma_start3A_428, %mul3A_422] : memref<32x1000000xf32, #tpu.memory_space<hbm>> -> memref<32x128xf32, #tpu.memory_space<hbm>>
        %dma_start3A_430 = arith.constant 0 : i32
        %dma_start3A_431 = arith.constant 0 : i32
        %dma_start3A_432 = tpu.memref_slice %arg8[%dma_start3A_423, %dma_start3A_430, %dma_start3A_431] : memref<2x32x128xf32, #tpu.memory_space<vmem>> -> memref<1x32x128xf32, #tpu.memory_space<vmem>>
        %dma_start3A_433 = tpu.memref_squeeze %dma_start3A_432 : memref<1x32x128xf32, #tpu.memory_space<vmem>> -> memref<32x128xf32, #tpu.memory_space<vmem>>
        %dma_start3A_434 = arith.constant 0 : i32
        %dma_start3A_435 = tpu.memref_slice %arg2[%dma_start3A_434, %mul3A_422] : memref<32x1000000xf32, #tpu.memory_space<hbm>> -> memref<32x128xf32, #tpu.memory_space<hbm>>
        tpu.enqueue_dma source(%dma_start3A_435 : memref<32x128xf32, #tpu.memory_space<hbm>>) target(%dma_start3A_433 : memref<32x128xf32, #tpu.memory_space<vmem>>) target_semaphore(%arg16 : memref<!tpu.dma_semaphore, #tpu.memory_space<semaphore_mem>>)
      } else {
      }
      %dma_wait3A_375 = arith.constant 1 : i32
      %dma_wait3A_376 = arith.constant 0 : i32
      %dma_wait3A_377 = arith.constant 0 : i32
      %dma_wait3A_378 = tpu.memref_slice %arg8[%dma_wait3A_375, %dma_wait3A_376, %dma_wait3A_377] : memref<2x32x128xf32, #tpu.memory_space<vmem>> -> memref<1x32x128xf32, #tpu.memory_space<vmem>>
      %dma_wait3A_379 = tpu.memref_squeeze %dma_wait3A_378 : memref<1x32x128xf32, #tpu.memory_space<vmem>> -> memref<32x128xf32, #tpu.memory_space<vmem>>
      %dma_wait3A_380 = arith.constant 0 : i32
      %dma_wait3A_381 = arith.constant 0 : i32
      %dma_wait3A_382 = tpu.memref_slice %arg2[%dma_wait3A_380, %dma_wait3A_381] : memref<32x1000000xf32, #tpu.memory_space<hbm>> -> memref<32x128xf32, #tpu.memory_space<hbm>>
      %dma_wait3A_383 = arith.constant 0 : i32
      %dma_wait3A_384 = arith.constant 0 : i32
      %dma_wait3A_385 = tpu.memref_slice %arg8[%dma_wait3A_375, %dma_wait3A_383, %dma_wait3A_384] : memref<2x32x128xf32, #tpu.memory_space<vmem>> -> memref<1x32x128xf32, #tpu.memory_space<vmem>>
      %dma_wait3A_386 = tpu.memref_squeeze %dma_wait3A_385 : memref<1x32x128xf32, #tpu.memory_space<vmem>> -> memref<32x128xf32, #tpu.memory_space<vmem>>
      %dma_wait3A_387 = arith.constant 0 : i32
      %dma_wait3A_388 = arith.constant 0 : i32
      %dma_wait3A_389 = tpu.memref_slice %arg2[%dma_wait3A_387, %dma_wait3A_388] : memref<32x1000000xf32, #tpu.memory_space<hbm>> -> memref<32x128xf32, #tpu.memory_space<hbm>>
      tpu.wait_dma2 semaphore(%arg17 : memref<!tpu.dma_semaphore, #tpu.memory_space<semaphore_mem>>) src(%dma_wait3A_389 : memref<32x128xf32, #tpu.memory_space<hbm>>) dst(%dma_wait3A_386 : memref<32x128xf32, #tpu.memory_space<vmem>>)
      %ge3A_390 = arith.constant 2 : i32
      %ge3A_391 = arith.cmpi sge, %add3A_364, %ge3A_390 : i32
      %convert_element_type3A_392 = arith.extui %ge3A_391 : i1 to i32
      %cond3A_393 = arith.constant 0 : i32
      %cond3A_394 = arith.cmpi ne, %convert_element_type3A_392, %cond3A_393 : i32
      scf.if %cond3A_394 {
        %dma_wait3A_419 = arith.constant 1 : i32
        %dma_wait3A_420 = arith.constant 0 : i32
        %dma_wait3A_421 = arith.constant 0 : i32
        %dma_wait3A_422 = tpu.memref_slice %arg9[%dma_wait3A_419, %dma_wait3A_420, %dma_wait3A_421] : memref<2x32x128xf32, #tpu.memory_space<vmem>> -> memref<1x32x128xf32, #tpu.memory_space<vmem>>
        %dma_wait3A_423 = tpu.memref_squeeze %dma_wait3A_422 : memref<1x32x128xf32, #tpu.memory_space<vmem>> -> memref<32x128xf32, #tpu.memory_space<vmem>>
        %dma_wait3A_424 = arith.constant 0 : i32
        %dma_wait3A_425 = arith.constant 0 : i32
        %dma_wait3A_426 = tpu.memref_slice %arg7[%dma_wait3A_424, %dma_wait3A_425] : memref<250000x128xf32, #tpu.memory_space<hbm>> -> memref<32x128xf32, #tpu.memory_space<hbm>>
        %dma_wait3A_427 = arith.constant 0 : i32
        %dma_wait3A_428 = arith.constant 0 : i32
        %dma_wait3A_429 = tpu.memref_slice %arg7[%dma_wait3A_427, %dma_wait3A_428] : memref<250000x128xf32, #tpu.memory_space<hbm>> -> memref<32x128xf32, #tpu.memory_space<hbm>>
        %dma_wait3A_430 = arith.constant 0 : i32
        %dma_wait3A_431 = arith.constant 0 : i32
        %dma_wait3A_432 = tpu.memref_slice %arg9[%dma_wait3A_419, %dma_wait3A_430, %dma_wait3A_431] : memref<2x32x128xf32, #tpu.memory_space<vmem>> -> memref<1x32x128xf32, #tpu.memory_space<vmem>>
        %dma_wait3A_433 = tpu.memref_squeeze %dma_wait3A_432 : memref<1x32x128xf32, #tpu.memory_space<vmem>> -> memref<32x128xf32, #tpu.memory_space<vmem>>
        tpu.wait_dma2 semaphore(%arg19 : memref<!tpu.dma_semaphore, #tpu.memory_space<semaphore_mem>>) src(%dma_wait3A_433 : memref<32x128xf32, #tpu.memory_space<vmem>>) dst(%dma_wait3A_429 : memref<32x128xf32, #tpu.memory_space<hbm>>)
      } else {
      }
      %mul3A_395 = arith.constant 0 : i32
      %mul3A_396 = vector.broadcast %mul3A_395 : i32 to vector<16xi32>
      %mul3A_397 = arith.muli %iota3A, %mul3A_396 : vector<16xi32>
      %add3A_398 = arith.constant 1 : i32
      %add3A_399 = vector.broadcast %add3A_398 : i32 to vector<16xi32>
      %add3A_400 = arith.addi %mul3A_397, %add3A_399 : vector<16xi32>
      %parallel_loop3A_401 = arith.constant 0 : i32
      %parallel_loop3A_402 = arith.constant 32 : i32
      %parallel_loop3A_403 = arith.constant 1 : i32
      scf.for %parallel_loop3A_419 = %parallel_loop3A_401 to %parallel_loop3A_402 step %parallel_loop3A_403  : i32 {
        %parallel_loop3A_420 = arith.constant 0 : i32
        %parallel_loop3A_421 = vector.broadcast %parallel_loop3A_420 : i32 to vector<16xi32>
        %parallel_loop3A_422 = arith.muli %iota3A, %parallel_loop3A_421 : vector<16xi32>
        %parallel_loop3A_423 = arith.constant 4 : i32
        %parallel_loop3A_424 = arith.muli %parallel_loop3A_419, %parallel_loop3A_423 : i32
        %parallel_loop3A_425 = vector.broadcast %parallel_loop3A_424 : i32 to vector<16xi32>
        %parallel_loop3A_426 = arith.addi %parallel_loop3A_422, %parallel_loop3A_425 : vector<16xi32>
        %parallel_loop3A_427 = arith.addi %shift_right_logical3A_52, %parallel_loop3A_426 : vector<16xi32>
        %parallel_loop3A_428 = tpu.vector_load_idx %arg8[%add3A_400, %and3A_5, %parallel_loop3A_427] : memref<2x32x128xf32, #tpu.memory_space<vmem>>[vector<16xi32>, vector<16xi32>, vector<16xi32>], vector<16xf32>,
        %parallel_loop3A_429 = arith.constant 1 : i32
        %parallel_loop3A_430 = arith.index_cast %parallel_loop3A_429 : i32 to index
        %parallel_loop3A_431 = arith.index_cast %parallel_loop3A_419 : i32 to index
        %parallel_loop3A_432 = arith.constant 0 : index
        %parallel_loop3A_433 = tpu.vector_load %arg9[%parallel_loop3A_430, %parallel_loop3A_431, %parallel_loop3A_432] {strides = array<i32>} : memref<2x32x128xf32, #tpu.memory_space<vmem>>, vector<16xf32>,
        tpu.vector_store %arg9[%parallel_loop3A_430, %parallel_loop3A_431, %parallel_loop3A_432], %parallel_loop3A_428 {strides = array<i32>} : memref<2x32x128xf32, #tpu.memory_space<vmem>>, vector<16xf32>,
        %parallel_loop3A_434 = arith.addi %shift_right_logical3A_58, %parallel_loop3A_426 : vector<16xi32>
        %parallel_loop3A_435 = tpu.vector_load_idx %arg8[%add3A_400, %and3A_11, %parallel_loop3A_434] : memref<2x32x128xf32, #tpu.memory_space<vmem>>[vector<16xi32>, vector<16xi32>, vector<16xi32>], vector<16xf32>,
        %parallel_loop3A_436 = arith.constant 1 : i32
        %parallel_loop3A_437 = arith.index_cast %parallel_loop3A_436 : i32 to index
        %parallel_loop3A_438 = arith.index_cast %parallel_loop3A_419 : i32 to index
        %parallel_loop3A_439 = arith.constant 16 : index
        %parallel_loop3A_440 = tpu.vector_load %arg9[%parallel_loop3A_437, %parallel_loop3A_438, %parallel_loop3A_439] {strides = array<i32>} : memref<2x32x128xf32, #tpu.memory_space<vmem>>, vector<16xf32>,
        tpu.vector_store %arg9[%parallel_loop3A_437, %parallel_loop3A_438, %parallel_loop3A_439], %parallel_loop3A_435 {strides = array<i32>} : memref<2x32x128xf32, #tpu.memory_space<vmem>>, vector<16xf32>,
        %parallel_loop3A_441 = arith.addi %shift_right_logical3A_64, %parallel_loop3A_426 : vector<16xi32>
        %parallel_loop3A_442 = tpu.vector_load_idx %arg8[%add3A_400, %and3A_17, %parallel_loop3A_441] : memref<2x32x128xf32, #tpu.memory_space<vmem>>[vector<16xi32>, vector<16xi32>, vector<16xi32>], vector<16xf32>,
        %parallel_loop3A_443 = arith.constant 1 : i32
        %parallel_loop3A_444 = arith.index_cast %parallel_loop3A_443 : i32 to index
        %parallel_loop3A_445 = arith.index_cast %parallel_loop3A_419 : i32 to index
        %parallel_loop3A_446 = arith.constant 32 : index
        %parallel_loop3A_447 = tpu.vector_load %arg9[%parallel_loop3A_444, %parallel_loop3A_445, %parallel_loop3A_446] {strides = array<i32>} : memref<2x32x128xf32, #tpu.memory_space<vmem>>, vector<16xf32>,
        tpu.vector_store %arg9[%parallel_loop3A_444, %parallel_loop3A_445, %parallel_loop3A_446], %parallel_loop3A_442 {strides = array<i32>} : memref<2x32x128xf32, #tpu.memory_space<vmem>>, vector<16xf32>,
        %parallel_loop3A_448 = arith.addi %shift_right_logical3A_70, %parallel_loop3A_426 : vector<16xi32>
        %parallel_loop3A_449 = tpu.vector_load_idx %arg8[%add3A_400, %and3A_23, %parallel_loop3A_448] : memref<2x32x128xf32, #tpu.memory_space<vmem>>[vector<16xi32>, vector<16xi32>, vector<16xi32>], vector<16xf32>,
        %parallel_loop3A_450 = arith.constant 1 : i32
        %parallel_loop3A_451 = arith.index_cast %parallel_loop3A_450 : i32 to index
        %parallel_loop3A_452 = arith.index_cast %parallel_loop3A_419 : i32 to index
        %parallel_loop3A_453 = arith.constant 48 : index
        %parallel_loop3A_454 = tpu.vector_load %arg9[%parallel_loop3A_451, %parallel_loop3A_452, %parallel_loop3A_453] {strides = array<i32>} : memref<2x32x128xf32, #tpu.memory_space<vmem>>, vector<16xf32>,
        tpu.vector_store %arg9[%parallel_loop3A_451, %parallel_loop3A_452, %parallel_loop3A_453], %parallel_loop3A_449 {strides = array<i32>} : memref<2x32x128xf32, #tpu.memory_space<vmem>>, vector<16xf32>,
        %parallel_loop3A_455 = arith.addi %shift_right_logical3A_76, %parallel_loop3A_426 : vector<16xi32>
        %parallel_loop3A_456 = tpu.vector_load_idx %arg8[%add3A_400, %and3A_29, %parallel_loop3A_455] : memref<2x32x128xf32, #tpu.memory_space<vmem>>[vector<16xi32>, vector<16xi32>, vector<16xi32>], vector<16xf32>,
        %parallel_loop3A_457 = arith.constant 1 : i32
        %parallel_loop3A_458 = arith.index_cast %parallel_loop3A_457 : i32 to index
        %parallel_loop3A_459 = arith.index_cast %parallel_loop3A_419 : i32 to index
        %parallel_loop3A_460 = arith.constant 64 : index
        %parallel_loop3A_461 = tpu.vector_load %arg9[%parallel_loop3A_458, %parallel_loop3A_459, %parallel_loop3A_460] {strides = array<i32>} : memref<2x32x128xf32, #tpu.memory_space<vmem>>, vector<16xf32>,
        tpu.vector_store %arg9[%parallel_loop3A_458, %parallel_loop3A_459, %parallel_loop3A_460], %parallel_loop3A_456 {strides = array<i32>} : memref<2x32x128xf32, #tpu.memory_space<vmem>>, vector<16xf32>,
        %parallel_loop3A_462 = arith.addi %shift_right_logical3A_82, %parallel_loop3A_426 : vector<16xi32>
        %parallel_loop3A_463 = tpu.vector_load_idx %arg8[%add3A_400, %and3A_35, %parallel_loop3A_462] : memref<2x32x128xf32, #tpu.memory_space<vmem>>[vector<16xi32>, vector<16xi32>, vector<16xi32>], vector<16xf32>,
        %parallel_loop3A_464 = arith.constant 1 : i32
        %parallel_loop3A_465 = arith.index_cast %parallel_loop3A_464 : i32 to index
        %parallel_loop3A_466 = arith.index_cast %parallel_loop3A_419 : i32 to index
        %parallel_loop3A_467 = arith.constant 80 : index
        %parallel_loop3A_468 = tpu.vector_load %arg9[%parallel_loop3A_465, %parallel_loop3A_466, %parallel_loop3A_467] {strides = array<i32>} : memref<2x32x128xf32, #tpu.memory_space<vmem>>, vector<16xf32>,
        tpu.vector_store %arg9[%parallel_loop3A_465, %parallel_loop3A_466, %parallel_loop3A_467], %parallel_loop3A_463 {strides = array<i32>} : memref<2x32x128xf32, #tpu.memory_space<vmem>>, vector<16xf32>,
        %parallel_loop3A_469 = arith.addi %shift_right_logical3A_88, %parallel_loop3A_426 : vector<16xi32>
        %parallel_loop3A_470 = tpu.vector_load_idx %arg8[%add3A_400, %and3A_41, %parallel_loop3A_469] : memref<2x32x128xf32, #tpu.memory_space<vmem>>[vector<16xi32>, vector<16xi32>, vector<16xi32>], vector<16xf32>,
        %parallel_loop3A_471 = arith.constant 1 : i32
        %parallel_loop3A_472 = arith.index_cast %parallel_loop3A_471 : i32 to index
        %parallel_loop3A_473 = arith.index_cast %parallel_loop3A_419 : i32 to index
        %parallel_loop3A_474 = arith.constant 96 : index
        %parallel_loop3A_475 = tpu.vector_load %arg9[%parallel_loop3A_472, %parallel_loop3A_473, %parallel_loop3A_474] {strides = array<i32>} : memref<2x32x128xf32, #tpu.memory_space<vmem>>, vector<16xf32>,
        tpu.vector_store %arg9[%parallel_loop3A_472, %parallel_loop3A_473, %parallel_loop3A_474], %parallel_loop3A_470 {strides = array<i32>} : memref<2x32x128xf32, #tpu.memory_space<vmem>>, vector<16xf32>,
        %parallel_loop3A_476 = arith.addi %shift_right_logical3A_94, %parallel_loop3A_426 : vector<16xi32>
        %parallel_loop3A_477 = tpu.vector_load_idx %arg8[%add3A_400, %and3A_47, %parallel_loop3A_476] : memref<2x32x128xf32, #tpu.memory_space<vmem>>[vector<16xi32>, vector<16xi32>, vector<16xi32>], vector<16xf32>,
        %parallel_loop3A_478 = arith.constant 1 : i32
        %parallel_loop3A_479 = arith.index_cast %parallel_loop3A_478 : i32 to index
        %parallel_loop3A_480 = arith.index_cast %parallel_loop3A_419 : i32 to index
        %parallel_loop3A_481 = arith.constant 112 : index
        %parallel_loop3A_482 = tpu.vector_load %arg9[%parallel_loop3A_479, %parallel_loop3A_480, %parallel_loop3A_481] {strides = array<i32>} : memref<2x32x128xf32, #tpu.memory_space<vmem>>, vector<16xf32>,
        tpu.vector_store %arg9[%parallel_loop3A_479, %parallel_loop3A_480, %parallel_loop3A_481], %parallel_loop3A_477 {strides = array<i32>} : memref<2x32x128xf32, #tpu.memory_space<vmem>>, vector<16xf32>,
      } {sc.loop_unroll_factor = 16 : i64, sc.parallel_access}
      %mul3A_404 = arith.constant 32 : i32
      %mul3A_405 = arith.muli %add3A_367, %mul3A_404 : i32
      %dma_start3A_406 = arith.constant 1 : i32
      %dma_start3A_407 = arith.constant 0 : i32
      %dma_start3A_408 = arith.constant 0 : i32
      %dma_start3A_409 = tpu.memref_slice %arg9[%dma_start3A_406, %dma_start3A_407, %dma_start3A_408] : memref<2x32x128xf32, #tpu.memory_space<vmem>> -> memref<1x32x128xf32, #tpu.memory_space<vmem>>
      %dma_start3A_410 = tpu.memref_squeeze %dma_start3A_409 : memref<1x32x128xf32, #tpu.memory_space<vmem>> -> memref<32x128xf32, #tpu.memory_space<vmem>>
      %dma_start3A_411 = arith.constant 0 : i32
      %dma_start3A_412 = tpu.memref_slice %arg7[%mul3A_405, %dma_start3A_411] : memref<250000x128xf32, #tpu.memory_space<hbm>> -> memref<32x128xf32, #tpu.memory_space<hbm>>
      %dma_start3A_413 = arith.constant 0 : i32
      %dma_start3A_414 = tpu.memref_slice %arg7[%mul3A_405, %dma_start3A_413] : memref<250000x128xf32, #tpu.memory_space<hbm>> -> memref<32x128xf32, #tpu.memory_space<hbm>>
      %dma_start3A_415 = arith.constant 0 : i32
      %dma_start3A_416 = arith.constant 0 : i32
      %dma_start3A_417 = tpu.memref_slice %arg9[%dma_start3A_406, %dma_start3A_415, %dma_start3A_416] : memref<2x32x128xf32, #tpu.memory_space<vmem>> -> memref<1x32x128xf32, #tpu.memory_space<vmem>>
      %dma_start3A_418 = tpu.memref_squeeze %dma_start3A_417 : memref<1x32x128xf32, #tpu.memory_space<vmem>> -> memref<32x128xf32, #tpu.memory_space<vmem>>
      tpu.enqueue_dma source(%dma_start3A_418 : memref<32x128xf32, #tpu.memory_space<vmem>>) target(%dma_start3A_414 : memref<32x128xf32, #tpu.memory_space<hbm>>) target_semaphore(%arg19 : memref<!tpu.dma_semaphore, #tpu.memory_space<semaphore_mem>>)
    }
    %scan3A_113 = arith.constant 122 : i32
    %dma_wait3A = arith.constant 0 : i32
    %dma_wait3A_114 = arith.constant 0 : i32
    %dma_wait3A_115 = arith.constant 0 : i32
    %dma_wait3A_116 = tpu.memref_slice %arg9[%dma_wait3A, %dma_wait3A_114, %dma_wait3A_115] : memref<2x32x128xf32, #tpu.memory_space<vmem>> -> memref<1x32x128xf32, #tpu.memory_space<vmem>>
    %dma_wait3A_117 = tpu.memref_squeeze %dma_wait3A_116 : memref<1x32x128xf32, #tpu.memory_space<vmem>> -> memref<32x128xf32, #tpu.memory_space<vmem>>
    %dma_wait3A_118 = arith.constant 0 : i32
    %dma_wait3A_119 = arith.constant 0 : i32
    %dma_wait3A_120 = tpu.memref_slice %arg7[%dma_wait3A_118, %dma_wait3A_119] : memref<250000x128xf32, #tpu.memory_space<hbm>> -> memref<32x128xf32, #tpu.memory_space<hbm>>
    %dma_wait3A_121 = arith.constant 0 : i32
    %dma_wait3A_122 = arith.constant 0 : i32
    %dma_wait3A_123 = tpu.memref_slice %arg7[%dma_wait3A_121, %dma_wait3A_122] : memref<250000x128xf32, #tpu.memory_space<hbm>> -> memref<32x128xf32, #tpu.memory_space<hbm>>
    %dma_wait3A_124 = arith.constant 0 : i32
    %dma_wait3A_125 = arith.constant 0 : i32
    %dma_wait3A_126 = tpu.memref_slice %arg9[%dma_wait3A, %dma_wait3A_124, %dma_wait3A_125] : memref<2x32x128xf32, #tpu.memory_space<vmem>> -> memref<1x32x128xf32, #tpu.memory_space<vmem>>
    %dma_wait3A_127 = tpu.memref_squeeze %dma_wait3A_126 : memref<1x32x128xf32, #tpu.memory_space<vmem>> -> memref<32x128xf32, #tpu.memory_space<vmem>>
    tpu.wait_dma2 semaphore(%arg18 : memref<!tpu.dma_semaphore, #tpu.memory_space<semaphore_mem>>) src(%dma_wait3A_127 : memref<32x128xf32, #tpu.memory_space<vmem>>) dst(%dma_wait3A_123 : memref<32x128xf32, #tpu.memory_space<hbm>>)
    %dma_wait3A_128 = arith.constant 1 : i32
    %dma_wait3A_129 = arith.constant 0 : i32
    %dma_wait3A_130 = arith.constant 0 : i32
    %dma_wait3A_131 = tpu.memref_slice %arg9[%dma_wait3A_128, %dma_wait3A_129, %dma_wait3A_130] : memref<2x32x128xf32, #tpu.memory_space<vmem>> -> memref<1x32x128xf32, #tpu.memory_space<vmem>>
    %dma_wait3A_132 = tpu.memref_squeeze %dma_wait3A_131 : memref<1x32x128xf32, #tpu.memory_space<vmem>> -> memref<32x128xf32, #tpu.memory_space<vmem>>
    %dma_wait3A_133 = arith.constant 0 : i32
    %dma_wait3A_134 = arith.constant 0 : i32
    %dma_wait3A_135 = tpu.memref_slice %arg7[%dma_wait3A_133, %dma_wait3A_134] : memref<250000x128xf32, #tpu.memory_space<hbm>> -> memref<32x128xf32, #tpu.memory_space<hbm>>
    %dma_wait3A_136 = arith.constant 0 : i32
    %dma_wait3A_137 = arith.constant 0 : i32
    %dma_wait3A_138 = tpu.memref_slice %arg7[%dma_wait3A_136, %dma_wait3A_137] : memref<250000x128xf32, #tpu.memory_space<hbm>> -> memref<32x128xf32, #tpu.memory_space<hbm>>
    %dma_wait3A_139 = arith.constant 0 : i32
    %dma_wait3A_140 = arith.constant 0 : i32
    %dma_wait3A_141 = tpu.memref_slice %arg9[%dma_wait3A_128, %dma_wait3A_139, %dma_wait3A_140] : memref<2x32x128xf32, #tpu.memory_space<vmem>> -> memref<1x32x128xf32, #tpu.memory_space<vmem>>
    %dma_wait3A_142 = tpu.memref_squeeze %dma_wait3A_141 : memref<1x32x128xf32, #tpu.memory_space<vmem>> -> memref<32x128xf32, #tpu.memory_space<vmem>>
    tpu.wait_dma2 semaphore(%arg19 : memref<!tpu.dma_semaphore, #tpu.memory_space<semaphore_mem>>) src(%dma_wait3A_142 : memref<32x128xf32, #tpu.memory_space<vmem>>) dst(%dma_wait3A_138 : memref<32x128xf32, #tpu.memory_space<hbm>>)
    %lt3A = arith.constant 4 : i32
    %lt3A_143 = arith.cmpi slt, %add3A, %lt3A : i32
    %convert_element_type3A = arith.extui %lt3A_143 : i1 to i32
    %cond3A = arith.constant 0 : i32
    %cond3A_144 = arith.cmpi ne, %convert_element_type3A, %cond3A : i32
    scf.if %cond3A_144 {
      %add3A_304 = arith.constant 7808 : i32
      %add3A_305 = arith.addi %add3A_304, %add3A : i32
      %mul3A_306 = arith.constant 128 : i32
      %mul3A_307 = arith.muli %add3A_305, %mul3A_306 : i32
      %dma_start3A_308 = arith.constant 0 : i32
      %dma_start3A_309 = arith.constant 0 : i32
      %dma_start3A_310 = arith.constant 0 : i32
      %dma_start3A_311 = tpu.memref_slice %arg8[%dma_start3A_308, %dma_start3A_309, %dma_start3A_310] : memref<2x32x128xf32, #tpu.memory_space<vmem>> -> memref<1x32x128xf32, #tpu.memory_space<vmem>>
      %dma_start3A_312 = tpu.memref_squeeze %dma_start3A_311 : memref<1x32x128xf32, #tpu.memory_space<vmem>> -> memref<32x128xf32, #tpu.memory_space<vmem>>
      %dma_start3A_313 = arith.constant 0 : i32
      %dma_start3A_314 = tpu.memref_slice %arg2[%dma_start3A_313, %mul3A_307] : memref<32x1000000xf32, #tpu.memory_space<hbm>> -> memref<32x128xf32, #tpu.memory_space<hbm>>
      %dma_start3A_315 = arith.constant 0 : i32
      %dma_start3A_316 = arith.constant 0 : i32
      %dma_start3A_317 = tpu.memref_slice %arg8[%dma_start3A_308, %dma_start3A_315, %dma_start3A_316] : memref<2x32x128xf32, #tpu.memory_space<vmem>> -> memref<1x32x128xf32, #tpu.memory_space<vmem>>
      %dma_start3A_318 = tpu.memref_squeeze %dma_start3A_317 : memref<1x32x128xf32, #tpu.memory_space<vmem>> -> memref<32x128xf32, #tpu.memory_space<vmem>>
      %dma_start3A_319 = arith.constant 0 : i32
      %dma_start3A_320 = tpu.memref_slice %arg2[%dma_start3A_319, %mul3A_307] : memref<32x1000000xf32, #tpu.memory_space<hbm>> -> memref<32x128xf32, #tpu.memory_space<hbm>>
      tpu.enqueue_dma source(%dma_start3A_320 : memref<32x128xf32, #tpu.memory_space<hbm>>) target(%dma_start3A_318 : memref<32x128xf32, #tpu.memory_space<vmem>>) target_semaphore(%arg16 : memref<!tpu.dma_semaphore, #tpu.memory_space<semaphore_mem>>)
      %dma_wait3A_321 = arith.constant 0 : i32
      %dma_wait3A_322 = arith.constant 0 : i32
      %dma_wait3A_323 = arith.constant 0 : i32
      %dma_wait3A_324 = tpu.memref_slice %arg8[%dma_wait3A_321, %dma_wait3A_322, %dma_wait3A_323] : memref<2x32x128xf32, #tpu.memory_space<vmem>> -> memref<1x32x128xf32, #tpu.memory_space<vmem>>
      %dma_wait3A_325 = tpu.memref_squeeze %dma_wait3A_324 : memref<1x32x128xf32, #tpu.memory_space<vmem>> -> memref<32x128xf32, #tpu.memory_space<vmem>>
      %dma_wait3A_326 = arith.constant 0 : i32
      %dma_wait3A_327 = tpu.memref_slice %arg2[%dma_wait3A_326, %mul3A_307] : memref<32x1000000xf32, #tpu.memory_space<hbm>> -> memref<32x128xf32, #tpu.memory_space<hbm>>
      %dma_wait3A_328 = arith.constant 0 : i32
      %dma_wait3A_329 = arith.constant 0 : i32
      %dma_wait3A_330 = tpu.memref_slice %arg8[%dma_wait3A_321, %dma_wait3A_328, %dma_wait3A_329] : memref<2x32x128xf32, #tpu.memory_space<vmem>> -> memref<1x32x128xf32, #tpu.memory_space<vmem>>
      %dma_wait3A_331 = tpu.memref_squeeze %dma_wait3A_330 : memref<1x32x128xf32, #tpu.memory_space<vmem>> -> memref<32x128xf32, #tpu.memory_space<vmem>>
      %dma_wait3A_332 = arith.constant 0 : i32
      %dma_wait3A_333 = tpu.memref_slice %arg2[%dma_wait3A_332, %mul3A_307] : memref<32x1000000xf32, #tpu.memory_space<hbm>> -> memref<32x128xf32, #tpu.memory_space<hbm>>
      tpu.wait_dma2 semaphore(%arg16 : memref<!tpu.dma_semaphore, #tpu.memory_space<semaphore_mem>>) src(%dma_wait3A_333 : memref<32x128xf32, #tpu.memory_space<hbm>>) dst(%dma_wait3A_331 : memref<32x128xf32, #tpu.memory_space<vmem>>)
      %mul3A_334 = arith.constant 0 : i32
      %mul3A_335 = vector.broadcast %mul3A_334 : i32 to vector<16xi32>
      %mul3A_336 = arith.muli %iota3A, %mul3A_335 : vector<16xi32>
      %add3A_337 = arith.constant 0 : i32
      %add3A_338 = vector.broadcast %add3A_337 : i32 to vector<16xi32>
      %add3A_339 = arith.addi %mul3A_336, %add3A_338 : vector<16xi32>
      %parallel_loop3A = arith.constant 0 : i32
      %parallel_loop3A_340 = arith.constant 32 : i32
      %parallel_loop3A_341 = arith.constant 1 : i32
      scf.for %parallel_loop3A_370 = %parallel_loop3A to %parallel_loop3A_340 step %parallel_loop3A_341  : i32 {
        %parallel_loop3A_371 = arith.constant 0 : i32
        %parallel_loop3A_372 = vector.broadcast %parallel_loop3A_371 : i32 to vector<16xi32>
        %parallel_loop3A_373 = arith.muli %iota3A, %parallel_loop3A_372 : vector<16xi32>
        %parallel_loop3A_374 = arith.constant 4 : i32
        %parallel_loop3A_375 = arith.muli %parallel_loop3A_370, %parallel_loop3A_374 : i32
        %parallel_loop3A_376 = vector.broadcast %parallel_loop3A_375 : i32 to vector<16xi32>
        %parallel_loop3A_377 = arith.addi %parallel_loop3A_373, %parallel_loop3A_376 : vector<16xi32>
        %parallel_loop3A_378 = arith.addi %shift_right_logical3A_52, %parallel_loop3A_377 : vector<16xi32>
        %parallel_loop3A_379 = tpu.vector_load_idx %arg8[%add3A_339, %and3A_5, %parallel_loop3A_378] : memref<2x32x128xf32, #tpu.memory_space<vmem>>[vector<16xi32>, vector<16xi32>, vector<16xi32>], vector<16xf32>,
        %parallel_loop3A_380 = arith.constant 0 : i32
        %parallel_loop3A_381 = arith.index_cast %parallel_loop3A_380 : i32 to index
        %parallel_loop3A_382 = arith.index_cast %parallel_loop3A_370 : i32 to index
        %parallel_loop3A_383 = arith.constant 0 : index
        %parallel_loop3A_384 = tpu.vector_load %arg9[%parallel_loop3A_381, %parallel_loop3A_382, %parallel_loop3A_383] {strides = array<i32>} : memref<2x32x128xf32, #tpu.memory_space<vmem>>, vector<16xf32>,
        tpu.vector_store %arg9[%parallel_loop3A_381, %parallel_loop3A_382, %parallel_loop3A_383], %parallel_loop3A_379 {strides = array<i32>} : memref<2x32x128xf32, #tpu.memory_space<vmem>>, vector<16xf32>,
        %parallel_loop3A_385 = arith.addi %shift_right_logical3A_58, %parallel_loop3A_377 : vector<16xi32>
        %parallel_loop3A_386 = tpu.vector_load_idx %arg8[%add3A_339, %and3A_11, %parallel_loop3A_385] : memref<2x32x128xf32, #tpu.memory_space<vmem>>[vector<16xi32>, vector<16xi32>, vector<16xi32>], vector<16xf32>,
        %parallel_loop3A_387 = arith.constant 0 : i32
        %parallel_loop3A_388 = arith.index_cast %parallel_loop3A_387 : i32 to index
        %parallel_loop3A_389 = arith.index_cast %parallel_loop3A_370 : i32 to index
        %parallel_loop3A_390 = arith.constant 16 : index
        %parallel_loop3A_391 = tpu.vector_load %arg9[%parallel_loop3A_388, %parallel_loop3A_389, %parallel_loop3A_390] {strides = array<i32>} : memref<2x32x128xf32, #tpu.memory_space<vmem>>, vector<16xf32>,
        tpu.vector_store %arg9[%parallel_loop3A_388, %parallel_loop3A_389, %parallel_loop3A_390], %parallel_loop3A_386 {strides = array<i32>} : memref<2x32x128xf32, #tpu.memory_space<vmem>>, vector<16xf32>,
        %parallel_loop3A_392 = arith.addi %shift_right_logical3A_64, %parallel_loop3A_377 : vector<16xi32>
        %parallel_loop3A_393 = tpu.vector_load_idx %arg8[%add3A_339, %and3A_17, %parallel_loop3A_392] : memref<2x32x128xf32, #tpu.memory_space<vmem>>[vector<16xi32>, vector<16xi32>, vector<16xi32>], vector<16xf32>,
        %parallel_loop3A_394 = arith.constant 0 : i32
        %parallel_loop3A_395 = arith.index_cast %parallel_loop3A_394 : i32 to index
        %parallel_loop3A_396 = arith.index_cast %parallel_loop3A_370 : i32 to index
        %parallel_loop3A_397 = arith.constant 32 : index
        %parallel_loop3A_398 = tpu.vector_load %arg9[%parallel_loop3A_395, %parallel_loop3A_396, %parallel_loop3A_397] {strides = array<i32>} : memref<2x32x128xf32, #tpu.memory_space<vmem>>, vector<16xf32>,
        tpu.vector_store %arg9[%parallel_loop3A_395, %parallel_loop3A_396, %parallel_loop3A_397], %parallel_loop3A_393 {strides = array<i32>} : memref<2x32x128xf32, #tpu.memory_space<vmem>>, vector<16xf32>,
        %parallel_loop3A_399 = arith.addi %shift_right_logical3A_70, %parallel_loop3A_377 : vector<16xi32>
        %parallel_loop3A_400 = tpu.vector_load_idx %arg8[%add3A_339, %and3A_23, %parallel_loop3A_399] : memref<2x32x128xf32, #tpu.memory_space<vmem>>[vector<16xi32>, vector<16xi32>, vector<16xi32>], vector<16xf32>,
        %parallel_loop3A_401 = arith.constant 0 : i32
        %parallel_loop3A_402 = arith.index_cast %parallel_loop3A_401 : i32 to index
        %parallel_loop3A_403 = arith.index_cast %parallel_loop3A_370 : i32 to index
        %parallel_loop3A_404 = arith.constant 48 : index
        %parallel_loop3A_405 = tpu.vector_load %arg9[%parallel_loop3A_402, %parallel_loop3A_403, %parallel_loop3A_404] {strides = array<i32>} : memref<2x32x128xf32, #tpu.memory_space<vmem>>, vector<16xf32>,
        tpu.vector_store %arg9[%parallel_loop3A_402, %parallel_loop3A_403, %parallel_loop3A_404], %parallel_loop3A_400 {strides = array<i32>} : memref<2x32x128xf32, #tpu.memory_space<vmem>>, vector<16xf32>,
        %parallel_loop3A_406 = arith.addi %shift_right_logical3A_76, %parallel_loop3A_377 : vector<16xi32>
        %parallel_loop3A_407 = tpu.vector_load_idx %arg8[%add3A_339, %and3A_29, %parallel_loop3A_406] : memref<2x32x128xf32, #tpu.memory_space<vmem>>[vector<16xi32>, vector<16xi32>, vector<16xi32>], vector<16xf32>,
        %parallel_loop3A_408 = arith.constant 0 : i32
        %parallel_loop3A_409 = arith.index_cast %parallel_loop3A_408 : i32 to index
        %parallel_loop3A_410 = arith.index_cast %parallel_loop3A_370 : i32 to index
        %parallel_loop3A_411 = arith.constant 64 : index
        %parallel_loop3A_412 = tpu.vector_load %arg9[%parallel_loop3A_409, %parallel_loop3A_410, %parallel_loop3A_411] {strides = array<i32>} : memref<2x32x128xf32, #tpu.memory_space<vmem>>, vector<16xf32>,
        tpu.vector_store %arg9[%parallel_loop3A_409, %parallel_loop3A_410, %parallel_loop3A_411], %parallel_loop3A_407 {strides = array<i32>} : memref<2x32x128xf32, #tpu.memory_space<vmem>>, vector<16xf32>,
        %parallel_loop3A_413 = arith.addi %shift_right_logical3A_82, %parallel_loop3A_377 : vector<16xi32>
        %parallel_loop3A_414 = tpu.vector_load_idx %arg8[%add3A_339, %and3A_35, %parallel_loop3A_413] : memref<2x32x128xf32, #tpu.memory_space<vmem>>[vector<16xi32>, vector<16xi32>, vector<16xi32>], vector<16xf32>,
        %parallel_loop3A_415 = arith.constant 0 : i32
        %parallel_loop3A_416 = arith.index_cast %parallel_loop3A_415 : i32 to index
        %parallel_loop3A_417 = arith.index_cast %parallel_loop3A_370 : i32 to index
        %parallel_loop3A_418 = arith.constant 80 : index
        %parallel_loop3A_419 = tpu.vector_load %arg9[%parallel_loop3A_416, %parallel_loop3A_417, %parallel_loop3A_418] {strides = array<i32>} : memref<2x32x128xf32, #tpu.memory_space<vmem>>, vector<16xf32>,
        tpu.vector_store %arg9[%parallel_loop3A_416, %parallel_loop3A_417, %parallel_loop3A_418], %parallel_loop3A_414 {strides = array<i32>} : memref<2x32x128xf32, #tpu.memory_space<vmem>>, vector<16xf32>,
        %parallel_loop3A_420 = arith.addi %shift_right_logical3A_88, %parallel_loop3A_377 : vector<16xi32>
        %parallel_loop3A_421 = tpu.vector_load_idx %arg8[%add3A_339, %and3A_41, %parallel_loop3A_420] : memref<2x32x128xf32, #tpu.memory_space<vmem>>[vector<16xi32>, vector<16xi32>, vector<16xi32>], vector<16xf32>,
        %parallel_loop3A_422 = arith.constant 0 : i32
        %parallel_loop3A_423 = arith.index_cast %parallel_loop3A_422 : i32 to index
        %parallel_loop3A_424 = arith.index_cast %parallel_loop3A_370 : i32 to index
        %parallel_loop3A_425 = arith.constant 96 : index
        %parallel_loop3A_426 = tpu.vector_load %arg9[%parallel_loop3A_423, %parallel_loop3A_424, %parallel_loop3A_425] {strides = array<i32>} : memref<2x32x128xf32, #tpu.memory_space<vmem>>, vector<16xf32>,
        tpu.vector_store %arg9[%parallel_loop3A_423, %parallel_loop3A_424, %parallel_loop3A_425], %parallel_loop3A_421 {strides = array<i32>} : memref<2x32x128xf32, #tpu.memory_space<vmem>>, vector<16xf32>,
        %parallel_loop3A_427 = arith.addi %shift_right_logical3A_94, %parallel_loop3A_377 : vector<16xi32>
        %parallel_loop3A_428 = tpu.vector_load_idx %arg8[%add3A_339, %and3A_47, %parallel_loop3A_427] : memref<2x32x128xf32, #tpu.memory_space<vmem>>[vector<16xi32>, vector<16xi32>, vector<16xi32>], vector<16xf32>,
        %parallel_loop3A_429 = arith.constant 0 : i32
        %parallel_loop3A_430 = arith.index_cast %parallel_loop3A_429 : i32 to index
        %parallel_loop3A_431 = arith.index_cast %parallel_loop3A_370 : i32 to index
        %parallel_loop3A_432 = arith.constant 112 : index
        %parallel_loop3A_433 = tpu.vector_load %arg9[%parallel_loop3A_430, %parallel_loop3A_431, %parallel_loop3A_432] {strides = array<i32>} : memref<2x32x128xf32, #tpu.memory_space<vmem>>, vector<16xf32>,
        tpu.vector_store %arg9[%parallel_loop3A_430, %parallel_loop3A_431, %parallel_loop3A_432], %parallel_loop3A_428 {strides = array<i32>} : memref<2x32x128xf32, #tpu.memory_space<vmem>>, vector<16xf32>,
      } {sc.loop_unroll_factor = 16 : i64, sc.parallel_access}
      %mul3A_342 = arith.constant 32 : i32
      %mul3A_343 = arith.muli %add3A_305, %mul3A_342 : i32
      %dma_start3A_344 = arith.constant 0 : i32
      %dma_start3A_345 = arith.constant 0 : i32
      %dma_start3A_346 = arith.constant 0 : i32
      %dma_start3A_347 = tpu.memref_slice %arg9[%dma_start3A_344, %dma_start3A_345, %dma_start3A_346] : memref<2x32x128xf32, #tpu.memory_space<vmem>> -> memref<1x32x128xf32, #tpu.memory_space<vmem>>
      %dma_start3A_348 = tpu.memref_squeeze %dma_start3A_347 : memref<1x32x128xf32, #tpu.memory_space<vmem>> -> memref<32x128xf32, #tpu.memory_space<vmem>>
      %dma_start3A_349 = arith.constant 0 : i32
      %dma_start3A_350 = tpu.memref_slice %arg7[%mul3A_343, %dma_start3A_349] : memref<250000x128xf32, #tpu.memory_space<hbm>> -> memref<32x128xf32, #tpu.memory_space<hbm>>
      %dma_start3A_351 = arith.constant 0 : i32
      %dma_start3A_352 = tpu.memref_slice %arg7[%mul3A_343, %dma_start3A_351] : memref<250000x128xf32, #tpu.memory_space<hbm>> -> memref<32x128xf32, #tpu.memory_space<hbm>>
      %dma_start3A_353 = arith.constant 0 : i32
      %dma_start3A_354 = arith.constant 0 : i32
      %dma_start3A_355 = tpu.memref_slice %arg9[%dma_start3A_344, %dma_start3A_353, %dma_start3A_354] : memref<2x32x128xf32, #tpu.memory_space<vmem>> -> memref<1x32x128xf32, #tpu.memory_space<vmem>>
      %dma_start3A_356 = tpu.memref_squeeze %dma_start3A_355 : memref<1x32x128xf32, #tpu.memory_space<vmem>> -> memref<32x128xf32, #tpu.memory_space<vmem>>
      tpu.enqueue_dma source(%dma_start3A_356 : memref<32x128xf32, #tpu.memory_space<vmem>>) target(%dma_start3A_352 : memref<32x128xf32, #tpu.memory_space<hbm>>) target_semaphore(%arg18 : memref<!tpu.dma_semaphore, #tpu.memory_space<semaphore_mem>>)
      %dma_wait3A_357 = arith.constant 0 : i32
      %dma_wait3A_358 = arith.constant 0 : i32
      %dma_wait3A_359 = arith.constant 0 : i32
      %dma_wait3A_360 = tpu.memref_slice %arg9[%dma_wait3A_357, %dma_wait3A_358, %dma_wait3A_359] : memref<2x32x128xf32, #tpu.memory_space<vmem>> -> memref<1x32x128xf32, #tpu.memory_space<vmem>>
      %dma_wait3A_361 = tpu.memref_squeeze %dma_wait3A_360 : memref<1x32x128xf32, #tpu.memory_space<vmem>> -> memref<32x128xf32, #tpu.memory_space<vmem>>
      %dma_wait3A_362 = arith.constant 0 : i32
      %dma_wait3A_363 = tpu.memref_slice %arg7[%mul3A_343, %dma_wait3A_362] : memref<250000x128xf32, #tpu.memory_space<hbm>> -> memref<32x128xf32, #tpu.memory_space<hbm>>
      %dma_wait3A_364 = arith.constant 0 : i32
      %dma_wait3A_365 = tpu.memref_slice %arg7[%mul3A_343, %dma_wait3A_364] : memref<250000x128xf32, #tpu.memory_space<hbm>> -> memref<32x128xf32, #tpu.memory_space<hbm>>
      %dma_wait3A_366 = arith.constant 0 : i32
      %dma_wait3A_367 = arith.constant 0 : i32
      %dma_wait3A_368 = tpu.memref_slice %arg9[%dma_wait3A_357, %dma_wait3A_366, %dma_wait3A_367] : memref<2x32x128xf32, #tpu.memory_space<vmem>> -> memref<1x32x128xf32, #tpu.memory_space<vmem>>
      %dma_wait3A_369 = tpu.memref_squeeze %dma_wait3A_368 : memref<1x32x128xf32, #tpu.memory_space<vmem>> -> memref<32x128xf32, #tpu.memory_space<vmem>>
      tpu.wait_dma2 semaphore(%arg18 : memref<!tpu.dma_semaphore, #tpu.memory_space<semaphore_mem>>) src(%dma_wait3A_369 : memref<32x128xf32, #tpu.memory_space<vmem>>) dst(%dma_wait3A_365 : memref<32x128xf32, #tpu.memory_space<hbm>>)
    } else {
    }
    %eq3A = arith.constant 31 : i32
    %eq3A_145 = arith.cmpi eq, %add3A, %eq3A : i32
    %convert_element_type3A_146 = arith.extui %eq3A_145 : i1 to i32
    %cond3A_147 = arith.constant 0 : i32
    %cond3A_148 = arith.cmpi ne, %convert_element_type3A_146, %cond3A_147 : i32
    scf.if %cond3A_148 {
      %run_scoped3A = arith.constant 0 : i32
      "tpu.region"() ({
        %run_scoped3A_305 = tpu.sem_alloc : memref<!tpu.dma_semaphore, #tpu.memory_space<semaphore_mem>>
        %dma_start3A_306 = arith.constant 0 : i32
        %dma_start3A_307 = arith.constant 0 : i32
        %dma_start3A_308 = tpu.memref_slice %arg9[%run_scoped3A, %dma_start3A_306, %dma_start3A_307] : memref<2x32x128xf32, #tpu.memory_space<vmem>> -> memref<1x16x128xf32, #tpu.memory_space<vmem>>
        %dma_start3A_309 = tpu.memref_squeeze %dma_start3A_308 : memref<1x16x128xf32, #tpu.memory_space<vmem>> -> memref<16x128xf32, #tpu.memory_space<vmem>>
        %dma_start3A_310 = arith.constant 0 : i32
        %dma_start3A_311 = arith.constant 0 : i32
        %dma_start3A_312 = tpu.memref_slice %arg9[%run_scoped3A, %dma_start3A_310, %dma_start3A_311] : memref<2x32x128xf32, #tpu.memory_space<vmem>> -> memref<1x16x128xf32, #tpu.memory_space<vmem>>
        %dma_start3A_313 = tpu.memref_squeeze %dma_start3A_312 : memref<1x16x128xf32, #tpu.memory_space<vmem>> -> memref<16x128xf32, #tpu.memory_space<vmem>>
        tpu.enqueue_dma source(%arg5 : memref<16x128xf32, #tpu.memory_space<hbm>>) target(%dma_start3A_313 : memref<16x128xf32, #tpu.memory_space<vmem>>) target_semaphore(%run_scoped3A_305 : memref<!tpu.dma_semaphore, #tpu.memory_space<semaphore_mem>>)
        %dma_wait3A_314 = arith.constant 0 : i32
        %dma_wait3A_315 = arith.constant 0 : i32
        %dma_wait3A_316 = tpu.memref_slice %arg9[%run_scoped3A, %dma_wait3A_314, %dma_wait3A_315] : memref<2x32x128xf32, #tpu.memory_space<vmem>> -> memref<1x16x128xf32, #tpu.memory_space<vmem>>
        %dma_wait3A_317 = tpu.memref_squeeze %dma_wait3A_316 : memref<1x16x128xf32, #tpu.memory_space<vmem>> -> memref<16x128xf32, #tpu.memory_space<vmem>>
        %dma_wait3A_318 = arith.constant 0 : i32
        %dma_wait3A_319 = arith.constant 0 : i32
        %dma_wait3A_320 = tpu.memref_slice %arg9[%run_scoped3A, %dma_wait3A_318, %dma_wait3A_319] : memref<2x32x128xf32, #tpu.memory_space<vmem>> -> memref<1x16x128xf32, #tpu.memory_space<vmem>>
        %dma_wait3A_321 = tpu.memref_squeeze %dma_wait3A_320 : memref<1x16x128xf32, #tpu.memory_space<vmem>> -> memref<16x128xf32, #tpu.memory_space<vmem>>
        tpu.wait_dma2 semaphore(%run_scoped3A_305 : memref<!tpu.dma_semaphore, #tpu.memory_space<semaphore_mem>>) src(%arg5 : memref<16x128xf32, #tpu.memory_space<hbm>>) dst(%dma_wait3A_321 : memref<16x128xf32, #tpu.memory_space<vmem>>)
        tpu.yield
      }) : () -> ()
      %run_scoped3A_304 = arith.constant 0 : i32
      "tpu.region"() ({
        %run_scoped3A_305 = tpu.sem_alloc : memref<!tpu.dma_semaphore, #tpu.memory_space<semaphore_mem>>
        %dma_start3A_306 = arith.constant 0 : i32
        %dma_start3A_307 = arith.constant 0 : i32
        %dma_start3A_308 = tpu.memref_slice %arg9[%run_scoped3A_304, %dma_start3A_306, %dma_start3A_307] : memref<2x32x128xf32, #tpu.memory_space<vmem>> -> memref<1x16x128xf32, #tpu.memory_space<vmem>>
        %dma_start3A_309 = tpu.memref_squeeze %dma_start3A_308 : memref<1x16x128xf32, #tpu.memory_space<vmem>> -> memref<16x128xf32, #tpu.memory_space<vmem>>
        %dma_start3A_310 = arith.constant 249984 : i32
        %dma_start3A_311 = arith.constant 0 : i32
        %dma_start3A_312 = tpu.memref_slice %arg7[%dma_start3A_310, %dma_start3A_311] : memref<250000x128xf32, #tpu.memory_space<hbm>> -> memref<16x128xf32, #tpu.memory_space<hbm>>
        %dma_start3A_313 = arith.constant 249984 : i32
        %dma_start3A_314 = arith.constant 0 : i32
        %dma_start3A_315 = tpu.memref_slice %arg7[%dma_start3A_313, %dma_start3A_314] : memref<250000x128xf32, #tpu.memory_space<hbm>> -> memref<16x128xf32, #tpu.memory_space<hbm>>
        %dma_start3A_316 = arith.constant 0 : i32
        %dma_start3A_317 = arith.constant 0 : i32
        %dma_start3A_318 = tpu.memref_slice %arg9[%run_scoped3A_304, %dma_start3A_316, %dma_start3A_317] : memref<2x32x128xf32, #tpu.memory_space<vmem>> -> memref<1x16x128xf32, #tpu.memory_space<vmem>>
        %dma_start3A_319 = tpu.memref_squeeze %dma_start3A_318 : memref<1x16x128xf32, #tpu.memory_space<vmem>> -> memref<16x128xf32, #tpu.memory_space<vmem>>
        tpu.enqueue_dma source(%dma_start3A_319 : memref<16x128xf32, #tpu.memory_space<vmem>>) target(%dma_start3A_315 : memref<16x128xf32, #tpu.memory_space<hbm>>) target_semaphore(%run_scoped3A_305 : memref<!tpu.dma_semaphore, #tpu.memory_space<semaphore_mem>>)
        %dma_wait3A_320 = arith.constant 0 : i32
        %dma_wait3A_321 = arith.constant 0 : i32
        %dma_wait3A_322 = tpu.memref_slice %arg9[%run_scoped3A_304, %dma_wait3A_320, %dma_wait3A_321] : memref<2x32x128xf32, #tpu.memory_space<vmem>> -> memref<1x16x128xf32, #tpu.memory_space<vmem>>
        %dma_wait3A_323 = tpu.memref_squeeze %dma_wait3A_322 : memref<1x16x128xf32, #tpu.memory_space<vmem>> -> memref<16x128xf32, #tpu.memory_space<vmem>>
        %dma_wait3A_324 = arith.constant 249984 : i32
        %dma_wait3A_325 = arith.constant 0 : i32
        %dma_wait3A_326 = tpu.memref_slice %arg7[%dma_wait3A_324, %dma_wait3A_325] : memref<250000x128xf32, #tpu.memory_space<hbm>> -> memref<16x128xf32, #tpu.memory_space<hbm>>
        %dma_wait3A_327 = arith.constant 249984 : i32
        %dma_wait3A_328 = arith.constant 0 : i32
        %dma_wait3A_329 = tpu.memref_slice %arg7[%dma_wait3A_327, %dma_wait3A_328] : memref<250000x128xf32, #tpu.memory_space<hbm>> -> memref<16x128xf32, #tpu.memory_space<hbm>>
        %dma_wait3A_330 = arith.constant 0 : i32
        %dma_wait3A_331 = arith.constant 0 : i32
        %dma_wait3A_332 = tpu.memref_slice %arg9[%run_scoped3A_304, %dma_wait3A_330, %dma_wait3A_331] : memref<2x32x128xf32, #tpu.memory_space<vmem>> -> memref<1x16x128xf32, #tpu.memory_space<vmem>>
        %dma_wait3A_333 = tpu.memref_squeeze %dma_wait3A_332 : memref<1x16x128xf32, #tpu.memory_space<vmem>> -> memref<16x128xf32, #tpu.memory_space<vmem>>
        tpu.wait_dma2 semaphore(%run_scoped3A_305 : memref<!tpu.dma_semaphore, #tpu.memory_space<semaphore_mem>>) src(%dma_wait3A_333 : memref<16x128xf32, #tpu.memory_space<vmem>>) dst(%dma_wait3A_329 : memref<16x128xf32, #tpu.memory_space<hbm>>)
        tpu.yield
      }) : () -> ()
    } else {
    }
    %mul3A_149 = arith.constant 0 : i32
    %mul3A_150 = vector.broadcast %mul3A_149 : i32 to vector<16xi32>
    %mul3A_151 = arith.muli %iota3A, %mul3A_150 : vector<16xi32>
    %add3A_152 = arith.constant -2 : i32
    %add3A_153 = vector.broadcast %add3A_152 : i32 to vector<16xi32>
    %add3A_154 = arith.addi %mul3A_151, %add3A_153 : vector<16xi32>
    %swap3A = arith.constant 0 : index
    %swap3A_155 = tpu.vector_load %arg14[%swap3A] {strides = array<i32>} : memref<16xi32, #tpu.memory_space<vmem>>, vector<16xi32>,
    tpu.vector_store %arg14[%swap3A], %add3A_154 {strides = array<i32>} : memref<16xi32, #tpu.memory_space<vmem>>, vector<16xi32>,
    %mul3A_156 = arith.constant 16 : i32
    %mul3A_157 = arith.muli %mul3A_156, %add3A : i32
    "tpu.region"() ({
      %run_scoped3A = tpu.sem_alloc : memref<!tpu.dma_semaphore, #tpu.memory_space<semaphore_mem>>
      %dma_start3A_304 = tpu.memref_slice %arg4[%mul3A_157] : memref<512xi32, #tpu.memory_space<hbm>> -> memref<16xi32, #tpu.memory_space<hbm>>
      %dma_start3A_305 = tpu.memref_slice %arg4[%mul3A_157] : memref<512xi32, #tpu.memory_space<hbm>> -> memref<16xi32, #tpu.memory_space<hbm>>
      tpu.enqueue_dma source(%arg14 : memref<16xi32, #tpu.memory_space<vmem>>) target(%dma_start3A_305 : memref<16xi32, #tpu.memory_space<hbm>>) target_semaphore(%run_scoped3A : memref<!tpu.dma_semaphore, #tpu.memory_space<semaphore_mem>>)
      %dma_wait3A_306 = tpu.memref_slice %arg4[%mul3A_157] : memref<512xi32, #tpu.memory_space<hbm>> -> memref<16xi32, #tpu.memory_space<hbm>>
      %dma_wait3A_307 = tpu.memref_slice %arg4[%mul3A_157] : memref<512xi32, #tpu.memory_space<hbm>> -> memref<16xi32, #tpu.memory_space<hbm>>
      tpu.wait_dma2 semaphore(%run_scoped3A : memref<!tpu.dma_semaphore, #tpu.memory_space<semaphore_mem>>) src(%arg14 : memref<16xi32, #tpu.memory_space<vmem>>) dst(%dma_wait3A_307 : memref<16xi32, #tpu.memory_space<hbm>>)
      tpu.yield
    }) : () -> ()
    %while3A = arith.constant 0 : i32
    %while3A_158 = scf.while (%while3A_304 = %while3A) : (i32) -> i32 {
      %lt3A_305 = arith.constant 512 : i32
      %lt3A_306 = arith.cmpi slt, %while3A_304, %lt3A_305 : i32
      scf.condition(%lt3A_306) %while3A_304 : i32
    } do {
    ^bb0(%while3A_304: i32):
      "tpu.region"() ({
        %run_scoped3A = tpu.sem_alloc : memref<!tpu.dma_semaphore, #tpu.memory_space<semaphore_mem>>
        tpu.enqueue_dma source(%arg4 : memref<512xi32, #tpu.memory_space<hbm>>) target(%arg15 : memref<512xi32, #tpu.memory_space<vmem>>) target_semaphore(%run_scoped3A : memref<!tpu.dma_semaphore, #tpu.memory_space<semaphore_mem>>)
        tpu.wait_dma2 semaphore(%run_scoped3A : memref<!tpu.dma_semaphore, #tpu.memory_space<semaphore_mem>>) src(%arg4 : memref<512xi32, #tpu.memory_space<hbm>>) dst(%arg15 : memref<512xi32, #tpu.memory_space<vmem>>)
        tpu.yield
      }) : () -> ()
      %mul3A_305 = arith.constant 0 : i32
      %mul3A_306 = vector.broadcast %mul3A_305 : i32 to vector<16xi32>
      %mul3A_307 = arith.muli %iota3A, %mul3A_306 : vector<16xi32>
      %mul3A_308 = arith.constant 0 : i32
      %mul3A_309 = vector.broadcast %mul3A_308 : i32 to vector<16xi32>
      %mul3A_310 = arith.muli %iota3A, %mul3A_309 : vector<16xi32>
      %add3A_311 = arith.constant 1 : i32
      %add3A_312 = vector.broadcast %add3A_311 : i32 to vector<16xi32>
      %add3A_313 = arith.addi %mul3A_310, %add3A_312 : vector<16xi32>
      %mul3A_314 = arith.constant 0 : i32
      %mul3A_315 = vector.broadcast %mul3A_314 : i32 to vector<16xi32>
      %mul3A_316 = arith.muli %iota3A, %mul3A_315 : vector<16xi32>
      %get3A_317 = arith.constant 0 : index
      %get3A_318 = tpu.vector_load %arg15[%get3A_317] {strides = array<i32>} : memref<512xi32, #tpu.memory_space<vmem>>, vector<16xi32>,
      %eq3A_319 = arith.constant -2 : i32
      %eq3A_320 = vector.broadcast %eq3A_319 : i32 to vector<16xi32>
      %eq3A_321 = arith.cmpi eq, %get3A_318, %eq3A_320 : vector<16xi32>
      %select_n3A = arith.select %eq3A_321, %add3A_313, %mul3A_316 : vector<16xi1>, vector<16xi32>
      %add3A_322 = arith.addi %mul3A_307, %select_n3A : vector<16xi32>
      %get3A_323 = arith.constant 16 : index
      %get3A_324 = tpu.vector_load %arg15[%get3A_323] {strides = array<i32>} : memref<512xi32, #tpu.memory_space<vmem>>, vector<16xi32>,
      %eq3A_325 = arith.constant -2 : i32
      %eq3A_326 = vector.broadcast %eq3A_325 : i32 to vector<16xi32>
      %eq3A_327 = arith.cmpi eq, %get3A_324, %eq3A_326 : vector<16xi32>
      %select_n3A_328 = arith.select %eq3A_327, %add3A_313, %mul3A_316 : vector<16xi1>, vector<16xi32>
      %add3A_329 = arith.addi %add3A_322, %select_n3A_328 : vector<16xi32>
      %get3A_330 = arith.constant 32 : index
      %get3A_331 = tpu.vector_load %arg15[%get3A_330] {strides = array<i32>} : memref<512xi32, #tpu.memory_space<vmem>>, vector<16xi32>,
      %eq3A_332 = arith.constant -2 : i32
      %eq3A_333 = vector.broadcast %eq3A_332 : i32 to vector<16xi32>
      %eq3A_334 = arith.cmpi eq, %get3A_331, %eq3A_333 : vector<16xi32>
      %select_n3A_335 = arith.select %eq3A_334, %add3A_313, %mul3A_316 : vector<16xi1>, vector<16xi32>
      %add3A_336 = arith.addi %add3A_329, %select_n3A_335 : vector<16xi32>
      %get3A_337 = arith.constant 48 : index
      %get3A_338 = tpu.vector_load %arg15[%get3A_337] {strides = array<i32>} : memref<512xi32, #tpu.memory_space<vmem>>, vector<16xi32>,
      %eq3A_339 = arith.constant -2 : i32
      %eq3A_340 = vector.broadcast %eq3A_339 : i32 to vector<16xi32>
      %eq3A_341 = arith.cmpi eq, %get3A_338, %eq3A_340 : vector<16xi32>
      %select_n3A_342 = arith.select %eq3A_341, %add3A_313, %mul3A_316 : vector<16xi1>, vector<16xi32>
      %add3A_343 = arith.addi %add3A_336, %select_n3A_342 : vector<16xi32>
      %get3A_344 = arith.constant 64 : index
      %get3A_345 = tpu.vector_load %arg15[%get3A_344] {strides = array<i32>} : memref<512xi32, #tpu.memory_space<vmem>>, vector<16xi32>,
      %eq3A_346 = arith.constant -2 : i32
      %eq3A_347 = vector.broadcast %eq3A_346 : i32 to vector<16xi32>
      %eq3A_348 = arith.cmpi eq, %get3A_345, %eq3A_347 : vector<16xi32>
      %select_n3A_349 = arith.select %eq3A_348, %add3A_313, %mul3A_316 : vector<16xi1>, vector<16xi32>
      %add3A_350 = arith.addi %add3A_343, %select_n3A_349 : vector<16xi32>
      %get3A_351 = arith.constant 80 : index
      %get3A_352 = tpu.vector_load %arg15[%get3A_351] {strides = array<i32>} : memref<512xi32, #tpu.memory_space<vmem>>, vector<16xi32>,
      %eq3A_353 = arith.constant -2 : i32
      %eq3A_354 = vector.broadcast %eq3A_353 : i32 to vector<16xi32>
      %eq3A_355 = arith.cmpi eq, %get3A_352, %eq3A_354 : vector<16xi32>
      %select_n3A_356 = arith.select %eq3A_355, %add3A_313, %mul3A_316 : vector<16xi1>, vector<16xi32>
      %add3A_357 = arith.addi %add3A_350, %select_n3A_356 : vector<16xi32>
      %get3A_358 = arith.constant 96 : index
      %get3A_359 = tpu.vector_load %arg15[%get3A_358] {strides = array<i32>} : memref<512xi32, #tpu.memory_space<vmem>>, vector<16xi32>,
      %eq3A_360 = arith.constant -2 : i32
      %eq3A_361 = vector.broadcast %eq3A_360 : i32 to vector<16xi32>
      %eq3A_362 = arith.cmpi eq, %get3A_359, %eq3A_361 : vector<16xi32>
      %select_n3A_363 = arith.select %eq3A_362, %add3A_313, %mul3A_316 : vector<16xi1>, vector<16xi32>
      %add3A_364 = arith.addi %add3A_357, %select_n3A_363 : vector<16xi32>
      %get3A_365 = arith.constant 112 : index
      %get3A_366 = tpu.vector_load %arg15[%get3A_365] {strides = array<i32>} : memref<512xi32, #tpu.memory_space<vmem>>, vector<16xi32>,
      %eq3A_367 = arith.constant -2 : i32
      %eq3A_368 = vector.broadcast %eq3A_367 : i32 to vector<16xi32>
      %eq3A_369 = arith.cmpi eq, %get3A_366, %eq3A_368 : vector<16xi32>
      %select_n3A_370 = arith.select %eq3A_369, %add3A_313, %mul3A_316 : vector<16xi1>, vector<16xi32>
      %add3A_371 = arith.addi %add3A_364, %select_n3A_370 : vector<16xi32>
      %get3A_372 = arith.constant 128 : index
      %get3A_373 = tpu.vector_load %arg15[%get3A_372] {strides = array<i32>} : memref<512xi32, #tpu.memory_space<vmem>>, vector<16xi32>,
      %eq3A_374 = arith.constant -2 : i32
      %eq3A_375 = vector.broadcast %eq3A_374 : i32 to vector<16xi32>
      %eq3A_376 = arith.cmpi eq, %get3A_373, %eq3A_375 : vector<16xi32>
      %select_n3A_377 = arith.select %eq3A_376, %add3A_313, %mul3A_316 : vector<16xi1>, vector<16xi32>
      %add3A_378 = arith.addi %add3A_371, %select_n3A_377 : vector<16xi32>
      %get3A_379 = arith.constant 144 : index
      %get3A_380 = tpu.vector_load %arg15[%get3A_379] {strides = array<i32>} : memref<512xi32, #tpu.memory_space<vmem>>, vector<16xi32>,
      %eq3A_381 = arith.constant -2 : i32
      %eq3A_382 = vector.broadcast %eq3A_381 : i32 to vector<16xi32>
      %eq3A_383 = arith.cmpi eq, %get3A_380, %eq3A_382 : vector<16xi32>
      %select_n3A_384 = arith.select %eq3A_383, %add3A_313, %mul3A_316 : vector<16xi1>, vector<16xi32>
      %add3A_385 = arith.addi %add3A_378, %select_n3A_384 : vector<16xi32>
      %get3A_386 = arith.constant 160 : index
      %get3A_387 = tpu.vector_load %arg15[%get3A_386] {strides = array<i32>} : memref<512xi32, #tpu.memory_space<vmem>>, vector<16xi32>,
      %eq3A_388 = arith.constant -2 : i32
      %eq3A_389 = vector.broadcast %eq3A_388 : i32 to vector<16xi32>
      %eq3A_390 = arith.cmpi eq, %get3A_387, %eq3A_389 : vector<16xi32>
      %select_n3A_391 = arith.select %eq3A_390, %add3A_313, %mul3A_316 : vector<16xi1>, vector<16xi32>
      %add3A_392 = arith.addi %add3A_385, %select_n3A_391 : vector<16xi32>
      %get3A_393 = arith.constant 176 : index
      %get3A_394 = tpu.vector_load %arg15[%get3A_393] {strides = array<i32>} : memref<512xi32, #tpu.memory_space<vmem>>, vector<16xi32>,
      %eq3A_395 = arith.constant -2 : i32
      %eq3A_396 = vector.broadcast %eq3A_395 : i32 to vector<16xi32>
      %eq3A_397 = arith.cmpi eq, %get3A_394, %eq3A_396 : vector<16xi32>
      %select_n3A_398 = arith.select %eq3A_397, %add3A_313, %mul3A_316 : vector<16xi1>, vector<16xi32>
      %add3A_399 = arith.addi %add3A_392, %select_n3A_398 : vector<16xi32>
      %get3A_400 = arith.constant 192 : index
      %get3A_401 = tpu.vector_load %arg15[%get3A_400] {strides = array<i32>} : memref<512xi32, #tpu.memory_space<vmem>>, vector<16xi32>,
      %eq3A_402 = arith.constant -2 : i32
      %eq3A_403 = vector.broadcast %eq3A_402 : i32 to vector<16xi32>
      %eq3A_404 = arith.cmpi eq, %get3A_401, %eq3A_403 : vector<16xi32>
      %select_n3A_405 = arith.select %eq3A_404, %add3A_313, %mul3A_316 : vector<16xi1>, vector<16xi32>
      %add3A_406 = arith.addi %add3A_399, %select_n3A_405 : vector<16xi32>
      %get3A_407 = arith.constant 208 : index
      %get3A_408 = tpu.vector_load %arg15[%get3A_407] {strides = array<i32>} : memref<512xi32, #tpu.memory_space<vmem>>, vector<16xi32>,
      %eq3A_409 = arith.constant -2 : i32
      %eq3A_410 = vector.broadcast %eq3A_409 : i32 to vector<16xi32>
      %eq3A_411 = arith.cmpi eq, %get3A_408, %eq3A_410 : vector<16xi32>
      %select_n3A_412 = arith.select %eq3A_411, %add3A_313, %mul3A_316 : vector<16xi1>, vector<16xi32>
      %add3A_413 = arith.addi %add3A_406, %select_n3A_412 : vector<16xi32>
      %get3A_414 = arith.constant 224 : index
      %get3A_415 = tpu.vector_load %arg15[%get3A_414] {strides = array<i32>} : memref<512xi32, #tpu.memory_space<vmem>>, vector<16xi32>,
      %eq3A_416 = arith.constant -2 : i32
      %eq3A_417 = vector.broadcast %eq3A_416 : i32 to vector<16xi32>
      %eq3A_418 = arith.cmpi eq, %get3A_415, %eq3A_417 : vector<16xi32>
      %select_n3A_419 = arith.select %eq3A_418, %add3A_313, %mul3A_316 : vector<16xi1>, vector<16xi32>
      %add3A_420 = arith.addi %add3A_413, %select_n3A_419 : vector<16xi32>
      %get3A_421 = arith.constant 240 : index
      %get3A_422 = tpu.vector_load %arg15[%get3A_421] {strides = array<i32>} : memref<512xi32, #tpu.memory_space<vmem>>, vector<16xi32>,
      %eq3A_423 = arith.constant -2 : i32
      %eq3A_424 = vector.broadcast %eq3A_423 : i32 to vector<16xi32>
      %eq3A_425 = arith.cmpi eq, %get3A_422, %eq3A_424 : vector<16xi32>
      %select_n3A_426 = arith.select %eq3A_425, %add3A_313, %mul3A_316 : vector<16xi1>, vector<16xi32>
      %add3A_427 = arith.addi %add3A_420, %select_n3A_426 : vector<16xi32>
      %get3A_428 = arith.constant 256 : index
      %get3A_429 = tpu.vector_load %arg15[%get3A_428] {strides = array<i32>} : memref<512xi32, #tpu.memory_space<vmem>>, vector<16xi32>,
      %eq3A_430 = arith.constant -2 : i32
      %eq3A_431 = vector.broadcast %eq3A_430 : i32 to vector<16xi32>
      %eq3A_432 = arith.cmpi eq, %get3A_429, %eq3A_431 : vector<16xi32>
      %select_n3A_433 = arith.select %eq3A_432, %add3A_313, %mul3A_316 : vector<16xi1>, vector<16xi32>
      %add3A_434 = arith.addi %add3A_427, %select_n3A_433 : vector<16xi32>
      %get3A_435 = arith.constant 272 : index
      %get3A_436 = tpu.vector_load %arg15[%get3A_435] {strides = array<i32>} : memref<512xi32, #tpu.memory_space<vmem>>, vector<16xi32>,
      %eq3A_437 = arith.constant -2 : i32
      %eq3A_438 = vector.broadcast %eq3A_437 : i32 to vector<16xi32>
      %eq3A_439 = arith.cmpi eq, %get3A_436, %eq3A_438 : vector<16xi32>
      %select_n3A_440 = arith.select %eq3A_439, %add3A_313, %mul3A_316 : vector<16xi1>, vector<16xi32>
      %add3A_441 = arith.addi %add3A_434, %select_n3A_440 : vector<16xi32>
      %get3A_442 = arith.constant 288 : index
      %get3A_443 = tpu.vector_load %arg15[%get3A_442] {strides = array<i32>} : memref<512xi32, #tpu.memory_space<vmem>>, vector<16xi32>,
      %eq3A_444 = arith.constant -2 : i32
      %eq3A_445 = vector.broadcast %eq3A_444 : i32 to vector<16xi32>
      %eq3A_446 = arith.cmpi eq, %get3A_443, %eq3A_445 : vector<16xi32>
      %select_n3A_447 = arith.select %eq3A_446, %add3A_313, %mul3A_316 : vector<16xi1>, vector<16xi32>
      %add3A_448 = arith.addi %add3A_441, %select_n3A_447 : vector<16xi32>
      %get3A_449 = arith.constant 304 : index
      %get3A_450 = tpu.vector_load %arg15[%get3A_449] {strides = array<i32>} : memref<512xi32, #tpu.memory_space<vmem>>, vector<16xi32>,
      %eq3A_451 = arith.constant -2 : i32
      %eq3A_452 = vector.broadcast %eq3A_451 : i32 to vector<16xi32>
      %eq3A_453 = arith.cmpi eq, %get3A_450, %eq3A_452 : vector<16xi32>
      %select_n3A_454 = arith.select %eq3A_453, %add3A_313, %mul3A_316 : vector<16xi1>, vector<16xi32>
      %add3A_455 = arith.addi %add3A_448, %select_n3A_454 : vector<16xi32>
      %get3A_456 = arith.constant 320 : index
      %get3A_457 = tpu.vector_load %arg15[%get3A_456] {strides = array<i32>} : memref<512xi32, #tpu.memory_space<vmem>>, vector<16xi32>,
      %eq3A_458 = arith.constant -2 : i32
      %eq3A_459 = vector.broadcast %eq3A_458 : i32 to vector<16xi32>
      %eq3A_460 = arith.cmpi eq, %get3A_457, %eq3A_459 : vector<16xi32>
      %select_n3A_461 = arith.select %eq3A_460, %add3A_313, %mul3A_316 : vector<16xi1>, vector<16xi32>
      %add3A_462 = arith.addi %add3A_455, %select_n3A_461 : vector<16xi32>
      %get3A_463 = arith.constant 336 : index
      %get3A_464 = tpu.vector_load %arg15[%get3A_463] {strides = array<i32>} : memref<512xi32, #tpu.memory_space<vmem>>, vector<16xi32>,
      %eq3A_465 = arith.constant -2 : i32
      %eq3A_466 = vector.broadcast %eq3A_465 : i32 to vector<16xi32>
      %eq3A_467 = arith.cmpi eq, %get3A_464, %eq3A_466 : vector<16xi32>
      %select_n3A_468 = arith.select %eq3A_467, %add3A_313, %mul3A_316 : vector<16xi1>, vector<16xi32>
      %add3A_469 = arith.addi %add3A_462, %select_n3A_468 : vector<16xi32>
      %get3A_470 = arith.constant 352 : index
      %get3A_471 = tpu.vector_load %arg15[%get3A_470] {strides = array<i32>} : memref<512xi32, #tpu.memory_space<vmem>>, vector<16xi32>,
      %eq3A_472 = arith.constant -2 : i32
      %eq3A_473 = vector.broadcast %eq3A_472 : i32 to vector<16xi32>
      %eq3A_474 = arith.cmpi eq, %get3A_471, %eq3A_473 : vector<16xi32>
      %select_n3A_475 = arith.select %eq3A_474, %add3A_313, %mul3A_316 : vector<16xi1>, vector<16xi32>
      %add3A_476 = arith.addi %add3A_469, %select_n3A_475 : vector<16xi32>
      %get3A_477 = arith.constant 368 : index
      %get3A_478 = tpu.vector_load %arg15[%get3A_477] {strides = array<i32>} : memref<512xi32, #tpu.memory_space<vmem>>, vector<16xi32>,
      %eq3A_479 = arith.constant -2 : i32
      %eq3A_480 = vector.broadcast %eq3A_479 : i32 to vector<16xi32>
      %eq3A_481 = arith.cmpi eq, %get3A_478, %eq3A_480 : vector<16xi32>
      %select_n3A_482 = arith.select %eq3A_481, %add3A_313, %mul3A_316 : vector<16xi1>, vector<16xi32>
      %add3A_483 = arith.addi %add3A_476, %select_n3A_482 : vector<16xi32>
      %get3A_484 = arith.constant 384 : index
      %get3A_485 = tpu.vector_load %arg15[%get3A_484] {strides = array<i32>} : memref<512xi32, #tpu.memory_space<vmem>>, vector<16xi32>,
      %eq3A_486 = arith.constant -2 : i32
      %eq3A_487 = vector.broadcast %eq3A_486 : i32 to vector<16xi32>
      %eq3A_488 = arith.cmpi eq, %get3A_485, %eq3A_487 : vector<16xi32>
      %select_n3A_489 = arith.select %eq3A_488, %add3A_313, %mul3A_316 : vector<16xi1>, vector<16xi32>
      %add3A_490 = arith.addi %add3A_483, %select_n3A_489 : vector<16xi32>
      %get3A_491 = arith.constant 400 : index
      %get3A_492 = tpu.vector_load %arg15[%get3A_491] {strides = array<i32>} : memref<512xi32, #tpu.memory_space<vmem>>, vector<16xi32>,
      %eq3A_493 = arith.constant -2 : i32
      %eq3A_494 = vector.broadcast %eq3A_493 : i32 to vector<16xi32>
      %eq3A_495 = arith.cmpi eq, %get3A_492, %eq3A_494 : vector<16xi32>
      %select_n3A_496 = arith.select %eq3A_495, %add3A_313, %mul3A_316 : vector<16xi1>, vector<16xi32>
      %add3A_497 = arith.addi %add3A_490, %select_n3A_496 : vector<16xi32>
      %get3A_498 = arith.constant 416 : index
      %get3A_499 = tpu.vector_load %arg15[%get3A_498] {strides = array<i32>} : memref<512xi32, #tpu.memory_space<vmem>>, vector<16xi32>,
      %eq3A_500 = arith.constant -2 : i32
      %eq3A_501 = vector.broadcast %eq3A_500 : i32 to vector<16xi32>
      %eq3A_502 = arith.cmpi eq, %get3A_499, %eq3A_501 : vector<16xi32>
      %select_n3A_503 = arith.select %eq3A_502, %add3A_313, %mul3A_316 : vector<16xi1>, vector<16xi32>
      %add3A_504 = arith.addi %add3A_497, %select_n3A_503 : vector<16xi32>
      %get3A_505 = arith.constant 432 : index
      %get3A_506 = tpu.vector_load %arg15[%get3A_505] {strides = array<i32>} : memref<512xi32, #tpu.memory_space<vmem>>, vector<16xi32>,
      %eq3A_507 = arith.constant -2 : i32
      %eq3A_508 = vector.broadcast %eq3A_507 : i32 to vector<16xi32>
      %eq3A_509 = arith.cmpi eq, %get3A_506, %eq3A_508 : vector<16xi32>
      %select_n3A_510 = arith.select %eq3A_509, %add3A_313, %mul3A_316 : vector<16xi1>, vector<16xi32>
      %add3A_511 = arith.addi %add3A_504, %select_n3A_510 : vector<16xi32>
      %get3A_512 = arith.constant 448 : index
      %get3A_513 = tpu.vector_load %arg15[%get3A_512] {strides = array<i32>} : memref<512xi32, #tpu.memory_space<vmem>>, vector<16xi32>,
      %eq3A_514 = arith.constant -2 : i32
      %eq3A_515 = vector.broadcast %eq3A_514 : i32 to vector<16xi32>
      %eq3A_516 = arith.cmpi eq, %get3A_513, %eq3A_515 : vector<16xi32>
      %select_n3A_517 = arith.select %eq3A_516, %add3A_313, %mul3A_316 : vector<16xi1>, vector<16xi32>
      %add3A_518 = arith.addi %add3A_511, %select_n3A_517 : vector<16xi32>
      %get3A_519 = arith.constant 464 : index
      %get3A_520 = tpu.vector_load %arg15[%get3A_519] {strides = array<i32>} : memref<512xi32, #tpu.memory_space<vmem>>, vector<16xi32>,
      %eq3A_521 = arith.constant -2 : i32
      %eq3A_522 = vector.broadcast %eq3A_521 : i32 to vector<16xi32>
      %eq3A_523 = arith.cmpi eq, %get3A_520, %eq3A_522 : vector<16xi32>
      %select_n3A_524 = arith.select %eq3A_523, %add3A_313, %mul3A_316 : vector<16xi1>, vector<16xi32>
      %add3A_525 = arith.addi %add3A_518, %select_n3A_524 : vector<16xi32>
      %get3A_526 = arith.constant 480 : index
      %get3A_527 = tpu.vector_load %arg15[%get3A_526] {strides = array<i32>} : memref<512xi32, #tpu.memory_space<vmem>>, vector<16xi32>,
      %eq3A_528 = arith.constant -2 : i32
      %eq3A_529 = vector.broadcast %eq3A_528 : i32 to vector<16xi32>
      %eq3A_530 = arith.cmpi eq, %get3A_527, %eq3A_529 : vector<16xi32>
      %select_n3A_531 = arith.select %eq3A_530, %add3A_313, %mul3A_316 : vector<16xi1>, vector<16xi32>
      %add3A_532 = arith.addi %add3A_525, %select_n3A_531 : vector<16xi32>
      %get3A_533 = arith.constant 496 : index
      %get3A_534 = tpu.vector_load %arg15[%get3A_533] {strides = array<i32>} : memref<512xi32, #tpu.memory_space<vmem>>, vector<16xi32>,
      %eq3A_535 = arith.constant -2 : i32
      %eq3A_536 = vector.broadcast %eq3A_535 : i32 to vector<16xi32>
      %eq3A_537 = arith.cmpi eq, %get3A_534, %eq3A_536 : vector<16xi32>
      %select_n3A_538 = arith.select %eq3A_537, %add3A_313, %mul3A_316 : vector<16xi1>, vector<16xi32>
      %add3A_539 = arith.addi %add3A_532, %select_n3A_538 : vector<16xi32>
      %reduce_sum3A = arith.constant true
      %reduce_sum3A_540 = vector.broadcast %reduce_sum3A : i1 to vector<16xi1>
      %reduce_sum3A_541 = tpu.scan <sum>, %add3A_539 masked %reduce_sum3A_540 : vector<16xi32>, vector<16xi1> -> vector<16xi32>
      %reduce_sum3A_542 = vector.extract %reduce_sum3A_541[15] : i32 from vector<16xi32>
      scf.yield %reduce_sum3A_542 : i32
    }
    %mul3A_159 = arith.constant 512 : i32
    %mul3A_160 = arith.muli %mul3A_159, %add3A : i32
    "tpu.region"() ({
      %run_scoped3A = tpu.sem_alloc : memref<!tpu.dma_semaphore, #tpu.memory_space<semaphore_mem>>
      %dma_start3A_304 = arith.constant 0 : i32
      %dma_start3A_305 = tpu.memref_slice %arg3[%dma_start3A_304, %mul3A_160] : memref<50x16384xi32, #tpu.memory_space<hbm>> -> memref<50x512xi32, #tpu.memory_space<hbm>>
      %dma_start3A_306 = arith.constant 0 : i32
      %dma_start3A_307 = tpu.memref_slice %arg3[%dma_start3A_306, %mul3A_160] : memref<50x16384xi32, #tpu.memory_space<hbm>> -> memref<50x512xi32, #tpu.memory_space<hbm>>
      tpu.enqueue_dma source(%dma_start3A_307 : memref<50x512xi32, #tpu.memory_space<hbm>>) target(%arg12 : memref<50x512xi32, #tpu.memory_space<vmem>>) target_semaphore(%run_scoped3A : memref<!tpu.dma_semaphore, #tpu.memory_space<semaphore_mem>>)
      %dma_wait3A_308 = arith.constant 0 : i32
      %dma_wait3A_309 = tpu.memref_slice %arg3[%dma_wait3A_308, %mul3A_160] : memref<50x16384xi32, #tpu.memory_space<hbm>> -> memref<50x512xi32, #tpu.memory_space<hbm>>
      %dma_wait3A_310 = arith.constant 0 : i32
      %dma_wait3A_311 = tpu.memref_slice %arg3[%dma_wait3A_310, %mul3A_160] : memref<50x16384xi32, #tpu.memory_space<hbm>> -> memref<50x512xi32, #tpu.memory_space<hbm>>
      tpu.wait_dma2 semaphore(%run_scoped3A : memref<!tpu.dma_semaphore, #tpu.memory_space<semaphore_mem>>) src(%dma_wait3A_311 : memref<50x512xi32, #tpu.memory_space<hbm>>) dst(%arg12 : memref<50x512xi32, #tpu.memory_space<vmem>>)
      tpu.yield
    }) : () -> ()
    %get3A = arith.constant 0 : i32
    %get3A_161 = arith.index_cast %get3A : i32 to index
    %get3A_162 = arith.constant 0 : index
    %get3A_163 = tpu.vector_load %arg12[%get3A_161, %get3A_162] {strides = array<i32>} : memref<50x512xi32, #tpu.memory_space<vmem>>, vector<16xi32>,
    %shift_right_logical3A_164 = arith.constant 2 : i32
    %shift_right_logical3A_165 = vector.broadcast %shift_right_logical3A_164 : i32 to vector<16xi32>
    %shift_right_logical3A_166 = arith.shrui %get3A_163, %shift_right_logical3A_165 : vector<16xi32>
    %swap3A_167 = arith.constant 0 : i32
    %swap3A_168 = arith.index_cast %swap3A_167 : i32 to index
    %swap3A_169 = arith.constant 0 : index
    %swap3A_170 = tpu.vector_load %arg13[%swap3A_168, %swap3A_169] {strides = array<i32>} : memref<2x128xi32, #tpu.memory_space<vmem>>, vector<16xi32>,
    tpu.vector_store %arg13[%swap3A_168, %swap3A_169], %shift_right_logical3A_166 {strides = array<i32>} : memref<2x128xi32, #tpu.memory_space<vmem>>, vector<16xi32>,
    %get3A_171 = arith.constant 0 : i32
    %get3A_172 = arith.index_cast %get3A_171 : i32 to index
    %get3A_173 = arith.constant 16 : index
    %get3A_174 = tpu.vector_load %arg12[%get3A_172, %get3A_173] {strides = array<i32>} : memref<50x512xi32, #tpu.memory_space<vmem>>, vector<16xi32>,
    %shift_right_logical3A_175 = arith.constant 2 : i32
    %shift_right_logical3A_176 = vector.broadcast %shift_right_logical3A_175 : i32 to vector<16xi32>
    %shift_right_logical3A_177 = arith.shrui %get3A_174, %shift_right_logical3A_176 : vector<16xi32>
    %swap3A_178 = arith.constant 0 : i32
    %swap3A_179 = arith.index_cast %swap3A_178 : i32 to index
    %swap3A_180 = arith.constant 16 : index
    %swap3A_181 = tpu.vector_load %arg13[%swap3A_179, %swap3A_180] {strides = array<i32>} : memref<2x128xi32, #tpu.memory_space<vmem>>, vector<16xi32>,
    tpu.vector_store %arg13[%swap3A_179, %swap3A_180], %shift_right_logical3A_177 {strides = array<i32>} : memref<2x128xi32, #tpu.memory_space<vmem>>, vector<16xi32>,
    %get3A_182 = arith.constant 0 : i32
    %get3A_183 = arith.index_cast %get3A_182 : i32 to index
    %get3A_184 = arith.constant 32 : index
    %get3A_185 = tpu.vector_load %arg12[%get3A_183, %get3A_184] {strides = array<i32>} : memref<50x512xi32, #tpu.memory_space<vmem>>, vector<16xi32>,
    %shift_right_logical3A_186 = arith.constant 2 : i32
    %shift_right_logical3A_187 = vector.broadcast %shift_right_logical3A_186 : i32 to vector<16xi32>
    %shift_right_logical3A_188 = arith.shrui %get3A_185, %shift_right_logical3A_187 : vector<16xi32>
    %swap3A_189 = arith.constant 0 : i32
    %swap3A_190 = arith.index_cast %swap3A_189 : i32 to index
    %swap3A_191 = arith.constant 32 : index
    %swap3A_192 = tpu.vector_load %arg13[%swap3A_190, %swap3A_191] {strides = array<i32>} : memref<2x128xi32, #tpu.memory_space<vmem>>, vector<16xi32>,
    tpu.vector_store %arg13[%swap3A_190, %swap3A_191], %shift_right_logical3A_188 {strides = array<i32>} : memref<2x128xi32, #tpu.memory_space<vmem>>, vector<16xi32>,
    %get3A_193 = arith.constant 0 : i32
    %get3A_194 = arith.index_cast %get3A_193 : i32 to index
    %get3A_195 = arith.constant 48 : index
    %get3A_196 = tpu.vector_load %arg12[%get3A_194, %get3A_195] {strides = array<i32>} : memref<50x512xi32, #tpu.memory_space<vmem>>, vector<16xi32>,
    %shift_right_logical3A_197 = arith.constant 2 : i32
    %shift_right_logical3A_198 = vector.broadcast %shift_right_logical3A_197 : i32 to vector<16xi32>
    %shift_right_logical3A_199 = arith.shrui %get3A_196, %shift_right_logical3A_198 : vector<16xi32>
    %swap3A_200 = arith.constant 0 : i32
    %swap3A_201 = arith.index_cast %swap3A_200 : i32 to index
    %swap3A_202 = arith.constant 48 : index
    %swap3A_203 = tpu.vector_load %arg13[%swap3A_201, %swap3A_202] {strides = array<i32>} : memref<2x128xi32, #tpu.memory_space<vmem>>, vector<16xi32>,
    tpu.vector_store %arg13[%swap3A_201, %swap3A_202], %shift_right_logical3A_199 {strides = array<i32>} : memref<2x128xi32, #tpu.memory_space<vmem>>, vector<16xi32>,
    %get3A_204 = arith.constant 0 : i32
    %get3A_205 = arith.index_cast %get3A_204 : i32 to index
    %get3A_206 = arith.constant 64 : index
    %get3A_207 = tpu.vector_load %arg12[%get3A_205, %get3A_206] {strides = array<i32>} : memref<50x512xi32, #tpu.memory_space<vmem>>, vector<16xi32>,
    %shift_right_logical3A_208 = arith.constant 2 : i32
    %shift_right_logical3A_209 = vector.broadcast %shift_right_logical3A_208 : i32 to vector<16xi32>
    %shift_right_logical3A_210 = arith.shrui %get3A_207, %shift_right_logical3A_209 : vector<16xi32>
    %swap3A_211 = arith.constant 0 : i32
    %swap3A_212 = arith.index_cast %swap3A_211 : i32 to index
    %swap3A_213 = arith.constant 64 : index
    %swap3A_214 = tpu.vector_load %arg13[%swap3A_212, %swap3A_213] {strides = array<i32>} : memref<2x128xi32, #tpu.memory_space<vmem>>, vector<16xi32>,
    tpu.vector_store %arg13[%swap3A_212, %swap3A_213], %shift_right_logical3A_210 {strides = array<i32>} : memref<2x128xi32, #tpu.memory_space<vmem>>, vector<16xi32>,
    %get3A_215 = arith.constant 0 : i32
    %get3A_216 = arith.index_cast %get3A_215 : i32 to index
    %get3A_217 = arith.constant 80 : index
    %get3A_218 = tpu.vector_load %arg12[%get3A_216, %get3A_217] {strides = array<i32>} : memref<50x512xi32, #tpu.memory_space<vmem>>, vector<16xi32>,
    %shift_right_logical3A_219 = arith.constant 2 : i32
    %shift_right_logical3A_220 = vector.broadcast %shift_right_logical3A_219 : i32 to vector<16xi32>
    %shift_right_logical3A_221 = arith.shrui %get3A_218, %shift_right_logical3A_220 : vector<16xi32>
    %swap3A_222 = arith.constant 0 : i32
    %swap3A_223 = arith.index_cast %swap3A_222 : i32 to index
    %swap3A_224 = arith.constant 80 : index
    %swap3A_225 = tpu.vector_load %arg13[%swap3A_223, %swap3A_224] {strides = array<i32>} : memref<2x128xi32, #tpu.memory_space<vmem>>, vector<16xi32>,
    tpu.vector_store %arg13[%swap3A_223, %swap3A_224], %shift_right_logical3A_221 {strides = array<i32>} : memref<2x128xi32, #tpu.memory_space<vmem>>, vector<16xi32>,
    %get3A_226 = arith.constant 0 : i32
    %get3A_227 = arith.index_cast %get3A_226 : i32 to index
    %get3A_228 = arith.constant 96 : index
    %get3A_229 = tpu.vector_load %arg12[%get3A_227, %get3A_228] {strides = array<i32>} : memref<50x512xi32, #tpu.memory_space<vmem>>, vector<16xi32>,
    %shift_right_logical3A_230 = arith.constant 2 : i32
    %shift_right_logical3A_231 = vector.broadcast %shift_right_logical3A_230 : i32 to vector<16xi32>
    %shift_right_logical3A_232 = arith.shrui %get3A_229, %shift_right_logical3A_231 : vector<16xi32>
    %swap3A_233 = arith.constant 0 : i32
    %swap3A_234 = arith.index_cast %swap3A_233 : i32 to index
    %swap3A_235 = arith.constant 96 : index
    %swap3A_236 = tpu.vector_load %arg13[%swap3A_234, %swap3A_235] {strides = array<i32>} : memref<2x128xi32, #tpu.memory_space<vmem>>, vector<16xi32>,
    tpu.vector_store %arg13[%swap3A_234, %swap3A_235], %shift_right_logical3A_232 {strides = array<i32>} : memref<2x128xi32, #tpu.memory_space<vmem>>, vector<16xi32>,
    %get3A_237 = arith.constant 0 : i32
    %get3A_238 = arith.index_cast %get3A_237 : i32 to index
    %get3A_239 = arith.constant 112 : index
    %get3A_240 = tpu.vector_load %arg12[%get3A_238, %get3A_239] {strides = array<i32>} : memref<50x512xi32, #tpu.memory_space<vmem>>, vector<16xi32>,
    %shift_right_logical3A_241 = arith.constant 2 : i32
    %shift_right_logical3A_242 = vector.broadcast %shift_right_logical3A_241 : i32 to vector<16xi32>
    %shift_right_logical3A_243 = arith.shrui %get3A_240, %shift_right_logical3A_242 : vector<16xi32>
    %swap3A_244 = arith.constant 0 : i32
    %swap3A_245 = arith.index_cast %swap3A_244 : i32 to index
    %swap3A_246 = arith.constant 112 : index
    %swap3A_247 = tpu.vector_load %arg13[%swap3A_245, %swap3A_246] {strides = array<i32>} : memref<2x128xi32, #tpu.memory_space<vmem>>, vector<16xi32>,
    tpu.vector_store %arg13[%swap3A_245, %swap3A_246], %shift_right_logical3A_243 {strides = array<i32>} : memref<2x128xi32, #tpu.memory_space<vmem>>, vector<16xi32>,
    %dma_start3A_248 = arith.constant 0 : i32
    %dma_start3A_249 = arith.constant 0 : i32
    %dma_start3A_250 = arith.constant 0 : i32
    %dma_start3A_251 = arith.constant 0 : i32
    %dma_start3A_252 = tpu.memref_slice %arg10[%dma_start3A_249, %dma_start3A_250, %dma_start3A_251] : memref<2x128x128xf32, #tpu.memory_space<vmem>> -> memref<1x128x128xf32, #tpu.memory_space<vmem>>
    %dma_start3A_253 = tpu.memref_squeeze %dma_start3A_252 : memref<1x128x128xf32, #tpu.memory_space<vmem>> -> memref<128x128xf32, #tpu.memory_space<vmem>>
    %dma_start3A_254 = arith.constant 0 : i32
    %dma_start3A_255 = tpu.memref_slice %arg13[%dma_start3A_248, %dma_start3A_254] : memref<2x128xi32, #tpu.memory_space<vmem>> -> memref<1x128xi32, #tpu.memory_space<vmem>>
    %dma_start3A_256 = tpu.memref_squeeze %dma_start3A_255 : memref<1x128xi32, #tpu.memory_space<vmem>> -> memref<128xi32, #tpu.memory_space<vmem>>
    %dma_start3A_257 = arith.constant 0 : i32
    %dma_start3A_258 = arith.constant 0 : i32
    %dma_start3A_259 = tpu.memref_slice %arg7[%dma_start3A_257, %dma_start3A_258] : memref<250000x128xf32, #tpu.memory_space<hbm>> -> memref<250000x128xf32, #tpu.memory_space<hbm>>
    tpu.enqueue_indirect_dma source(%dma_start3A_259 : memref<250000x128xf32, #tpu.memory_space<hbm>>) target(%dma_start3A_253 : memref<128x128xf32, #tpu.memory_space<vmem>>) offsets(%dma_start3A_256 : memref<128xi32, #tpu.memory_space<vmem>>) semaphore(%arg20 : memref<!tpu.dma_semaphore, #tpu.memory_space<semaphore_mem>>)
    %scan3A_260 = arith.constant 0 : i32
    %scan3A_261 = arith.constant 0 : i32
    %scan3A_262 = arith.constant 0 : i32
    %scan3A_263 = arith.constant 100 : i32
    %scan3A_264 = arith.addi %scan3A_262, %scan3A_263 : i32
    %scan3A_265 = arith.constant 1 : i32
    %scan3A_266:2 = scf.for %scan3A_304 = %scan3A_262 to %scan3A_264 step %scan3A_265 iter_args(%scan3A_305 = %scan3A_260, %scan3A_306 = %scan3A_261) -> (i32, i32)  : i32 {
      %eq3A_307 = arith.constant 49 : i32
      %eq3A_308 = arith.cmpi eq, %scan3A_305, %eq3A_307 : i32
      %add3A_309 = arith.constant 1 : i32
      %add3A_310 = arith.addi %scan3A_305, %add3A_309 : i32
      %jit3A = arith.constant 0 : i32
      %select_n3A = arith.select %eq3A_308, %jit3A, %add3A_310 : i32
      %add3A_311 = arith.constant 1 : i32
      %add3A_312 = arith.addi %scan3A_306, %add3A_311 : i32
      %select_n3A_313 = arith.select %eq3A_308, %add3A_312, %scan3A_306 : i32
      %eq3A_314 = arith.constant 49 : i32
      %eq3A_315 = arith.cmpi eq, %scan3A_305, %eq3A_314 : i32
      %eq3A_316 = arith.constant 3 : i32
      %eq3A_317 = arith.cmpi eq, %scan3A_306, %eq3A_316 : i32
      %and3A_318 = arith.andi %eq3A_315, %eq3A_317 : i1
      %not3A = arith.constant true
      %not3A_319 = arith.xori %and3A_318, %not3A : i1
      %convert_element_type3A_320 = arith.extui %not3A_319 : i1 to i32
      %cond3A_321 = arith.constant 0 : i32
      %cond3A_322 = arith.cmpi ne, %convert_element_type3A_320, %cond3A_321 : i32
      scf.if %cond3A_322 {
        %mul3A_664 = arith.constant 128 : i32
        %mul3A_665 = arith.muli %mul3A_664, %select_n3A_313 : i32
        %add3A_666 = arith.constant 0 : i32
        %add3A_667 = arith.addi %mul3A_665, %add3A_666 : i32
        %get3A_668 = arith.index_cast %select_n3A : i32 to index
        %get3A_669 = arith.index_cast %add3A_667 : i32 to index
        %get3A_670 = tpu.vector_load %arg12[%get3A_668, %get3A_669] {strides = array<i32>} : memref<50x512xi32, #tpu.memory_space<vmem>>, vector<16xi32>,
        %shift_right_logical3A_671 = arith.constant 2 : i32
        %shift_right_logical3A_672 = vector.broadcast %shift_right_logical3A_671 : i32 to vector<16xi32>
        %shift_right_logical3A_673 = arith.shrui %get3A_670, %shift_right_logical3A_672 : vector<16xi32>
        %swap3A_674 = arith.constant 1 : i32
        %swap3A_675 = arith.index_cast %swap3A_674 : i32 to index
        %swap3A_676 = arith.constant 0 : index
        %swap3A_677 = tpu.vector_load %arg13[%swap3A_675, %swap3A_676] {strides = array<i32>} : memref<2x128xi32, #tpu.memory_space<vmem>>, vector<16xi32>,
        tpu.vector_store %arg13[%swap3A_675, %swap3A_676], %shift_right_logical3A_673 {strides = array<i32>} : memref<2x128xi32, #tpu.memory_space<vmem>>, vector<16xi32>,
        %add3A_678 = arith.constant 16 : i32
        %add3A_679 = arith.addi %mul3A_665, %add3A_678 : i32
        %get3A_680 = arith.index_cast %select_n3A : i32 to index
        %get3A_681 = arith.index_cast %add3A_679 : i32 to index
        %get3A_682 = tpu.vector_load %arg12[%get3A_680, %get3A_681] {strides = array<i32>} : memref<50x512xi32, #tpu.memory_space<vmem>>, vector<16xi32>,
        %shift_right_logical3A_683 = arith.constant 2 : i32
        %shift_right_logical3A_684 = vector.broadcast %shift_right_logical3A_683 : i32 to vector<16xi32>
        %shift_right_logical3A_685 = arith.shrui %get3A_682, %shift_right_logical3A_684 : vector<16xi32>
        %swap3A_686 = arith.constant 1 : i32
        %swap3A_687 = arith.index_cast %swap3A_686 : i32 to index
        %swap3A_688 = arith.constant 16 : index
        %swap3A_689 = tpu.vector_load %arg13[%swap3A_687, %swap3A_688] {strides = array<i32>} : memref<2x128xi32, #tpu.memory_space<vmem>>, vector<16xi32>,
        tpu.vector_store %arg13[%swap3A_687, %swap3A_688], %shift_right_logical3A_685 {strides = array<i32>} : memref<2x128xi32, #tpu.memory_space<vmem>>, vector<16xi32>,
        %add3A_690 = arith.constant 32 : i32
        %add3A_691 = arith.addi %mul3A_665, %add3A_690 : i32
        %get3A_692 = arith.index_cast %select_n3A : i32 to index
        %get3A_693 = arith.index_cast %add3A_691 : i32 to index
        %get3A_694 = tpu.vector_load %arg12[%get3A_692, %get3A_693] {strides = array<i32>} : memref<50x512xi32, #tpu.memory_space<vmem>>, vector<16xi32>,
        %shift_right_logical3A_695 = arith.constant 2 : i32
        %shift_right_logical3A_696 = vector.broadcast %shift_right_logical3A_695 : i32 to vector<16xi32>
        %shift_right_logical3A_697 = arith.shrui %get3A_694, %shift_right_logical3A_696 : vector<16xi32>
        %swap3A_698 = arith.constant 1 : i32
        %swap3A_699 = arith.index_cast %swap3A_698 : i32 to index
        %swap3A_700 = arith.constant 32 : index
        %swap3A_701 = tpu.vector_load %arg13[%swap3A_699, %swap3A_700] {strides = array<i32>} : memref<2x128xi32, #tpu.memory_space<vmem>>, vector<16xi32>,
        tpu.vector_store %arg13[%swap3A_699, %swap3A_700], %shift_right_logical3A_697 {strides = array<i32>} : memref<2x128xi32, #tpu.memory_space<vmem>>, vector<16xi32>,
        %add3A_702 = arith.constant 48 : i32
        %add3A_703 = arith.addi %mul3A_665, %add3A_702 : i32
        %get3A_704 = arith.index_cast %select_n3A : i32 to index
        %get3A_705 = arith.index_cast %add3A_703 : i32 to index
        %get3A_706 = tpu.vector_load %arg12[%get3A_704, %get3A_705] {strides = array<i32>} : memref<50x512xi32, #tpu.memory_space<vmem>>, vector<16xi32>,
        %shift_right_logical3A_707 = arith.constant 2 : i32
        %shift_right_logical3A_708 = vector.broadcast %shift_right_logical3A_707 : i32 to vector<16xi32>
        %shift_right_logical3A_709 = arith.shrui %get3A_706, %shift_right_logical3A_708 : vector<16xi32>
        %swap3A_710 = arith.constant 1 : i32
        %swap3A_711 = arith.index_cast %swap3A_710 : i32 to index
        %swap3A_712 = arith.constant 48 : index
        %swap3A_713 = tpu.vector_load %arg13[%swap3A_711, %swap3A_712] {strides = array<i32>} : memref<2x128xi32, #tpu.memory_space<vmem>>, vector<16xi32>,
        tpu.vector_store %arg13[%swap3A_711, %swap3A_712], %shift_right_logical3A_709 {strides = array<i32>} : memref<2x128xi32, #tpu.memory_space<vmem>>, vector<16xi32>,
        %add3A_714 = arith.constant 64 : i32
        %add3A_715 = arith.addi %mul3A_665, %add3A_714 : i32
        %get3A_716 = arith.index_cast %select_n3A : i32 to index
        %get3A_717 = arith.index_cast %add3A_715 : i32 to index
        %get3A_718 = tpu.vector_load %arg12[%get3A_716, %get3A_717] {strides = array<i32>} : memref<50x512xi32, #tpu.memory_space<vmem>>, vector<16xi32>,
        %shift_right_logical3A_719 = arith.constant 2 : i32
        %shift_right_logical3A_720 = vector.broadcast %shift_right_logical3A_719 : i32 to vector<16xi32>
        %shift_right_logical3A_721 = arith.shrui %get3A_718, %shift_right_logical3A_720 : vector<16xi32>
        %swap3A_722 = arith.constant 1 : i32
        %swap3A_723 = arith.index_cast %swap3A_722 : i32 to index
        %swap3A_724 = arith.constant 64 : index
        %swap3A_725 = tpu.vector_load %arg13[%swap3A_723, %swap3A_724] {strides = array<i32>} : memref<2x128xi32, #tpu.memory_space<vmem>>, vector<16xi32>,
        tpu.vector_store %arg13[%swap3A_723, %swap3A_724], %shift_right_logical3A_721 {strides = array<i32>} : memref<2x128xi32, #tpu.memory_space<vmem>>, vector<16xi32>,
        %add3A_726 = arith.constant 80 : i32
        %add3A_727 = arith.addi %mul3A_665, %add3A_726 : i32
        %get3A_728 = arith.index_cast %select_n3A : i32 to index
        %get3A_729 = arith.index_cast %add3A_727 : i32 to index
        %get3A_730 = tpu.vector_load %arg12[%get3A_728, %get3A_729] {strides = array<i32>} : memref<50x512xi32, #tpu.memory_space<vmem>>, vector<16xi32>,
        %shift_right_logical3A_731 = arith.constant 2 : i32
        %shift_right_logical3A_732 = vector.broadcast %shift_right_logical3A_731 : i32 to vector<16xi32>
        %shift_right_logical3A_733 = arith.shrui %get3A_730, %shift_right_logical3A_732 : vector<16xi32>
        %swap3A_734 = arith.constant 1 : i32
        %swap3A_735 = arith.index_cast %swap3A_734 : i32 to index
        %swap3A_736 = arith.constant 80 : index
        %swap3A_737 = tpu.vector_load %arg13[%swap3A_735, %swap3A_736] {strides = array<i32>} : memref<2x128xi32, #tpu.memory_space<vmem>>, vector<16xi32>,
        tpu.vector_store %arg13[%swap3A_735, %swap3A_736], %shift_right_logical3A_733 {strides = array<i32>} : memref<2x128xi32, #tpu.memory_space<vmem>>, vector<16xi32>,
        %add3A_738 = arith.constant 96 : i32
        %add3A_739 = arith.addi %mul3A_665, %add3A_738 : i32
        %get3A_740 = arith.index_cast %select_n3A : i32 to index
        %get3A_741 = arith.index_cast %add3A_739 : i32 to index
        %get3A_742 = tpu.vector_load %arg12[%get3A_740, %get3A_741] {strides = array<i32>} : memref<50x512xi32, #tpu.memory_space<vmem>>, vector<16xi32>,
        %shift_right_logical3A_743 = arith.constant 2 : i32
        %shift_right_logical3A_744 = vector.broadcast %shift_right_logical3A_743 : i32 to vector<16xi32>
        %shift_right_logical3A_745 = arith.shrui %get3A_742, %shift_right_logical3A_744 : vector<16xi32>
        %swap3A_746 = arith.constant 1 : i32
        %swap3A_747 = arith.index_cast %swap3A_746 : i32 to index
        %swap3A_748 = arith.constant 96 : index
        %swap3A_749 = tpu.vector_load %arg13[%swap3A_747, %swap3A_748] {strides = array<i32>} : memref<2x128xi32, #tpu.memory_space<vmem>>, vector<16xi32>,
        tpu.vector_store %arg13[%swap3A_747, %swap3A_748], %shift_right_logical3A_745 {strides = array<i32>} : memref<2x128xi32, #tpu.memory_space<vmem>>, vector<16xi32>,
        %add3A_750 = arith.constant 112 : i32
        %add3A_751 = arith.addi %mul3A_665, %add3A_750 : i32
        %get3A_752 = arith.index_cast %select_n3A : i32 to index
        %get3A_753 = arith.index_cast %add3A_751 : i32 to index
        %get3A_754 = tpu.vector_load %arg12[%get3A_752, %get3A_753] {strides = array<i32>} : memref<50x512xi32, #tpu.memory_space<vmem>>, vector<16xi32>,
        %shift_right_logical3A_755 = arith.constant 2 : i32
        %shift_right_logical3A_756 = vector.broadcast %shift_right_logical3A_755 : i32 to vector<16xi32>
        %shift_right_logical3A_757 = arith.shrui %get3A_754, %shift_right_logical3A_756 : vector<16xi32>
        %swap3A_758 = arith.constant 1 : i32
        %swap3A_759 = arith.index_cast %swap3A_758 : i32 to index
        %swap3A_760 = arith.constant 112 : index
        %swap3A_761 = tpu.vector_load %arg13[%swap3A_759, %swap3A_760] {strides = array<i32>} : memref<2x128xi32, #tpu.memory_space<vmem>>, vector<16xi32>,
        tpu.vector_store %arg13[%swap3A_759, %swap3A_760], %shift_right_logical3A_757 {strides = array<i32>} : memref<2x128xi32, #tpu.memory_space<vmem>>, vector<16xi32>,
        %dma_start3A_762 = arith.constant 1 : i32
        %dma_start3A_763 = arith.constant 1 : i32
        %dma_start3A_764 = arith.constant 0 : i32
        %dma_start3A_765 = arith.constant 0 : i32
        %dma_start3A_766 = tpu.memref_slice %arg10[%dma_start3A_763, %dma_start3A_764, %dma_start3A_765] : memref<2x128x128xf32, #tpu.memory_space<vmem>> -> memref<1x128x128xf32, #tpu.memory_space<vmem>>
        %dma_start3A_767 = tpu.memref_squeeze %dma_start3A_766 : memref<1x128x128xf32, #tpu.memory_space<vmem>> -> memref<128x128xf32, #tpu.memory_space<vmem>>
        %dma_start3A_768 = arith.constant 0 : i32
        %dma_start3A_769 = tpu.memref_slice %arg13[%dma_start3A_762, %dma_start3A_768] : memref<2x128xi32, #tpu.memory_space<vmem>> -> memref<1x128xi32, #tpu.memory_space<vmem>>
        %dma_start3A_770 = tpu.memref_squeeze %dma_start3A_769 : memref<1x128xi32, #tpu.memory_space<vmem>> -> memref<128xi32, #tpu.memory_space<vmem>>
        %dma_start3A_771 = arith.constant 0 : i32
        %dma_start3A_772 = arith.constant 0 : i32
        %dma_start3A_773 = tpu.memref_slice %arg7[%dma_start3A_771, %dma_start3A_772] : memref<250000x128xf32, #tpu.memory_space<hbm>> -> memref<250000x128xf32, #tpu.memory_space<hbm>>
        tpu.enqueue_indirect_dma source(%dma_start3A_773 : memref<250000x128xf32, #tpu.memory_space<hbm>>) target(%dma_start3A_767 : memref<128x128xf32, #tpu.memory_space<vmem>>) offsets(%dma_start3A_770 : memref<128xi32, #tpu.memory_space<vmem>>) semaphore(%arg21 : memref<!tpu.dma_semaphore, #tpu.memory_space<semaphore_mem>>)
      } else {
      }
      %eq3A_323 = arith.constant 0 : i32
      %eq3A_324 = arith.cmpi eq, %scan3A_304, %eq3A_323 : i32
      %dma_wait3A_325 = arith.constant 0 : i32
      %dma_wait3A_326 = arith.constant 0 : i32
      %dma_wait3A_327 = arith.constant 0 : i32
      %dma_wait3A_328 = arith.constant 0 : i32
      %dma_wait3A_329 = tpu.memref_slice %arg10[%dma_wait3A_326, %dma_wait3A_327, %dma_wait3A_328] : memref<2x128x128xf32, #tpu.memory_space<vmem>> -> memref<1x128x128xf32, #tpu.memory_space<vmem>>
      %dma_wait3A_330 = tpu.memref_squeeze %dma_wait3A_329 : memref<1x128x128xf32, #tpu.memory_space<vmem>> -> memref<128x128xf32, #tpu.memory_space<vmem>>
      %dma_wait3A_331 = arith.constant 0 : i32
      %dma_wait3A_332 = tpu.memref_slice %arg13[%dma_wait3A_325, %dma_wait3A_331] : memref<2x128xi32, #tpu.memory_space<vmem>> -> memref<1x128xi32, #tpu.memory_space<vmem>>
      %dma_wait3A_333 = tpu.memref_squeeze %dma_wait3A_332 : memref<1x128xi32, #tpu.memory_space<vmem>> -> memref<128xi32, #tpu.memory_space<vmem>>
      %dma_wait3A_334 = arith.constant 0 : i32
      %dma_wait3A_335 = arith.constant 0 : i32
      %dma_wait3A_336 = tpu.memref_slice %arg7[%dma_wait3A_334, %dma_wait3A_335] : memref<250000x128xf32, #tpu.memory_space<hbm>> -> memref<250000x128xf32, #tpu.memory_space<hbm>>
      tpu.wait_indirect_dma semaphore(%arg20 : memref<!tpu.dma_semaphore, #tpu.memory_space<semaphore_mem>>) src(%dma_wait3A_336 : memref<250000x128xf32, #tpu.memory_space<hbm>>) dst(%dma_wait3A_330 : memref<128x128xf32, #tpu.memory_space<vmem>>)
      %not3A_337 = arith.constant true
      %not3A_338 = arith.xori %eq3A_324, %not3A_337 : i1
      %convert_element_type3A_339 = arith.extui %not3A_338 : i1 to i32
      %cond3A_340 = arith.constant 0 : i32
      %cond3A_341 = arith.cmpi ne, %convert_element_type3A_339, %cond3A_340 : i32
      scf.if %cond3A_341 {
        %dma_wait3A_664 = arith.constant 0 : i32
        %dma_wait3A_665 = arith.constant 0 : i32
        %dma_wait3A_666 = arith.constant 0 : i32
        %dma_wait3A_667 = arith.constant 0 : i32
        %dma_wait3A_668 = tpu.memref_slice %arg11[%dma_wait3A_664, %dma_wait3A_666, %dma_wait3A_667] : memref<2x32x128xf32, #tpu.memory_space<vmem>> -> memref<1x32x128xf32, #tpu.memory_space<vmem>>
        %dma_wait3A_669 = tpu.memref_squeeze %dma_wait3A_668 : memref<1x32x128xf32, #tpu.memory_space<vmem>> -> memref<32x128xf32, #tpu.memory_space<vmem>>
        %dma_wait3A_670 = arith.constant 0 : i32
        %dma_wait3A_671 = arith.constant 0 : i32
        %dma_wait3A_672 = tpu.memref_slice %arg6[%dma_wait3A_665, %dma_wait3A_670, %dma_wait3A_671] : memref<50x32x16384xf32, #tpu.memory_space<hbm>> -> memref<1x32x128xf32, #tpu.memory_space<hbm>>
        %dma_wait3A_673 = tpu.memref_squeeze %dma_wait3A_672 : memref<1x32x128xf32, #tpu.memory_space<hbm>> -> memref<32x128xf32, #tpu.memory_space<hbm>>
        %dma_wait3A_674 = arith.constant 0 : i32
        %dma_wait3A_675 = arith.constant 0 : i32
        %dma_wait3A_676 = tpu.memref_slice %arg6[%dma_wait3A_665, %dma_wait3A_674, %dma_wait3A_675] : memref<50x32x16384xf32, #tpu.memory_space<hbm>> -> memref<1x32x128xf32, #tpu.memory_space<hbm>>
        %dma_wait3A_677 = tpu.memref_squeeze %dma_wait3A_676 : memref<1x32x128xf32, #tpu.memory_space<hbm>> -> memref<32x128xf32, #tpu.memory_space<hbm>>
        %dma_wait3A_678 = arith.constant 0 : i32
        %dma_wait3A_679 = arith.constant 0 : i32
        %dma_wait3A_680 = tpu.memref_slice %arg11[%dma_wait3A_664, %dma_wait3A_678, %dma_wait3A_679] : memref<2x32x128xf32, #tpu.memory_space<vmem>> -> memref<1x32x128xf32, #tpu.memory_space<vmem>>
        %dma_wait3A_681 = tpu.memref_squeeze %dma_wait3A_680 : memref<1x32x128xf32, #tpu.memory_space<vmem>> -> memref<32x128xf32, #tpu.memory_space<vmem>>
        tpu.wait_dma2 semaphore(%arg22 : memref<!tpu.dma_semaphore, #tpu.memory_space<semaphore_mem>>) src(%dma_wait3A_681 : memref<32x128xf32, #tpu.memory_space<vmem>>) dst(%dma_wait3A_677 : memref<32x128xf32, #tpu.memory_space<hbm>>)
      } else {
      }
      %mul3A_342 = arith.constant 0 : i32
      %mul3A_343 = vector.broadcast %mul3A_342 : i32 to vector<16xi32>
      %mul3A_344 = arith.muli %iota3A, %mul3A_343 : vector<16xi32>
      %add3A_345 = arith.constant 0 : i32
      %add3A_346 = vector.broadcast %add3A_345 : i32 to vector<16xi32>
      %add3A_347 = arith.addi %mul3A_344, %add3A_346 : vector<16xi32>
      %mul3A_348 = arith.constant 128 : i32
      %mul3A_349 = arith.muli %mul3A_348, %scan3A_306 : i32
      %add3A_350 = arith.constant 0 : i32
      %add3A_351 = arith.addi %mul3A_349, %add3A_350 : i32
      %get3A_352 = arith.index_cast %scan3A_305 : i32 to index
      %get3A_353 = arith.index_cast %add3A_351 : i32 to index
      %get3A_354 = tpu.vector_load %arg12[%get3A_352, %get3A_353] {strides = array<i32>} : memref<50x512xi32, #tpu.memory_space<vmem>>, vector<16xi32>,
      %and3A_355 = arith.constant 3 : i32
      %and3A_356 = vector.broadcast %and3A_355 : i32 to vector<16xi32>
      %and3A_357 = arith.andi %get3A_354, %and3A_356 : vector<16xi32>
      %shift_left3A = arith.constant 5 : i32
      %shift_left3A_358 = vector.broadcast %shift_left3A : i32 to vector<16xi32>
      %shift_left3A_359 = arith.shli %and3A_357, %shift_left3A_358 : vector<16xi32>
      %add3A_360 = arith.constant 0 : i32
      %add3A_361 = vector.broadcast %add3A_360 : i32 to vector<16xi32>
      %add3A_362 = arith.addi %iota3A, %add3A_361 : vector<16xi32>
      %add3A_363 = arith.constant 16 : i32
      %add3A_364 = arith.addi %mul3A_349, %add3A_363 : i32
      %get3A_365 = arith.index_cast %scan3A_305 : i32 to index
      %get3A_366 = arith.index_cast %add3A_364 : i32 to index
      %get3A_367 = tpu.vector_load %arg12[%get3A_365, %get3A_366] {strides = array<i32>} : memref<50x512xi32, #tpu.memory_space<vmem>>, vector<16xi32>,
      %and3A_368 = arith.constant 3 : i32
      %and3A_369 = vector.broadcast %and3A_368 : i32 to vector<16xi32>
      %and3A_370 = arith.andi %get3A_367, %and3A_369 : vector<16xi32>
      %shift_left3A_371 = arith.constant 5 : i32
      %shift_left3A_372 = vector.broadcast %shift_left3A_371 : i32 to vector<16xi32>
      %shift_left3A_373 = arith.shli %and3A_370, %shift_left3A_372 : vector<16xi32>
      %add3A_374 = arith.constant 16 : i32
      %add3A_375 = vector.broadcast %add3A_374 : i32 to vector<16xi32>
      %add3A_376 = arith.addi %iota3A, %add3A_375 : vector<16xi32>
      %add3A_377 = arith.constant 32 : i32
      %add3A_378 = arith.addi %mul3A_349, %add3A_377 : i32
      %get3A_379 = arith.index_cast %scan3A_305 : i32 to index
      %get3A_380 = arith.index_cast %add3A_378 : i32 to index
      %get3A_381 = tpu.vector_load %arg12[%get3A_379, %get3A_380] {strides = array<i32>} : memref<50x512xi32, #tpu.memory_space<vmem>>, vector<16xi32>,
      %and3A_382 = arith.constant 3 : i32
      %and3A_383 = vector.broadcast %and3A_382 : i32 to vector<16xi32>
      %and3A_384 = arith.andi %get3A_381, %and3A_383 : vector<16xi32>
      %shift_left3A_385 = arith.constant 5 : i32
      %shift_left3A_386 = vector.broadcast %shift_left3A_385 : i32 to vector<16xi32>
      %shift_left3A_387 = arith.shli %and3A_384, %shift_left3A_386 : vector<16xi32>
      %add3A_388 = arith.constant 32 : i32
      %add3A_389 = vector.broadcast %add3A_388 : i32 to vector<16xi32>
      %add3A_390 = arith.addi %iota3A, %add3A_389 : vector<16xi32>
      %add3A_391 = arith.constant 48 : i32
      %add3A_392 = arith.addi %mul3A_349, %add3A_391 : i32
      %get3A_393 = arith.index_cast %scan3A_305 : i32 to index
      %get3A_394 = arith.index_cast %add3A_392 : i32 to index
      %get3A_395 = tpu.vector_load %arg12[%get3A_393, %get3A_394] {strides = array<i32>} : memref<50x512xi32, #tpu.memory_space<vmem>>, vector<16xi32>,
      %and3A_396 = arith.constant 3 : i32
      %and3A_397 = vector.broadcast %and3A_396 : i32 to vector<16xi32>
      %and3A_398 = arith.andi %get3A_395, %and3A_397 : vector<16xi32>
      %shift_left3A_399 = arith.constant 5 : i32
      %shift_left3A_400 = vector.broadcast %shift_left3A_399 : i32 to vector<16xi32>
      %shift_left3A_401 = arith.shli %and3A_398, %shift_left3A_400 : vector<16xi32>
      %add3A_402 = arith.constant 48 : i32
      %add3A_403 = vector.broadcast %add3A_402 : i32 to vector<16xi32>
      %add3A_404 = arith.addi %iota3A, %add3A_403 : vector<16xi32>
      %add3A_405 = arith.constant 64 : i32
      %add3A_406 = arith.addi %mul3A_349, %add3A_405 : i32
      %get3A_407 = arith.index_cast %scan3A_305 : i32 to index
      %get3A_408 = arith.index_cast %add3A_406 : i32 to index
      %get3A_409 = tpu.vector_load %arg12[%get3A_407, %get3A_408] {strides = array<i32>} : memref<50x512xi32, #tpu.memory_space<vmem>>, vector<16xi32>,
      %and3A_410 = arith.constant 3 : i32
      %and3A_411 = vector.broadcast %and3A_410 : i32 to vector<16xi32>
      %and3A_412 = arith.andi %get3A_409, %and3A_411 : vector<16xi32>
      %shift_left3A_413 = arith.constant 5 : i32
      %shift_left3A_414 = vector.broadcast %shift_left3A_413 : i32 to vector<16xi32>
      %shift_left3A_415 = arith.shli %and3A_412, %shift_left3A_414 : vector<16xi32>
      %add3A_416 = arith.constant 64 : i32
      %add3A_417 = vector.broadcast %add3A_416 : i32 to vector<16xi32>
      %add3A_418 = arith.addi %iota3A, %add3A_417 : vector<16xi32>
      %add3A_419 = arith.constant 80 : i32
      %add3A_420 = arith.addi %mul3A_349, %add3A_419 : i32
      %get3A_421 = arith.index_cast %scan3A_305 : i32 to index
      %get3A_422 = arith.index_cast %add3A_420 : i32 to index
      %get3A_423 = tpu.vector_load %arg12[%get3A_421, %get3A_422] {strides = array<i32>} : memref<50x512xi32, #tpu.memory_space<vmem>>, vector<16xi32>,
      %and3A_424 = arith.constant 3 : i32
      %and3A_425 = vector.broadcast %and3A_424 : i32 to vector<16xi32>
      %and3A_426 = arith.andi %get3A_423, %and3A_425 : vector<16xi32>
      %shift_left3A_427 = arith.constant 5 : i32
      %shift_left3A_428 = vector.broadcast %shift_left3A_427 : i32 to vector<16xi32>
      %shift_left3A_429 = arith.shli %and3A_426, %shift_left3A_428 : vector<16xi32>
      %add3A_430 = arith.constant 80 : i32
      %add3A_431 = vector.broadcast %add3A_430 : i32 to vector<16xi32>
      %add3A_432 = arith.addi %iota3A, %add3A_431 : vector<16xi32>
      %add3A_433 = arith.constant 96 : i32
      %add3A_434 = arith.addi %mul3A_349, %add3A_433 : i32
      %get3A_435 = arith.index_cast %scan3A_305 : i32 to index
      %get3A_436 = arith.index_cast %add3A_434 : i32 to index
      %get3A_437 = tpu.vector_load %arg12[%get3A_435, %get3A_436] {strides = array<i32>} : memref<50x512xi32, #tpu.memory_space<vmem>>, vector<16xi32>,
      %and3A_438 = arith.constant 3 : i32
      %and3A_439 = vector.broadcast %and3A_438 : i32 to vector<16xi32>
      %and3A_440 = arith.andi %get3A_437, %and3A_439 : vector<16xi32>
      %shift_left3A_441 = arith.constant 5 : i32
      %shift_left3A_442 = vector.broadcast %shift_left3A_441 : i32 to vector<16xi32>
      %shift_left3A_443 = arith.shli %and3A_440, %shift_left3A_442 : vector<16xi32>
      %add3A_444 = arith.constant 96 : i32
      %add3A_445 = vector.broadcast %add3A_444 : i32 to vector<16xi32>
      %add3A_446 = arith.addi %iota3A, %add3A_445 : vector<16xi32>
      %add3A_447 = arith.constant 112 : i32
      %add3A_448 = arith.addi %mul3A_349, %add3A_447 : i32
      %get3A_449 = arith.index_cast %scan3A_305 : i32 to index
      %get3A_450 = arith.index_cast %add3A_448 : i32 to index
      %get3A_451 = tpu.vector_load %arg12[%get3A_449, %get3A_450] {strides = array<i32>} : memref<50x512xi32, #tpu.memory_space<vmem>>, vector<16xi32>,
      %and3A_452 = arith.constant 3 : i32
      %and3A_453 = vector.broadcast %and3A_452 : i32 to vector<16xi32>
      %and3A_454 = arith.andi %get3A_451, %and3A_453 : vector<16xi32>
      %shift_left3A_455 = arith.constant 5 : i32
      %shift_left3A_456 = vector.broadcast %shift_left3A_455 : i32 to vector<16xi32>
      %shift_left3A_457 = arith.shli %and3A_454, %shift_left3A_456 : vector<16xi32>
      %add3A_458 = arith.constant 112 : i32
      %add3A_459 = vector.broadcast %add3A_458 : i32 to vector<16xi32>
      %add3A_460 = arith.addi %iota3A, %add3A_459 : vector<16xi32>
      %parallel_loop3A = arith.constant 0 : i32
      %parallel_loop3A_461 = arith.constant 32 : i32
      %parallel_loop3A_462 = arith.constant 1 : i32
      scf.for %parallel_loop3A_664 = %parallel_loop3A to %parallel_loop3A_461 step %parallel_loop3A_462  : i32 {
        %parallel_loop3A_665 = arith.constant 0 : i32
        %parallel_loop3A_666 = vector.broadcast %parallel_loop3A_665 : i32 to vector<16xi32>
        %parallel_loop3A_667 = arith.muli %iota3A, %parallel_loop3A_666 : vector<16xi32>
        %parallel_loop3A_668 = vector.broadcast %parallel_loop3A_664 : i32 to vector<16xi32>
        %parallel_loop3A_669 = arith.addi %parallel_loop3A_667, %parallel_loop3A_668 : vector<16xi32>
        %parallel_loop3A_670 = arith.addi %shift_left3A_359, %parallel_loop3A_669 : vector<16xi32>
        %parallel_loop3A_671 = tpu.vector_load_idx %arg10[%add3A_347, %add3A_362, %parallel_loop3A_670] : memref<2x128x128xf32, #tpu.memory_space<vmem>>[vector<16xi32>, vector<16xi32>, vector<16xi32>], vector<16xf32>,
        %parallel_loop3A_672 = arith.constant 0 : i32
        %parallel_loop3A_673 = arith.index_cast %parallel_loop3A_672 : i32 to index
        %parallel_loop3A_674 = arith.index_cast %parallel_loop3A_664 : i32 to index
        %parallel_loop3A_675 = arith.constant 0 : index
        %parallel_loop3A_676 = tpu.vector_load %arg11[%parallel_loop3A_673, %parallel_loop3A_674, %parallel_loop3A_675] {strides = array<i32>} : memref<2x32x128xf32, #tpu.memory_space<vmem>>, vector<16xf32>,
        tpu.vector_store %arg11[%parallel_loop3A_673, %parallel_loop3A_674, %parallel_loop3A_675], %parallel_loop3A_671 {strides = array<i32>} : memref<2x32x128xf32, #tpu.memory_space<vmem>>, vector<16xf32>,
        %parallel_loop3A_677 = arith.addi %shift_left3A_373, %parallel_loop3A_669 : vector<16xi32>
        %parallel_loop3A_678 = tpu.vector_load_idx %arg10[%add3A_347, %add3A_376, %parallel_loop3A_677] : memref<2x128x128xf32, #tpu.memory_space<vmem>>[vector<16xi32>, vector<16xi32>, vector<16xi32>], vector<16xf32>,
        %parallel_loop3A_679 = arith.constant 0 : i32
        %parallel_loop3A_680 = arith.index_cast %parallel_loop3A_679 : i32 to index
        %parallel_loop3A_681 = arith.index_cast %parallel_loop3A_664 : i32 to index
        %parallel_loop3A_682 = arith.constant 16 : index
        %parallel_loop3A_683 = tpu.vector_load %arg11[%parallel_loop3A_680, %parallel_loop3A_681, %parallel_loop3A_682] {strides = array<i32>} : memref<2x32x128xf32, #tpu.memory_space<vmem>>, vector<16xf32>,
        tpu.vector_store %arg11[%parallel_loop3A_680, %parallel_loop3A_681, %parallel_loop3A_682], %parallel_loop3A_678 {strides = array<i32>} : memref<2x32x128xf32, #tpu.memory_space<vmem>>, vector<16xf32>,
        %parallel_loop3A_684 = arith.addi %shift_left3A_387, %parallel_loop3A_669 : vector<16xi32>
        %parallel_loop3A_685 = tpu.vector_load_idx %arg10[%add3A_347, %add3A_390, %parallel_loop3A_684] : memref<2x128x128xf32, #tpu.memory_space<vmem>>[vector<16xi32>, vector<16xi32>, vector<16xi32>], vector<16xf32>,
        %parallel_loop3A_686 = arith.constant 0 : i32
        %parallel_loop3A_687 = arith.index_cast %parallel_loop3A_686 : i32 to index
        %parallel_loop3A_688 = arith.index_cast %parallel_loop3A_664 : i32 to index
        %parallel_loop3A_689 = arith.constant 32 : index
        %parallel_loop3A_690 = tpu.vector_load %arg11[%parallel_loop3A_687, %parallel_loop3A_688, %parallel_loop3A_689] {strides = array<i32>} : memref<2x32x128xf32, #tpu.memory_space<vmem>>, vector<16xf32>,
        tpu.vector_store %arg11[%parallel_loop3A_687, %parallel_loop3A_688, %parallel_loop3A_689], %parallel_loop3A_685 {strides = array<i32>} : memref<2x32x128xf32, #tpu.memory_space<vmem>>, vector<16xf32>,
        %parallel_loop3A_691 = arith.addi %shift_left3A_401, %parallel_loop3A_669 : vector<16xi32>
        %parallel_loop3A_692 = tpu.vector_load_idx %arg10[%add3A_347, %add3A_404, %parallel_loop3A_691] : memref<2x128x128xf32, #tpu.memory_space<vmem>>[vector<16xi32>, vector<16xi32>, vector<16xi32>], vector<16xf32>,
        %parallel_loop3A_693 = arith.constant 0 : i32
        %parallel_loop3A_694 = arith.index_cast %parallel_loop3A_693 : i32 to index
        %parallel_loop3A_695 = arith.index_cast %parallel_loop3A_664 : i32 to index
        %parallel_loop3A_696 = arith.constant 48 : index
        %parallel_loop3A_697 = tpu.vector_load %arg11[%parallel_loop3A_694, %parallel_loop3A_695, %parallel_loop3A_696] {strides = array<i32>} : memref<2x32x128xf32, #tpu.memory_space<vmem>>, vector<16xf32>,
        tpu.vector_store %arg11[%parallel_loop3A_694, %parallel_loop3A_695, %parallel_loop3A_696], %parallel_loop3A_692 {strides = array<i32>} : memref<2x32x128xf32, #tpu.memory_space<vmem>>, vector<16xf32>,
        %parallel_loop3A_698 = arith.addi %shift_left3A_415, %parallel_loop3A_669 : vector<16xi32>
        %parallel_loop3A_699 = tpu.vector_load_idx %arg10[%add3A_347, %add3A_418, %parallel_loop3A_698] : memref<2x128x128xf32, #tpu.memory_space<vmem>>[vector<16xi32>, vector<16xi32>, vector<16xi32>], vector<16xf32>,
        %parallel_loop3A_700 = arith.constant 0 : i32
        %parallel_loop3A_701 = arith.index_cast %parallel_loop3A_700 : i32 to index
        %parallel_loop3A_702 = arith.index_cast %parallel_loop3A_664 : i32 to index
        %parallel_loop3A_703 = arith.constant 64 : index
        %parallel_loop3A_704 = tpu.vector_load %arg11[%parallel_loop3A_701, %parallel_loop3A_702, %parallel_loop3A_703] {strides = array<i32>} : memref<2x32x128xf32, #tpu.memory_space<vmem>>, vector<16xf32>,
        tpu.vector_store %arg11[%parallel_loop3A_701, %parallel_loop3A_702, %parallel_loop3A_703], %parallel_loop3A_699 {strides = array<i32>} : memref<2x32x128xf32, #tpu.memory_space<vmem>>, vector<16xf32>,
        %parallel_loop3A_705 = arith.addi %shift_left3A_429, %parallel_loop3A_669 : vector<16xi32>
        %parallel_loop3A_706 = tpu.vector_load_idx %arg10[%add3A_347, %add3A_432, %parallel_loop3A_705] : memref<2x128x128xf32, #tpu.memory_space<vmem>>[vector<16xi32>, vector<16xi32>, vector<16xi32>], vector<16xf32>,
        %parallel_loop3A_707 = arith.constant 0 : i32
        %parallel_loop3A_708 = arith.index_cast %parallel_loop3A_707 : i32 to index
        %parallel_loop3A_709 = arith.index_cast %parallel_loop3A_664 : i32 to index
        %parallel_loop3A_710 = arith.constant 80 : index
        %parallel_loop3A_711 = tpu.vector_load %arg11[%parallel_loop3A_708, %parallel_loop3A_709, %parallel_loop3A_710] {strides = array<i32>} : memref<2x32x128xf32, #tpu.memory_space<vmem>>, vector<16xf32>,
        tpu.vector_store %arg11[%parallel_loop3A_708, %parallel_loop3A_709, %parallel_loop3A_710], %parallel_loop3A_706 {strides = array<i32>} : memref<2x32x128xf32, #tpu.memory_space<vmem>>, vector<16xf32>,
        %parallel_loop3A_712 = arith.addi %shift_left3A_443, %parallel_loop3A_669 : vector<16xi32>
        %parallel_loop3A_713 = tpu.vector_load_idx %arg10[%add3A_347, %add3A_446, %parallel_loop3A_712] : memref<2x128x128xf32, #tpu.memory_space<vmem>>[vector<16xi32>, vector<16xi32>, vector<16xi32>], vector<16xf32>,
        %parallel_loop3A_714 = arith.constant 0 : i32
        %parallel_loop3A_715 = arith.index_cast %parallel_loop3A_714 : i32 to index
        %parallel_loop3A_716 = arith.index_cast %parallel_loop3A_664 : i32 to index
        %parallel_loop3A_717 = arith.constant 96 : index
        %parallel_loop3A_718 = tpu.vector_load %arg11[%parallel_loop3A_715, %parallel_loop3A_716, %parallel_loop3A_717] {strides = array<i32>} : memref<2x32x128xf32, #tpu.memory_space<vmem>>, vector<16xf32>,
        tpu.vector_store %arg11[%parallel_loop3A_715, %parallel_loop3A_716, %parallel_loop3A_717], %parallel_loop3A_713 {strides = array<i32>} : memref<2x32x128xf32, #tpu.memory_space<vmem>>, vector<16xf32>,
        %parallel_loop3A_719 = arith.addi %shift_left3A_457, %parallel_loop3A_669 : vector<16xi32>
        %parallel_loop3A_720 = tpu.vector_load_idx %arg10[%add3A_347, %add3A_460, %parallel_loop3A_719] : memref<2x128x128xf32, #tpu.memory_space<vmem>>[vector<16xi32>, vector<16xi32>, vector<16xi32>], vector<16xf32>,
        %parallel_loop3A_721 = arith.constant 0 : i32
        %parallel_loop3A_722 = arith.index_cast %parallel_loop3A_721 : i32 to index
        %parallel_loop3A_723 = arith.index_cast %parallel_loop3A_664 : i32 to index
        %parallel_loop3A_724 = arith.constant 112 : index
        %parallel_loop3A_725 = tpu.vector_load %arg11[%parallel_loop3A_722, %parallel_loop3A_723, %parallel_loop3A_724] {strides = array<i32>} : memref<2x32x128xf32, #tpu.memory_space<vmem>>, vector<16xf32>,
        tpu.vector_store %arg11[%parallel_loop3A_722, %parallel_loop3A_723, %parallel_loop3A_724], %parallel_loop3A_720 {strides = array<i32>} : memref<2x32x128xf32, #tpu.memory_space<vmem>>, vector<16xf32>,
      } {sc.loop_unroll_factor = 16 : i64, sc.parallel_access}
      %mul3A_463 = arith.constant 4 : i32
      %mul3A_464 = arith.muli %mul3A_463, %add3A : i32
      %add3A_465 = arith.addi %mul3A_464, %scan3A_306 : i32
      %mul3A_466 = arith.constant 128 : i32
      %mul3A_467 = arith.muli %mul3A_466, %add3A_465 : i32
      %dma_start3A_468 = arith.constant 0 : i32
      %dma_start3A_469 = arith.constant 0 : i32
      %dma_start3A_470 = arith.constant 0 : i32
      %dma_start3A_471 = tpu.memref_slice %arg11[%dma_start3A_468, %dma_start3A_469, %dma_start3A_470] : memref<2x32x128xf32, #tpu.memory_space<vmem>> -> memref<1x32x128xf32, #tpu.memory_space<vmem>>
      %dma_start3A_472 = tpu.memref_squeeze %dma_start3A_471 : memref<1x32x128xf32, #tpu.memory_space<vmem>> -> memref<32x128xf32, #tpu.memory_space<vmem>>
      %dma_start3A_473 = arith.constant 0 : i32
      %dma_start3A_474 = tpu.memref_slice %arg6[%scan3A_305, %dma_start3A_473, %mul3A_467] : memref<50x32x16384xf32, #tpu.memory_space<hbm>> -> memref<1x32x128xf32, #tpu.memory_space<hbm>>
      %dma_start3A_475 = tpu.memref_squeeze %dma_start3A_474 : memref<1x32x128xf32, #tpu.memory_space<hbm>> -> memref<32x128xf32, #tpu.memory_space<hbm>>
      %dma_start3A_476 = arith.constant 0 : i32
      %dma_start3A_477 = tpu.memref_slice %arg6[%scan3A_305, %dma_start3A_476, %mul3A_467] : memref<50x32x16384xf32, #tpu.memory_space<hbm>> -> memref<1x32x128xf32, #tpu.memory_space<hbm>>
      %dma_start3A_478 = tpu.memref_squeeze %dma_start3A_477 : memref<1x32x128xf32, #tpu.memory_space<hbm>> -> memref<32x128xf32, #tpu.memory_space<hbm>>
      %dma_start3A_479 = arith.constant 0 : i32
      %dma_start3A_480 = arith.constant 0 : i32
      %dma_start3A_481 = tpu.memref_slice %arg11[%dma_start3A_468, %dma_start3A_479, %dma_start3A_480] : memref<2x32x128xf32, #tpu.memory_space<vmem>> -> memref<1x32x128xf32, #tpu.memory_space<vmem>>
      %dma_start3A_482 = tpu.memref_squeeze %dma_start3A_481 : memref<1x32x128xf32, #tpu.memory_space<vmem>> -> memref<32x128xf32, #tpu.memory_space<vmem>>
      tpu.enqueue_dma source(%dma_start3A_482 : memref<32x128xf32, #tpu.memory_space<vmem>>) target(%dma_start3A_478 : memref<32x128xf32, #tpu.memory_space<hbm>>) target_semaphore(%arg22 : memref<!tpu.dma_semaphore, #tpu.memory_space<semaphore_mem>>)
      %eq3A_483 = arith.constant 49 : i32
      %eq3A_484 = arith.cmpi eq, %select_n3A, %eq3A_483 : i32
      %add3A_485 = arith.constant 1 : i32
      %add3A_486 = arith.addi %select_n3A, %add3A_485 : i32
      %jit3A_487 = arith.constant 0 : i32
      %select_n3A_488 = arith.select %eq3A_484, %jit3A_487, %add3A_486 : i32
      %add3A_489 = arith.constant 1 : i32
      %add3A_490 = arith.addi %select_n3A_313, %add3A_489 : i32
      %select_n3A_491 = arith.select %eq3A_484, %add3A_490, %select_n3A_313 : i32
      %eq3A_492 = arith.constant 49 : i32
      %eq3A_493 = arith.cmpi eq, %select_n3A, %eq3A_492 : i32
      %eq3A_494 = arith.constant 3 : i32
      %eq3A_495 = arith.cmpi eq, %select_n3A_313, %eq3A_494 : i32
      %and3A_496 = arith.andi %eq3A_493, %eq3A_495 : i1
      %not3A_497 = arith.constant true
      %not3A_498 = arith.xori %and3A_496, %not3A_497 : i1
      %convert_element_type3A_499 = arith.extui %not3A_498 : i1 to i32
      %cond3A_500 = arith.constant 0 : i32
      %cond3A_501 = arith.cmpi ne, %convert_element_type3A_499, %cond3A_500 : i32
      scf.if %cond3A_501 {
        %mul3A_664 = arith.constant 128 : i32
        %mul3A_665 = arith.muli %mul3A_664, %select_n3A_491 : i32
        %add3A_666 = arith.constant 0 : i32
        %add3A_667 = arith.addi %mul3A_665, %add3A_666 : i32
        %get3A_668 = arith.index_cast %select_n3A_488 : i32 to index
        %get3A_669 = arith.index_cast %add3A_667 : i32 to index
        %get3A_670 = tpu.vector_load %arg12[%get3A_668, %get3A_669] {strides = array<i32>} : memref<50x512xi32, #tpu.memory_space<vmem>>, vector<16xi32>,
        %shift_right_logical3A_671 = arith.constant 2 : i32
        %shift_right_logical3A_672 = vector.broadcast %shift_right_logical3A_671 : i32 to vector<16xi32>
        %shift_right_logical3A_673 = arith.shrui %get3A_670, %shift_right_logical3A_672 : vector<16xi32>
        %swap3A_674 = arith.constant 0 : i32
        %swap3A_675 = arith.index_cast %swap3A_674 : i32 to index
        %swap3A_676 = arith.constant 0 : index
        %swap3A_677 = tpu.vector_load %arg13[%swap3A_675, %swap3A_676] {strides = array<i32>} : memref<2x128xi32, #tpu.memory_space<vmem>>, vector<16xi32>,
        tpu.vector_store %arg13[%swap3A_675, %swap3A_676], %shift_right_logical3A_673 {strides = array<i32>} : memref<2x128xi32, #tpu.memory_space<vmem>>, vector<16xi32>,
        %add3A_678 = arith.constant 16 : i32
        %add3A_679 = arith.addi %mul3A_665, %add3A_678 : i32
        %get3A_680 = arith.index_cast %select_n3A_488 : i32 to index
        %get3A_681 = arith.index_cast %add3A_679 : i32 to index
        %get3A_682 = tpu.vector_load %arg12[%get3A_680, %get3A_681] {strides = array<i32>} : memref<50x512xi32, #tpu.memory_space<vmem>>, vector<16xi32>,
        %shift_right_logical3A_683 = arith.constant 2 : i32
        %shift_right_logical3A_684 = vector.broadcast %shift_right_logical3A_683 : i32 to vector<16xi32>
        %shift_right_logical3A_685 = arith.shrui %get3A_682, %shift_right_logical3A_684 : vector<16xi32>
        %swap3A_686 = arith.constant 0 : i32
        %swap3A_687 = arith.index_cast %swap3A_686 : i32 to index
        %swap3A_688 = arith.constant 16 : index
        %swap3A_689 = tpu.vector_load %arg13[%swap3A_687, %swap3A_688] {strides = array<i32>} : memref<2x128xi32, #tpu.memory_space<vmem>>, vector<16xi32>,
        tpu.vector_store %arg13[%swap3A_687, %swap3A_688], %shift_right_logical3A_685 {strides = array<i32>} : memref<2x128xi32, #tpu.memory_space<vmem>>, vector<16xi32>,
        %add3A_690 = arith.constant 32 : i32
        %add3A_691 = arith.addi %mul3A_665, %add3A_690 : i32
        %get3A_692 = arith.index_cast %select_n3A_488 : i32 to index
        %get3A_693 = arith.index_cast %add3A_691 : i32 to index
        %get3A_694 = tpu.vector_load %arg12[%get3A_692, %get3A_693] {strides = array<i32>} : memref<50x512xi32, #tpu.memory_space<vmem>>, vector<16xi32>,
        %shift_right_logical3A_695 = arith.constant 2 : i32
        %shift_right_logical3A_696 = vector.broadcast %shift_right_logical3A_695 : i32 to vector<16xi32>
        %shift_right_logical3A_697 = arith.shrui %get3A_694, %shift_right_logical3A_696 : vector<16xi32>
        %swap3A_698 = arith.constant 0 : i32
        %swap3A_699 = arith.index_cast %swap3A_698 : i32 to index
        %swap3A_700 = arith.constant 32 : index
        %swap3A_701 = tpu.vector_load %arg13[%swap3A_699, %swap3A_700] {strides = array<i32>} : memref<2x128xi32, #tpu.memory_space<vmem>>, vector<16xi32>,
        tpu.vector_store %arg13[%swap3A_699, %swap3A_700], %shift_right_logical3A_697 {strides = array<i32>} : memref<2x128xi32, #tpu.memory_space<vmem>>, vector<16xi32>,
        %add3A_702 = arith.constant 48 : i32
        %add3A_703 = arith.addi %mul3A_665, %add3A_702 : i32
        %get3A_704 = arith.index_cast %select_n3A_488 : i32 to index
        %get3A_705 = arith.index_cast %add3A_703 : i32 to index
        %get3A_706 = tpu.vector_load %arg12[%get3A_704, %get3A_705] {strides = array<i32>} : memref<50x512xi32, #tpu.memory_space<vmem>>, vector<16xi32>,
        %shift_right_logical3A_707 = arith.constant 2 : i32
        %shift_right_logical3A_708 = vector.broadcast %shift_right_logical3A_707 : i32 to vector<16xi32>
        %shift_right_logical3A_709 = arith.shrui %get3A_706, %shift_right_logical3A_708 : vector<16xi32>
        %swap3A_710 = arith.constant 0 : i32
        %swap3A_711 = arith.index_cast %swap3A_710 : i32 to index
        %swap3A_712 = arith.constant 48 : index
        %swap3A_713 = tpu.vector_load %arg13[%swap3A_711, %swap3A_712] {strides = array<i32>} : memref<2x128xi32, #tpu.memory_space<vmem>>, vector<16xi32>,
        tpu.vector_store %arg13[%swap3A_711, %swap3A_712], %shift_right_logical3A_709 {strides = array<i32>} : memref<2x128xi32, #tpu.memory_space<vmem>>, vector<16xi32>,
        %add3A_714 = arith.constant 64 : i32
        %add3A_715 = arith.addi %mul3A_665, %add3A_714 : i32
        %get3A_716 = arith.index_cast %select_n3A_488 : i32 to index
        %get3A_717 = arith.index_cast %add3A_715 : i32 to index
        %get3A_718 = tpu.vector_load %arg12[%get3A_716, %get3A_717] {strides = array<i32>} : memref<50x512xi32, #tpu.memory_space<vmem>>, vector<16xi32>,
        %shift_right_logical3A_719 = arith.constant 2 : i32
        %shift_right_logical3A_720 = vector.broadcast %shift_right_logical3A_719 : i32 to vector<16xi32>
        %shift_right_logical3A_721 = arith.shrui %get3A_718, %shift_right_logical3A_720 : vector<16xi32>
        %swap3A_722 = arith.constant 0 : i32
        %swap3A_723 = arith.index_cast %swap3A_722 : i32 to index
        %swap3A_724 = arith.constant 64 : index
        %swap3A_725 = tpu.vector_load %arg13[%swap3A_723, %swap3A_724] {strides = array<i32>} : memref<2x128xi32, #tpu.memory_space<vmem>>, vector<16xi32>,
        tpu.vector_store %arg13[%swap3A_723, %swap3A_724], %shift_right_logical3A_721 {strides = array<i32>} : memref<2x128xi32, #tpu.memory_space<vmem>>, vector<16xi32>,
        %add3A_726 = arith.constant 80 : i32
        %add3A_727 = arith.addi %mul3A_665, %add3A_726 : i32
        %get3A_728 = arith.index_cast %select_n3A_488 : i32 to index
        %get3A_729 = arith.index_cast %add3A_727 : i32 to index
        %get3A_730 = tpu.vector_load %arg12[%get3A_728, %get3A_729] {strides = array<i32>} : memref<50x512xi32, #tpu.memory_space<vmem>>, vector<16xi32>,
        %shift_right_logical3A_731 = arith.constant 2 : i32
        %shift_right_logical3A_732 = vector.broadcast %shift_right_logical3A_731 : i32 to vector<16xi32>
        %shift_right_logical3A_733 = arith.shrui %get3A_730, %shift_right_logical3A_732 : vector<16xi32>
        %swap3A_734 = arith.constant 0 : i32
        %swap3A_735 = arith.index_cast %swap3A_734 : i32 to index
        %swap3A_736 = arith.constant 80 : index
        %swap3A_737 = tpu.vector_load %arg13[%swap3A_735, %swap3A_736] {strides = array<i32>} : memref<2x128xi32, #tpu.memory_space<vmem>>, vector<16xi32>,
        tpu.vector_store %arg13[%swap3A_735, %swap3A_736], %shift_right_logical3A_733 {strides = array<i32>} : memref<2x128xi32, #tpu.memory_space<vmem>>, vector<16xi32>,
        %add3A_738 = arith.constant 96 : i32
        %add3A_739 = arith.addi %mul3A_665, %add3A_738 : i32
        %get3A_740 = arith.index_cast %select_n3A_488 : i32 to index
        %get3A_741 = arith.index_cast %add3A_739 : i32 to index
        %get3A_742 = tpu.vector_load %arg12[%get3A_740, %get3A_741] {strides = array<i32>} : memref<50x512xi32, #tpu.memory_space<vmem>>, vector<16xi32>,
        %shift_right_logical3A_743 = arith.constant 2 : i32
        %shift_right_logical3A_744 = vector.broadcast %shift_right_logical3A_743 : i32 to vector<16xi32>
        %shift_right_logical3A_745 = arith.shrui %get3A_742, %shift_right_logical3A_744 : vector<16xi32>
        %swap3A_746 = arith.constant 0 : i32
        %swap3A_747 = arith.index_cast %swap3A_746 : i32 to index
        %swap3A_748 = arith.constant 96 : index
        %swap3A_749 = tpu.vector_load %arg13[%swap3A_747, %swap3A_748] {strides = array<i32>} : memref<2x128xi32, #tpu.memory_space<vmem>>, vector<16xi32>,
        tpu.vector_store %arg13[%swap3A_747, %swap3A_748], %shift_right_logical3A_745 {strides = array<i32>} : memref<2x128xi32, #tpu.memory_space<vmem>>, vector<16xi32>,
        %add3A_750 = arith.constant 112 : i32
        %add3A_751 = arith.addi %mul3A_665, %add3A_750 : i32
        %get3A_752 = arith.index_cast %select_n3A_488 : i32 to index
        %get3A_753 = arith.index_cast %add3A_751 : i32 to index
        %get3A_754 = tpu.vector_load %arg12[%get3A_752, %get3A_753] {strides = array<i32>} : memref<50x512xi32, #tpu.memory_space<vmem>>, vector<16xi32>,
        %shift_right_logical3A_755 = arith.constant 2 : i32
        %shift_right_logical3A_756 = vector.broadcast %shift_right_logical3A_755 : i32 to vector<16xi32>
        %shift_right_logical3A_757 = arith.shrui %get3A_754, %shift_right_logical3A_756 : vector<16xi32>
        %swap3A_758 = arith.constant 0 : i32
        %swap3A_759 = arith.index_cast %swap3A_758 : i32 to index
        %swap3A_760 = arith.constant 112 : index
        %swap3A_761 = tpu.vector_load %arg13[%swap3A_759, %swap3A_760] {strides = array<i32>} : memref<2x128xi32, #tpu.memory_space<vmem>>, vector<16xi32>,
        tpu.vector_store %arg13[%swap3A_759, %swap3A_760], %shift_right_logical3A_757 {strides = array<i32>} : memref<2x128xi32, #tpu.memory_space<vmem>>, vector<16xi32>,
        %dma_start3A_762 = arith.constant 0 : i32
        %dma_start3A_763 = arith.constant 0 : i32
        %dma_start3A_764 = arith.constant 0 : i32
        %dma_start3A_765 = arith.constant 0 : i32
        %dma_start3A_766 = tpu.memref_slice %arg10[%dma_start3A_763, %dma_start3A_764, %dma_start3A_765] : memref<2x128x128xf32, #tpu.memory_space<vmem>> -> memref<1x128x128xf32, #tpu.memory_space<vmem>>
        %dma_start3A_767 = tpu.memref_squeeze %dma_start3A_766 : memref<1x128x128xf32, #tpu.memory_space<vmem>> -> memref<128x128xf32, #tpu.memory_space<vmem>>
        %dma_start3A_768 = arith.constant 0 : i32
        %dma_start3A_769 = tpu.memref_slice %arg13[%dma_start3A_762, %dma_start3A_768] : memref<2x128xi32, #tpu.memory_space<vmem>> -> memref<1x128xi32, #tpu.memory_space<vmem>>
        %dma_start3A_770 = tpu.memref_squeeze %dma_start3A_769 : memref<1x128xi32, #tpu.memory_space<vmem>> -> memref<128xi32, #tpu.memory_space<vmem>>
        %dma_start3A_771 = arith.constant 0 : i32
        %dma_start3A_772 = arith.constant 0 : i32
        %dma_start3A_773 = tpu.memref_slice %arg7[%dma_start3A_771, %dma_start3A_772] : memref<250000x128xf32, #tpu.memory_space<hbm>> -> memref<250000x128xf32, #tpu.memory_space<hbm>>
        tpu.enqueue_indirect_dma source(%dma_start3A_773 : memref<250000x128xf32, #tpu.memory_space<hbm>>) target(%dma_start3A_767 : memref<128x128xf32, #tpu.memory_space<vmem>>) offsets(%dma_start3A_770 : memref<128xi32, #tpu.memory_space<vmem>>) semaphore(%arg20 : memref<!tpu.dma_semaphore, #tpu.memory_space<semaphore_mem>>)
      } else {
      }
      %eq3A_502 = arith.constant 0 : i32
      %eq3A_503 = arith.cmpi eq, %scan3A_304, %eq3A_502 : i32
      %dma_wait3A_504 = arith.constant 1 : i32
      %dma_wait3A_505 = arith.constant 1 : i32
      %dma_wait3A_506 = arith.constant 0 : i32
      %dma_wait3A_507 = arith.constant 0 : i32
      %dma_wait3A_508 = tpu.memref_slice %arg10[%dma_wait3A_505, %dma_wait3A_506, %dma_wait3A_507] : memref<2x128x128xf32, #tpu.memory_space<vmem>> -> memref<1x128x128xf32, #tpu.memory_space<vmem>>
      %dma_wait3A_509 = tpu.memref_squeeze %dma_wait3A_508 : memref<1x128x128xf32, #tpu.memory_space<vmem>> -> memref<128x128xf32, #tpu.memory_space<vmem>>
      %dma_wait3A_510 = arith.constant 0 : i32
      %dma_wait3A_511 = tpu.memref_slice %arg13[%dma_wait3A_504, %dma_wait3A_510] : memref<2x128xi32, #tpu.memory_space<vmem>> -> memref<1x128xi32, #tpu.memory_space<vmem>>
      %dma_wait3A_512 = tpu.memref_squeeze %dma_wait3A_511 : memref<1x128xi32, #tpu.memory_space<vmem>> -> memref<128xi32, #tpu.memory_space<vmem>>
      %dma_wait3A_513 = arith.constant 0 : i32
      %dma_wait3A_514 = arith.constant 0 : i32
      %dma_wait3A_515 = tpu.memref_slice %arg7[%dma_wait3A_513, %dma_wait3A_514] : memref<250000x128xf32, #tpu.memory_space<hbm>> -> memref<250000x128xf32, #tpu.memory_space<hbm>>
      tpu.wait_indirect_dma semaphore(%arg21 : memref<!tpu.dma_semaphore, #tpu.memory_space<semaphore_mem>>) src(%dma_wait3A_515 : memref<250000x128xf32, #tpu.memory_space<hbm>>) dst(%dma_wait3A_509 : memref<128x128xf32, #tpu.memory_space<vmem>>)
      %not3A_516 = arith.constant true
      %not3A_517 = arith.xori %eq3A_503, %not3A_516 : i1
      %convert_element_type3A_518 = arith.extui %not3A_517 : i1 to i32
      %cond3A_519 = arith.constant 0 : i32
      %cond3A_520 = arith.cmpi ne, %convert_element_type3A_518, %cond3A_519 : i32
      scf.if %cond3A_520 {
        %dma_wait3A_664 = arith.constant 1 : i32
        %dma_wait3A_665 = arith.constant 0 : i32
        %dma_wait3A_666 = arith.constant 0 : i32
        %dma_wait3A_667 = arith.constant 0 : i32
        %dma_wait3A_668 = tpu.memref_slice %arg11[%dma_wait3A_664, %dma_wait3A_666, %dma_wait3A_667] : memref<2x32x128xf32, #tpu.memory_space<vmem>> -> memref<1x32x128xf32, #tpu.memory_space<vmem>>
        %dma_wait3A_669 = tpu.memref_squeeze %dma_wait3A_668 : memref<1x32x128xf32, #tpu.memory_space<vmem>> -> memref<32x128xf32, #tpu.memory_space<vmem>>
        %dma_wait3A_670 = arith.constant 0 : i32
        %dma_wait3A_671 = arith.constant 0 : i32
        %dma_wait3A_672 = tpu.memref_slice %arg6[%dma_wait3A_665, %dma_wait3A_670, %dma_wait3A_671] : memref<50x32x16384xf32, #tpu.memory_space<hbm>> -> memref<1x32x128xf32, #tpu.memory_space<hbm>>
        %dma_wait3A_673 = tpu.memref_squeeze %dma_wait3A_672 : memref<1x32x128xf32, #tpu.memory_space<hbm>> -> memref<32x128xf32, #tpu.memory_space<hbm>>
        %dma_wait3A_674 = arith.constant 0 : i32
        %dma_wait3A_675 = arith.constant 0 : i32
        %dma_wait3A_676 = tpu.memref_slice %arg6[%dma_wait3A_665, %dma_wait3A_674, %dma_wait3A_675] : memref<50x32x16384xf32, #tpu.memory_space<hbm>> -> memref<1x32x128xf32, #tpu.memory_space<hbm>>
        %dma_wait3A_677 = tpu.memref_squeeze %dma_wait3A_676 : memref<1x32x128xf32, #tpu.memory_space<hbm>> -> memref<32x128xf32, #tpu.memory_space<hbm>>
        %dma_wait3A_678 = arith.constant 0 : i32
        %dma_wait3A_679 = arith.constant 0 : i32
        %dma_wait3A_680 = tpu.memref_slice %arg11[%dma_wait3A_664, %dma_wait3A_678, %dma_wait3A_679] : memref<2x32x128xf32, #tpu.memory_space<vmem>> -> memref<1x32x128xf32, #tpu.memory_space<vmem>>
        %dma_wait3A_681 = tpu.memref_squeeze %dma_wait3A_680 : memref<1x32x128xf32, #tpu.memory_space<vmem>> -> memref<32x128xf32, #tpu.memory_space<vmem>>
        tpu.wait_dma2 semaphore(%arg23 : memref<!tpu.dma_semaphore, #tpu.memory_space<semaphore_mem>>) src(%dma_wait3A_681 : memref<32x128xf32, #tpu.memory_space<vmem>>) dst(%dma_wait3A_677 : memref<32x128xf32, #tpu.memory_space<hbm>>)
      } else {
      }
      %mul3A_521 = arith.constant 0 : i32
      %mul3A_522 = vector.broadcast %mul3A_521 : i32 to vector<16xi32>
      %mul3A_523 = arith.muli %iota3A, %mul3A_522 : vector<16xi32>
      %add3A_524 = arith.constant 1 : i32
      %add3A_525 = vector.broadcast %add3A_524 : i32 to vector<16xi32>
      %add3A_526 = arith.addi %mul3A_523, %add3A_525 : vector<16xi32>
      %mul3A_527 = arith.constant 128 : i32
      %mul3A_528 = arith.muli %mul3A_527, %select_n3A_313 : i32
      %add3A_529 = arith.constant 0 : i32
      %add3A_530 = arith.addi %mul3A_528, %add3A_529 : i32
      %get3A_531 = arith.index_cast %select_n3A : i32 to index
      %get3A_532 = arith.index_cast %add3A_530 : i32 to index
      %get3A_533 = tpu.vector_load %arg12[%get3A_531, %get3A_532] {strides = array<i32>} : memref<50x512xi32, #tpu.memory_space<vmem>>, vector<16xi32>,
      %and3A_534 = arith.constant 3 : i32
      %and3A_535 = vector.broadcast %and3A_534 : i32 to vector<16xi32>
      %and3A_536 = arith.andi %get3A_533, %and3A_535 : vector<16xi32>
      %shift_left3A_537 = arith.constant 5 : i32
      %shift_left3A_538 = vector.broadcast %shift_left3A_537 : i32 to vector<16xi32>
      %shift_left3A_539 = arith.shli %and3A_536, %shift_left3A_538 : vector<16xi32>
      %add3A_540 = arith.constant 0 : i32
      %add3A_541 = vector.broadcast %add3A_540 : i32 to vector<16xi32>
      %add3A_542 = arith.addi %iota3A, %add3A_541 : vector<16xi32>
      %add3A_543 = arith.constant 16 : i32
      %add3A_544 = arith.addi %mul3A_528, %add3A_543 : i32
      %get3A_545 = arith.index_cast %select_n3A : i32 to index
      %get3A_546 = arith.index_cast %add3A_544 : i32 to index
      %get3A_547 = tpu.vector_load %arg12[%get3A_545, %get3A_546] {strides = array<i32>} : memref<50x512xi32, #tpu.memory_space<vmem>>, vector<16xi32>,
      %and3A_548 = arith.constant 3 : i32
      %and3A_549 = vector.broadcast %and3A_548 : i32 to vector<16xi32>
      %and3A_550 = arith.andi %get3A_547, %and3A_549 : vector<16xi32>
      %shift_left3A_551 = arith.constant 5 : i32
      %shift_left3A_552 = vector.broadcast %shift_left3A_551 : i32 to vector<16xi32>
      %shift_left3A_553 = arith.shli %and3A_550, %shift_left3A_552 : vector<16xi32>
      %add3A_554 = arith.constant 16 : i32
      %add3A_555 = vector.broadcast %add3A_554 : i32 to vector<16xi32>
      %add3A_556 = arith.addi %iota3A, %add3A_555 : vector<16xi32>
      %add3A_557 = arith.constant 32 : i32
      %add3A_558 = arith.addi %mul3A_528, %add3A_557 : i32
      %get3A_559 = arith.index_cast %select_n3A : i32 to index
      %get3A_560 = arith.index_cast %add3A_558 : i32 to index
      %get3A_561 = tpu.vector_load %arg12[%get3A_559, %get3A_560] {strides = array<i32>} : memref<50x512xi32, #tpu.memory_space<vmem>>, vector<16xi32>,
      %and3A_562 = arith.constant 3 : i32
      %and3A_563 = vector.broadcast %and3A_562 : i32 to vector<16xi32>
      %and3A_564 = arith.andi %get3A_561, %and3A_563 : vector<16xi32>
      %shift_left3A_565 = arith.constant 5 : i32
      %shift_left3A_566 = vector.broadcast %shift_left3A_565 : i32 to vector<16xi32>
      %shift_left3A_567 = arith.shli %and3A_564, %shift_left3A_566 : vector<16xi32>
      %add3A_568 = arith.constant 32 : i32
      %add3A_569 = vector.broadcast %add3A_568 : i32 to vector<16xi32>
      %add3A_570 = arith.addi %iota3A, %add3A_569 : vector<16xi32>
      %add3A_571 = arith.constant 48 : i32
      %add3A_572 = arith.addi %mul3A_528, %add3A_571 : i32
      %get3A_573 = arith.index_cast %select_n3A : i32 to index
      %get3A_574 = arith.index_cast %add3A_572 : i32 to index
      %get3A_575 = tpu.vector_load %arg12[%get3A_573, %get3A_574] {strides = array<i32>} : memref<50x512xi32, #tpu.memory_space<vmem>>, vector<16xi32>,
      %and3A_576 = arith.constant 3 : i32
      %and3A_577 = vector.broadcast %and3A_576 : i32 to vector<16xi32>
      %and3A_578 = arith.andi %get3A_575, %and3A_577 : vector<16xi32>
      %shift_left3A_579 = arith.constant 5 : i32
      %shift_left3A_580 = vector.broadcast %shift_left3A_579 : i32 to vector<16xi32>
      %shift_left3A_581 = arith.shli %and3A_578, %shift_left3A_580 : vector<16xi32>
      %add3A_582 = arith.constant 48 : i32
      %add3A_583 = vector.broadcast %add3A_582 : i32 to vector<16xi32>
      %add3A_584 = arith.addi %iota3A, %add3A_583 : vector<16xi32>
      %add3A_585 = arith.constant 64 : i32
      %add3A_586 = arith.addi %mul3A_528, %add3A_585 : i32
      %get3A_587 = arith.index_cast %select_n3A : i32 to index
      %get3A_588 = arith.index_cast %add3A_586 : i32 to index
      %get3A_589 = tpu.vector_load %arg12[%get3A_587, %get3A_588] {strides = array<i32>} : memref<50x512xi32, #tpu.memory_space<vmem>>, vector<16xi32>,
      %and3A_590 = arith.constant 3 : i32
      %and3A_591 = vector.broadcast %and3A_590 : i32 to vector<16xi32>
      %and3A_592 = arith.andi %get3A_589, %and3A_591 : vector<16xi32>
      %shift_left3A_593 = arith.constant 5 : i32
      %shift_left3A_594 = vector.broadcast %shift_left3A_593 : i32 to vector<16xi32>
      %shift_left3A_595 = arith.shli %and3A_592, %shift_left3A_594 : vector<16xi32>
      %add3A_596 = arith.constant 64 : i32
      %add3A_597 = vector.broadcast %add3A_596 : i32 to vector<16xi32>
      %add3A_598 = arith.addi %iota3A, %add3A_597 : vector<16xi32>
      %add3A_599 = arith.constant 80 : i32
      %add3A_600 = arith.addi %mul3A_528, %add3A_599 : i32
      %get3A_601 = arith.index_cast %select_n3A : i32 to index
      %get3A_602 = arith.index_cast %add3A_600 : i32 to index
      %get3A_603 = tpu.vector_load %arg12[%get3A_601, %get3A_602] {strides = array<i32>} : memref<50x512xi32, #tpu.memory_space<vmem>>, vector<16xi32>,
      %and3A_604 = arith.constant 3 : i32
      %and3A_605 = vector.broadcast %and3A_604 : i32 to vector<16xi32>
      %and3A_606 = arith.andi %get3A_603, %and3A_605 : vector<16xi32>
      %shift_left3A_607 = arith.constant 5 : i32
      %shift_left3A_608 = vector.broadcast %shift_left3A_607 : i32 to vector<16xi32>
      %shift_left3A_609 = arith.shli %and3A_606, %shift_left3A_608 : vector<16xi32>
      %add3A_610 = arith.constant 80 : i32
      %add3A_611 = vector.broadcast %add3A_610 : i32 to vector<16xi32>
      %add3A_612 = arith.addi %iota3A, %add3A_611 : vector<16xi32>
      %add3A_613 = arith.constant 96 : i32
      %add3A_614 = arith.addi %mul3A_528, %add3A_613 : i32
      %get3A_615 = arith.index_cast %select_n3A : i32 to index
      %get3A_616 = arith.index_cast %add3A_614 : i32 to index
      %get3A_617 = tpu.vector_load %arg12[%get3A_615, %get3A_616] {strides = array<i32>} : memref<50x512xi32, #tpu.memory_space<vmem>>, vector<16xi32>,
      %and3A_618 = arith.constant 3 : i32
      %and3A_619 = vector.broadcast %and3A_618 : i32 to vector<16xi32>
      %and3A_620 = arith.andi %get3A_617, %and3A_619 : vector<16xi32>
      %shift_left3A_621 = arith.constant 5 : i32
      %shift_left3A_622 = vector.broadcast %shift_left3A_621 : i32 to vector<16xi32>
      %shift_left3A_623 = arith.shli %and3A_620, %shift_left3A_622 : vector<16xi32>
      %add3A_624 = arith.constant 96 : i32
      %add3A_625 = vector.broadcast %add3A_624 : i32 to vector<16xi32>
      %add3A_626 = arith.addi %iota3A, %add3A_625 : vector<16xi32>
      %add3A_627 = arith.constant 112 : i32
      %add3A_628 = arith.addi %mul3A_528, %add3A_627 : i32
      %get3A_629 = arith.index_cast %select_n3A : i32 to index
      %get3A_630 = arith.index_cast %add3A_628 : i32 to index
      %get3A_631 = tpu.vector_load %arg12[%get3A_629, %get3A_630] {strides = array<i32>} : memref<50x512xi32, #tpu.memory_space<vmem>>, vector<16xi32>,
      %and3A_632 = arith.constant 3 : i32
      %and3A_633 = vector.broadcast %and3A_632 : i32 to vector<16xi32>
      %and3A_634 = arith.andi %get3A_631, %and3A_633 : vector<16xi32>
      %shift_left3A_635 = arith.constant 5 : i32
      %shift_left3A_636 = vector.broadcast %shift_left3A_635 : i32 to vector<16xi32>
      %shift_left3A_637 = arith.shli %and3A_634, %shift_left3A_636 : vector<16xi32>
      %add3A_638 = arith.constant 112 : i32
      %add3A_639 = vector.broadcast %add3A_638 : i32 to vector<16xi32>
      %add3A_640 = arith.addi %iota3A, %add3A_639 : vector<16xi32>
      %parallel_loop3A_641 = arith.constant 0 : i32
      %parallel_loop3A_642 = arith.constant 32 : i32
      %parallel_loop3A_643 = arith.constant 1 : i32
      scf.for %parallel_loop3A_664 = %parallel_loop3A_641 to %parallel_loop3A_642 step %parallel_loop3A_643  : i32 {
        %parallel_loop3A_665 = arith.constant 0 : i32
        %parallel_loop3A_666 = vector.broadcast %parallel_loop3A_665 : i32 to vector<16xi32>
        %parallel_loop3A_667 = arith.muli %iota3A, %parallel_loop3A_666 : vector<16xi32>
        %parallel_loop3A_668 = vector.broadcast %parallel_loop3A_664 : i32 to vector<16xi32>
        %parallel_loop3A_669 = arith.addi %parallel_loop3A_667, %parallel_loop3A_668 : vector<16xi32>
        %parallel_loop3A_670 = arith.addi %shift_left3A_539, %parallel_loop3A_669 : vector<16xi32>
        %parallel_loop3A_671 = tpu.vector_load_idx %arg10[%add3A_526, %add3A_542, %parallel_loop3A_670] : memref<2x128x128xf32, #tpu.memory_space<vmem>>[vector<16xi32>, vector<16xi32>, vector<16xi32>], vector<16xf32>,
        %parallel_loop3A_672 = arith.constant 1 : i32
        %parallel_loop3A_673 = arith.index_cast %parallel_loop3A_672 : i32 to index
        %parallel_loop3A_674 = arith.index_cast %parallel_loop3A_664 : i32 to index
        %parallel_loop3A_675 = arith.constant 0 : index
        %parallel_loop3A_676 = tpu.vector_load %arg11[%parallel_loop3A_673, %parallel_loop3A_674, %parallel_loop3A_675] {strides = array<i32>} : memref<2x32x128xf32, #tpu.memory_space<vmem>>, vector<16xf32>,
        tpu.vector_store %arg11[%parallel_loop3A_673, %parallel_loop3A_674, %parallel_loop3A_675], %parallel_loop3A_671 {strides = array<i32>} : memref<2x32x128xf32, #tpu.memory_space<vmem>>, vector<16xf32>,
        %parallel_loop3A_677 = arith.addi %shift_left3A_553, %parallel_loop3A_669 : vector<16xi32>
        %parallel_loop3A_678 = tpu.vector_load_idx %arg10[%add3A_526, %add3A_556, %parallel_loop3A_677] : memref<2x128x128xf32, #tpu.memory_space<vmem>>[vector<16xi32>, vector<16xi32>, vector<16xi32>], vector<16xf32>,
        %parallel_loop3A_679 = arith.constant 1 : i32
        %parallel_loop3A_680 = arith.index_cast %parallel_loop3A_679 : i32 to index
        %parallel_loop3A_681 = arith.index_cast %parallel_loop3A_664 : i32 to index
        %parallel_loop3A_682 = arith.constant 16 : index
        %parallel_loop3A_683 = tpu.vector_load %arg11[%parallel_loop3A_680, %parallel_loop3A_681, %parallel_loop3A_682] {strides = array<i32>} : memref<2x32x128xf32, #tpu.memory_space<vmem>>, vector<16xf32>,
        tpu.vector_store %arg11[%parallel_loop3A_680, %parallel_loop3A_681, %parallel_loop3A_682], %parallel_loop3A_678 {strides = array<i32>} : memref<2x32x128xf32, #tpu.memory_space<vmem>>, vector<16xf32>,
        %parallel_loop3A_684 = arith.addi %shift_left3A_567, %parallel_loop3A_669 : vector<16xi32>
        %parallel_loop3A_685 = tpu.vector_load_idx %arg10[%add3A_526, %add3A_570, %parallel_loop3A_684] : memref<2x128x128xf32, #tpu.memory_space<vmem>>[vector<16xi32>, vector<16xi32>, vector<16xi32>], vector<16xf32>,
        %parallel_loop3A_686 = arith.constant 1 : i32
        %parallel_loop3A_687 = arith.index_cast %parallel_loop3A_686 : i32 to index
        %parallel_loop3A_688 = arith.index_cast %parallel_loop3A_664 : i32 to index
        %parallel_loop3A_689 = arith.constant 32 : index
        %parallel_loop3A_690 = tpu.vector_load %arg11[%parallel_loop3A_687, %parallel_loop3A_688, %parallel_loop3A_689] {strides = array<i32>} : memref<2x32x128xf32, #tpu.memory_space<vmem>>, vector<16xf32>,
        tpu.vector_store %arg11[%parallel_loop3A_687, %parallel_loop3A_688, %parallel_loop3A_689], %parallel_loop3A_685 {strides = array<i32>} : memref<2x32x128xf32, #tpu.memory_space<vmem>>, vector<16xf32>,
        %parallel_loop3A_691 = arith.addi %shift_left3A_581, %parallel_loop3A_669 : vector<16xi32>
        %parallel_loop3A_692 = tpu.vector_load_idx %arg10[%add3A_526, %add3A_584, %parallel_loop3A_691] : memref<2x128x128xf32, #tpu.memory_space<vmem>>[vector<16xi32>, vector<16xi32>, vector<16xi32>], vector<16xf32>,
        %parallel_loop3A_693 = arith.constant 1 : i32
        %parallel_loop3A_694 = arith.index_cast %parallel_loop3A_693 : i32 to index
        %parallel_loop3A_695 = arith.index_cast %parallel_loop3A_664 : i32 to index
        %parallel_loop3A_696 = arith.constant 48 : index
        %parallel_loop3A_697 = tpu.vector_load %arg11[%parallel_loop3A_694, %parallel_loop3A_695, %parallel_loop3A_696] {strides = array<i32>} : memref<2x32x128xf32, #tpu.memory_space<vmem>>, vector<16xf32>,
        tpu.vector_store %arg11[%parallel_loop3A_694, %parallel_loop3A_695, %parallel_loop3A_696], %parallel_loop3A_692 {strides = array<i32>} : memref<2x32x128xf32, #tpu.memory_space<vmem>>, vector<16xf32>,
        %parallel_loop3A_698 = arith.addi %shift_left3A_595, %parallel_loop3A_669 : vector<16xi32>
        %parallel_loop3A_699 = tpu.vector_load_idx %arg10[%add3A_526, %add3A_598, %parallel_loop3A_698] : memref<2x128x128xf32, #tpu.memory_space<vmem>>[vector<16xi32>, vector<16xi32>, vector<16xi32>], vector<16xf32>,
        %parallel_loop3A_700 = arith.constant 1 : i32
        %parallel_loop3A_701 = arith.index_cast %parallel_loop3A_700 : i32 to index
        %parallel_loop3A_702 = arith.index_cast %parallel_loop3A_664 : i32 to index
        %parallel_loop3A_703 = arith.constant 64 : index
        %parallel_loop3A_704 = tpu.vector_load %arg11[%parallel_loop3A_701, %parallel_loop3A_702, %parallel_loop3A_703] {strides = array<i32>} : memref<2x32x128xf32, #tpu.memory_space<vmem>>, vector<16xf32>,
        tpu.vector_store %arg11[%parallel_loop3A_701, %parallel_loop3A_702, %parallel_loop3A_703], %parallel_loop3A_699 {strides = array<i32>} : memref<2x32x128xf32, #tpu.memory_space<vmem>>, vector<16xf32>,
        %parallel_loop3A_705 = arith.addi %shift_left3A_609, %parallel_loop3A_669 : vector<16xi32>
        %parallel_loop3A_706 = tpu.vector_load_idx %arg10[%add3A_526, %add3A_612, %parallel_loop3A_705] : memref<2x128x128xf32, #tpu.memory_space<vmem>>[vector<16xi32>, vector<16xi32>, vector<16xi32>], vector<16xf32>,
        %parallel_loop3A_707 = arith.constant 1 : i32
        %parallel_loop3A_708 = arith.index_cast %parallel_loop3A_707 : i32 to index
        %parallel_loop3A_709 = arith.index_cast %parallel_loop3A_664 : i32 to index
        %parallel_loop3A_710 = arith.constant 80 : index
        %parallel_loop3A_711 = tpu.vector_load %arg11[%parallel_loop3A_708, %parallel_loop3A_709, %parallel_loop3A_710] {strides = array<i32>} : memref<2x32x128xf32, #tpu.memory_space<vmem>>, vector<16xf32>,
        tpu.vector_store %arg11[%parallel_loop3A_708, %parallel_loop3A_709, %parallel_loop3A_710], %parallel_loop3A_706 {strides = array<i32>} : memref<2x32x128xf32, #tpu.memory_space<vmem>>, vector<16xf32>,
        %parallel_loop3A_712 = arith.addi %shift_left3A_623, %parallel_loop3A_669 : vector<16xi32>
        %parallel_loop3A_713 = tpu.vector_load_idx %arg10[%add3A_526, %add3A_626, %parallel_loop3A_712] : memref<2x128x128xf32, #tpu.memory_space<vmem>>[vector<16xi32>, vector<16xi32>, vector<16xi32>], vector<16xf32>,
        %parallel_loop3A_714 = arith.constant 1 : i32
        %parallel_loop3A_715 = arith.index_cast %parallel_loop3A_714 : i32 to index
        %parallel_loop3A_716 = arith.index_cast %parallel_loop3A_664 : i32 to index
        %parallel_loop3A_717 = arith.constant 96 : index
        %parallel_loop3A_718 = tpu.vector_load %arg11[%parallel_loop3A_715, %parallel_loop3A_716, %parallel_loop3A_717] {strides = array<i32>} : memref<2x32x128xf32, #tpu.memory_space<vmem>>, vector<16xf32>,
        tpu.vector_store %arg11[%parallel_loop3A_715, %parallel_loop3A_716, %parallel_loop3A_717], %parallel_loop3A_713 {strides = array<i32>} : memref<2x32x128xf32, #tpu.memory_space<vmem>>, vector<16xf32>,
        %parallel_loop3A_719 = arith.addi %shift_left3A_637, %parallel_loop3A_669 : vector<16xi32>
        %parallel_loop3A_720 = tpu.vector_load_idx %arg10[%add3A_526, %add3A_640, %parallel_loop3A_719] : memref<2x128x128xf32, #tpu.memory_space<vmem>>[vector<16xi32>, vector<16xi32>, vector<16xi32>], vector<16xf32>,
        %parallel_loop3A_721 = arith.constant 1 : i32
        %parallel_loop3A_722 = arith.index_cast %parallel_loop3A_721 : i32 to index
        %parallel_loop3A_723 = arith.index_cast %parallel_loop3A_664 : i32 to index
        %parallel_loop3A_724 = arith.constant 112 : index
        %parallel_loop3A_725 = tpu.vector_load %arg11[%parallel_loop3A_722, %parallel_loop3A_723, %parallel_loop3A_724] {strides = array<i32>} : memref<2x32x128xf32, #tpu.memory_space<vmem>>, vector<16xf32>,
        tpu.vector_store %arg11[%parallel_loop3A_722, %parallel_loop3A_723, %parallel_loop3A_724], %parallel_loop3A_720 {strides = array<i32>} : memref<2x32x128xf32, #tpu.memory_space<vmem>>, vector<16xf32>,
      } {sc.loop_unroll_factor = 16 : i64, sc.parallel_access}
      %mul3A_644 = arith.constant 4 : i32
      %mul3A_645 = arith.muli %mul3A_644, %add3A : i32
      %add3A_646 = arith.addi %mul3A_645, %select_n3A_313 : i32
      %mul3A_647 = arith.constant 128 : i32
      %mul3A_648 = arith.muli %mul3A_647, %add3A_646 : i32
      %dma_start3A_649 = arith.constant 1 : i32
      %dma_start3A_650 = arith.constant 0 : i32
      %dma_start3A_651 = arith.constant 0 : i32
      %dma_start3A_652 = tpu.memref_slice %arg11[%dma_start3A_649, %dma_start3A_650, %dma_start3A_651] : memref<2x32x128xf32, #tpu.memory_space<vmem>> -> memref<1x32x128xf32, #tpu.memory_space<vmem>>
      %dma_start3A_653 = tpu.memref_squeeze %dma_start3A_652 : memref<1x32x128xf32, #tpu.memory_space<vmem>> -> memref<32x128xf32, #tpu.memory_space<vmem>>
      %dma_start3A_654 = arith.constant 0 : i32
      %dma_start3A_655 = tpu.memref_slice %arg6[%select_n3A, %dma_start3A_654, %mul3A_648] : memref<50x32x16384xf32, #tpu.memory_space<hbm>> -> memref<1x32x128xf32, #tpu.memory_space<hbm>>
      %dma_start3A_656 = tpu.memref_squeeze %dma_start3A_655 : memref<1x32x128xf32, #tpu.memory_space<hbm>> -> memref<32x128xf32, #tpu.memory_space<hbm>>
      %dma_start3A_657 = arith.constant 0 : i32
      %dma_start3A_658 = tpu.memref_slice %arg6[%select_n3A, %dma_start3A_657, %mul3A_648] : memref<50x32x16384xf32, #tpu.memory_space<hbm>> -> memref<1x32x128xf32, #tpu.memory_space<hbm>>
      %dma_start3A_659 = tpu.memref_squeeze %dma_start3A_658 : memref<1x32x128xf32, #tpu.memory_space<hbm>> -> memref<32x128xf32, #tpu.memory_space<hbm>>
      %dma_start3A_660 = arith.constant 0 : i32
      %dma_start3A_661 = arith.constant 0 : i32
      %dma_start3A_662 = tpu.memref_slice %arg11[%dma_start3A_649, %dma_start3A_660, %dma_start3A_661] : memref<2x32x128xf32, #tpu.memory_space<vmem>> -> memref<1x32x128xf32, #tpu.memory_space<vmem>>
      %dma_start3A_663 = tpu.memref_squeeze %dma_start3A_662 : memref<1x32x128xf32, #tpu.memory_space<vmem>> -> memref<32x128xf32, #tpu.memory_space<vmem>>
      tpu.enqueue_dma source(%dma_start3A_663 : memref<32x128xf32, #tpu.memory_space<vmem>>) target(%dma_start3A_659 : memref<32x128xf32, #tpu.memory_space<hbm>>) target_semaphore(%arg23 : memref<!tpu.dma_semaphore, #tpu.memory_space<semaphore_mem>>)
      scf.yield %select_n3A_488, %select_n3A_491 : i32, i32
    }
    %scan3A_267 = arith.constant 100 : i32
    %dma_wait3A_268 = arith.constant 0 : i32
    %dma_wait3A_269 = arith.constant 0 : i32
    %dma_wait3A_270 = arith.constant 0 : i32
    %dma_wait3A_271 = arith.constant 0 : i32
    %dma_wait3A_272 = tpu.memref_slice %arg11[%dma_wait3A_268, %dma_wait3A_270, %dma_wait3A_271] : memref<2x32x128xf32, #tpu.memory_space<vmem>> -> memref<1x32x128xf32, #tpu.memory_space<vmem>>
    %dma_wait3A_273 = tpu.memref_squeeze %dma_wait3A_272 : memref<1x32x128xf32, #tpu.memory_space<vmem>> -> memref<32x128xf32, #tpu.memory_space<vmem>>
    %dma_wait3A_274 = arith.constant 0 : i32
    %dma_wait3A_275 = arith.constant 0 : i32
    %dma_wait3A_276 = tpu.memref_slice %arg6[%dma_wait3A_269, %dma_wait3A_274, %dma_wait3A_275] : memref<50x32x16384xf32, #tpu.memory_space<hbm>> -> memref<1x32x128xf32, #tpu.memory_space<hbm>>
    %dma_wait3A_277 = tpu.memref_squeeze %dma_wait3A_276 : memref<1x32x128xf32, #tpu.memory_space<hbm>> -> memref<32x128xf32, #tpu.memory_space<hbm>>
    %dma_wait3A_278 = arith.constant 0 : i32
    %dma_wait3A_279 = arith.constant 0 : i32
    %dma_wait3A_280 = tpu.memref_slice %arg6[%dma_wait3A_269, %dma_wait3A_278, %dma_wait3A_279] : memref<50x32x16384xf32, #tpu.memory_space<hbm>> -> memref<1x32x128xf32, #tpu.memory_space<hbm>>
    %dma_wait3A_281 = tpu.memref_squeeze %dma_wait3A_280 : memref<1x32x128xf32, #tpu.memory_space<hbm>> -> memref<32x128xf32, #tpu.memory_space<hbm>>
    %dma_wait3A_282 = arith.constant 0 : i32
    %dma_wait3A_283 = arith.constant 0 : i32
    %dma_wait3A_284 = tpu.memref_slice %arg11[%dma_wait3A_268, %dma_wait3A_282, %dma_wait3A_283] : memref<2x32x128xf32, #tpu.memory_space<vmem>> -> memref<1x32x128xf32, #tpu.memory_space<vmem>>
    %dma_wait3A_285 = tpu.memref_squeeze %dma_wait3A_284 : memref<1x32x128xf32, #tpu.memory_space<vmem>> -> memref<32x128xf32, #tpu.memory_space<vmem>>
    tpu.wait_dma2 semaphore(%arg22 : memref<!tpu.dma_semaphore, #tpu.memory_space<semaphore_mem>>) src(%dma_wait3A_285 : memref<32x128xf32, #tpu.memory_space<vmem>>) dst(%dma_wait3A_281 : memref<32x128xf32, #tpu.memory_space<hbm>>)
    %dma_wait3A_286 = arith.constant 1 : i32
    %dma_wait3A_287 = arith.constant 0 : i32
    %dma_wait3A_288 = arith.constant 0 : i32
    %dma_wait3A_289 = arith.constant 0 : i32
    %dma_wait3A_290 = tpu.memref_slice %arg11[%dma_wait3A_286, %dma_wait3A_288, %dma_wait3A_289] : memref<2x32x128xf32, #tpu.memory_space<vmem>> -> memref<1x32x128xf32, #tpu.memory_space<vmem>>
    %dma_wait3A_291 = tpu.memref_squeeze %dma_wait3A_290 : memref<1x32x128xf32, #tpu.memory_space<vmem>> -> memref<32x128xf32, #tpu.memory_space<vmem>>
    %dma_wait3A_292 = arith.constant 0 : i32
    %dma_wait3A_293 = arith.constant 0 : i32
    %dma_wait3A_294 = tpu.memref_slice %arg6[%dma_wait3A_287, %dma_wait3A_292, %dma_wait3A_293] : memref<50x32x16384xf32, #tpu.memory_space<hbm>> -> memref<1x32x128xf32, #tpu.memory_space<hbm>>
    %dma_wait3A_295 = tpu.memref_squeeze %dma_wait3A_294 : memref<1x32x128xf32, #tpu.memory_space<hbm>> -> memref<32x128xf32, #tpu.memory_space<hbm>>
    %dma_wait3A_296 = arith.constant 0 : i32
    %dma_wait3A_297 = arith.constant 0 : i32
    %dma_wait3A_298 = tpu.memref_slice %arg6[%dma_wait3A_287, %dma_wait3A_296, %dma_wait3A_297] : memref<50x32x16384xf32, #tpu.memory_space<hbm>> -> memref<1x32x128xf32, #tpu.memory_space<hbm>>
    %dma_wait3A_299 = tpu.memref_squeeze %dma_wait3A_298 : memref<1x32x128xf32, #tpu.memory_space<hbm>> -> memref<32x128xf32, #tpu.memory_space<hbm>>
    %dma_wait3A_300 = arith.constant 0 : i32
    %dma_wait3A_301 = arith.constant 0 : i32
    %dma_wait3A_302 = tpu.memref_slice %arg11[%dma_wait3A_286, %dma_wait3A_300, %dma_wait3A_301] : memref<2x32x128xf32, #tpu.memory_space<vmem>> -> memref<1x32x128xf32, #tpu.memory_space<vmem>>
    %dma_wait3A_303 = tpu.memref_squeeze %dma_wait3A_302 : memref<1x32x128xf32, #tpu.memory_space<vmem>> -> memref<32x128xf32, #tpu.memory_space<vmem>>
    tpu.wait_dma2 semaphore(%arg23 : memref<!tpu.dma_semaphore, #tpu.memory_space<semaphore_mem>>) src(%dma_wait3A_303 : memref<32x128xf32, #tpu.memory_space<vmem>>) dst(%dma_wait3A_299 : memref<32x128xf32, #tpu.memory_space<hbm>>)
    return
  }
}

</mosaic_0001>

<sc_bundles>
// kernel: kernel.3.cloned.1.call-start
scs
__scs_entry_jumppad:
0x0: {  	(pc) =	sbr.rel $0x88, $3  }
0x1: {  	(tag) =	ssettag $0x0;
	lr =	simm.s32 $0x1  }
0x2: {  	[smem:$0x3F9F] =	sst lr;
	_ =	strace $0xD0000000  }
0x3: {  	_ = 	snop  }
0x4: {  	_ = 	snop  }
0x5: {  	_ = 	snop  }
0x6: {  	_ = 	snop  }
0x7: {  	_ = 	snop  }
__scs_overlays_trampoline_lowered:
0x8: {  	[smem:$0x3FAE] =	sst s0  }
0x9: {  	[smem:$0x3FAF] =	sst s1  }
0xa: {  	[smem:$0x3FB0] =	sst s2  }
0xb: {  	[smem:$0x3FB1] =	sst s3  }
0xc: {  	[smem:$0x3FB2] =	sst s4  }
0xd: {  	[smem:$0x3FB3] =	sst s5  }
0xe: {  	[smem:$0x3FB4] =	sst s6  }
0xf: {  	[smem:$0x3FB5] =	sst s7  }
0x10: {  	[smem:$0x3FB6] =	sst s8  }
0x11: {  	[smem:$0x3FB7] =	sst s9;
	s0 =	simm.s32 @!p0 $0x0  }
0x12: {  	s1 =	sld [smem:$0x3F9D];
	s0 =	simm.s32 @p0 $0x1  }
0x13: {  	[smem:$0x3FB8] =	sst s0;
	s0 =	simm.s32 @!p1 $0x0  }
0x14: {  	s2 =	sld [smem:$0x3F9C];
	s0 =	simm.s32 @p1 $0x1  }
0x15: {  	[smem:$0x3FB9] =	sst s0;
	s0 =	simm.s32 @!p2 $0x0  }
0x16: {  	s3 =	sld [smem:$0x3FDB];
	s0 =	simm.s32 @p2 $0x1  }
0x17: {  	s4 =	simm.s32 $0x1BF5;
	[smem:$0x3FBB] =	sst s0  }
0x18: {  	s0 =	sld [smem:$0x3F9E];
	_ =	swait.ge [sflag:s4], $0x0  }
0x19: {  	s7 =	sld [smem:$0x3F9F]  }
0x1a: {  	s8 =	sadd.s32 $0xFFFFE003, lr  }
0x1b: {  	s9 =	sadd.s32 $0xFFFFFEF7, lr;
	s5 =	simm.s32 $0xFFFFFFFF;
	p2 =	slt.u32 s8, $0xFFFFF086  }
0x1c: {  	p1 =	slt.u32 s9, $0xF7A;
	s5 =	simm.s32 @!p2 $0x0  }
0x1d: {  	s5 =	simm.s32 @p1 $0x1;
	p0 =	seq.s32 s7, s2  }
0x1e: {  	s7 =	smul.u32 @!p0 $0xF7A, s2;
	p2 =	seq.s32 @!p0 s5, $0x0  }
0x1f: {  	s9 =	smul.u32 $0xF7A, s1;
	s8 =	simm.s32 @!p0 $0x1BF5;
	p2 =	por !p2, p0  }
0x20: {  	[sflag:s8] =	ssyncset.s32 @!p0 $0xFFFFF086;
	s6 =	sadd.s32 @!p0 s3, s7;
	s7 =	simm.s32 @!p0 $0x108  }
0x21: {  	s3 =	sadd.s32 s3, s9;
	s6 =	sadd.s32 @!p0 $0x88, s6;
	s7 =	simm.s32 @p2 $0x1082  }
0x22: {  	[simem:s7], [sflag:s8] =	dma.local @!p0 [hbm:s6], $0xF7A  }
0x23: {  	s9 =	sor.u32 $0xD0000000, s2;
	s6 =	simm.s32 $0x108;
	_ =	swait.ge @!p0 [sflag:s8], $0x0  }
0x24: {  	s3 =	sadd.s32 $0x88, s3;
	s6 =	simm.s32 @!p1 $0x1082;
	[sflag:s4] =	ssyncset.s32 $0xFFFFF086  }
0x25: {  	[simem:s6], [sflag:s4] =	dma.local [hbm:s3], $0xF7A  }
0x26: {  	[smem:$0x3F9F] =	sst s1;
	(tag) =	ssettag s2;
	_ =	strace s9  }
0x27: {  	s1 =	sld [smem:$0x3FAF]  }
0x28: {  	s2 =	sld [smem:$0x3FB0]  }
0x29: {  	s4 =	sld [smem:$0x3FB2]  }
0x2a: {  	p0 =	seq.s32 s5, $0x0;
	s5 =	sld [smem:$0x3FB3]  }
0x2b: {  	s6 =	sld [smem:$0x3FB4]  }
0x2c: {  	s7 =	sld [smem:$0x3FB5]  }
0x2d: {  	s3 =	simm.s32 $0x108;
	s8 =	sld [smem:$0x3FB6]  }
0x2e: {  	s3 =	simm.s32 @!p0 $0x1082;
	s9 =	sld [smem:$0x3FB7]  }
0x2f: {  	lr =	sadd.s32 s0, s3;
	s0 =	sld [smem:$0x3FAE]  }
0x30: {  	s3 =	sld [smem:$0x3FB1]  }
0x31: {  	[smem:$0x3FBA] =	sst s10  }
0x32: {  	s10 =	sld [smem:$0x3FB8];
	_ =	sdelay $0x3  }
0x33: {  	p0 =	seq.s32 s10, $0x1;
	s10 =	sld [smem:$0x3FBA];
	_ =	sdelay $0x3  }
0x34: {  	[smem:$0x3FBA] =	sst s10  }
0x35: {  	s10 =	sld [smem:$0x3FB9];
	_ =	sdelay $0x3  }
0x36: {  	p1 =	seq.s32 s10, $0x1;
	s10 =	sld [smem:$0x3FBA];
	_ =	sdelay $0x3  }
0x37: {  	[smem:$0x3FBA] =	sst s10  }
0x38: {  	s10 =	sld [smem:$0x3FBB]  }
0x39: {  	_ = 	snop;
	(pc) =	sbr.ind lr, $3  }
0x3a: {  	_ = 	snop  }
0x3b: {  	_ = 	snop  }
0x3c: {  	p2 =	seq.s32 s10, $0x1;
	s10 =	sld [smem:$0x3FBA]  }
0x3d: {  	_ =	shalt  }
0x3e: {  	_ =	shalt  }
0x3f: {  	_ =	shalt  }
0x40: {  	_ =	shalt  }
0x41: {  	_ =	shalt  }
0x42: {  	_ =	shalt  }
0x43: {  	_ =	shalt  }
0x44: {  	_ =	shalt  }
0x45: {  	_ =	shalt  }
0x46: {  	_ =	shalt  }
0x47: {  	_ =	shalt  }
0x48: {  	_ =	shalt  }
0x49: {  	_ =	shalt  }
0x4a: {  	_ =	shalt  }
0x4b: {  	_ =	shalt  }
0x4c: {  	_ =	shalt  }
0x4d: {  	_ =	shalt  }
0x4e: {  	_ =	shalt  }
0x4f: {  	_ =	shalt  }
0x50: {  	_ =	shalt  }
0x51: {  	_ =	shalt  }
0x52: {  	_ =	shalt  }
0x53: {  	_ =	shalt  }
0x54: {  	_ =	shalt  }
0x55: {  	_ =	shalt  }
0x56: {  	_ =	shalt  }
0x57: {  	_ =	shalt  }
0x58: {  	_ =	shalt  }
0x59: {  	_ =	shalt  }
0x5a: {  	_ =	shalt  }
0x5b: {  	_ =	shalt  }
0x5c: {  	_ =	shalt  }
0x5d: {  	_ =	shalt  }
0x5e: {  	_ =	shalt  }
0x5f: {  	_ =	shalt  }
0x60: {  	_ =	shalt  }
0x61: {  	_ =	shalt  }
0x62: {  	_ =	shalt  }
0x63: {  	_ =	shalt  }
0x64: {  	_ =	shalt  }
0x65: {  	_ =	shalt  }
0x66: {  	_ =	shalt  }
0x67: {  	_ =	shalt  }
0x68: {  	_ =	shalt  }
0x69: {  	_ =	shalt  }
0x6a: {  	_ =	shalt  }
0x6b: {  	_ =	shalt  }
0x6c: {  	_ =	shalt  }
0x6d: {  	_ =	shalt  }
0x6e: {  	_ =	shalt  }
0x6f: {  	_ =	shalt  }
0x70: {  	_ =	shalt  }
0x71: {  	_ =	shalt  }
0x72: {  	_ =	shalt  }
0x73: {  	_ =	shalt  }
0x74: {  	_ =	shalt  }
0x75: {  	_ =	shalt  }
0x76: {  	_ =	shalt  }
0x77: {  	_ =	shalt  }
0x78: {  	_ =	shalt  }
0x79: {  	_ =	shalt  }
0x7a: {  	_ =	shalt  }
0x7b: {  	_ =	shalt  }
0x7c: {  	_ =	shalt  }
0x7d: {  	_ =	shalt  }
0x7e: {  	_ =	shalt  }
0x7f: {  	_ =	shalt  }
0x80: {  	_ =	shalt  }
0x81: {  	_ =	shalt  }
0x82: {  	_ =	shalt  }
0x83: {  	_ =	shalt  }
0x84: {  	_ =	shalt  }
0x85: {  	_ =	shalt  }
0x86: {  	_ =	shalt  }
0x87: {  	_ =	shalt  }
.Lfunc_end0:
.L_simem_size_0:
called_computation_lowered:
.L_overlay_start_0:
0x88: {  	s2 =	sld [smem:$0x3FD9]  }
0x89: {  	s3 =	sld [smem:$0x3FFE];
	_ =	sdelay $0x1  }
0x8a: {  	s1 =	srdreg.scid  }
0x8b: {  	s0 =	sand.u32 $0x1, s1  }
0x8c: {  	s17 =	sshll.u32 s0, $0xA;
	s2 =	sadd.s32 s3, s2  }
0x8d: {  	s2 =	sadd.s32 s2, s17  }
0x8e: {  	[smem:$0x3FC6] =	sst s2  }
0x8f: {  	_ = 	snop  }
0x90: {  	s2 =	sld [smem:$0x3FC9]  }
0x91: {  	s18 =	sld [smem:$0x3FC8]  }
0x92: {  	s4 =	sld [smem:$0x3FD0];
	(tm) =	ssettm $0x1  }
0x93: {  	s5 =	sld [smem:$0x3FFB];
	_ =	sdelay $0x3  }
0x94: {  	_ =	strace s5  }
0x95: {  	s5 =	sld [smem:$0x3FFC];
	_ =	sdelay $0x3  }
0x96: {  	_ =	strace s5  }
0x97: {  	s5 =	sld [smem:$0x3FFD];
	_ =	sdelay $0x3  }
0x98: {  	_ =	strace s5  }
0x99: {  	_ =	strace $0x8FFFFFFF  }
0x9a: {  	s19 =	sld [smem:$0x3FDB];
	_ =	sdelay $0x1  }
0x9b: {  	s6 =	simm.s32 $_scs_section_size  }
0x9c: {  	s7 =	simm.s32 $_size__tile_overlayer_lowered;
	s8 =	simm.s32 $_tile_overlayer_lowered  }
0x9d: {  	s22 =	simm.s32 $0x1BFF;
	s21 =	sshll.u32 s8, $0x1;
	s5 =	sadd.s32 s6, s19  }
0x9e: {  	s9 =	simm.s32 $0x0;
	s20 =	sshll.u32 s7, $0x1;
	s7 =	sadd.s32 s21, s5  }
0x9f: {  	[timem:s9], [sflag:s22] =	dma.local [hbm:s7], s20  }
0xa0: {  	_ =	swait.ge [sflag:s22], s20  }
0xa1: {  	s6 =	ssub.s32 $0x0, s20;
	[sflag:s22] =	ssyncset.done $0x0  }
0xa2: {  	[sflag:s22] =	ssyncadd.s32 s6;
	_ =	sdelay $0x1  }
0xa3: {  	s23 =	simm.s32 $0x1B8B  }
0xa4: {  	_ =	swait.ge [sflag:s23], $0x1  }
0xa5: {  	[sflag:s23] =	ssyncset.done $0x0  }
0xa6: {  	s25 =	simm.s32 $0x1B8E;
	s24 =	sld [smem:$0x3FFE];
	[sflag:s23] =	ssyncadd.s32 $0xFFFFFFFF  }
0xa7: {  	s26 =	simm.s32 $execute0_lowered;
	[smem:$0x3FD2] =	sst s25  }
0xa8: {  	s7 =	sshll.u32 s26, $0x1;
	_ =	strace $0x80000046;
	[dreg:$0x1] =	wrdreg $0xFFFFFFFF  }
0xa9: {  	s28 =	simm.s32 $_size_execute0_lowered;
	s5 =	sadd.s32 s5, s7;
	[dreg:$0x0] =	wrdreg $0x0  }
0xaa: {  	s7 =	sshll.u32 s28, $0x1;
	[dreg:$0x2] =	wrdreg s5  }
0xab: {  	[dreg:$0x3] =	wrdreg s7  }
0xac: {  	[dreg:$0x4] =	wrdreg $0xC0  }
0xad: {  	_ =	task [dreg:s9], $0x5FFFF  }
0xae: {  	[dreg:$0x1] =	wrdreg $0xFFFFFFFF  }
0xaf: {  	[dreg:$0x0] =	wrdreg $0x60  }
0xb0: {  	[dreg:$0x2] =	wrdreg s18  }
0xb1: {  	[dreg:$0x3] =	wrdreg s2  }
0xb2: {  	[dreg:$0x4] =	wrdreg s24  }
0xb3: {  	[dreg:$0x5] =	wrdreg s4  }
0xb4: {  	[dreg:$0x6] =	wrdreg $0x9  }
0xb5: {  	_ =	task.clear_ibuf [dreg:s9], $0x7FFFF;
	_ =	strace $0x90000046  }
0xb6: {  	s29 =	simm.s32 $0x9;
	_ =	strace $0x80000048  }
0xb7: {  	_ =	swait.ge [sflag:s29], $0x1  }
0xb8: {  	[sflag:s29] =	ssyncadd.s32 $0xFFFFFFFF  }
0xb9: {  	_ =	strace $0x90000048  }
0xba: {  	_ =	sfence  }
0xbb: {  	s30 =	sld [smem:$0x0];
	_ =	sdelay $0x2  }
0xbc: {  	s31 =	sshll.u32 s1, $0xD;
	s1 =	sshrl.u32 s1, $0x2  }
0xbd: {  	s3 =	sand.u32 $0x4000, s31;
	s1 =	sadd.s32 s1, s30  }
0xbe: {  	s0 =	sor.u32 s3, s0;
	s1 =	sshll.u32 s1, $0x11  }
0xbf: {  	s0 =	sor.u32 s1, s0  }
0xc0: {  	s0 =	sadd.s32 $0x8F2B, s0  }
0xc1: {  	[sflag:s0] =	ssyncadd.remote.s32 $0x1  }
0xc2: {  	_ =	sfence.sel $0xFFFF  }
0xc3: {  	[dreg:$0x0] =	wrdreg $0xFFFFFFFF;
	(pc) =	sbr.abs _section_cstart, $3  }
0xc4: {  	[dreg:$0x1] =	wrdreg $0xFFFFFFFF  }
0xc5: {  	_ =	task.clear_ibuf [dreg:s9], $0x2FFFF;
	_ =	strace $0x9FFFFFFF  }
0xc6: {  	(tm) =	ssettm $0x7FFFFFFF  }
0xc7: {  	_ =	shalt  }
tec
execute0_lowered:
.L_overlay_start_1:
0x0: {  	(tag) =	ssettag $0x1  }
0x1: {  	s0 =	rddreg [dreg:$0x0]  }
0x2: {  	s1 =	rddreg [dreg:$0x1]  }
0x3: {  	s3 =	rddreg [dreg:$0x2];
	s2 =	simm.s32 $0x0;
	s4 =	srdreg.scid  }
0x4: {  	s8 =	stileid.u32;
	s17 =	simm.s32 $0x400;
	s28 =	simm.s32 $0x9  }
0x5: {  	s31 =	simm.s32 $0x5;
	s10 =	simm.s32 $0x6;
	[smem:$0x7FF] =	sst s2  }
0x6: {  	s30 =	sadd.s32 $0x800, s3;
	s4 =	sand.u32 $0x1, s4;
	s5 =	sadd.s32 $0xA00, s3  }
0x7: {  	s22 =	sadd.s32 $0x1000, s0;
	_ =	strace $0x80000047;
	[dreg:$0x6] =	wrdreg s5  }
0x8: {  	v0 =	vlaneseq.u32;
	s6 =	sadd.s32 $0xC00, s3;
	s3 =	sadd.s32 $0x3D1400, s3;
	[dreg:$0x9] =	wrdreg s22  }
0x9: {  	v0 =	vmul.u32 $0x80, v0;
	s18 =	sshll.u32 s4, $0x4;
	s4 =	ssub.s32 $0x2, s4;
	[dreg:$0xc] =	wrdreg s3  }
0xa: {  	v16 =	vimm.s32 $0xFFFFFFFE;
	v17 =	vimm.s32 $0x0;
	s22 =	simm.s32 $0x2;
	s3 =	simm.s32 $0x0;
	[dreg:$0x5] =	wrdreg s30  }
0xb: {  	s9 =	sor.u32 s8, s18;
	s19 =	sshrl.u32 s4, $0x1;
	s8 =	sor.u32 $0x1E80, s8;
	v1 =	vor.u32 $0x800, v0;
	v2 =	vor.u32 $0x1, v0;
	v3 =	vor.u32 $0x801, v0  }
0xc: {  	v4 =	vor.u32 $0x2, v0;
	v5 =	vor.u32 $0x802, v0;
	v6 =	vor.u32 $0x3, v0;
	s7 =	sshll.u32 s9, $0x7;
	s4 =	ssub.s32 s4, s19;
	s21 =	sshll.u32 s8, $0x7  }
0xd: {  	v7 =	vor.u32 $0x803, v0;
	v8 =	vor.u32 $0x1000, v0;
	v9 =	vor.u32 $0x1800, v0;
	s23 =	sshll.u32 s8, $0x9;
	[dreg:$0x7] =	wrdreg s9;
	s20 =	sadd.s32 s0, s7  }
0xe: {  	v10 =	vor.u32 $0x1001, v0;
	v11 =	vor.u32 $0x1801, v0;
	v12 =	vor.u32 $0x1002, v0;
	s25 =	sshll.u32 s9, $0x9;
	s0 =	sadd.s32 s0, s21;
	[dreg:$0x8] =	wrdreg s20  }
0xf: {  	v13 =	vor.u32 $0x1802, v0;
	v14 =	vor.u32 $0x1003, v0;
	v15 =	vor.u32 $0x1803, v0;
	s24 =	sshll.u32 s9, $0x1;
	s26 =	sadd.s32 s1, s25;
	[dreg:$0xa] =	wrdreg s0  }
0x10: {  	v18 =	vor.u32 $0x2000, v0;
	v19 =	vor.u32 $0x2800, v0;
	v20 =	vor.u32 $0x3000, v0;
	s15 =	sshll.u32 s9, $0x2;
	s29 =	smax.u32 s4, $0x1;
	[dreg:$0xe] =	wrdreg s26  }
0x11: {  	v21 =	vor.u32 $0x3800, v0;
	v22 =	vor.u32 $0x4000, v0;
	v23 =	vor.u32 $0x4800, v0;
	p0 =	sgt.u32 s9, $0x3;
	s0 =	sadd.s32 s6, s23;
	[dreg:$0xf] =	wrdreg s29  }
0x12: {  	v24 =	vor.u32 $0x5000, v0;
	v25 =	vor.u32 $0x5800, v0;
	v26 =	vor.u32 $0x6000, v0;
	p1 =	sne.s32 s9, $0x1F;
	[dreg:$0xb] =	wrdreg s0;
	s0 =	sadd.s32 s30, s24  }
0x13: {  	v27 =	vor.u32 $0x6800, v0;
	v28 =	vor.u32 $0x7000, v0;
	v29 =	vor.u32 $0x7800, v0;
	s20 =	simm.s32 $0x1;
	s26 =	simm.s32 $0x4000;
	[dreg:$0xd] =	wrdreg s0  }
.LBB2_1:
0x14: {  	[dreg:$0x10] =	wrdreg s3  }
0x15: {  	s0 =	rddreg [dreg:$0x8];
	s1 =	simm.s32 $0x7A1400;
	s8 =	simm.s32 $0x0  }
0x16: {  	[tilespmem:s2], [sflag:$0x1] =	stream.strided.gather [hbm4b:s0+s17], $0x1000, s1, s17, $0x38;
	[tilespmem:$0x15380] =	vst v63  }
.LBB2_2:
0x17: {  	s0 =	sshll.u32 s8, $0x6;
	s1 =	rddreg [dreg:$0x7]  }
0x18: {  	s12 =	sor.u32 s1, s0  }
0x19: {  	s29 =	rddreg [dreg:$0x9];
	s0 =	sshll.u32 s12, $0x7  }
0x1a: {  	s30 =	simm.s32 $0x7A1400;
	s3 =	simm.s32 $0x1000;
	s0 =	sadd.s32 s0, s29  }
0x1b: {  	[tilespmem:s3], [sflag:$0x2] =	stream.strided.gather [hbm4b:s0+s17], $0x1000, s30, s17, $0x38;
	[tilespmem:$0x15380] =	vst v63  }
0x1c: {  	_ =	swait.ge [sflag:s20], $0x1000  }
0x1d: {  	p2 =	seq.s32 s8, $0x0;
	[sflag:s20] =	ssyncset.done $0x0  }
0x1e: {  	s0 =	simm.s32 @!p2 $0x3;
	[sflag:s20] =	ssyncadd.s32 $0xFFFFF000  }
0x1f: {  	_ =	swait.ge @!p2 [sflag:s0], $0x1000  }
0x20: {  	[sflag:s0] =	ssyncset.done @!p2 $0x0  }
0x21: {  	s13 =	simm.s32 $0x0;
	p3 =	por $0x1, $0x1;
	[sflag:s0] =	ssyncadd.s32 @!p2 $0xFFFFF000  }
.LBB2_3:
0x22: {  	s5 =	sshll.u32 s13, $0x2  }
0x23: {  	s1 =	sor.u32 $0x1, s13;
	v30 =	vor.u32 s5, v0  }
0x24: {  	s3 =	sor.u32 $0x2, s13;
	s7 =	sshll.u32 s1, $0x2  }
0x25: {  	s4 =	sor.u32 $0x3, s13;
	s11 =	sshll.u32 s3, $0x2;
	v31 =	vor.u32 s7, v0  }
0x26: {  	s14 =	sshll.u32 s4, $0x2;
	v32 =	vor.u32 s11, v0  }
0x27: {  	v33 =	vor.u32 s14, v0  }
0x28: {  	v30 =	vld.idx.msk [tilespmem:v30+s2+$0x0], $0xffff  }
0x29: {  	v34 =	vor.u32 s5, v1  }
0x2a: {  	v31 =	vld.idx.msk [tilespmem:v31+s2+$0x0], $0xffff  }
0x2b: {  	s0 =	sshll.u32 s13, $0x7;
	v35 =	vor.u32 s7, v1;
	v32 =	vld.idx.msk [tilespmem:v32+s2+$0x0], $0xffff  }
0x2c: {  	s0 =	sand.u32 $0x3FFFFF80, s0;
	v36 =	vor.u32 s11, v1;
	v33 =	vld.idx.msk [tilespmem:v33+s2+$0x0], $0xffff  }
0x2d: {  	s1 =	sshll.u32 s1, $0x7;
	v37 =	vor.u32 s14, v1;
	[tilespmem:s0+$0x2000] =	vst v30  }
0x2e: {  	s3 =	sshll.u32 s3, $0x7;
	s1 =	sand.u32 $0x3FFFFF80, s1;
	v30 =	vld.idx.msk [tilespmem:v34+s2+$0x0], $0xffff  }
0x2f: {  	s4 =	sshll.u32 s4, $0x7;
	s3 =	sand.u32 $0x3FFFFF80, s3;
	[tilespmem:s1+$0x2000] =	vst v31;
	v31 =	vor.u32 s5, v2  }
0x30: {  	s4 =	sand.u32 $0x3FFFFF80, s4;
	[tilespmem:s3+$0x2000] =	vst v32;
	v55 =	vld.idx.msk [tilespmem:v35+s2+$0x0], $0xffff  }
0x31: {  	v56 =	vor.u32 s7, v2;
	[tilespmem:s4+$0x2000] =	vst v33;
	v57 =	vld.idx.msk [tilespmem:v36+s2+$0x0], $0xffff  }
0x32: {  	v58 =	vor.u32 s11, v2;
	v59 =	vld.idx.msk [tilespmem:v37+s2+$0x0], $0xffff  }
0x33: {  	v60 =	vor.u32 s14, v2;
	[tilespmem:s0+$0x2010] =	vst v30  }
0x34: {  	v30 =	vld.idx.msk [tilespmem:v31+s2+$0x0], $0xffff  }
0x35: {  	[tilespmem:s1+$0x2010] =	vst v55;
	v31 =	vor.u32 s5, v3  }
0x36: {  	[tilespmem:s3+$0x2010] =	vst v57;
	v32 =	vld.idx.msk [tilespmem:v56+s2+$0x0], $0xffff  }
0x37: {  	v61 =	vor.u32 s7, v3;
	[tilespmem:s4+$0x2010] =	vst v59;
	v33 =	vld.idx.msk [tilespmem:v58+s2+$0x0], $0xffff  }
0x38: {  	v62 =	vor.u32 s11, v3;
	v36 =	vld.idx.msk [tilespmem:v60+s2+$0x0], $0xffff  }
0x39: {  	v63 =	vor.u32 s14, v3;
	[tilespmem:s0+$0x2020] =	vst v30  }
0x3a: {  	v30 =	vld.idx.msk [tilespmem:v31+s2+$0x0], $0xffff  }
0x3b: {  	[tilespmem:s1+$0x2020] =	vst v32;
	v31 =	vor.u32 s5, v4  }
0x3c: {  	[tilespmem:s3+$0x2020] =	vst v33;
	v32 =	vld.idx.msk [tilespmem:v61+s2+$0x0], $0xffff  }
0x3d: {  	v40 =	vor.u32 s7, v4;
	[tilespmem:s4+$0x2020] =	vst v36;
	v41 =	vld.idx.msk [tilespmem:v62+s2+$0x0], $0xffff  }
0x3e: {  	v42 =	vor.u32 s11, v4;
	v36 =	vld.idx.msk [tilespmem:v63+s2+$0x0], $0xffff  }
0x3f: {  	v43 =	vor.u32 s14, v4;
	[tilespmem:s0+$0x2030] =	vst v30  }
0x40: {  	v30 =	vld.idx.msk [tilespmem:v31+s2+$0x0], $0xffff  }
0x41: {  	[tilespmem:s1+$0x2030] =	vst v32;
	v31 =	vor.u32 s5, v5  }
0x42: {  	[tilespmem:s3+$0x2030] =	vst v41;
	v32 =	vld.idx.msk [tilespmem:v40+s2+$0x0], $0xffff  }
0x43: {  	v44 =	vor.u32 s7, v5;
	[tilespmem:s4+$0x2030] =	vst v36;
	v34 =	vld.idx.msk [tilespmem:v42+s2+$0x0], $0xffff  }
0x44: {  	v45 =	vor.u32 s11, v5;
	v36 =	vld.idx.msk [tilespmem:v43+s2+$0x0], $0xffff  }
0x45: {  	v46 =	vor.u32 s14, v5;
	[tilespmem:s0+$0x2040] =	vst v30  }
0x46: {  	v30 =	vld.idx.msk [tilespmem:v31+s2+$0x0], $0xffff  }
0x47: {  	[tilespmem:s1+$0x2040] =	vst v32;
	v31 =	vor.u32 s5, v6  }
0x48: {  	[tilespmem:s3+$0x2040] =	vst v34;
	v32 =	vld.idx.msk [tilespmem:v44+s2+$0x0], $0xffff  }
0x49: {  	v47 =	vor.u32 s7, v6;
	[tilespmem:s4+$0x2040] =	vst v36;
	v34 =	vld.idx.msk [tilespmem:v45+s2+$0x0], $0xffff  }
0x4a: {  	v48 =	vor.u32 s11, v6;
	v36 =	vld.idx.msk [tilespmem:v46+s2+$0x0], $0xffff  }
0x4b: {  	v49 =	vor.u32 s14, v6;
	[tilespmem:s0+$0x2050] =	vst v30  }
0x4c: {  	v52 =	vor.u32 s14, v7;
	s14 =	sor.u32 $0x5, s13;
	v30 =	vld.idx.msk [tilespmem:v31+s2+$0x0], $0xffff  }
0x4d: {  	s24 =	sshll.u32 s14, $0x2;
	[tilespmem:s1+$0x2050] =	vst v32;
	v31 =	vor.u32 s5, v7  }
0x4e: {  	v53 =	vor.u32 s24, v0;
	[tilespmem:s3+$0x2050] =	vst v34;
	v32 =	vld.idx.msk [tilespmem:v47+s2+$0x0], $0xffff  }
0x4f: {  	v50 =	vor.u32 s7, v7;
	[tilespmem:s4+$0x2050] =	vst v36;
	v34 =	vld.idx.msk [tilespmem:v48+s2+$0x0], $0xffff  }
0x50: {  	s23 =	sor.u32 $0x9, s13;
	v51 =	vor.u32 s11, v7;
	v36 =	vld.idx.msk [tilespmem:v49+s2+$0x0], $0xffff  }
0x51: {  	s21 =	sshll.u32 s23, $0x2;
	s11 =	sor.u32 $0x4, s13;
	[tilespmem:s0+$0x2060] =	vst v30  }
0x52: {  	s18 =	sor.u32 $0x6, s13;
	v39 =	vor.u32 s21, v0;
	s16 =	sshll.u32 s11, $0x2;
	v31 =	vld.idx.msk [tilespmem:v31+s2+$0x0], $0xffff  }
0x53: {  	s29 =	sor.u32 $0x7, s13;
	s25 =	sshll.u32 s18, $0x2;
	v30 =	vor.u32 s16, v0;
	[tilespmem:s1+$0x2060] =	vst v32;
	v32 =	vld.idx.msk [tilespmem:v53+s2+$0x0], $0xffff  }
0x54: {  	v54 =	vor.u32 s25, v0;
	s5 =	sshll.u32 s29, $0x2;
	[tilespmem:s3+$0x2060] =	vst v34;
	v33 =	vld.idx.msk [tilespmem:v50+s2+$0x0], $0xffff  }
0x55: {  	s30 =	sor.u32 $0x8, s13;
	v55 =	vor.u32 s5, v0;
	[tilespmem:s4+$0x2060] =	vst v36;
	v35 =	vld.idx.msk [tilespmem:v51+s2+$0x0], $0xffff  }
0x56: {  	s19 =	sshll.u32 s30, $0x2;
	s7 =	sshll.u32 s14, $0x7;
	v56 =	vor.u32 s24, v1;
	v37 =	vld.idx.msk [tilespmem:v52+s2+$0x0], $0xffff  }
0x57: {  	v38 =	vor.u32 s19, v0;
	s14 =	sand.u32 $0x3FFFFF80, s7;
	v39 =	vld.idx.msk [tilespmem:v39+s2+$0x0], $0xffff;
	[tilespmem:s0+$0x2070] =	vst v31  }
0x58: {  	v59 =	vor.u32 s21, v1;
	v30 =	vld.idx.msk [tilespmem:v30+s2+$0x0], $0xffff;
	[tilespmem:s14+$0x2000] =	vst v32  }
0x59: {  	s9 =	sshll.u32 s18, $0x7;
	s18 =	sshll.u32 s30, $0x7;
	v34 =	vld.idx.msk [tilespmem:v54+s2+$0x0], $0xffff;
	v31 =	vor.u32 s16, v1;
	[tilespmem:s1+$0x2070] =	vst v33  }
0x5a: {  	s30 =	sshll.u32 s23, $0x7;
	v57 =	vor.u32 s25, v1;
	v36 =	vld.idx.msk [tilespmem:v55+s2+$0x0], $0xffff;
	[tilespmem:s3+$0x2070] =	vst v35;
	s3 =	sshll.u32 s11, $0x7;
	s11 =	sshll.u32 s29, $0x7  }
0x5b: {  	v58 =	vor.u32 s5, v1;
	[tilespmem:s4+$0x2070] =	vst v37;
	v33 =	vld.idx.msk [tilespmem:v56+s2+$0x0], $0xffff;
	s29 =	sand.u32 $0x3FFFFF80, s11;
	s11 =	sand.u32 $0x3FFFFF80, s18;
	s18 =	sand.u32 $0x3FFFFF80, s30  }
0x5c: {  	v38 =	vld.idx.msk [tilespmem:v38+s2+$0x0], $0xffff;
	v60 =	vor.u32 s24, v2;
	s3 =	sand.u32 $0x3FFFFF80, s3;
	[tilespmem:s18+$0x2000] =	vst v39  }
0x5d: {  	s0 =	sand.u32 $0x3FFFFF80, s9;
	[tilespmem:s3+$0x2000] =	vst v30;
	v30 =	vor.u32 s19, v1;
	v32 =	vld.idx.msk [tilespmem:v59+s2+$0x0], $0xffff  }
0x5e: {  	v44 =	vor.u32 s21, v2;
	[tilespmem:s0+$0x2000] =	vst v34;
	v31 =	vld.idx.msk [tilespmem:v31+s2+$0x0], $0xffff  }
0x5f: {  	v40 =	vor.u32 s16, v2;
	v35 =	vld.idx.msk [tilespmem:v57+s2+$0x0], $0xffff;
	[tilespmem:s29+$0x2000] =	vst v36  }
0x60: {  	v61 =	vor.u32 s25, v2;
	v37 =	vld.idx.msk [tilespmem:v58+s2+$0x0], $0xffff;
	[tilespmem:s14+$0x2010] =	vst v33  }
0x61: {  	v62 =	vor.u32 s5, v2;
	[tilespmem:s11+$0x2000] =	vst v38;
	v34 =	vld.idx.msk [tilespmem:v60+s2+$0x0], $0xffff  }
0x62: {  	v46 =	vor.u32 s24, v3;
	v30 =	vld.idx.msk [tilespmem:v30+s2+$0x0], $0xffff;
	[tilespmem:s18+$0x2010] =	vst v32  }
0x63: {  	[tilespmem:s3+$0x2010] =	vst v31;
	v31 =	vor.u32 s19, v2;
	v33 =	vld.idx.msk [tilespmem:v44+s2+$0x0], $0xffff  }
0x64: {  	v49 =	vor.u32 s21, v3;
	[tilespmem:s0+$0x2010] =	vst v35;
	v63 =	vld.idx.msk [tilespmem:v40+s2+$0x0], $0xffff  }
0x65: {  	v45 =	vor.u32 s16, v3;
	v36 =	vld.idx.msk [tilespmem:v61+s2+$0x0], $0xffff;
	[tilespmem:s29+$0x2010] =	vst v37  }
0x66: {  	v47 =	vor.u32 s25, v3;
	v38 =	vld.idx.msk [tilespmem:v62+s2+$0x0], $0xffff;
	[tilespmem:s14+$0x2020] =	vst v34  }
0x67: {  	v35 =	vld.idx.msk [tilespmem:v46+s2+$0x0], $0xffff;
	[tilespmem:s11+$0x2010] =	vst v30;
	v30 =	vor.u32 s5, v3  }
0x68: {  	v51 =	vor.u32 s24, v4;
	v31 =	vld.idx.msk [tilespmem:v31+s2+$0x0], $0xffff;
	[tilespmem:s18+$0x2020] =	vst v33  }
0x69: {  	v48 =	vor.u32 s19, v3;
	[tilespmem:s3+$0x2020] =	vst v63;
	v34 =	vld.idx.msk [tilespmem:v49+s2+$0x0], $0xffff  }
0x6a: {  	v54 =	vor.u32 s21, v4;
	[tilespmem:s0+$0x2020] =	vst v36;
	v39 =	vld.idx.msk [tilespmem:v45+s2+$0x0], $0xffff  }
0x6b: {  	v50 =	vor.u32 s16, v4;
	v37 =	vld.idx.msk [tilespmem:v47+s2+$0x0], $0xffff;
	[tilespmem:s29+$0x2020] =	vst v38  }
0x6c: {  	v52 =	vor.u32 s25, v4;
	[tilespmem:s14+$0x2030] =	vst v35;
	v30 =	vld.idx.msk [tilespmem:v30+s2+$0x0], $0xffff  }
0x6d: {  	v36 =	vld.idx.msk [tilespmem:v51+s2+$0x0], $0xffff;
	[tilespmem:s11+$0x2020] =	vst v31;
	v31 =	vor.u32 s5, v4  }
0x6e: {  	v56 =	vor.u32 s24, v5;
	v32 =	vld.idx.msk [tilespmem:v48+s2+$0x0], $0xffff;
	[tilespmem:s18+$0x2030] =	vst v34  }
0x6f: {  	v53 =	vor.u32 s19, v4;
	[tilespmem:s3+$0x2030] =	vst v39;
	v35 =	vld.idx.msk [tilespmem:v54+s2+$0x0], $0xffff  }
0x70: {  	v59 =	vor.u32 s21, v5;
	[tilespmem:s0+$0x2030] =	vst v37;
	v39 =	vld.idx.msk [tilespmem:v50+s2+$0x0], $0xffff  }
0x71: {  	v55 =	vor.u32 s16, v5;
	v38 =	vld.idx.msk [tilespmem:v52+s2+$0x0], $0xffff;
	[tilespmem:s29+$0x2030] =	vst v30  }
0x72: {  	v30 =	vor.u32 s25, v5;
	[tilespmem:s14+$0x2040] =	vst v36;
	v31 =	vld.idx.msk [tilespmem:v31+s2+$0x0], $0xffff  }
0x73: {  	v57 =	vor.u32 s5, v5;
	v37 =	vld.idx.msk [tilespmem:v56+s2+$0x0], $0xffff;
	[tilespmem:s11+$0x2030] =	vst v32  }
0x74: {  	v61 =	vor.u32 s24, v6;
	v33 =	vld.idx.msk [tilespmem:v53+s2+$0x0], $0xffff;
	[tilespmem:s18+$0x2040] =	vst v35  }
0x75: {  	v58 =	vor.u32 s19, v5;
	[tilespmem:s3+$0x2040] =	vst v39;
	v36 =	vld.idx.msk [tilespmem:v59+s2+$0x0], $0xffff  }
0x76: {  	v44 =	vor.u32 s21, v6;
	[tilespmem:s0+$0x2040] =	vst v38;
	v39 =	vld.idx.msk [tilespmem:v55+s2+$0x0], $0xffff  }
0x77: {  	v60 =	vor.u32 s16, v6;
	v30 =	vld.idx.msk [tilespmem:v30+s2+$0x0], $0xffff;
	[tilespmem:s29+$0x2040] =	vst v31  }
0x78: {  	v31 =	vor.u32 s25, v6;
	[tilespmem:s14+$0x2050] =	vst v37;
	v32 =	vld.idx.msk [tilespmem:v57+s2+$0x0], $0xffff  }
0x79: {  	v38 =	vld.idx.msk [tilespmem:v61+s2+$0x0], $0xffff;
	[tilespmem:s11+$0x2040] =	vst v33  }
0x7a: {  	v62 =	vor.u32 s5, v6;
	v34 =	vld.idx.msk [tilespmem:v58+s2+$0x0], $0xffff;
	[tilespmem:s18+$0x2050] =	vst v36  }
0x7b: {  	v63 =	vor.u32 s19, v6;
	[tilespmem:s3+$0x2050] =	vst v39;
	v37 =	vld.idx.msk [tilespmem:v44+s2+$0x0], $0xffff  }
0x7c: {  	[tilespmem:s0+$0x2050] =	vst v30;
	v30 =	vor.u32 s24, v7;
	v39 =	vld.idx.msk [tilespmem:v60+s2+$0x0], $0xffff  }
0x7d: {  	v49 =	vor.u32 s21, v7;
	v31 =	vld.idx.msk [tilespmem:v31+s2+$0x0], $0xffff;
	[tilespmem:s29+$0x2050] =	vst v32  }
0x7e: {  	s7 =	sor.u32 $0xB, s13;
	v45 =	vor.u32 s16, v7;
	[tilespmem:s14+$0x2060] =	vst v38  }
0x7f: {  	v46 =	vor.u32 s25, v7;
	s16 =	sshll.u32 s7, $0x2;
	v33 =	vld.idx.msk [tilespmem:v62+s2+$0x0], $0xffff;
	[tilespmem:s11+$0x2050] =	vst v34  }
0x80: {  	s4 =	sor.u32 $0xA, s13;
	v50 =	vor.u32 s16, v0;
	v35 =	vld.idx.msk [tilespmem:v63+s2+$0x0], $0xffff;
	[tilespmem:s18+$0x2060] =	vst v37  }
0x81: {  	v48 =	vor.u32 s19, v7;
	s25 =	sshll.u32 s4, $0x2;
	v30 =	vld.idx.msk [tilespmem:v30+s2+$0x0], $0xffff;
	[tilespmem:s3+$0x2060] =	vst v39  }
0x82: {  	[tilespmem:s0+$0x2060] =	vst v31;
	v31 =	vor.u32 s25, v0;
	v38 =	vld.idx.msk [tilespmem:v49+s2+$0x0], $0xffff  }
0x83: {  	v47 =	vor.u32 s5, v7;
	s19 =	sor.u32 $0xC, s13;
	v39 =	vld.idx.msk [tilespmem:v45+s2+$0x0], $0xffff  }
0x84: {  	s23 =	sor.u32 $0xD, s13;
	s24 =	sshll.u32 s19, $0x2;
	v32 =	vld.idx.msk [tilespmem:v46+s2+$0x0], $0xffff;
	[tilespmem:s29+$0x2060] =	vst v33  }
0x85: {  	s30 =	sor.u32 $0xE, s13;
	s5 =	sshll.u32 s23, $0x2;
	s13 =	sor.u32 $0xF, s13;
	v51 =	vor.u32 s24, v0;
	v33 =	vld.idx.msk [tilespmem:v50+s2+$0x0], $0xffff;
	[tilespmem:s11+$0x2060] =	vst v35  }
0x86: {  	v52 =	vor.u32 s5, v0;
	s9 =	sshll.u32 s13, $0x2;
	v36 =	vld.idx.msk [tilespmem:v48+s2+$0x0], $0xffff  }
0x87: {  	s21 =	sshll.u32 s30, $0x2;
	[tilespmem:s14+$0x2070] =	vst v30;
	v30 =	vld.idx.msk [tilespmem:v31+s2+$0x0], $0xffff;
	v31 =	vor.u32 s9, v0  }
0x88: {  	v53 =	vor.u32 s21, v0;
	v34 =	vld.idx.msk [tilespmem:v47+s2+$0x0], $0xffff;
	[tilespmem:s18+$0x2070] =	vst v38  }
0x89: {  	v55 =	vor.u32 s16, v1;
	s14 =	sshll.u32 s7, $0x7;
	[tilespmem:s3+$0x2070] =	vst v39  }
0x8a: {  	v54 =	vor.u32 s25, v1;
	v35 =	vld.idx.msk [tilespmem:v51+s2+$0x0], $0xffff;
	s1 =	sand.u32 $0x3FFFFF80, s14;
	[tilespmem:s0+$0x2070] =	vst v32  }
0x8b: {  	v56 =	vor.u32 s24, v1;
	v37 =	vld.idx.msk [tilespmem:v52+s2+$0x0], $0xffff;
	[tilespmem:s1+$0x2000] =	vst v33  }
0x8c: {  	v57 =	vor.u32 s5, v1;
	[tilespmem:s11+$0x2070] =	vst v36;
	s11 =	sshll.u32 s4, $0x7;
	v31 =	vld.idx.msk [tilespmem:v31+s2+$0x0], $0xffff  }
0x8d: {  	v58 =	vor.u32 s9, v1;
	s18 =	sshll.u32 s19, $0x7;
	v39 =	vld.idx.msk [tilespmem:v53+s2+$0x0], $0xffff;
	[tilespmem:s29+$0x2070] =	vst v34;
	s0 =	sand.u32 $0x3FFFFF80, s11  }
0x8e: {  	s29 =	sshll.u32 s23, $0x7;
	v34 =	vld.idx.msk [tilespmem:v55+s2+$0x0], $0xffff;
	s4 =	sand.u32 $0x3FFFFF80, s18;
	[tilespmem:s0+$0x2000] =	vst v30;
	v30 =	vor.u32 s21, v1  }
0x8f: {  	s13 =	sshll.u32 s13, $0x7;
	v60 =	vor.u32 s16, v2;
	s7 =	sand.u32 $0x3FFFFF80, s29;
	[tilespmem:s4+$0x2000] =	vst v35;
	v32 =	vld.idx.msk [tilespmem:v54+s2+$0x0], $0xffff  }
0x90: {  	s30 =	sshll.u32 s30, $0x7;
	s13 =	sand.u32 $0x3FFFFF80, s13;
	v59 =	vor.u32 s25, v2;
	[tilespmem:s7+$0x2000] =	vst v37;
	v36 =	vld.idx.msk [tilespmem:v56+s2+$0x0], $0xffff  }
0x91: {  	v61 =	vor.u32 s24, v2;
	s11 =	sand.u32 $0x3FFFFF80, s30;
	v38 =	vld.idx.msk [tilespmem:v57+s2+$0x0], $0xffff;
	[tilespmem:s13+$0x2000] =	vst v31  }
0x92: {  	v62 =	vor.u32 s5, v2;
	[tilespmem:s11+$0x2000] =	vst v39;
	v63 =	vld.idx.msk [tilespmem:v58+s2+$0x0], $0xffff  }
0x93: {  	v45 =	vor.u32 s9, v2;
	[tilespmem:s1+$0x2010] =	vst v34;
	v30 =	vld.idx.msk [tilespmem:v30+s2+$0x0], $0xffff  }
0x94: {  	v35 =	vld.idx.msk [tilespmem:v60+s2+$0x0], $0xffff;
	v31 =	vor.u32 s21, v2;
	[tilespmem:s0+$0x2010] =	vst v32  }
0x95: {  	v47 =	vor.u32 s16, v3;
	[tilespmem:s4+$0x2010] =	vst v36;
	v44 =	vld.idx.msk [tilespmem:v59+s2+$0x0], $0xffff  }
0x96: {  	v46 =	vor.u32 s25, v3;
	[tilespmem:s7+$0x2010] =	vst v38;
	v37 =	vld.idx.msk [tilespmem:v61+s2+$0x0], $0xffff  }
0x97: {  	v48 =	vor.u32 s24, v3;
	v39 =	vld.idx.msk [tilespmem:v62+s2+$0x0], $0xffff;
	[tilespmem:s13+$0x2010] =	vst v63  }
0x98: {  	[tilespmem:s11+$0x2010] =	vst v30;
	v30 =	vor.u32 s5, v3;
	v50 =	vld.idx.msk [tilespmem:v45+s2+$0x0], $0xffff  }
0x99: {  	v52 =	vor.u32 s9, v3;
	[tilespmem:s1+$0x2020] =	vst v35;
	v31 =	vld.idx.msk [tilespmem:v31+s2+$0x0], $0xffff  }
0x9a: {  	v49 =	vor.u32 s21, v3;
	v36 =	vld.idx.msk [tilespmem:v47+s2+$0x0], $0xffff;
	[tilespmem:s0+$0x2020] =	vst v44  }
0x9b: {  	v54 =	vor.u32 s16, v4;
	[tilespmem:s4+$0x2020] =	vst v37;
	v51 =	vld.idx.msk [tilespmem:v46+s2+$0x0], $0xffff  }
0x9c: {  	v53 =	vor.u32 s25, v4;
	[tilespmem:s7+$0x2020] =	vst v39;
	v38 =	vld.idx.msk [tilespmem:v48+s2+$0x0], $0xffff  }
0x9d: {  	v55 =	vor.u32 s24, v4;
	v30 =	vld.idx.msk [tilespmem:v30+s2+$0x0], $0xffff;
	[tilespmem:s13+$0x2020] =	vst v50  }
0x9e: {  	[tilespmem:s11+$0x2020] =	vst v31;
	v31 =	vor.u32 s5, v4;
	v57 =	vld.idx.msk [tilespmem:v52+s2+$0x0], $0xffff  }
0x9f: {  	v59 =	vor.u32 s9, v4;
	[tilespmem:s1+$0x2030] =	vst v36;
	v32 =	vld.idx.msk [tilespmem:v49+s2+$0x0], $0xffff  }
0xa0: {  	v56 =	vor.u32 s21, v4;
	v37 =	vld.idx.msk [tilespmem:v54+s2+$0x0], $0xffff;
	[tilespmem:s0+$0x2030] =	vst v51  }
0xa1: {  	v61 =	vor.u32 s16, v5;
	[tilespmem:s4+$0x2030] =	vst v38;
	v58 =	vld.idx.msk [tilespmem:v53+s2+$0x0], $0xffff  }
0xa2: {  	v60 =	vor.u32 s25, v5;
	v39 =	vld.idx.msk [tilespmem:v55+s2+$0x0], $0xffff;
	[tilespmem:s7+$0x2030] =	vst v30  }
0xa3: {  	v30 =	vor.u32 s24, v5;
	v31 =	vld.idx.msk [tilespmem:v31+s2+$0x0], $0xffff;
	[tilespmem:s13+$0x2030] =	vst v57  }
0xa4: {  	v62 =	vor.u32 s5, v5;
	[tilespmem:s11+$0x2030] =	vst v32;
	v44 =	vld.idx.msk [tilespmem:v59+s2+$0x0], $0xffff  }
0xa5: {  	v46 =	vor.u32 s9, v5;
	[tilespmem:s1+$0x2040] =	vst v37;
	v33 =	vld.idx.msk [tilespmem:v56+s2+$0x0], $0xffff  }
0xa6: {  	v63 =	vor.u32 s21, v5;
	v38 =	vld.idx.msk [tilespmem:v61+s2+$0x0], $0xffff;
	[tilespmem:s0+$0x2040] =	vst v58  }
0xa7: {  	v48 =	vor.u32 s16, v6;
	[tilespmem:s4+$0x2040] =	vst v39;
	v45 =	vld.idx.msk [tilespmem:v60+s2+$0x0], $0xffff  }
0xa8: {  	v47 =	vor.u32 s25, v6;
	v30 =	vld.idx.msk [tilespmem:v30+s2+$0x0], $0xffff;
	[tilespmem:s7+$0x2040] =	vst v31  }
0xa9: {  	v31 =	vor.u32 s24, v6;
	v32 =	vld.idx.msk [tilespmem:v62+s2+$0x0], $0xffff;
	[tilespmem:s13+$0x2040] =	vst v44  }
0xaa: {  	v49 =	vor.u32 s5, v6;
	[tilespmem:s11+$0x2040] =	vst v33;
	v51 =	vld.idx.msk [tilespmem:v46+s2+$0x0], $0xffff  }
0xab: {  	v53 =	vor.u32 s9, v6;
	[tilespmem:s1+$0x2050] =	vst v38;
	v34 =	vld.idx.msk [tilespmem:v63+s2+$0x0], $0xffff  }
0xac: {  	v50 =	vor.u32 s21, v6;
	v39 =	vld.idx.msk [tilespmem:v48+s2+$0x0], $0xffff;
	[tilespmem:s0+$0x2050] =	vst v45  }
0xad: {  	[tilespmem:s4+$0x2050] =	vst v30;
	v30 =	vor.u32 s16, v7;
	v52 =	vld.idx.msk [tilespmem:v47+s2+$0x0], $0xffff  }
0xae: {  	v54 =	vor.u32 s25, v7;
	v31 =	vld.idx.msk [tilespmem:v31+s2+$0x0], $0xffff;
	[tilespmem:s7+$0x2050] =	vst v32  }
0xaf: {  	v55 =	vor.u32 s24, v7;
	v33 =	vld.idx.msk [tilespmem:v49+s2+$0x0], $0xffff;
	[tilespmem:s13+$0x2050] =	vst v51  }
0xb0: {  	v56 =	vor.u32 s5, v7;
	[tilespmem:s11+$0x2050] =	vst v34;
	v58 =	vld.idx.msk [tilespmem:v53+s2+$0x0], $0xffff  }
0xb1: {  	v59 =	vor.u32 s9, v7;
	[tilespmem:s1+$0x2060] =	vst v39;
	v35 =	vld.idx.msk [tilespmem:v50+s2+$0x0], $0xffff  }
0xb2: {  	v57 =	vor.u32 s21, v7;
	v30 =	vld.idx.msk [tilespmem:v30+s2+$0x0], $0xffff;
	[tilespmem:s0+$0x2060] =	vst v52  }
0xb3: {  	[tilespmem:s4+$0x2060] =	vst v31;
	v60 =	vld.idx.msk [tilespmem:v54+s2+$0x0], $0xffff  }
0xb4: {  	v31 =	vld.idx.msk [tilespmem:v55+s2+$0x0], $0xffff;
	[tilespmem:s7+$0x2060] =	vst v33  }
0xb5: {  	v61 =	vld.idx.msk [tilespmem:v56+s2+$0x0], $0xffff;
	[tilespmem:s13+$0x2060] =	vst v58  }
0xb6: {  	[tilespmem:s11+$0x2060] =	vst v35;
	v63 =	vld.idx.msk [tilespmem:v59+s2+$0x0], $0xffff  }
0xb7: {  	p4 =	por p3, p3;
	[tilespmem:s1+$0x2070] =	vst v30;
	v62 =	vld.idx.msk [tilespmem:v57+s2+$0x0], $0xffff  }
.Ltmp0:
0xb8: {  	[tilespmem:s0+$0x2070] =	vst v60;
	(pc) =	sbr.rel @p4 .LBB2_3-.Ltmp0, $4  }
0xb9: {  	[tilespmem:s4+$0x2070] =	vst v31  }
0xba: {  	[tilespmem:s7+$0x2070] =	vst v61  }
0xbb: {  	[tilespmem:s13+$0x2070] =	vst v63  }
0xbc: {  	p3 =	por $0x0, $0x0;
	s13 =	simm.s32 $0x10;
	[tilespmem:s11+$0x2070] =	vst v62  }
0xbd: {  	p3 =	sne.s32 s8, $0x79  }
.Ltmp1:
0xbe: {  	_ = 	snop;
	(pc) =	sbr.rel @p3 .LBB2_6-.Ltmp1, $4  }
0xbf: {  	_ = 	snop  }
0xc0: {  	s0 =	sshll.u32 s12, $0x9  }
0xc1: {  	s1 =	simm.s32 $0x2000;
	s12 =	sor.u32 $0x20, s12;
	s0 =	sadd.s32 s6, s0  }
0xc2: {  	[hbm4b:s0+s2] =	stream.linear.scatter [tilespmem:s1], [sflag:$0x3], $0x1000, $0x38;
	[tilespmem:$0x15380] =	vst v63  }
.Ltmp2:
0xc3: {  	(pc) =	sbr.rel .LBB2_7-.Ltmp2, $4  }
0xc4: {  	_ = 	snop  }
0xc5: {  	_ =	swait.ge [sflag:s22], $0x1000  }
0xc6: {  	[sflag:s22] =	ssyncset.done $0x0  }
0xc7: {  	[sflag:s22] =	ssyncadd.s32 $0xFFFFF000  }
.LBB2_6:
0xc8: {  	s0 =	sshll.u32 s12, $0x7;
	s1 =	rddreg [dreg:$0x9]  }
.Ltmp3:
0xc9: {  	s30 =	simm.s32 $0x7A1400;
	s0 =	sadd.s32 s0, s1;
	(pc) =	sbr.rel @p2 .LBB2_8-.Ltmp3, $4  }
0xca: {  	[tilespmem:s2], [sflag:$0x1] =	stream.strided.gather [hbm4b:s0+s17], $0x1000, s30, s17, $0x38;
	[tilespmem:$0x15380] =	vst v63  }
0xcb: {  	_ =	swait.ge [sflag:s22], $0x1000  }
0xcc: {  	[sflag:s22] =	ssyncset.done $0x0  }
0xcd: {  	[sflag:s22] =	ssyncadd.s32 $0xFFFFF000  }
.LBB2_7:
0xce: {  	s0 =	simm.s32 $0x4  }
0xcf: {  	_ =	swait.ge [sflag:s0], $0x1000  }
0xd0: {  	[sflag:s0] =	ssyncset.done $0x0  }
0xd1: {  	[sflag:s0] =	ssyncadd.s32 $0xFFFFF000  }
.LBB2_8:
0xd2: {  	s13 =	simm.s32 $0x0;
	p2 =	por $0x1, $0x1  }
.LBB2_9:
0xd3: {  	s0 =	sshll.u32 s13, $0x2;
	s3 =	sor.u32 $0x1, s13  }
0xd4: {  	s4 =	sor.u32 $0x2, s13;
	v30 =	vor.u32 s0, v8;
	s5 =	sshll.u32 s3, $0x2  }
0xd5: {  	s11 =	sshll.u32 s4, $0x2;
	v31 =	vor.u32 s5, v8  }
0xd6: {  	s7 =	sor.u32 $0x3, s13;
	v32 =	vor.u32 s11, v8  }
0xd7: {  	s14 =	sshll.u32 s7, $0x2  }
0xd8: {  	v33 =	vor.u32 s14, v8  }
0xd9: {  	v30 =	vld.idx.msk [tilespmem:v30+s2+$0x0], $0xffff  }
0xda: {  	v34 =	vor.u32 s0, v9;
	v31 =	vld.idx.msk [tilespmem:v31+s2+$0x0], $0xffff  }
0xdb: {  	v35 =	vor.u32 s5, v9;
	v32 =	vld.idx.msk [tilespmem:v32+s2+$0x0], $0xffff  }
0xdc: {  	s1 =	sshll.u32 s13, $0x7;
	v36 =	vor.u32 s11, v9  }
0xdd: {  	s1 =	sand.u32 $0x3FFFFF80, s1;
	s3 =	sshll.u32 s3, $0x7;
	v33 =	vld.idx.msk [tilespmem:v33+s2+$0x0], $0xffff  }
0xde: {  	s4 =	sshll.u32 s4, $0x7;
	v37 =	vor.u32 s14, v9;
	s3 =	sand.u32 $0x3FFFFF80, s3;
	[tilespmem:s1+$0x3000] =	vst v30  }
0xdf: {  	s4 =	sand.u32 $0x3FFFFF80, s4;
	v30 =	vld.idx.msk [tilespmem:v34+s2+$0x0], $0xffff;
	[tilespmem:s3+$0x3000] =	vst v31  }
0xe0: {  	s7 =	sshll.u32 s7, $0x7;
	v31 =	vor.u32 s0, v10;
	[tilespmem:s4+$0x3000] =	vst v32;
	v55 =	vld.idx.msk [tilespmem:v35+s2+$0x0], $0xffff  }
0xe1: {  	s7 =	sand.u32 $0x3FFFFF80, s7;
	v56 =	vor.u32 s5, v10;
	v57 =	vld.idx.msk [tilespmem:v36+s2+$0x0], $0xffff  }
0xe2: {  	v58 =	vor.u32 s11, v10;
	[tilespmem:s7+$0x3000] =	vst v33  }
0xe3: {  	v59 =	vld.idx.msk [tilespmem:v37+s2+$0x0], $0xffff  }
0xe4: {  	v60 =	vor.u32 s14, v10;
	[tilespmem:s1+$0x3010] =	vst v30  }
0xe5: {  	v30 =	vld.idx.msk [tilespmem:v31+s2+$0x0], $0xffff;
	[tilespmem:s3+$0x3010] =	vst v55  }
0xe6: {  	v31 =	vor.u32 s0, v11;
	[tilespmem:s4+$0x3010] =	vst v57;
	v32 =	vld.idx.msk [tilespmem:v56+s2+$0x0], $0xffff  }
0xe7: {  	v61 =	vor.u32 s5, v11;
	v33 =	vld.idx.msk [tilespmem:v58+s2+$0x0], $0xffff  }
0xe8: {  	v62 =	vor.u32 s11, v11;
	[tilespmem:s7+$0x3010] =	vst v59  }
0xe9: {  	v36 =	vld.idx.msk [tilespmem:v60+s2+$0x0], $0xffff  }
0xea: {  	v63 =	vor.u32 s14, v11;
	[tilespmem:s1+$0x3020] =	vst v30  }
0xeb: {  	v30 =	vld.idx.msk [tilespmem:v31+s2+$0x0], $0xffff;
	[tilespmem:s3+$0x3020] =	vst v32  }
0xec: {  	v31 =	vor.u32 s0, v12;
	[tilespmem:s4+$0x3020] =	vst v33;
	v32 =	vld.idx.msk [tilespmem:v61+s2+$0x0], $0xffff  }
0xed: {  	v40 =	vor.u32 s5, v12;
	v41 =	vld.idx.msk [tilespmem:v62+s2+$0x0], $0xffff  }
0xee: {  	v42 =	vor.u32 s11, v12;
	[tilespmem:s7+$0x3020] =	vst v36  }
0xef: {  	v36 =	vld.idx.msk [tilespmem:v63+s2+$0x0], $0xffff  }
0xf0: {  	v43 =	vor.u32 s14, v12;
	[tilespmem:s1+$0x3030] =	vst v30  }
0xf1: {  	v30 =	vld.idx.msk [tilespmem:v31+s2+$0x0], $0xffff;
	[tilespmem:s3+$0x3030] =	vst v32  }
0xf2: {  	v31 =	vor.u32 s0, v13;
	[tilespmem:s4+$0x3030] =	vst v41;
	v32 =	vld.idx.msk [tilespmem:v40+s2+$0x0], $0xffff  }
0xf3: {  	v44 =	vor.u32 s5, v13;
	v34 =	vld.idx.msk [tilespmem:v42+s2+$0x0], $0xffff  }
0xf4: {  	v45 =	vor.u32 s11, v13;
	[tilespmem:s7+$0x3030] =	vst v36  }
0xf5: {  	v36 =	vld.idx.msk [tilespmem:v43+s2+$0x0], $0xffff  }
0xf6: {  	v46 =	vor.u32 s14, v13;
	[tilespmem:s1+$0x3040] =	vst v30  }
0xf7: {  	v30 =	vld.idx.msk [tilespmem:v31+s2+$0x0], $0xffff;
	[tilespmem:s3+$0x3040] =	vst v32  }
0xf8: {  	v31 =	vor.u32 s0, v14;
	[tilespmem:s4+$0x3040] =	vst v34;
	v32 =	vld.idx.msk [tilespmem:v44+s2+$0x0], $0xffff  }
0xf9: {  	v47 =	vor.u32 s5, v14;
	v34 =	vld.idx.msk [tilespmem:v45+s2+$0x0], $0xffff  }
0xfa: {  	v48 =	vor.u32 s11, v14;
	[tilespmem:s7+$0x3040] =	vst v36  }
0xfb: {  	v36 =	vld.idx.msk [tilespmem:v46+s2+$0x0], $0xffff  }
0xfc: {  	v49 =	vor.u32 s14, v14;
	[tilespmem:s1+$0x3050] =	vst v30  }
0xfd: {  	s29 =	sor.u32 $0x5, s13;
	v30 =	vld.idx.msk [tilespmem:v31+s2+$0x0], $0xffff;
	[tilespmem:s3+$0x3050] =	vst v32  }
0xfe: {  	s16 =	sshll.u32 s29, $0x2;
	v31 =	vor.u32 s0, v15;
	[tilespmem:s4+$0x3050] =	vst v34;
	v32 =	vld.idx.msk [tilespmem:v47+s2+$0x0], $0xffff  }
0xff: {  	v53 =	vor.u32 s16, v8;
	v34 =	vld.idx.msk [tilespmem:v48+s2+$0x0], $0xffff  }
0x100: {  	v51 =	vor.u32 s11, v15;
	[tilespmem:s7+$0x3050] =	vst v36  }
0x101: {  	s9 =	sor.u32 $0x9, s13;
	v50 =	vor.u32 s5, v15;
	v36 =	vld.idx.msk [tilespmem:v49+s2+$0x0], $0xffff  }
0x102: {  	s19 =	sor.u32 $0x4, s13;
	s25 =	sshll.u32 s9, $0x2;
	v52 =	vor.u32 s14, v15;
	[tilespmem:s1+$0x3060] =	vst v30  }
0x103: {  	s21 =	sor.u32 $0x6, s13;
	v39 =	vor.u32 s25, v8;
	s0 =	sshll.u32 s19, $0x2;
	v31 =	vld.idx.msk [tilespmem:v31+s2+$0x0], $0xffff;
	[tilespmem:s3+$0x3060] =	vst v32  }
0x104: {  	s23 =	sor.u32 $0x7, s13;
	s5 =	sshll.u32 s21, $0x2;
	v30 =	vor.u32 s0, v8;
	[tilespmem:s4+$0x3060] =	vst v34;
	v32 =	vld.idx.msk [tilespmem:v53+s2+$0x0], $0xffff  }
0x105: {  	s11 =	sshll.u32 s23, $0x2;
	v54 =	vor.u32 s5, v8;
	v35 =	vld.idx.msk [tilespmem:v51+s2+$0x0], $0xffff  }
0x106: {  	s30 =	sor.u32 $0x8, s13;
	v55 =	vor.u32 s11, v8;
	[tilespmem:s7+$0x3060] =	vst v36;
	v33 =	vld.idx.msk [tilespmem:v50+s2+$0x0], $0xffff  }
0x107: {  	s18 =	sshll.u32 s30, $0x2;
	s14 =	sshll.u32 s29, $0x7;
	v56 =	vor.u32 s16, v9;
	v37 =	vld.idx.msk [tilespmem:v52+s2+$0x0], $0xffff  }
0x108: {  	v38 =	vor.u32 s18, v8;
	s14 =	sand.u32 $0x3FFFFF80, s14;
	v39 =	vld.idx.msk [tilespmem:v39+s2+$0x0], $0xffff;
	[tilespmem:s1+$0x3070] =	vst v31  }
0x109: {  	v59 =	vor.u32 s25, v9;
	v30 =	vld.idx.msk [tilespmem:v30+s2+$0x0], $0xffff;
	[tilespmem:s14+$0x3000] =	vst v32  }
0x10a: {  	v34 =	vld.idx.msk [tilespmem:v54+s2+$0x0], $0xffff;
	v31 =	vor.u32 s0, v9;
	[tilespmem:s4+$0x3070] =	vst v35;
	s4 =	sshll.u32 s19, $0x7;
	s19 =	sshll.u32 s21, $0x7  }
0x10b: {  	v57 =	vor.u32 s5, v9;
	v36 =	vld.idx.msk [tilespmem:v55+s2+$0x0], $0xffff;
	[tilespmem:s3+$0x3070] =	vst v33;
	s21 =	sshll.u32 s23, $0x7;
	s23 =	sshll.u32 s30, $0x7;
	s30 =	sshll.u32 s9, $0x7  }
0x10c: {  	v58 =	vor.u32 s11, v9;
	[tilespmem:s7+$0x3070] =	vst v37;
	v33 =	vld.idx.msk [tilespmem:v56+s2+$0x0], $0xffff;
	s24 =	sand.u32 $0x3FFFFF80, s19;
	s19 =	sand.u32 $0x3FFFFF80, s30  }
0x10d: {  	v38 =	vld.idx.msk [tilespmem:v38+s2+$0x0], $0xffff;
	v60 =	vor.u32 s16, v10;
	s3 =	sand.u32 $0x3FFFFF80, s4;
	[tilespmem:s19+$0x3000] =	vst v39  }
0x10e: {  	[tilespmem:s3+$0x3000] =	vst v30;
	v30 =	vor.u32 s18, v9;
	v32 =	vld.idx.msk [tilespmem:v59+s2+$0x0], $0xffff  }
0x10f: {  	v44 =	vor.u32 s25, v10;
	s29 =	sand.u32 $0x3FFFFF80, s21;
	[tilespmem:s24+$0x3000] =	vst v34;
	v31 =	vld.idx.msk [tilespmem:v31+s2+$0x0], $0xffff  }
0x110: {  	v40 =	vor.u32 s0, v10;
	[tilespmem:s29+$0x3000] =	vst v36;
	v35 =	vld.idx.msk [tilespmem:v57+s2+$0x0], $0xffff  }
0x111: {  	v61 =	vor.u32 s5, v10;
	s21 =	sand.u32 $0x3FFFFF80, s23;
	v37 =	vld.idx.msk [tilespmem:v58+s2+$0x0], $0xffff;
	[tilespmem:s14+$0x3010] =	vst v33  }
0x112: {  	v62 =	vor.u32 s11, v10;
	[tilespmem:s21+$0x3000] =	vst v38;
	v34 =	vld.idx.msk [tilespmem:v60+s2+$0x0], $0xffff  }
0x113: {  	v46 =	vor.u32 s16, v11;
	v30 =	vld.idx.msk [tilespmem:v30+s2+$0x0], $0xffff;
	[tilespmem:s19+$0x3010] =	vst v32  }
0x114: {  	[tilespmem:s3+$0x3010] =	vst v31;
	v31 =	vor.u32 s18, v10;
	v33 =	vld.idx.msk [tilespmem:v44+s2+$0x0], $0xffff  }
0x115: {  	v49 =	vor.u32 s25, v11;
	[tilespmem:s24+$0x3010] =	vst v35;
	v63 =	vld.idx.msk [tilespmem:v40+s2+$0x0], $0xffff  }
0x116: {  	v45 =	vor.u32 s0, v11;
	[tilespmem:s29+$0x3010] =	vst v37;
	v36 =	vld.idx.msk [tilespmem:v61+s2+$0x0], $0xffff  }
0x117: {  	v47 =	vor.u32 s5, v11;
	v38 =	vld.idx.msk [tilespmem:v62+s2+$0x0], $0xffff;
	[tilespmem:s14+$0x3020] =	vst v34  }
0x118: {  	v35 =	vld.idx.msk [tilespmem:v46+s2+$0x0], $0xffff;
	[tilespmem:s21+$0x3010] =	vst v30;
	v30 =	vor.u32 s11, v11  }
0x119: {  	v51 =	vor.u32 s16, v12;
	v31 =	vld.idx.msk [tilespmem:v31+s2+$0x0], $0xffff;
	[tilespmem:s19+$0x3020] =	vst v33  }
0x11a: {  	v48 =	vor.u32 s18, v11;
	[tilespmem:s3+$0x3020] =	vst v63;
	v34 =	vld.idx.msk [tilespmem:v49+s2+$0x0], $0xffff  }
0x11b: {  	v54 =	vor.u32 s25, v12;
	[tilespmem:s24+$0x3020] =	vst v36;
	v39 =	vld.idx.msk [tilespmem:v45+s2+$0x0], $0xffff  }
0x11c: {  	v50 =	vor.u32 s0, v12;
	[tilespmem:s29+$0x3020] =	vst v38;
	v37 =	vld.idx.msk [tilespmem:v47+s2+$0x0], $0xffff  }
0x11d: {  	v52 =	vor.u32 s5, v12;
	[tilespmem:s14+$0x3030] =	vst v35;
	v30 =	vld.idx.msk [tilespmem:v30+s2+$0x0], $0xffff  }
0x11e: {  	v36 =	vld.idx.msk [tilespmem:v51+s2+$0x0], $0xffff;
	[tilespmem:s21+$0x3020] =	vst v31;
	v31 =	vor.u32 s11, v12  }
0x11f: {  	v56 =	vor.u32 s16, v13;
	v32 =	vld.idx.msk [tilespmem:v48+s2+$0x0], $0xffff;
	[tilespmem:s19+$0x3030] =	vst v34  }
0x120: {  	v53 =	vor.u32 s18, v12;
	[tilespmem:s3+$0x3030] =	vst v39;
	v35 =	vld.idx.msk [tilespmem:v54+s2+$0x0], $0xffff  }
0x121: {  	v59 =	vor.u32 s25, v13;
	[tilespmem:s24+$0x3030] =	vst v37;
	v39 =	vld.idx.msk [tilespmem:v50+s2+$0x0], $0xffff  }
0x122: {  	v55 =	vor.u32 s0, v13;
	v38 =	vld.idx.msk [tilespmem:v52+s2+$0x0], $0xffff;
	[tilespmem:s29+$0x3030] =	vst v30  }
0x123: {  	v30 =	vor.u32 s5, v13;
	[tilespmem:s14+$0x3040] =	vst v36;
	v31 =	vld.idx.msk [tilespmem:v31+s2+$0x0], $0xffff  }
0x124: {  	v57 =	vor.u32 s11, v13;
	v37 =	vld.idx.msk [tilespmem:v56+s2+$0x0], $0xffff;
	[tilespmem:s21+$0x3030] =	vst v32  }
0x125: {  	v61 =	vor.u32 s16, v14;
	v33 =	vld.idx.msk [tilespmem:v53+s2+$0x0], $0xffff;
	[tilespmem:s19+$0x3040] =	vst v35  }
0x126: {  	v58 =	vor.u32 s18, v13;
	[tilespmem:s3+$0x3040] =	vst v39;
	v36 =	vld.idx.msk [tilespmem:v59+s2+$0x0], $0xffff  }
0x127: {  	v44 =	vor.u32 s25, v14;
	[tilespmem:s24+$0x3040] =	vst v38;
	v39 =	vld.idx.msk [tilespmem:v55+s2+$0x0], $0xffff  }
0x128: {  	v60 =	vor.u32 s0, v14;
	v30 =	vld.idx.msk [tilespmem:v30+s2+$0x0], $0xffff;
	[tilespmem:s29+$0x3040] =	vst v31  }
0x129: {  	v31 =	vor.u32 s5, v14;
	[tilespmem:s14+$0x3050] =	vst v37;
	v32 =	vld.idx.msk [tilespmem:v57+s2+$0x0], $0xffff  }
0x12a: {  	v38 =	vld.idx.msk [tilespmem:v61+s2+$0x0], $0xffff;
	[tilespmem:s21+$0x3040] =	vst v33  }
0x12b: {  	v62 =	vor.u32 s11, v14;
	v34 =	vld.idx.msk [tilespmem:v58+s2+$0x0], $0xffff;
	[tilespmem:s19+$0x3050] =	vst v36  }
0x12c: {  	v63 =	vor.u32 s18, v14;
	[tilespmem:s3+$0x3050] =	vst v39;
	v37 =	vld.idx.msk [tilespmem:v44+s2+$0x0], $0xffff  }
0x12d: {  	[tilespmem:s24+$0x3050] =	vst v30;
	v30 =	vor.u32 s16, v15;
	v39 =	vld.idx.msk [tilespmem:v60+s2+$0x0], $0xffff  }
0x12e: {  	v49 =	vor.u32 s25, v15;
	v31 =	vld.idx.msk [tilespmem:v31+s2+$0x0], $0xffff;
	[tilespmem:s29+$0x3050] =	vst v32  }
0x12f: {  	s7 =	sor.u32 $0xB, s13;
	v45 =	vor.u32 s0, v15;
	[tilespmem:s14+$0x3060] =	vst v38  }
0x130: {  	v46 =	vor.u32 s5, v15;
	s16 =	sshll.u32 s7, $0x2;
	v33 =	vld.idx.msk [tilespmem:v62+s2+$0x0], $0xffff;
	[tilespmem:s21+$0x3050] =	vst v34  }
0x131: {  	s4 =	sor.u32 $0xA, s13;
	v50 =	vor.u32 s16, v8;
	v35 =	vld.idx.msk [tilespmem:v63+s2+$0x0], $0xffff;
	[tilespmem:s19+$0x3060] =	vst v37  }
0x132: {  	s9 =	sor.u32 $0xC, s13;
	v47 =	vor.u32 s11, v15;
	s25 =	sshll.u32 s4, $0x2;
	v30 =	vld.idx.msk [tilespmem:v30+s2+$0x0], $0xffff;
	[tilespmem:s3+$0x3060] =	vst v39  }
0x133: {  	s0 =	sshll.u32 s9, $0x2;
	[tilespmem:s24+$0x3060] =	vst v31;
	v31 =	vor.u32 s25, v8;
	v38 =	vld.idx.msk [tilespmem:v49+s2+$0x0], $0xffff  }
0x134: {  	v51 =	vor.u32 s0, v8;
	v48 =	vor.u32 s18, v15;
	s18 =	sor.u32 $0xD, s13;
	v39 =	vld.idx.msk [tilespmem:v45+s2+$0x0], $0xffff  }
0x135: {  	s23 =	sor.u32 $0xE, s13;
	s5 =	sshll.u32 s18, $0x2;
	v32 =	vld.idx.msk [tilespmem:v46+s2+$0x0], $0xffff;
	[tilespmem:s29+$0x3060] =	vst v33  }
0x136: {  	s30 =	sor.u32 $0xF, s13;
	s11 =	sshll.u32 s23, $0x2;
	v52 =	vor.u32 s5, v8;
	v33 =	vld.idx.msk [tilespmem:v50+s2+$0x0], $0xffff;
	[tilespmem:s21+$0x3060] =	vst v35  }
0x137: {  	s13 =	sshll.u32 s30, $0x2;
	v53 =	vor.u32 s11, v8;
	v34 =	vld.idx.msk [tilespmem:v47+s2+$0x0], $0xffff;
	[tilespmem:s14+$0x3070] =	vst v30  }
0x138: {  	v30 =	vld.idx.msk [tilespmem:v31+s2+$0x0], $0xffff;
	v31 =	vor.u32 s13, v8;
	[tilespmem:s19+$0x3070] =	vst v38  }
0x139: {  	s1 =	sshll.u32 s4, $0x7;
	s4 =	sshll.u32 s7, $0x7;
	v55 =	vor.u32 s16, v9;
	v35 =	vld.idx.msk [tilespmem:v51+s2+$0x0], $0xffff;
	[tilespmem:s3+$0x3070] =	vst v39  }
0x13a: {  	s4 =	sand.u32 $0x3FFFFF80, s4;
	v54 =	vor.u32 s25, v9;
	v36 =	vld.idx.msk [tilespmem:v48+s2+$0x0], $0xffff;
	[tilespmem:s24+$0x3070] =	vst v32  }
0x13b: {  	v56 =	vor.u32 s0, v9;
	v37 =	vld.idx.msk [tilespmem:v52+s2+$0x0], $0xffff;
	[tilespmem:s4+$0x3000] =	vst v33  }
0x13c: {  	s1 =	sand.u32 $0x3FFFFF80, s1;
	v57 =	vor.u32 s5, v9;
	s7 =	sshll.u32 s9, $0x7;
	v39 =	vld.idx.msk [tilespmem:v53+s2+$0x0], $0xffff;
	[tilespmem:s29+$0x3070] =	vst v34  }
0x13d: {  	s7 =	sand.u32 $0x3FFFFF80, s7;
	[tilespmem:s1+$0x3000] =	vst v30;
	v30 =	vor.u32 s11, v9;
	v31 =	vld.idx.msk [tilespmem:v31+s2+$0x0], $0xffff  }
0x13e: {  	v58 =	vor.u32 s13, v9;
	s9 =	sshll.u32 s18, $0x7;
	v34 =	vld.idx.msk [tilespmem:v55+s2+$0x0], $0xffff;
	[tilespmem:s7+$0x3000] =	vst v35  }
0x13f: {  	v60 =	vor.u32 s16, v10;
	s19 =	sand.u32 $0x3FFFFF80, s9;
	[tilespmem:s21+$0x3070] =	vst v36;
	s21 =	sshll.u32 s23, $0x7;
	v32 =	vld.idx.msk [tilespmem:v54+s2+$0x0], $0xffff  }
0x140: {  	v59 =	vor.u32 s25, v10;
	[tilespmem:s19+$0x3000] =	vst v37;
	s29 =	sshll.u32 s30, $0x7;
	v36 =	vld.idx.msk [tilespmem:v56+s2+$0x0], $0xffff;
	s24 =	sand.u32 $0x3FFFFF80, s21  }
0x141: {  	v61 =	vor.u32 s0, v10;
	v38 =	vld.idx.msk [tilespmem:v57+s2+$0x0], $0xffff;
	s30 =	sand.u32 $0x3FFFFF80, s29;
	[tilespmem:s24+$0x3000] =	vst v39  }
0x142: {  	v62 =	vor.u32 s5, v10;
	v30 =	vld.idx.msk [tilespmem:v30+s2+$0x0], $0xffff;
	[tilespmem:s30+$0x3000] =	vst v31  }
0x143: {  	[tilespmem:s4+$0x3010] =	vst v34;
	v31 =	vor.u32 s11, v10;
	v63 =	vld.idx.msk [tilespmem:v58+s2+$0x0], $0xffff  }
0x144: {  	v45 =	vor.u32 s13, v10;
	v35 =	vld.idx.msk [tilespmem:v60+s2+$0x0], $0xffff;
	[tilespmem:s1+$0x3010] =	vst v32  }
0x145: {  	v47 =	vor.u32 s16, v11;
	[tilespmem:s7+$0x3010] =	vst v36;
	v44 =	vld.idx.msk [tilespmem:v59+s2+$0x0], $0xffff  }
0x146: {  	v46 =	vor.u32 s25, v11;
	[tilespmem:s19+$0x3010] =	vst v38;
	v37 =	vld.idx.msk [tilespmem:v61+s2+$0x0], $0xffff  }
0x147: {  	v48 =	vor.u32 s0, v11;
	v39 =	vld.idx.msk [tilespmem:v62+s2+$0x0], $0xffff;
	[tilespmem:s24+$0x3010] =	vst v30  }
0x148: {  	v30 =	vor.u32 s5, v11;
	v31 =	vld.idx.msk [tilespmem:v31+s2+$0x0], $0xffff;
	[tilespmem:s30+$0x3010] =	vst v63  }
0x149: {  	v49 =	vor.u32 s11, v11;
	[tilespmem:s4+$0x3020] =	vst v35;
	v50 =	vld.idx.msk [tilespmem:v45+s2+$0x0], $0xffff  }
0x14a: {  	v52 =	vor.u32 s13, v11;
	v36 =	vld.idx.msk [tilespmem:v47+s2+$0x0], $0xffff;
	[tilespmem:s1+$0x3020] =	vst v44  }
0x14b: {  	v54 =	vor.u32 s16, v12;
	[tilespmem:s7+$0x3020] =	vst v37;
	v51 =	vld.idx.msk [tilespmem:v46+s2+$0x0], $0xffff  }
0x14c: {  	v53 =	vor.u32 s25, v12;
	[tilespmem:s19+$0x3020] =	vst v39;
	v38 =	vld.idx.msk [tilespmem:v48+s2+$0x0], $0xffff  }
0x14d: {  	v55 =	vor.u32 s0, v12;
	v30 =	vld.idx.msk [tilespmem:v30+s2+$0x0], $0xffff;
	[tilespmem:s24+$0x3020] =	vst v31  }
0x14e: {  	v31 =	vor.u32 s5, v12;
	v32 =	vld.idx.msk [tilespmem:v49+s2+$0x0], $0xffff;
	[tilespmem:s30+$0x3020] =	vst v50  }
0x14f: {  	v56 =	vor.u32 s11, v12;
	[tilespmem:s4+$0x3030] =	vst v36;
	v57 =	vld.idx.msk [tilespmem:v52+s2+$0x0], $0xffff  }
0x150: {  	v59 =	vor.u32 s13, v12;
	v37 =	vld.idx.msk [tilespmem:v54+s2+$0x0], $0xffff;
	[tilespmem:s1+$0x3030] =	vst v51  }
0x151: {  	v61 =	vor.u32 s16, v13;
	[tilespmem:s7+$0x3030] =	vst v38;
	v58 =	vld.idx.msk [tilespmem:v53+s2+$0x0], $0xffff  }
0x152: {  	v60 =	vor.u32 s25, v13;
	v39 =	vld.idx.msk [tilespmem:v55+s2+$0x0], $0xffff;
	[tilespmem:s19+$0x3030] =	vst v30  }
0x153: {  	v30 =	vor.u32 s0, v13;
	v31 =	vld.idx.msk [tilespmem:v31+s2+$0x0], $0xffff;
	[tilespmem:s24+$0x3030] =	vst v32  }
0x154: {  	v62 =	vor.u32 s5, v13;
	v33 =	vld.idx.msk [tilespmem:v56+s2+$0x0], $0xffff;
	[tilespmem:s30+$0x3030] =	vst v57  }
0x155: {  	v63 =	vor.u32 s11, v13;
	[tilespmem:s4+$0x3040] =	vst v37;
	v44 =	vld.idx.msk [tilespmem:v59+s2+$0x0], $0xffff  }
0x156: {  	v46 =	vor.u32 s13, v13;
	v38 =	vld.idx.msk [tilespmem:v61+s2+$0x0], $0xffff;
	[tilespmem:s1+$0x3040] =	vst v58  }
0x157: {  	v48 =	vor.u32 s16, v14;
	[tilespmem:s7+$0x3040] =	vst v39;
	v45 =	vld.idx.msk [tilespmem:v60+s2+$0x0], $0xffff  }
0x158: {  	v47 =	vor.u32 s25, v14;
	v30 =	vld.idx.msk [tilespmem:v30+s2+$0x0], $0xffff;
	[tilespmem:s19+$0x3040] =	vst v31  }
0x159: {  	v31 =	vor.u32 s0, v14;
	v32 =	vld.idx.msk [tilespmem:v62+s2+$0x0], $0xffff;
	[tilespmem:s24+$0x3040] =	vst v33  }
0x15a: {  	v49 =	vor.u32 s5, v14;
	v34 =	vld.idx.msk [tilespmem:v63+s2+$0x0], $0xffff;
	[tilespmem:s30+$0x3040] =	vst v44  }
0x15b: {  	v50 =	vor.u32 s11, v14;
	[tilespmem:s4+$0x3050] =	vst v38;
	v51 =	vld.idx.msk [tilespmem:v46+s2+$0x0], $0xffff  }
0x15c: {  	v53 =	vor.u32 s13, v14;
	v39 =	vld.idx.msk [tilespmem:v48+s2+$0x0], $0xffff;
	[tilespmem:s1+$0x3050] =	vst v45  }
0x15d: {  	[tilespmem:s7+$0x3050] =	vst v30;
	v30 =	vor.u32 s16, v15;
	v52 =	vld.idx.msk [tilespmem:v47+s2+$0x0], $0xffff  }
0x15e: {  	v54 =	vor.u32 s25, v15;
	v31 =	vld.idx.msk [tilespmem:v31+s2+$0x0], $0xffff;
	[tilespmem:s19+$0x3050] =	vst v32  }
0x15f: {  	v55 =	vor.u32 s0, v15;
	v33 =	vld.idx.msk [tilespmem:v49+s2+$0x0], $0xffff;
	[tilespmem:s24+$0x3050] =	vst v34  }
0x160: {  	v56 =	vor.u32 s5, v15;
	v35 =	vld.idx.msk [tilespmem:v50+s2+$0x0], $0xffff;
	[tilespmem:s30+$0x3050] =	vst v51  }
0x161: {  	v57 =	vor.u32 s11, v15;
	[tilespmem:s4+$0x3060] =	vst v39;
	v58 =	vld.idx.msk [tilespmem:v53+s2+$0x0], $0xffff  }
0x162: {  	v59 =	vor.u32 s13, v15;
	v30 =	vld.idx.msk [tilespmem:v30+s2+$0x0], $0xffff;
	[tilespmem:s1+$0x3060] =	vst v52  }
0x163: {  	[tilespmem:s7+$0x3060] =	vst v31;
	v60 =	vld.idx.msk [tilespmem:v54+s2+$0x0], $0xffff  }
0x164: {  	v31 =	vld.idx.msk [tilespmem:v55+s2+$0x0], $0xffff;
	[tilespmem:s19+$0x3060] =	vst v33  }
0x165: {  	v61 =	vld.idx.msk [tilespmem:v56+s2+$0x0], $0xffff;
	[tilespmem:s24+$0x3060] =	vst v35  }
0x166: {  	[tilespmem:s30+$0x3060] =	vst v58;
	v62 =	vld.idx.msk [tilespmem:v57+s2+$0x0], $0xffff  }
0x167: {  	p3 =	por p2, p2;
	[tilespmem:s4+$0x3070] =	vst v30;
	v63 =	vld.idx.msk [tilespmem:v59+s2+$0x0], $0xffff  }
.Ltmp4:
0x168: {  	[tilespmem:s1+$0x3070] =	vst v60;
	(pc) =	sbr.rel @p3 .LBB2_9-.Ltmp4, $4  }
0x169: {  	[tilespmem:s7+$0x3070] =	vst v31  }
0x16a: {  	[tilespmem:s19+$0x3070] =	vst v61  }
0x16b: {  	[tilespmem:s24+$0x3070] =	vst v62  }
0x16c: {  	p2 =	por $0x0, $0x0;
	s13 =	simm.s32 $0x10;
	[tilespmem:s30+$0x3070] =	vst v63  }
0x16d: {  	s8 =	sadd.s32 $0x1, s8  }
0x16e: {  	p2 =	sne.s32 s8, $0x7A  }
.Ltmp5:
0x16f: {  	_ = 	snop;
	(pc) =	sbr.rel @p2 .LBB2_2-.Ltmp5, $4  }
0x170: {  	_ = 	snop  }
0x171: {  	s0 =	sshll.u32 s12, $0x9  }
0x172: {  	s1 =	simm.s32 $0x3000;
	s0 =	sadd.s32 s6, s0  }
0x173: {  	[hbm4b:s0+s2] =	stream.linear.scatter [tilespmem:s1], [sflag:$0x4], $0x1000, $0x38;
	[tilespmem:$0x15380] =	vst v63  }
0x174: {  	s0 =	simm.s32 $0x3  }
0x175: {  	_ =	swait.ge [sflag:s0], $0x1000  }
.Ltmp6:
0x176: {  	[sflag:s0] =	ssyncset.done $0x0;
	(pc) =	sbr.rel @p0 .LBB2_15-.Ltmp6, $4  }
0x177: {  	s30 =	simm.s32 $0x4;
	[sflag:s0] =	ssyncadd.s32 $0xFFFFF000  }
0x178: {  	_ =	swait.ge [sflag:s30], $0x1000  }
0x179: {  	[sflag:s30] =	ssyncset.done $0x0  }
0x17a: {  	[sflag:s30] =	ssyncadd.s32 $0xFFFFF000  }
0x17b: {  	s8 =	simm.s32 $0x0;
	s0 =	rddreg [dreg:$0xa];
	s1 =	simm.s32 $0x7A1400  }
0x17c: {  	[tilespmem:s8], [sflag:$0x1] =	stream.strided.gather [hbm4b:s0+s17], $0x1000, s1, s17, $0x38;
	[tilespmem:$0x15380] =	vst v63  }
0x17d: {  	_ =	swait.ge [sflag:s20], $0x1000  }
0x17e: {  	[sflag:s20] =	ssyncset.done $0x0  }
0x17f: {  	p2 =	por $0x1, $0x1;
	s30 =	rddreg [dreg:$0x5];
	[sflag:s20] =	ssyncadd.s32 $0xFFFFF000  }
.LBB2_13:
0x180: {  	s0 =	sshll.u32 s8, $0x2  }
0x181: {  	s3 =	sor.u32 $0x1, s8;
	v30 =	vor.u32 s0, v0  }
0x182: {  	s4 =	sor.u32 $0x2, s8;
	s5 =	sshll.u32 s3, $0x2  }
0x183: {  	s11 =	sshll.u32 s4, $0x2;
	v31 =	vor.u32 s5, v0  }
0x184: {  	s7 =	sor.u32 $0x3, s8;
	v32 =	vor.u32 s11, v0  }
0x185: {  	s12 =	sshll.u32 s7, $0x2  }
0x186: {  	v33 =	vor.u32 s12, v0;
	v30 =	vld.idx.msk [tilespmem:v30+s2+$0x0], $0xffff  }
0x187: {  	v34 =	vor.u32 s0, v1  }
0x188: {  	v31 =	vld.idx.msk [tilespmem:v31+s2+$0x0], $0xffff  }
0x189: {  	s1 =	sshll.u32 s8, $0x7;
	v35 =	vor.u32 s5, v1;
	v32 =	vld.idx.msk [tilespmem:v32+s2+$0x0], $0xffff  }
0x18a: {  	s1 =	sand.u32 $0x3FFFFF80, s1;
	v36 =	vor.u32 s11, v1  }
0x18b: {  	s3 =	sshll.u32 s3, $0x7;
	v33 =	vld.idx.msk [tilespmem:v33+s2+$0x0], $0xffff;
	[tilespmem:s1+$0x2000] =	vst v30  }
0x18c: {  	s4 =	sshll.u32 s4, $0x7;
	v37 =	vor.u32 s12, v1;
	s3 =	sand.u32 $0x3FFFFF80, s3;
	v30 =	vld.idx.msk [tilespmem:v34+s2+$0x0], $0xffff  }
0x18d: {  	s4 =	sand.u32 $0x3FFFFF80, s4;
	[tilespmem:s3+$0x2000] =	vst v31;
	v31 =	vor.u32 s0, v2  }
0x18e: {  	s7 =	sshll.u32 s7, $0x7;
	[tilespmem:s4+$0x2000] =	vst v32;
	v55 =	vld.idx.msk [tilespmem:v35+s2+$0x0], $0xffff  }
0x18f: {  	s7 =	sand.u32 $0x3FFFFF80, s7;
	v56 =	vor.u32 s5, v2;
	v57 =	vld.idx.msk [tilespmem:v36+s2+$0x0], $0xffff  }
0x190: {  	v58 =	vor.u32 s11, v2;
	[tilespmem:s7+$0x2000] =	vst v33  }
0x191: {  	v59 =	vld.idx.msk [tilespmem:v37+s2+$0x0], $0xffff;
	[tilespmem:s1+$0x2010] =	vst v30  }
0x192: {  	v60 =	vor.u32 s12, v2;
	v30 =	vld.idx.msk [tilespmem:v31+s2+$0x0], $0xffff  }
0x193: {  	[tilespmem:s3+$0x2010] =	vst v55;
	v31 =	vor.u32 s0, v3  }
0x194: {  	[tilespmem:s4+$0x2010] =	vst v57;
	v32 =	vld.idx.msk [tilespmem:v56+s2+$0x0], $0xffff  }
0x195: {  	v61 =	vor.u32 s5, v3;
	v33 =	vld.idx.msk [tilespmem:v58+s2+$0x0], $0xffff  }
0x196: {  	v62 =	vor.u32 s11, v3;
	[tilespmem:s7+$0x2010] =	vst v59  }
0x197: {  	v36 =	vld.idx.msk [tilespmem:v60+s2+$0x0], $0xffff;
	[tilespmem:s1+$0x2020] =	vst v30  }
0x198: {  	v63 =	vor.u32 s12, v3;
	v30 =	vld.idx.msk [tilespmem:v31+s2+$0x0], $0xffff  }
0x199: {  	[tilespmem:s3+$0x2020] =	vst v32;
	v31 =	vor.u32 s0, v4  }
0x19a: {  	[tilespmem:s4+$0x2020] =	vst v33;
	v32 =	vld.idx.msk [tilespmem:v61+s2+$0x0], $0xffff  }
0x19b: {  	v40 =	vor.u32 s5, v4;
	v41 =	vld.idx.msk [tilespmem:v62+s2+$0x0], $0xffff  }
0x19c: {  	v42 =	vor.u32 s11, v4;
	[tilespmem:s7+$0x2020] =	vst v36  }
0x19d: {  	v36 =	vld.idx.msk [tilespmem:v63+s2+$0x0], $0xffff;
	[tilespmem:s1+$0x2030] =	vst v30  }
0x19e: {  	v43 =	vor.u32 s12, v4;
	v30 =	vld.idx.msk [tilespmem:v31+s2+$0x0], $0xffff  }
0x19f: {  	[tilespmem:s3+$0x2030] =	vst v32;
	v31 =	vor.u32 s0, v5  }
0x1a0: {  	[tilespmem:s4+$0x2030] =	vst v41;
	v32 =	vld.idx.msk [tilespmem:v40+s2+$0x0], $0xffff  }
0x1a1: {  	v44 =	vor.u32 s5, v5;
	v34 =	vld.idx.msk [tilespmem:v42+s2+$0x0], $0xffff  }
0x1a2: {  	v45 =	vor.u32 s11, v5;
	[tilespmem:s7+$0x2030] =	vst v36  }
0x1a3: {  	v36 =	vld.idx.msk [tilespmem:v43+s2+$0x0], $0xffff;
	[tilespmem:s1+$0x2040] =	vst v30  }
0x1a4: {  	v46 =	vor.u32 s12, v5;
	v30 =	vld.idx.msk [tilespmem:v31+s2+$0x0], $0xffff  }
0x1a5: {  	[tilespmem:s3+$0x2040] =	vst v32;
	v31 =	vor.u32 s0, v6  }
0x1a6: {  	[tilespmem:s4+$0x2040] =	vst v34;
	v32 =	vld.idx.msk [tilespmem:v44+s2+$0x0], $0xffff  }
0x1a7: {  	v47 =	vor.u32 s5, v6;
	v34 =	vld.idx.msk [tilespmem:v45+s2+$0x0], $0xffff  }
0x1a8: {  	v48 =	vor.u32 s11, v6;
	[tilespmem:s7+$0x2040] =	vst v36  }
0x1a9: {  	v36 =	vld.idx.msk [tilespmem:v46+s2+$0x0], $0xffff;
	[tilespmem:s1+$0x2050] =	vst v30  }
0x1aa: {  	s29 =	sor.u32 $0x5, s8;
	v49 =	vor.u32 s12, v6;
	v30 =	vld.idx.msk [tilespmem:v31+s2+$0x0], $0xffff  }
0x1ab: {  	s16 =	sor.u32 $0x6, s8;
	s13 =	sshll.u32 s29, $0x2;
	[tilespmem:s3+$0x2050] =	vst v32;
	v31 =	vor.u32 s0, v7  }
0x1ac: {  	v50 =	vor.u32 s5, v7;
	v53 =	vor.u32 s13, v0;
	s5 =	sshll.u32 s16, $0x2;
	[tilespmem:s4+$0x2050] =	vst v34;
	v32 =	vld.idx.msk [tilespmem:v47+s2+$0x0], $0xffff  }
0x1ad: {  	v54 =	vor.u32 s5, v0;
	v34 =	vld.idx.msk [tilespmem:v48+s2+$0x0], $0xffff  }
0x1ae: {  	s9 =	sor.u32 $0x4, s8;
	[tilespmem:s7+$0x2050] =	vst v36  }
0x1af: {  	s23 =	sor.u32 $0x9, s8;
	v51 =	vor.u32 s11, v7;
	s0 =	sshll.u32 s9, $0x2;
	v36 =	vld.idx.msk [tilespmem:v49+s2+$0x0], $0xffff;
	[tilespmem:s1+$0x2060] =	vst v30  }
0x1b0: {  	s19 =	sor.u32 $0x7, s8;
	s14 =	sshll.u32 s23, $0x2;
	v30 =	vor.u32 s0, v0;
	v31 =	vld.idx.msk [tilespmem:v31+s2+$0x0], $0xffff  }
0x1b1: {  	s11 =	sshll.u32 s19, $0x2;
	v39 =	vor.u32 s14, v0;
	[tilespmem:s3+$0x2060] =	vst v32;
	v32 =	vld.idx.msk [tilespmem:v53+s2+$0x0], $0xffff  }
0x1b2: {  	v55 =	vor.u32 s11, v0;
	[tilespmem:s4+$0x2060] =	vst v34;
	v34 =	vld.idx.msk [tilespmem:v54+s2+$0x0], $0xffff  }
0x1b3: {  	s21 =	sor.u32 $0x8, s8;
	v52 =	vor.u32 s12, v7;
	v33 =	vld.idx.msk [tilespmem:v50+s2+$0x0], $0xffff  }
0x1b4: {  	s18 =	sshll.u32 s21, $0x2;
	s12 =	sshll.u32 s29, $0x7;
	v56 =	vor.u32 s13, v1;
	[tilespmem:s7+$0x2060] =	vst v36;
	v35 =	vld.idx.msk [tilespmem:v51+s2+$0x0], $0xffff  }
0x1b5: {  	v38 =	vor.u32 s18, v0;
	s16 =	sshll.u32 s16, $0x7;
	s12 =	sand.u32 $0x3FFFFF80, s12;
	v30 =	vld.idx.msk [tilespmem:v30+s2+$0x0], $0xffff;
	[tilespmem:s1+$0x2070] =	vst v31  }
0x1b6: {  	s16 =	sand.u32 $0x3FFFFF80, s16;
	v39 =	vld.idx.msk [tilespmem:v39+s2+$0x0], $0xffff;
	v31 =	vor.u32 s0, v1;
	[tilespmem:s12+$0x2000] =	vst v32  }
0x1b7: {  	v59 =	vor.u32 s14, v1;
	v36 =	vld.idx.msk [tilespmem:v55+s2+$0x0], $0xffff;
	[tilespmem:s16+$0x2000] =	vst v34  }
0x1b8: {  	v57 =	vor.u32 s5, v1;
	s9 =	sshll.u32 s9, $0x7;
	v37 =	vld.idx.msk [tilespmem:v52+s2+$0x0], $0xffff;
	[tilespmem:s3+$0x2070] =	vst v33  }
0x1b9: {  	s29 =	sshll.u32 s23, $0x7;
	v58 =	vor.u32 s11, v1;
	[tilespmem:s4+$0x2070] =	vst v35;
	s3 =	sand.u32 $0x3FFFFF80, s9;
	v33 =	vld.idx.msk [tilespmem:v56+s2+$0x0], $0xffff  }
0x1ba: {  	s24 =	sshll.u32 s19, $0x7;
	v38 =	vld.idx.msk [tilespmem:v38+s2+$0x0], $0xffff;
	v60 =	vor.u32 s13, v2;
	s4 =	sand.u32 $0x3FFFFF80, s29;
	[tilespmem:s3+$0x2000] =	vst v30  }
0x1bb: {  	s24 =	sand.u32 $0x3FFFFF80, s24;
	[tilespmem:s4+$0x2000] =	vst v39;
	v30 =	vor.u32 s18, v1;
	v31 =	vld.idx.msk [tilespmem:v31+s2+$0x0], $0xffff  }
0x1bc: {  	v40 =	vor.u32 s0, v2;
	[tilespmem:s24+$0x2000] =	vst v36;
	v32 =	vld.idx.msk [tilespmem:v59+s2+$0x0], $0xffff  }
0x1bd: {  	s25 =	sshll.u32 s21, $0x7;
	v44 =	vor.u32 s14, v2;
	[tilespmem:s7+$0x2070] =	vst v37;
	v35 =	vld.idx.msk [tilespmem:v57+s2+$0x0], $0xffff  }
0x1be: {  	s21 =	sand.u32 $0x3FFFFF80, s25;
	v61 =	vor.u32 s5, v2;
	v37 =	vld.idx.msk [tilespmem:v58+s2+$0x0], $0xffff;
	[tilespmem:s12+$0x2010] =	vst v33  }
0x1bf: {  	[tilespmem:s21+$0x2000] =	vst v38;
	v62 =	vor.u32 s11, v2;
	v34 =	vld.idx.msk [tilespmem:v60+s2+$0x0], $0xffff  }
0x1c0: {  	v46 =	vor.u32 s13, v3;
	v30 =	vld.idx.msk [tilespmem:v30+s2+$0x0], $0xffff;
	[tilespmem:s3+$0x2010] =	vst v31  }
0x1c1: {  	[tilespmem:s4+$0x2010] =	vst v32;
	v31 =	vor.u32 s18, v2;
	v63 =	vld.idx.msk [tilespmem:v40+s2+$0x0], $0xffff  }
0x1c2: {  	v45 =	vor.u32 s0, v3;
	[tilespmem:s16+$0x2010] =	vst v35;
	v33 =	vld.idx.msk [tilespmem:v44+s2+$0x0], $0xffff  }
0x1c3: {  	v49 =	vor.u32 s14, v3;
	[tilespmem:s24+$0x2010] =	vst v37;
	v36 =	vld.idx.msk [tilespmem:v61+s2+$0x0], $0xffff  }
0x1c4: {  	v47 =	vor.u32 s5, v3;
	v38 =	vld.idx.msk [tilespmem:v62+s2+$0x0], $0xffff;
	[tilespmem:s12+$0x2020] =	vst v34  }
0x1c5: {  	v35 =	vld.idx.msk [tilespmem:v46+s2+$0x0], $0xffff;
	[tilespmem:s21+$0x2010] =	vst v30;
	v30 =	vor.u32 s11, v3  }
0x1c6: {  	v51 =	vor.u32 s13, v4;
	v31 =	vld.idx.msk [tilespmem:v31+s2+$0x0], $0xffff;
	[tilespmem:s3+$0x2020] =	vst v63  }
0x1c7: {  	v48 =	vor.u32 s18, v3;
	[tilespmem:s4+$0x2020] =	vst v33;
	v39 =	vld.idx.msk [tilespmem:v45+s2+$0x0], $0xffff  }
0x1c8: {  	v50 =	vor.u32 s0, v4;
	[tilespmem:s16+$0x2020] =	vst v36;
	v34 =	vld.idx.msk [tilespmem:v49+s2+$0x0], $0xffff  }
0x1c9: {  	v54 =	vor.u32 s14, v4;
	[tilespmem:s24+$0x2020] =	vst v38;
	v37 =	vld.idx.msk [tilespmem:v47+s2+$0x0], $0xffff  }
0x1ca: {  	v52 =	vor.u32 s5, v4;
	[tilespmem:s12+$0x2030] =	vst v35;
	v30 =	vld.idx.msk [tilespmem:v30+s2+$0x0], $0xffff  }
0x1cb: {  	v36 =	vld.idx.msk [tilespmem:v51+s2+$0x0], $0xffff;
	[tilespmem:s21+$0x2020] =	vst v31;
	v31 =	vor.u32 s11, v4  }
0x1cc: {  	v56 =	vor.u32 s13, v5;
	v32 =	vld.idx.msk [tilespmem:v48+s2+$0x0], $0xffff;
	[tilespmem:s3+$0x2030] =	vst v39  }
0x1cd: {  	v53 =	vor.u32 s18, v4;
	[tilespmem:s4+$0x2030] =	vst v34;
	v39 =	vld.idx.msk [tilespmem:v50+s2+$0x0], $0xffff  }
0x1ce: {  	v55 =	vor.u32 s0, v5;
	[tilespmem:s16+$0x2030] =	vst v37;
	v35 =	vld.idx.msk [tilespmem:v54+s2+$0x0], $0xffff  }
0x1cf: {  	v59 =	vor.u32 s14, v5;
	v38 =	vld.idx.msk [tilespmem:v52+s2+$0x0], $0xffff;
	[tilespmem:s24+$0x2030] =	vst v30  }
0x1d0: {  	v30 =	vor.u32 s5, v5;
	[tilespmem:s12+$0x2040] =	vst v36;
	v31 =	vld.idx.msk [tilespmem:v31+s2+$0x0], $0xffff  }
0x1d1: {  	v57 =	vor.u32 s11, v5;
	v37 =	vld.idx.msk [tilespmem:v56+s2+$0x0], $0xffff;
	[tilespmem:s21+$0x2030] =	vst v32  }
0x1d2: {  	v61 =	vor.u32 s13, v6;
	v33 =	vld.idx.msk [tilespmem:v53+s2+$0x0], $0xffff;
	[tilespmem:s3+$0x2040] =	vst v39  }
0x1d3: {  	v58 =	vor.u32 s18, v5;
	[tilespmem:s4+$0x2040] =	vst v35;
	v39 =	vld.idx.msk [tilespmem:v55+s2+$0x0], $0xffff  }
0x1d4: {  	v60 =	vor.u32 s0, v6;
	[tilespmem:s16+$0x2040] =	vst v38;
	v36 =	vld.idx.msk [tilespmem:v59+s2+$0x0], $0xffff  }
0x1d5: {  	v44 =	vor.u32 s14, v6;
	v30 =	vld.idx.msk [tilespmem:v30+s2+$0x0], $0xffff;
	[tilespmem:s24+$0x2040] =	vst v31  }
0x1d6: {  	v31 =	vor.u32 s5, v6;
	[tilespmem:s12+$0x2050] =	vst v37;
	v32 =	vld.idx.msk [tilespmem:v57+s2+$0x0], $0xffff  }
0x1d7: {  	v38 =	vld.idx.msk [tilespmem:v61+s2+$0x0], $0xffff;
	[tilespmem:s21+$0x2040] =	vst v33  }
0x1d8: {  	v62 =	vor.u32 s11, v6;
	v34 =	vld.idx.msk [tilespmem:v58+s2+$0x0], $0xffff;
	[tilespmem:s3+$0x2050] =	vst v39  }
0x1d9: {  	v63 =	vor.u32 s18, v6;
	[tilespmem:s4+$0x2050] =	vst v36;
	v39 =	vld.idx.msk [tilespmem:v60+s2+$0x0], $0xffff  }
0x1da: {  	v45 =	vor.u32 s0, v7;
	v37 =	vld.idx.msk [tilespmem:v44+s2+$0x0], $0xffff;
	[tilespmem:s16+$0x2050] =	vst v30  }
0x1db: {  	v30 =	vor.u32 s13, v7;
	v31 =	vld.idx.msk [tilespmem:v31+s2+$0x0], $0xffff;
	[tilespmem:s24+$0x2050] =	vst v32  }
0x1dc: {  	s9 =	sor.u32 $0xB, s8;
	v49 =	vor.u32 s14, v7;
	[tilespmem:s12+$0x2060] =	vst v38  }
0x1dd: {  	v46 =	vor.u32 s5, v7;
	s14 =	sshll.u32 s9, $0x2;
	v33 =	vld.idx.msk [tilespmem:v62+s2+$0x0], $0xffff;
	[tilespmem:s21+$0x2050] =	vst v34  }
0x1de: {  	s7 =	sor.u32 $0xA, s8;
	v50 =	vor.u32 s14, v0;
	v35 =	vld.idx.msk [tilespmem:v63+s2+$0x0], $0xffff;
	[tilespmem:s3+$0x2060] =	vst v39  }
0x1df: {  	v47 =	vor.u32 s11, v7;
	v48 =	vor.u32 s18, v7;
	s18 =	sor.u32 $0xC, s8;
	s13 =	sshll.u32 s7, $0x2;
	[tilespmem:s4+$0x2060] =	vst v37;
	v39 =	vld.idx.msk [tilespmem:v45+s2+$0x0], $0xffff  }
0x1e0: {  	s0 =	sshll.u32 s18, $0x2;
	v30 =	vld.idx.msk [tilespmem:v30+s2+$0x0], $0xffff;
	[tilespmem:s16+$0x2060] =	vst v31;
	v31 =	vor.u32 s13, v0  }
0x1e1: {  	s23 =	sor.u32 $0xD, s8;
	v51 =	vor.u32 s0, v0;
	v38 =	vld.idx.msk [tilespmem:v49+s2+$0x0], $0xffff  }
0x1e2: {  	s25 =	sor.u32 $0xE, s8;
	s5 =	sshll.u32 s23, $0x2;
	v32 =	vld.idx.msk [tilespmem:v46+s2+$0x0], $0xffff;
	[tilespmem:s24+$0x2060] =	vst v33  }
0x1e3: {  	s29 =	sor.u32 $0xF, s8;
	s11 =	sshll.u32 s25, $0x2;
	v52 =	vor.u32 s5, v0;
	v33 =	vld.idx.msk [tilespmem:v50+s2+$0x0], $0xffff;
	[tilespmem:s21+$0x2060] =	vst v35  }
0x1e4: {  	v53 =	vor.u32 s11, v0;
	v34 =	vld.idx.msk [tilespmem:v47+s2+$0x0], $0xffff;
	[tilespmem:s3+$0x2070] =	vst v39;
	s3 =	sshll.u32 s29, $0x2  }
0x1e5: {  	[tilespmem:s12+$0x2070] =	vst v30;
	v30 =	vld.idx.msk [tilespmem:v31+s2+$0x0], $0xffff;
	v31 =	vor.u32 s3, v0  }
0x1e6: {  	v55 =	vor.u32 s14, v1;
	v35 =	vld.idx.msk [tilespmem:v51+s2+$0x0], $0xffff;
	[tilespmem:s4+$0x2070] =	vst v38;
	s4 =	sshll.u32 s9, $0x7  }
0x1e7: {  	v54 =	vor.u32 s13, v1;
	v36 =	vld.idx.msk [tilespmem:v48+s2+$0x0], $0xffff;
	s4 =	sand.u32 $0x3FFFFF80, s4;
	[tilespmem:s16+$0x2070] =	vst v32  }
0x1e8: {  	s1 =	sshll.u32 s7, $0x7;
	v56 =	vor.u32 s0, v1;
	v37 =	vld.idx.msk [tilespmem:v52+s2+$0x0], $0xffff;
	[tilespmem:s4+$0x2000] =	vst v33  }
0x1e9: {  	s1 =	sand.u32 $0x3FFFFF80, s1;
	v57 =	vor.u32 s5, v1;
	s7 =	sshll.u32 s18, $0x7;
	v39 =	vld.idx.msk [tilespmem:v53+s2+$0x0], $0xffff;
	[tilespmem:s24+$0x2070] =	vst v34  }
0x1ea: {  	s7 =	sand.u32 $0x3FFFFF80, s7;
	[tilespmem:s1+$0x2000] =	vst v30;
	v30 =	vor.u32 s11, v1;
	v31 =	vld.idx.msk [tilespmem:v31+s2+$0x0], $0xffff  }
0x1eb: {  	s19 =	sshll.u32 s23, $0x7;
	v58 =	vor.u32 s3, v1;
	v34 =	vld.idx.msk [tilespmem:v55+s2+$0x0], $0xffff;
	[tilespmem:s7+$0x2000] =	vst v35  }
0x1ec: {  	s8 =	sand.u32 $0x3FFFFF80, s19;
	v60 =	vor.u32 s14, v2;
	[tilespmem:s21+$0x2070] =	vst v36;
	s21 =	sshll.u32 s25, $0x7;
	v32 =	vld.idx.msk [tilespmem:v54+s2+$0x0], $0xffff  }
0x1ed: {  	v59 =	vor.u32 s13, v2;
	[tilespmem:s8+$0x2000] =	vst v37;
	v36 =	vld.idx.msk [tilespmem:v56+s2+$0x0], $0xffff;
	s25 =	sshll.u32 s29, $0x7;
	s24 =	sand.u32 $0x3FFFFF80, s21  }
0x1ee: {  	v61 =	vor.u32 s0, v2;
	v38 =	vld.idx.msk [tilespmem:v57+s2+$0x0], $0xffff;
	s29 =	sand.u32 $0x3FFFFF80, s25;
	[tilespmem:s24+$0x2000] =	vst v39  }
0x1ef: {  	v62 =	vor.u32 s5, v2;
	v30 =	vld.idx.msk [tilespmem:v30+s2+$0x0], $0xffff;
	[tilespmem:s29+$0x2000] =	vst v31  }
0x1f0: {  	[tilespmem:s4+$0x2010] =	vst v34;
	v31 =	vor.u32 s11, v2;
	v63 =	vld.idx.msk [tilespmem:v58+s2+$0x0], $0xffff  }
0x1f1: {  	v45 =	vor.u32 s3, v2;
	v35 =	vld.idx.msk [tilespmem:v60+s2+$0x0], $0xffff;
	[tilespmem:s1+$0x2010] =	vst v32  }
0x1f2: {  	v47 =	vor.u32 s14, v3;
	[tilespmem:s7+$0x2010] =	vst v36;
	v44 =	vld.idx.msk [tilespmem:v59+s2+$0x0], $0xffff  }
0x1f3: {  	v46 =	vor.u32 s13, v3;
	[tilespmem:s8+$0x2010] =	vst v38;
	v37 =	vld.idx.msk [tilespmem:v61+s2+$0x0], $0xffff  }
0x1f4: {  	v48 =	vor.u32 s0, v3;
	v39 =	vld.idx.msk [tilespmem:v62+s2+$0x0], $0xffff;
	[tilespmem:s24+$0x2010] =	vst v30  }
0x1f5: {  	v30 =	vor.u32 s5, v3;
	v31 =	vld.idx.msk [tilespmem:v31+s2+$0x0], $0xffff;
	[tilespmem:s29+$0x2010] =	vst v63  }
0x1f6: {  	v49 =	vor.u32 s11, v3;
	[tilespmem:s4+$0x2020] =	vst v35;
	v50 =	vld.idx.msk [tilespmem:v45+s2+$0x0], $0xffff  }
0x1f7: {  	v52 =	vor.u32 s3, v3;
	v36 =	vld.idx.msk [tilespmem:v47+s2+$0x0], $0xffff;
	[tilespmem:s1+$0x2020] =	vst v44  }
0x1f8: {  	v54 =	vor.u32 s14, v4;
	[tilespmem:s7+$0x2020] =	vst v37;
	v51 =	vld.idx.msk [tilespmem:v46+s2+$0x0], $0xffff  }
0x1f9: {  	v53 =	vor.u32 s13, v4;
	[tilespmem:s8+$0x2020] =	vst v39;
	v38 =	vld.idx.msk [tilespmem:v48+s2+$0x0], $0xffff  }
0x1fa: {  	v55 =	vor.u32 s0, v4;
	v30 =	vld.idx.msk [tilespmem:v30+s2+$0x0], $0xffff;
	[tilespmem:s24+$0x2020] =	vst v31  }
0x1fb: {  	v31 =	vor.u32 s5, v4;
	v32 =	vld.idx.msk [tilespmem:v49+s2+$0x0], $0xffff;
	[tilespmem:s29+$0x2020] =	vst v50  }
0x1fc: {  	v56 =	vor.u32 s11, v4;
	[tilespmem:s4+$0x2030] =	vst v36;
	v57 =	vld.idx.msk [tilespmem:v52+s2+$0x0], $0xffff  }
0x1fd: {  	v59 =	vor.u32 s3, v4;
	v37 =	vld.idx.msk [tilespmem:v54+s2+$0x0], $0xffff;
	[tilespmem:s1+$0x2030] =	vst v51  }
0x1fe: {  	v61 =	vor.u32 s14, v5;
	[tilespmem:s7+$0x2030] =	vst v38;
	v58 =	vld.idx.msk [tilespmem:v53+s2+$0x0], $0xffff  }
0x1ff: {  	v60 =	vor.u32 s13, v5;
	v39 =	vld.idx.msk [tilespmem:v55+s2+$0x0], $0xffff;
	[tilespmem:s8+$0x2030] =	vst v30  }
0x200: {  	v30 =	vor.u32 s0, v5;
	v31 =	vld.idx.msk [tilespmem:v31+s2+$0x0], $0xffff;
	[tilespmem:s24+$0x2030] =	vst v32  }
0x201: {  	v62 =	vor.u32 s5, v5;
	v33 =	vld.idx.msk [tilespmem:v56+s2+$0x0], $0xffff;
	[tilespmem:s29+$0x2030] =	vst v57  }
0x202: {  	v63 =	vor.u32 s11, v5;
	[tilespmem:s4+$0x2040] =	vst v37;
	v44 =	vld.idx.msk [tilespmem:v59+s2+$0x0], $0xffff  }
0x203: {  	v46 =	vor.u32 s3, v5;
	v38 =	vld.idx.msk [tilespmem:v61+s2+$0x0], $0xffff;
	[tilespmem:s1+$0x2040] =	vst v58  }
0x204: {  	v48 =	vor.u32 s14, v6;
	[tilespmem:s7+$0x2040] =	vst v39;
	v45 =	vld.idx.msk [tilespmem:v60+s2+$0x0], $0xffff  }
0x205: {  	v47 =	vor.u32 s13, v6;
	v30 =	vld.idx.msk [tilespmem:v30+s2+$0x0], $0xffff;
	[tilespmem:s8+$0x2040] =	vst v31  }
0x206: {  	v31 =	vor.u32 s0, v6;
	v32 =	vld.idx.msk [tilespmem:v62+s2+$0x0], $0xffff;
	[tilespmem:s24+$0x2040] =	vst v33  }
0x207: {  	v49 =	vor.u32 s5, v6;
	v34 =	vld.idx.msk [tilespmem:v63+s2+$0x0], $0xffff;
	[tilespmem:s29+$0x2040] =	vst v44  }
0x208: {  	v50 =	vor.u32 s11, v6;
	[tilespmem:s4+$0x2050] =	vst v38;
	v51 =	vld.idx.msk [tilespmem:v46+s2+$0x0], $0xffff  }
0x209: {  	v53 =	vor.u32 s3, v6;
	v39 =	vld.idx.msk [tilespmem:v48+s2+$0x0], $0xffff;
	[tilespmem:s1+$0x2050] =	vst v45  }
0x20a: {  	[tilespmem:s7+$0x2050] =	vst v30;
	v30 =	vor.u32 s14, v7;
	v52 =	vld.idx.msk [tilespmem:v47+s2+$0x0], $0xffff  }
0x20b: {  	v54 =	vor.u32 s13, v7;
	v31 =	vld.idx.msk [tilespmem:v31+s2+$0x0], $0xffff;
	[tilespmem:s8+$0x2050] =	vst v32  }
0x20c: {  	v55 =	vor.u32 s0, v7;
	v33 =	vld.idx.msk [tilespmem:v49+s2+$0x0], $0xffff;
	[tilespmem:s24+$0x2050] =	vst v34  }
0x20d: {  	v56 =	vor.u32 s5, v7;
	v35 =	vld.idx.msk [tilespmem:v50+s2+$0x0], $0xffff;
	[tilespmem:s29+$0x2050] =	vst v51  }
0x20e: {  	v57 =	vor.u32 s11, v7;
	[tilespmem:s4+$0x2060] =	vst v39;
	v58 =	vld.idx.msk [tilespmem:v53+s2+$0x0], $0xffff  }
0x20f: {  	v59 =	vor.u32 s3, v7;
	v30 =	vld.idx.msk [tilespmem:v30+s2+$0x0], $0xffff;
	[tilespmem:s1+$0x2060] =	vst v52  }
0x210: {  	v60 =	vld.idx.msk [tilespmem:v54+s2+$0x0], $0xffff;
	[tilespmem:s7+$0x2060] =	vst v31  }
0x211: {  	v31 =	vld.idx.msk [tilespmem:v55+s2+$0x0], $0xffff;
	[tilespmem:s8+$0x2060] =	vst v33  }
0x212: {  	v61 =	vld.idx.msk [tilespmem:v56+s2+$0x0], $0xffff;
	[tilespmem:s24+$0x2060] =	vst v35  }
0x213: {  	v62 =	vld.idx.msk [tilespmem:v57+s2+$0x0], $0xffff;
	[tilespmem:s29+$0x2060] =	vst v58  }
0x214: {  	p3 =	por p2, p2;
	[tilespmem:s4+$0x2070] =	vst v30;
	v63 =	vld.idx.msk [tilespmem:v59+s2+$0x0], $0xffff  }
.Ltmp7:
0x215: {  	[tilespmem:s1+$0x2070] =	vst v60;
	(pc) =	sbr.rel @p3 .LBB2_13-.Ltmp7, $4  }
0x216: {  	[tilespmem:s7+$0x2070] =	vst v31  }
0x217: {  	[tilespmem:s8+$0x2070] =	vst v61  }
0x218: {  	[tilespmem:s24+$0x2070] =	vst v62  }
0x219: {  	p2 =	por $0x0, $0x0;
	s8 =	simm.s32 $0x10;
	[tilespmem:s29+$0x2070] =	vst v63  }
0x21a: {  	s0 =	rddreg [dreg:$0xb];
	s1 =	simm.s32 $0x2000  }
0x21b: {  	[hbm4b:s0+s2] =	stream.linear.scatter [tilespmem:s1], [sflag:$0x3], $0x1000, $0x38;
	[tilespmem:$0x15380] =	vst v63  }
.Ltmp8:
0x21c: {  	s29 =	simm.s32 $0x3;
	(pc) =	sbr.rel .LBB2_16-.Ltmp8, $4  }
0x21d: {  	_ =	swait.ge [sflag:s29], $0x1000  }
0x21e: {  	[sflag:s29] =	ssyncset.done $0x0  }
0x21f: {  	[sflag:s29] =	ssyncadd.s32 $0xFFFFF000  }
0x220: {  	s23 =	rddreg [dreg:$0x3]  }
.LBB2_15:
0x221: {  	s0 =	simm.s32 @!p1 $0x0;
	s1 =	simm.s32 @!p1 $0x2000;
	s3 =	rddreg [dreg:$0x6]  }
0x222: {  	[tilespmem:s1], [sflag:$0x9] =	stream.linear.gather @!p1 [hbm4b:s3+s0], $0x800, $0x38;
	[tilespmem:$0x15380] =	vst v63  }
0x223: {  	s3 =	simm.s32 @!p1 $0x9  }
0x224: {  	_ =	swait.ge @!p1 [sflag:s3], $0x800  }
0x225: {  	[sflag:s3] =	ssyncset.done @!p1 $0x0  }
0x226: {  	s4 =	rddreg [dreg:$0xc];
	[sflag:s3] =	ssyncadd.s32 @!p1 $0xFFFFF800  }
0x227: {  	[hbm4b:s4+s0] =	stream.linear.scatter @!p1 [tilespmem:s1], [sflag:$0x9], $0x800, $0x38;
	[tilespmem:$0x15380] =	vst v63  }
0x228: {  	_ =	swait.ge @!p1 [sflag:s3], $0x800  }
0x229: {  	[sflag:s3] =	ssyncset.done @!p1 $0x0  }
0x22a: {  	s30 =	rddreg [dreg:$0x5];
	[sflag:s3] =	ssyncadd.s32 @!p1 $0xFFFFF800  }
0x22b: {  	s23 =	rddreg [dreg:$0x3]  }
.LBB2_16:
0x22c: {  	[tilespmem:$0x15100] =	vst v16;
	s0 =	rddreg [dreg:$0xd];
	s1 =	simm.s32 $0x15100  }
0x22d: {  	[hbm4b:s0+s2] =	stream.linear.scatter [tilespmem:s1], [sflag:$0x9], $0x10, $0x38;
	[tilespmem:$0x15380] =	vst v63  }
0x22e: {  	_ =	swait.ge [sflag:s28], $0x10  }
0x22f: {  	[sflag:s28] =	ssyncset.done $0x0  }
0x230: {  	s1 =	simm.s32 $0x15180;
	[sflag:s28] =	ssyncadd.s32 $0xFFFFFFF0  }
.LBB2_17:
0x231: {  	[tilespmem:s1], [sflag:$0x9] =	stream.linear.gather [hbm4b:s30+s2], $0x200, $0x38;
	[tilespmem:$0x15380] =	vst v63  }
0x232: {  	_ =	swait.ge [sflag:s28], $0x200  }
0x233: {  	[sflag:s28] =	ssyncset.done $0x0  }
0x234: {  	[sflag:s28] =	ssyncadd.s32 $0xFFFFFE00  }
0x235: {  	v30 =	vld [tilespmem:$0x15180]  }
0x236: {  	v31 =	vld [tilespmem:$0x15190]  }
0x237: {  	v32 =	vld [tilespmem:$0x151A0]  }
0x238: {  	v33 =	vld [tilespmem:$0x151B0]  }
0x239: {  	v34 =	vld [tilespmem:$0x151C0]  }
0x23a: {  	v35 =	vld [tilespmem:$0x151D0]  }
0x23b: {  	vm0 =	veq.s32 v30, $0xFFFFFFFE;
	vm1 =	veq.s32 v31, $0xFFFFFFFE;
	v30 =	vld [tilespmem:$0x151E0]  }
0x23c: {  	v40 =	vld [tilespmem:$0x151F0];
	vm10 =	veq.s32 v32, $0xFFFFFFFE;
	v31 =	vsel vm0, $0x1, v17;
	v36 =	vsel vm1, $0x1, v17  }
0x23d: {  	v42 =	vld [tilespmem:$0x15200];
	vm11 =	veq.s32 v33, $0xFFFFFFFE;
	v41 =	vsel vm10, $0x1, v17;
	v31 =	vadd.s32 v31, v36  }
0x23e: {  	v44 =	vld [tilespmem:$0x15210];
	vm12 =	veq.s32 v34, $0xFFFFFFFE;
	v43 =	vsel vm11, $0x1, v17;
	v31 =	vadd.s32 v41, v31  }
0x23f: {  	v46 =	vld [tilespmem:$0x15220];
	vm13 =	veq.s32 v35, $0xFFFFFFFE;
	v45 =	vsel vm12, $0x1, v17;
	v31 =	vadd.s32 v43, v31  }
0x240: {  	v47 =	vsel vm13, $0x1, v17;
	v31 =	vadd.s32 v45, v31;
	vm14 =	veq.s32 v30, $0xFFFFFFFE;
	v30 =	vld [tilespmem:$0x15230]  }
0x241: {  	v49 =	vld [tilespmem:$0x15240];
	vm15 =	veq.s32 v40, $0xFFFFFFFE;
	v31 =	vadd.s32 v47, v31;
	v48 =	vsel vm14, $0x1, v17  }
0x242: {  	v51 =	vld [tilespmem:$0x15250];
	vm4 =	veq.s32 v42, $0xFFFFFFFE;
	v50 =	vsel vm15, $0x1, v17;
	v31 =	vadd.s32 v48, v31  }
0x243: {  	v53 =	vld [tilespmem:$0x15260];
	vm5 =	veq.s32 v44, $0xFFFFFFFE;
	v52 =	vsel vm4, $0x1, v17;
	v31 =	vadd.s32 v50, v31  }
0x244: {  	v55 =	vld [tilespmem:$0x15270];
	vm6 =	veq.s32 v46, $0xFFFFFFFE;
	v54 =	vsel vm5, $0x1, v17;
	v31 =	vadd.s32 v52, v31  }
0x245: {  	v56 =	vsel vm6, $0x1, v17;
	v31 =	vadd.s32 v54, v31;
	vm7 =	veq.s32 v30, $0xFFFFFFFE;
	v30 =	vld [tilespmem:$0x15280]  }
0x246: {  	v58 =	vld [tilespmem:$0x15290];
	vm8 =	veq.s32 v49, $0xFFFFFFFE;
	v31 =	vadd.s32 v56, v31;
	v57 =	vsel vm7, $0x1, v17  }
0x247: {  	v60 =	vld [tilespmem:$0x152A0];
	vm9 =	veq.s32 v51, $0xFFFFFFFE;
	v59 =	vsel vm8, $0x1, v17;
	v31 =	vadd.s32 v57, v31  }
0x248: {  	v62 =	vld [tilespmem:$0x152B0];
	v61 =	vsel vm9, $0x1, v17;
	vm10 =	veq.s32 v53, $0xFFFFFFFE;
	v31 =	vadd.s32 v59, v31  }
0x249: {  	v40 =	vld [tilespmem:$0x152C0];
	vm11 =	veq.s32 v55, $0xFFFFFFFE;
	v63 =	vsel vm10, $0x1, v17;
	v31 =	vadd.s32 v61, v31  }
0x24a: {  	v41 =	vsel vm11, $0x1, v17;
	v31 =	vadd.s32 v63, v31;
	vm12 =	veq.s32 v30, $0xFFFFFFFE;
	v30 =	vld [tilespmem:$0x152D0]  }
0x24b: {  	vm13 =	veq.s32 v58, $0xFFFFFFFE;
	v43 =	vld [tilespmem:$0x152E0];
	v31 =	vadd.s32 v41, v31;
	v42 =	vsel vm12, $0x1, v17  }
0x24c: {  	v44 =	vsel vm13, $0x1, v17;
	v45 =	vld [tilespmem:$0x152F0];
	vm14 =	veq.s32 v60, $0xFFFFFFFE;
	v31 =	vadd.s32 v42, v31  }
0x24d: {  	vm15 =	veq.s32 v62, $0xFFFFFFFE;
	v47 =	vld [tilespmem:$0x15300];
	v46 =	vsel vm14, $0x1, v17;
	v31 =	vadd.s32 v44, v31  }
0x24e: {  	v49 =	vld [tilespmem:$0x15310];
	vm4 =	veq.s32 v40, $0xFFFFFFFE;
	v48 =	vsel vm15, $0x1, v17;
	v31 =	vadd.s32 v46, v31  }
0x24f: {  	v50 =	vsel vm4, $0x1, v17;
	v31 =	vadd.s32 v48, v31;
	vm5 =	veq.s32 v30, $0xFFFFFFFE;
	v30 =	vld [tilespmem:$0x15320]  }
0x250: {  	vm6 =	veq.s32 v43, $0xFFFFFFFE;
	v52 =	vld [tilespmem:$0x15330];
	v31 =	vadd.s32 v50, v31;
	v51 =	vsel vm5, $0x1, v17  }
0x251: {  	v53 =	vsel vm6, $0x1, v17;
	v54 =	vld [tilespmem:$0x15340];
	vm7 =	veq.s32 v45, $0xFFFFFFFE;
	v31 =	vadd.s32 v51, v31  }
0x252: {  	vm8 =	veq.s32 v47, $0xFFFFFFFE;
	v56 =	vld [tilespmem:$0x15350];
	v55 =	vsel vm7, $0x1, v17;
	v31 =	vadd.s32 v53, v31  }
0x253: {  	v58 =	vld [tilespmem:$0x15360];
	vm9 =	veq.s32 v49, $0xFFFFFFFE;
	v57 =	vsel vm8, $0x1, v17;
	v31 =	vadd.s32 v55, v31  }
0x254: {  	v59 =	vsel vm9, $0x1, v17;
	v31 =	vadd.s32 v57, v31;
	vm10 =	veq.s32 v30, $0xFFFFFFFE;
	v30 =	vld [tilespmem:$0x15370]  }
0x255: {  	vm11 =	veq.s32 v52, $0xFFFFFFFE;
	v31 =	vadd.s32 v59, v31;
	v60 =	vsel vm10, $0x1, v17  }
0x256: {  	v32 =	vsel vm11, $0x1, v17;
	vm12 =	veq.s32 v54, $0xFFFFFFFE;
	v31 =	vadd.s32 v60, v31  }
0x257: {  	vm13 =	veq.s32 v56, $0xFFFFFFFE;
	v61 =	vsel vm12, $0x1, v17;
	v31 =	vadd.s32 v32, v31  }
0x258: {  	vm14 =	veq.s32 v58, $0xFFFFFFFE;
	v62 =	vsel vm13, $0x1, v17;
	v31 =	vadd.s32 v61, v31  }
0x259: {  	v63 =	vsel vm14, $0x1, v17;
	v31 =	vadd.s32 v62, v31;
	vm15 =	veq.s32 v30, $0xFFFFFFFE  }
0x25a: {  	v30 =	vadd.s32 v63, v31;
	v31 =	vsel vm15, $0x1, v17  }
0x25b: {  	v30 =	vadd.s32 v31, v30  }
0x25c: {  	(xrf0) =	vadd.scan.msk.s32 $0xffff, v30;
	_ =	sdelay $0x5  }
0x25d: {  	v30, _, _ =	vpop (xrf0)  }
0x25e: {  	(v2sf) =	vpush v30, $0xF;
	_ =	sdelay $0xe  }
0x25f: {  	s0 =	spop (v2sf)  }
0x260: {  	p2 =	slt.s32 s0, $0x200  }
.Ltmp9:
0x261: {  	_ = 	snop;
	(pc) =	sbr.rel @p2 .LBB2_17-.Ltmp9, $1  }
0x262: {  	_ =	sdelay $0x3  }
0x263: {  	s0 =	rddreg [dreg:$0xe]  }
0x264: {  	s1 =	simm.s32 $0x1000;
	s3 =	simm.s32 $0x20000;
	s4 =	simm.s32 $0xE000  }
0x265: {  	[tilespmem:s4], [sflag:$0x9] =	stream.strided.gather [hbm4b:s0+s1], $0x7000, s3, s1, $0x38;
	[tilespmem:$0x15380] =	vst v63  }
0x266: {  	_ =	swait.ge [sflag:s28], $0x7000  }
0x267: {  	[sflag:s28] =	ssyncset.done $0x0  }
0x268: {  	[sflag:s28] =	ssyncadd.s32 $0xFFFF9000  }
0x269: {  	v30 =	vld [tilespmem:$0xE000]  }
0x26a: {  	v31 =	vld [tilespmem:$0xE010]  }
0x26b: {  	v32 =	vld [tilespmem:$0xE020]  }
0x26c: {  	v33 =	vld [tilespmem:$0xE030]  }
0x26d: {  	v34 =	vld [tilespmem:$0xE040]  }
0x26e: {  	v35 =	vld [tilespmem:$0xE050];
	v30 =	vshrl.u32 v30, $0x2  }
0x26f: {  	[tilespmem:$0x15000] =	vst v30;
	v30 =	vshrl.u32 v31, $0x2;
	v31 =	vld [tilespmem:$0xE060]  }
0x270: {  	v63 =	vld [tilespmem:$0xE070];
	[tilespmem:$0x15010] =	vst v30;
	v30 =	vshrl.u32 v32, $0x2  }
0x271: {  	[tilespmem:$0x15020] =	vst v30;
	v30 =	vshrl.u32 v33, $0x2  }
0x272: {  	[tilespmem:$0x15030] =	vst v30;
	v30 =	vshrl.u32 v34, $0x2  }
0x273: {  	[tilespmem:$0x15040] =	vst v30;
	v30 =	vshrl.u32 v35, $0x2  }
0x274: {  	[tilespmem:$0x15050] =	vst v30;
	v30 =	vshrl.u32 v31, $0x2  }
0x275: {  	s29 =	simm.s32 $0x80;
	s30 =	simm.s32 $0x15000;
	[tilespmem:$0x15060] =	vst v30;
	v30 =	vshrl.u32 v63, $0x2  }
0x276: {  	s25 =	simm.s32 $0x0;
	s8 =	simm.s32 $0x0;
	s12 =	simm.s32 $0x0;
	[tilespmem:$0x15070] =	vst v30  }
0x277: {  	[tilespmem:s26], [sflag:$0x5] =	stream.indirect.gather [hbm4b:s6+s29], $0x80, s30, s29, $0xb8;
	[tilespmem:$0x15380] =	vst v63  }
.LBB2_19:
0x278: {  	p2 =	sne.s32 s8, $0x31;
	p3 =	seq.s32 s8, $0x31;
	s0 =	simm.s32 $0x1  }
0x279: {  	s13 =	sadd.s32 $0x1, s8;
	p4 =	seq.s32 @!p2 s25, $0x3;
	s0 =	simm.s32 @!p3 $0x0  }
0x27a: {  	s13 =	simm.s32 @p3 $0x0;
	p2 =	por p2, !p4;
	s14 =	sadd.s32 s0, s25  }
0x27b: {  	s0 =	sshll.u32 @p2 s13, $0x9;
	s1 =	sshll.u32 @p2 s14, $0xC  }
0x27c: {  	s3 =	sshll.u32 @p2 s13, $0x7;
	s0 =	sand.u32 @p2 $0xFFFFF000, s0;
	s1 =	sshra.s32 @p2 s1, $0x2  }
0x27d: {  	s3 =	sand.u32 @p2 $0x380, s3;
	s0 =	sadd.s32 @p2 s1, s0  }
0x27e: {  	s0 =	sor.u32 @p2 s3, s0  }
0x27f: {  	v30 =	vld @p2 [tilespmem:s0+$0xE000];
	_ =	sdelay $0x4  }
0x280: {  	v30 =	vshrl.u32 @p2 v30, $0x2  }
0x281: {  	[tilespmem:$0x15080] =	vst @p2 v30  }
0x282: {  	v30 =	vld @p2 [tilespmem:s0+$0xE010];
	_ =	sdelay $0x4  }
0x283: {  	v30 =	vshrl.u32 @p2 v30, $0x2  }
0x284: {  	[tilespmem:$0x15090] =	vst @p2 v30  }
0x285: {  	v30 =	vld @p2 [tilespmem:s0+$0xE020];
	_ =	sdelay $0x4  }
0x286: {  	v30 =	vshrl.u32 @p2 v30, $0x2  }
0x287: {  	[tilespmem:$0x150A0] =	vst @p2 v30  }
0x288: {  	v30 =	vld @p2 [tilespmem:s0+$0xE030];
	_ =	sdelay $0x4  }
0x289: {  	v30 =	vshrl.u32 @p2 v30, $0x2  }
0x28a: {  	[tilespmem:$0x150B0] =	vst @p2 v30  }
0x28b: {  	v30 =	vld @p2 [tilespmem:s0+$0xE040];
	_ =	sdelay $0x4  }
0x28c: {  	v30 =	vshrl.u32 @p2 v30, $0x2  }
0x28d: {  	[tilespmem:$0x150C0] =	vst @p2 v30  }
0x28e: {  	v30 =	vld @p2 [tilespmem:s0+$0xE050];
	_ =	sdelay $0x4  }
0x28f: {  	v30 =	vshrl.u32 @p2 v30, $0x2  }
0x290: {  	[tilespmem:$0x150D0] =	vst @p2 v30  }
0x291: {  	v30 =	vld @p2 [tilespmem:s0+$0xE060];
	_ =	sdelay $0x4  }
0x292: {  	v30 =	vshrl.u32 @p2 v30, $0x2  }
0x293: {  	[tilespmem:$0x150E0] =	vst @p2 v30  }
0x294: {  	v30 =	vld @p2 [tilespmem:s0+$0xE070];
	_ =	sdelay $0x4  }
0x295: {  	v30 =	vshrl.u32 @p2 v30, $0x2  }
0x296: {  	s1 =	simm.s32 @p2 $0x15080;
	s3 =	simm.s32 @p2 $0x8000;
	s0 =	simm.s32 @p2 $0x80;
	[tilespmem:$0x150F0] =	vst @p2 v30  }
0x297: {  	[tilespmem:s3], [sflag:$0x6] =	stream.indirect.gather @p2 [hbm4b:s6+s0], $0x80, s1, s0, $0xb8;
	[tilespmem:$0x15380] =	vst v63  }
0x298: {  	s21 =	sshll.u32 s8, $0x9;
	_ =	swait.ge [sflag:s31], $0x4000  }
0x299: {  	s24 =	sshll.u32 s25, $0xC;
	p2 =	seq.s32 s12, $0x0;
	[sflag:s31] =	ssyncset.done $0x0  }
0x29a: {  	s4 =	sshll.u32 s8, $0x7;
	s0 =	simm.s32 @!p2 $0x7;
	[sflag:s31] =	ssyncadd.s32 $0xFFFFC000  }
0x29b: {  	s1 =	sand.u32 $0xFFFFF000, s21;
	s3 =	sshra.s32 s24, $0x2;
	_ =	swait.ge @!p2 [sflag:s0], $0x1000  }
0x29c: {  	s29 =	sand.u32 $0x380, s4;
	s1 =	sadd.s32 s3, s1;
	[sflag:s0] =	ssyncset.done @!p2 $0x0  }
0x29d: {  	s30 =	sor.u32 s29, s1;
	[sflag:s0] =	ssyncadd.s32 @!p2 $0xFFFFF000  }
0x29e: {  	v30 =	vld [tilespmem:s30+$0xE000]  }
0x29f: {  	v31 =	vld [tilespmem:s30+$0xE010]  }
0x2a0: {  	v32 =	vld [tilespmem:s30+$0xE020]  }
0x2a1: {  	v33 =	vld [tilespmem:s30+$0xE030]  }
0x2a2: {  	v34 =	vld [tilespmem:s30+$0xE040]  }
0x2a3: {  	v35 =	vld [tilespmem:s30+$0xE050]  }
0x2a4: {  	v36 =	vld [tilespmem:s30+$0xE060]  }
0x2a5: {  	v37 =	vld [tilespmem:s30+$0xE070];
	_ =	sdelay $0x2  }
0x2a6: {  	v30 =	vshll.u32 v30, $0x5;
	v31 =	vshll.u32 v31, $0x5;
	v32 =	vshll.u32 v32, $0x5  }
0x2a7: {  	v33 =	vshll.u32 v33, $0x5;
	v34 =	vshll.u32 v34, $0x5;
	v35 =	vshll.u32 v35, $0x5  }
0x2a8: {  	v36 =	vshll.u32 v36, $0x5;
	v37 =	vshll.u32 v37, $0x5;
	v30 =	vand.u32 $0x60, v30  }
0x2a9: {  	v31 =	vand.u32 $0x60, v31;
	v32 =	vand.u32 $0x60, v32;
	v33 =	vand.u32 $0x60, v33  }
0x2aa: {  	v34 =	vand.u32 $0x60, v34;
	v35 =	vand.u32 $0x60, v35;
	v36 =	vand.u32 $0x60, v36  }
0x2ab: {  	v37 =	vand.u32 $0x60, v37;
	v30 =	vor.u32 v0, v30;
	v31 =	vor.u32 v1, v31  }
0x2ac: {  	v32 =	vor.u32 v8, v32;
	v33 =	vor.u32 v9, v33;
	v34 =	vor.u32 v18, v34  }
0x2ad: {  	p3 =	por $0x1, $0x1;
	s3 =	simm.s32 $0x0;
	v35 =	vor.u32 v19, v35;
	v36 =	vor.u32 v20, v36;
	v37 =	vor.u32 v21, v37  }
.LBB2_20:
0x2ae: {  	v38 =	vor.u32 s3, v30;
	s16 =	sor.u32 $0x1, s3  }
0x2af: {  	s7 =	sor.u32 $0x2, s3;
	v39 =	vor.u32 s16, v30  }
0x2b0: {  	s11 =	sor.u32 $0x3, s3;
	v40 =	vor.u32 s7, v30  }
0x2b1: {  	v41 =	vor.u32 s11, v30;
	_ =	sdelay $0x1  }
0x2b2: {  	v38 =	vld.idx.msk [tilespmem:v38+s26+$0x0], $0xffff  }
0x2b3: {  	v42 =	vor.u32 s3, v31;
	v39 =	vld.idx.msk [tilespmem:v39+s26+$0x0], $0xffff  }
0x2b4: {  	v43 =	vor.u32 s16, v31;
	v40 =	vld.idx.msk [tilespmem:v40+s26+$0x0], $0xffff  }
0x2b5: {  	s0 =	sshll.u32 s3, $0x7;
	v44 =	vor.u32 s7, v31;
	v41 =	vld.idx.msk [tilespmem:v41+s26+$0x0], $0xffff  }
0x2b6: {  	s0 =	sand.u32 $0x3FFFFF80, s0;
	s1 =	sshll.u32 s16, $0x7;
	v45 =	vor.u32 s11, v31  }
0x2b7: {  	s4 =	sshll.u32 s7, $0x7;
	s1 =	sand.u32 $0x3FFFFF80, s1;
	[tilespmem:s0+$0xC000] =	vst v38  }
0x2b8: {  	s5 =	sshll.u32 s11, $0x7;
	s4 =	sand.u32 $0x3FFFFF80, s4;
	v38 =	vld.idx.msk [tilespmem:v42+s26+$0x0], $0xffff;
	[tilespmem:s1+$0xC000] =	vst v39  }
0x2b9: {  	v58 =	vor.u32 s3, v32;
	s5 =	sand.u32 $0x3FFFFF80, s5;
	[tilespmem:s4+$0xC000] =	vst v40;
	v59 =	vld.idx.msk [tilespmem:v43+s26+$0x0], $0xffff  }
0x2ba: {  	v60 =	vor.u32 s16, v32;
	[tilespmem:s5+$0xC000] =	vst v41;
	v61 =	vld.idx.msk [tilespmem:v44+s26+$0x0], $0xffff  }
0x2bb: {  	v62 =	vor.u32 s7, v32;
	v63 =	vld.idx.msk [tilespmem:v45+s26+$0x0], $0xffff  }
0x2bc: {  	v48 =	vor.u32 s11, v32  }
0x2bd: {  	[tilespmem:s0+$0xC010] =	vst v38  }
0x2be: {  	v38 =	vld.idx.msk [tilespmem:v58+s26+$0x0], $0xffff;
	[tilespmem:s1+$0xC010] =	vst v59  }
0x2bf: {  	v49 =	vor.u32 s3, v33;
	[tilespmem:s4+$0xC010] =	vst v61;
	v40 =	vld.idx.msk [tilespmem:v60+s26+$0x0], $0xffff  }
0x2c0: {  	v50 =	vor.u32 s16, v33;
	[tilespmem:s5+$0xC010] =	vst v63;
	v41 =	vld.idx.msk [tilespmem:v62+s26+$0x0], $0xffff  }
0x2c1: {  	v51 =	vor.u32 s7, v33;
	v44 =	vld.idx.msk [tilespmem:v48+s26+$0x0], $0xffff  }
0x2c2: {  	v52 =	vor.u32 s11, v33  }
0x2c3: {  	[tilespmem:s0+$0xC020] =	vst v38  }
0x2c4: {  	v38 =	vld.idx.msk [tilespmem:v49+s26+$0x0], $0xffff;
	[tilespmem:s1+$0xC020] =	vst v40  }
0x2c5: {  	v53 =	vor.u32 s3, v34;
	[tilespmem:s4+$0xC020] =	vst v41;
	v40 =	vld.idx.msk [tilespmem:v50+s26+$0x0], $0xffff  }
0x2c6: {  	v54 =	vor.u32 s16, v34;
	[tilespmem:s5+$0xC020] =	vst v44;
	v55 =	vld.idx.msk [tilespmem:v51+s26+$0x0], $0xffff  }
0x2c7: {  	v56 =	vor.u32 s7, v34;
	v44 =	vld.idx.msk [tilespmem:v52+s26+$0x0], $0xffff  }
0x2c8: {  	v57 =	vor.u32 s11, v34  }
0x2c9: {  	[tilespmem:s0+$0xC030] =	vst v38  }
0x2ca: {  	v38 =	vld.idx.msk [tilespmem:v53+s26+$0x0], $0xffff;
	[tilespmem:s1+$0xC030] =	vst v40  }
0x2cb: {  	v58 =	vor.u32 s3, v35;
	[tilespmem:s4+$0xC030] =	vst v55;
	v40 =	vld.idx.msk [tilespmem:v54+s26+$0x0], $0xffff  }
0x2cc: {  	v59 =	vor.u32 s16, v35;
	[tilespmem:s5+$0xC030] =	vst v44;
	v42 =	vld.idx.msk [tilespmem:v56+s26+$0x0], $0xffff  }
0x2cd: {  	v60 =	vor.u32 s7, v35;
	v44 =	vld.idx.msk [tilespmem:v57+s26+$0x0], $0xffff  }
0x2ce: {  	v61 =	vor.u32 s11, v35  }
0x2cf: {  	[tilespmem:s0+$0xC040] =	vst v38  }
0x2d0: {  	v38 =	vld.idx.msk [tilespmem:v58+s26+$0x0], $0xffff;
	[tilespmem:s1+$0xC040] =	vst v40  }
0x2d1: {  	v62 =	vor.u32 s3, v36;
	[tilespmem:s4+$0xC040] =	vst v42;
	v40 =	vld.idx.msk [tilespmem:v59+s26+$0x0], $0xffff  }
0x2d2: {  	v63 =	vor.u32 s16, v36;
	[tilespmem:s5+$0xC040] =	vst v44;
	v42 =	vld.idx.msk [tilespmem:v60+s26+$0x0], $0xffff  }
0x2d3: {  	v48 =	vor.u32 s7, v36;
	v44 =	vld.idx.msk [tilespmem:v61+s26+$0x0], $0xffff  }
0x2d4: {  	v49 =	vor.u32 s11, v36  }
0x2d5: {  	[tilespmem:s0+$0xC050] =	vst v38  }
0x2d6: {  	v38 =	vld.idx.msk [tilespmem:v62+s26+$0x0], $0xffff;
	[tilespmem:s1+$0xC050] =	vst v40  }
0x2d7: {  	v50 =	vor.u32 s3, v37;
	[tilespmem:s4+$0xC050] =	vst v42;
	v40 =	vld.idx.msk [tilespmem:v63+s26+$0x0], $0xffff  }
0x2d8: {  	v51 =	vor.u32 s16, v37;
	[tilespmem:s5+$0xC050] =	vst v44;
	v42 =	vld.idx.msk [tilespmem:v48+s26+$0x0], $0xffff  }
0x2d9: {  	v52 =	vor.u32 s7, v37;
	v44 =	vld.idx.msk [tilespmem:v49+s26+$0x0], $0xffff  }
0x2da: {  	v53 =	vor.u32 s11, v37;
	s11 =	sor.u32 $0x4, s3  }
0x2db: {  	s16 =	sor.u32 $0x5, s3;
	v54 =	vor.u32 s11, v30;
	[tilespmem:s0+$0xC060] =	vst v38  }
0x2dc: {  	s24 =	sor.u32 $0x7, s3;
	v55 =	vor.u32 s16, v30;
	v39 =	vld.idx.msk [tilespmem:v50+s26+$0x0], $0xffff;
	[tilespmem:s1+$0xC060] =	vst v40  }
0x2dd: {  	s18 =	sor.u32 $0x6, s3;
	v57 =	vor.u32 s24, v30;
	[tilespmem:s4+$0xC060] =	vst v42;
	v41 =	vld.idx.msk [tilespmem:v51+s26+$0x0], $0xffff  }
0x2de: {  	s29 =	sor.u32 $0x8, s3;
	v56 =	vor.u32 s18, v30;
	[tilespmem:s5+$0xC060] =	vst v44;
	v43 =	vld.idx.msk [tilespmem:v52+s26+$0x0], $0xffff  }
0x2df: {  	s21 =	sor.u32 $0x9, s3;
	v46 =	vor.u32 s29, v30;
	v45 =	vld.idx.msk [tilespmem:v53+s26+$0x0], $0xffff  }
0x2e0: {  	v47 =	vor.u32 s21, v30;
	v38 =	vld.idx.msk [tilespmem:v54+s26+$0x0], $0xffff  }
0x2e1: {  	v58 =	vor.u32 s11, v31;
	v40 =	vld.idx.msk [tilespmem:v55+s26+$0x0], $0xffff;
	[tilespmem:s0+$0xC070] =	vst v39  }
0x2e2: {  	v59 =	vor.u32 s16, v31;
	v44 =	vld.idx.msk [tilespmem:v57+s26+$0x0], $0xffff;
	[tilespmem:s1+$0xC070] =	vst v41  }
0x2e3: {  	s19 =	sshll.u32 s11, $0x7;
	v61 =	vor.u32 s24, v31;
	v42 =	vld.idx.msk [tilespmem:v56+s26+$0x0], $0xffff;
	[tilespmem:s4+$0xC070] =	vst v43  }
0x2e4: {  	v46 =	vld.idx.msk [tilespmem:v46+s26+$0x0], $0xffff;
	s30 =	sshll.u32 s16, $0x7;
	v60 =	vor.u32 s18, v31;
	s0 =	sand.u32 $0x3FFFFF80, s19;
	[tilespmem:s5+$0xC070] =	vst v45  }
0x2e5: {  	v47 =	vld.idx.msk [tilespmem:v47+s26+$0x0], $0xffff;
	s7 =	sshll.u32 s24, $0x7;
	v62 =	vor.u32 s29, v31;
	[tilespmem:s0+$0xC000] =	vst v38;
	s5 =	sand.u32 $0x3FFFFF80, s30  }
0x2e6: {  	v63 =	vor.u32 s21, v31;
	s4 =	sshll.u32 s18, $0x7;
	s1 =	sand.u32 $0x3FFFFF80, s7;
	v39 =	vld.idx.msk [tilespmem:v58+s26+$0x0], $0xffff;
	[tilespmem:s5+$0xC000] =	vst v40  }
0x2e7: {  	s9 =	sshll.u32 s29, $0x7;
	v48 =	vor.u32 s11, v32;
	s19 =	sand.u32 $0x3FFFFF80, s4;
	[tilespmem:s1+$0xC000] =	vst v44;
	v41 =	vld.idx.msk [tilespmem:v59+s26+$0x0], $0xffff  }
0x2e8: {  	v52 =	vor.u32 s16, v32;
	s30 =	sshll.u32 s21, $0x7;
	s4 =	sand.u32 $0x3FFFFF80, s9;
	[tilespmem:s19+$0xC000] =	vst v42;
	v45 =	vld.idx.msk [tilespmem:v61+s26+$0x0], $0xffff  }
0x2e9: {  	v54 =	vor.u32 s24, v32;
	s7 =	sand.u32 $0x3FFFFF80, s30;
	[tilespmem:s4+$0xC000] =	vst v46;
	v43 =	vld.idx.msk [tilespmem:v60+s26+$0x0], $0xffff  }
0x2ea: {  	v53 =	vor.u32 s18, v32;
	[tilespmem:s7+$0xC000] =	vst v47;
	v38 =	vld.idx.msk [tilespmem:v62+s26+$0x0], $0xffff  }
0x2eb: {  	v55 =	vor.u32 s29, v32;
	v40 =	vld.idx.msk [tilespmem:v63+s26+$0x0], $0xffff;
	[tilespmem:s0+$0xC010] =	vst v39  }
0x2ec: {  	v57 =	vor.u32 s21, v32;
	v56 =	vld.idx.msk [tilespmem:v48+s26+$0x0], $0xffff;
	[tilespmem:s5+$0xC010] =	vst v41  }
0x2ed: {  	v58 =	vor.u32 s11, v33;
	[tilespmem:s1+$0xC010] =	vst v45;
	v42 =	vld.idx.msk [tilespmem:v52+s26+$0x0], $0xffff  }
0x2ee: {  	v59 =	vor.u32 s16, v33;
	[tilespmem:s19+$0xC010] =	vst v43;
	v46 =	vld.idx.msk [tilespmem:v54+s26+$0x0], $0xffff  }
0x2ef: {  	v61 =	vor.u32 s24, v33;
	[tilespmem:s4+$0xC010] =	vst v38;
	v44 =	vld.idx.msk [tilespmem:v53+s26+$0x0], $0xffff  }
0x2f0: {  	v60 =	vor.u32 s18, v33;
	[tilespmem:s7+$0xC010] =	vst v40;
	v39 =	vld.idx.msk [tilespmem:v55+s26+$0x0], $0xffff  }
0x2f1: {  	v62 =	vor.u32 s29, v33;
	v41 =	vld.idx.msk [tilespmem:v57+s26+$0x0], $0xffff;
	[tilespmem:s0+$0xC020] =	vst v56  }
0x2f2: {  	v63 =	vor.u32 s21, v33;
	v47 =	vld.idx.msk [tilespmem:v58+s26+$0x0], $0xffff;
	[tilespmem:s5+$0xC020] =	vst v42  }
0x2f3: {  	v52 =	vor.u32 s11, v34;
	[tilespmem:s1+$0xC020] =	vst v46;
	v43 =	vld.idx.msk [tilespmem:v59+s26+$0x0], $0xffff  }
0x2f4: {  	v53 =	vor.u32 s16, v34;
	[tilespmem:s19+$0xC020] =	vst v44;
	v38 =	vld.idx.msk [tilespmem:v61+s26+$0x0], $0xffff  }
0x2f5: {  	v55 =	vor.u32 s24, v34;
	[tilespmem:s4+$0xC020] =	vst v39;
	v45 =	vld.idx.msk [tilespmem:v60+s26+$0x0], $0xffff  }
0x2f6: {  	v54 =	vor.u32 s18, v34;
	[tilespmem:s7+$0xC020] =	vst v41;
	v40 =	vld.idx.msk [tilespmem:v62+s26+$0x0], $0xffff  }
0x2f7: {  	v56 =	vor.u32 s29, v34;
	v42 =	vld.idx.msk [tilespmem:v63+s26+$0x0], $0xffff;
	[tilespmem:s0+$0xC030] =	vst v47  }
0x2f8: {  	v57 =	vor.u32 s21, v34;
	v47 =	vld.idx.msk [tilespmem:v52+s26+$0x0], $0xffff;
	[tilespmem:s5+$0xC030] =	vst v43  }
0x2f9: {  	v58 =	vor.u32 s11, v35;
	[tilespmem:s1+$0xC030] =	vst v38;
	v44 =	vld.idx.msk [tilespmem:v53+s26+$0x0], $0xffff  }
0x2fa: {  	v59 =	vor.u32 s16, v35;
	[tilespmem:s19+$0xC030] =	vst v45;
	v39 =	vld.idx.msk [tilespmem:v55+s26+$0x0], $0xffff  }
0x2fb: {  	v61 =	vor.u32 s24, v35;
	[tilespmem:s4+$0xC030] =	vst v40;
	v46 =	vld.idx.msk [tilespmem:v54+s26+$0x0], $0xffff  }
0x2fc: {  	v60 =	vor.u32 s18, v35;
	[tilespmem:s7+$0xC030] =	vst v42;
	v41 =	vld.idx.msk [tilespmem:v56+s26+$0x0], $0xffff  }
0x2fd: {  	v62 =	vor.u32 s29, v35;
	v43 =	vld.idx.msk [tilespmem:v57+s26+$0x0], $0xffff;
	[tilespmem:s0+$0xC040] =	vst v47  }
0x2fe: {  	v63 =	vor.u32 s21, v35;
	v47 =	vld.idx.msk [tilespmem:v58+s26+$0x0], $0xffff;
	[tilespmem:s5+$0xC040] =	vst v44  }
0x2ff: {  	v52 =	vor.u32 s11, v36;
	[tilespmem:s1+$0xC040] =	vst v39;
	v45 =	vld.idx.msk [tilespmem:v59+s26+$0x0], $0xffff  }
0x300: {  	v53 =	vor.u32 s16, v36;
	[tilespmem:s19+$0xC040] =	vst v46;
	v40 =	vld.idx.msk [tilespmem:v61+s26+$0x0], $0xffff  }
0x301: {  	v55 =	vor.u32 s24, v36;
	[tilespmem:s4+$0xC040] =	vst v41;
	v38 =	vld.idx.msk [tilespmem:v60+s26+$0x0], $0xffff  }
0x302: {  	v54 =	vor.u32 s18, v36;
	[tilespmem:s7+$0xC040] =	vst v43;
	v42 =	vld.idx.msk [tilespmem:v62+s26+$0x0], $0xffff  }
0x303: {  	v56 =	vor.u32 s29, v36;
	v44 =	vld.idx.msk [tilespmem:v63+s26+$0x0], $0xffff;
	[tilespmem:s0+$0xC050] =	vst v47  }
0x304: {  	v57 =	vor.u32 s21, v36;
	v47 =	vld.idx.msk [tilespmem:v52+s26+$0x0], $0xffff;
	[tilespmem:s5+$0xC050] =	vst v45  }
0x305: {  	v58 =	vor.u32 s11, v37;
	[tilespmem:s1+$0xC050] =	vst v40;
	v46 =	vld.idx.msk [tilespmem:v53+s26+$0x0], $0xffff  }
0x306: {  	v59 =	vor.u32 s16, v37;
	[tilespmem:s19+$0xC050] =	vst v38;
	v41 =	vld.idx.msk [tilespmem:v55+s26+$0x0], $0xffff  }
0x307: {  	v61 =	vor.u32 s24, v37;
	[tilespmem:s4+$0xC050] =	vst v42;
	v39 =	vld.idx.msk [tilespmem:v54+s26+$0x0], $0xffff  }
0x308: {  	v60 =	vor.u32 s18, v37;
	[tilespmem:s7+$0xC050] =	vst v44;
	v43 =	vld.idx.msk [tilespmem:v56+s26+$0x0], $0xffff  }
0x309: {  	v62 =	vor.u32 s29, v37;
	v45 =	vld.idx.msk [tilespmem:v57+s26+$0x0], $0xffff;
	[tilespmem:s0+$0xC060] =	vst v47  }
0x30a: {  	s16 =	sor.u32 $0xA, s3;
	v63 =	vor.u32 s21, v37;
	v47 =	vld.idx.msk [tilespmem:v58+s26+$0x0], $0xffff;
	[tilespmem:s5+$0xC060] =	vst v46  }
0x30b: {  	v48 =	vor.u32 s16, v30;
	s29 =	sor.u32 $0xC, s3;
	[tilespmem:s1+$0xC060] =	vst v41;
	v38 =	vld.idx.msk [tilespmem:v59+s26+$0x0], $0xffff  }
0x30c: {  	s24 =	sor.u32 $0xB, s3;
	v50 =	vor.u32 s29, v30;
	[tilespmem:s19+$0xC060] =	vst v39;
	v42 =	vld.idx.msk [tilespmem:v61+s26+$0x0], $0xffff  }
0x30d: {  	s11 =	sor.u32 $0xD, s3;
	v49 =	vor.u32 s24, v30;
	[tilespmem:s4+$0xC060] =	vst v43;
	v40 =	vld.idx.msk [tilespmem:v60+s26+$0x0], $0xffff  }
0x30e: {  	v51 =	vor.u32 s11, v30;
	s18 =	sor.u32 $0xE, s3;
	[tilespmem:s7+$0xC060] =	vst v45;
	v44 =	vld.idx.msk [tilespmem:v62+s26+$0x0], $0xffff  }
0x30f: {  	v52 =	vor.u32 s18, v30;
	v46 =	vld.idx.msk [tilespmem:v63+s26+$0x0], $0xffff;
	[tilespmem:s0+$0xC070] =	vst v47;
	s0 =	sor.u32 $0xF, s3  }
0x310: {  	v53 =	vld.idx.msk [tilespmem:v48+s26+$0x0], $0xffff;
	[tilespmem:s5+$0xC070] =	vst v38;
	v54 =	vor.u32 s0, v30  }
0x311: {  	v55 =	vor.u32 s16, v31;
	v43 =	vld.idx.msk [tilespmem:v50+s26+$0x0], $0xffff;
	[tilespmem:s1+$0xC070] =	vst v42  }
0x312: {  	v57 =	vor.u32 s29, v31;
	v41 =	vld.idx.msk [tilespmem:v49+s26+$0x0], $0xffff;
	[tilespmem:s19+$0xC070] =	vst v40  }
0x313: {  	v56 =	vor.u32 s24, v31;
	v45 =	vld.idx.msk [tilespmem:v51+s26+$0x0], $0xffff;
	s5 =	sshll.u32 s16, $0x7;
	[tilespmem:s4+$0xC070] =	vst v44  }
0x314: {  	s9 =	sshll.u32 s29, $0x7;
	v58 =	vor.u32 s11, v31;
	v47 =	vld.idx.msk [tilespmem:v52+s26+$0x0], $0xffff;
	[tilespmem:s7+$0xC070] =	vst v46;
	s1 =	sand.u32 $0x3FFFFF80, s5  }
0x315: {  	v59 =	vor.u32 s18, v31;
	s7 =	sshll.u32 s24, $0x7;
	s4 =	sand.u32 $0x3FFFFF80, s9;
	[tilespmem:s1+$0xC000] =	vst v53;
	v39 =	vld.idx.msk [tilespmem:v54+s26+$0x0], $0xffff  }
0x316: {  	v60 =	vor.u32 s0, v31;
	s19 =	sshll.u32 s11, $0x7;
	s3 =	sand.u32 $0x3FFFFF80, s7;
	[tilespmem:s4+$0xC000] =	vst v43;
	v40 =	vld.idx.msk [tilespmem:v55+s26+$0x0], $0xffff  }
0x317: {  	s21 =	sshll.u32 s18, $0x7;
	v61 =	vor.u32 s16, v32;
	s5 =	sand.u32 $0x3FFFFF80, s19;
	[tilespmem:s3+$0xC000] =	vst v41;
	v44 =	vld.idx.msk [tilespmem:v57+s26+$0x0], $0xffff  }
0x318: {  	v63 =	vor.u32 s29, v32;
	s9 =	sshll.u32 s0, $0x7;
	s7 =	sand.u32 $0x3FFFFF80, s21;
	[tilespmem:s5+$0xC000] =	vst v45;
	v42 =	vld.idx.msk [tilespmem:v56+s26+$0x0], $0xffff  }
0x319: {  	v62 =	vor.u32 s24, v32;
	s30 =	sand.u32 $0x3FFFFF80, s9;
	v46 =	vld.idx.msk [tilespmem:v58+s26+$0x0], $0xffff;
	[tilespmem:s7+$0xC000] =	vst v47  }
0x31a: {  	v52 =	vor.u32 s11, v32;
	v38 =	vld.idx.msk [tilespmem:v59+s26+$0x0], $0xffff;
	[tilespmem:s30+$0xC000] =	vst v39  }
0x31b: {  	v53 =	vor.u32 s18, v32;
	[tilespmem:s1+$0xC010] =	vst v40;
	v54 =	vld.idx.msk [tilespmem:v60+s26+$0x0], $0xffff  }
0x31c: {  	v56 =	vor.u32 s0, v32;
	[tilespmem:s4+$0xC010] =	vst v44;
	v55 =	vld.idx.msk [tilespmem:v61+s26+$0x0], $0xffff  }
0x31d: {  	v57 =	vor.u32 s16, v33;
	[tilespmem:s3+$0xC010] =	vst v42;
	v45 =	vld.idx.msk [tilespmem:v63+s26+$0x0], $0xffff  }
0x31e: {  	v59 =	vor.u32 s29, v33;
	[tilespmem:s5+$0xC010] =	vst v46;
	v43 =	vld.idx.msk [tilespmem:v62+s26+$0x0], $0xffff  }
0x31f: {  	v58 =	vor.u32 s24, v33;
	v47 =	vld.idx.msk [tilespmem:v52+s26+$0x0], $0xffff;
	[tilespmem:s7+$0xC010] =	vst v38  }
0x320: {  	v60 =	vor.u32 s11, v33;
	v39 =	vld.idx.msk [tilespmem:v53+s26+$0x0], $0xffff;
	[tilespmem:s30+$0xC010] =	vst v54  }
0x321: {  	v61 =	vor.u32 s18, v33;
	[tilespmem:s1+$0xC020] =	vst v55;
	v62 =	vld.idx.msk [tilespmem:v56+s26+$0x0], $0xffff  }
0x322: {  	v52 =	vor.u32 s0, v33;
	[tilespmem:s4+$0xC020] =	vst v45;
	v63 =	vld.idx.msk [tilespmem:v57+s26+$0x0], $0xffff  }
0x323: {  	v53 =	vor.u32 s16, v34;
	[tilespmem:s3+$0xC020] =	vst v43;
	v46 =	vld.idx.msk [tilespmem:v59+s26+$0x0], $0xffff  }
0x324: {  	v55 =	vor.u32 s29, v34;
	[tilespmem:s5+$0xC020] =	vst v47;
	v44 =	vld.idx.msk [tilespmem:v58+s26+$0x0], $0xffff  }
0x325: {  	v54 =	vor.u32 s24, v34;
	v38 =	vld.idx.msk [tilespmem:v60+s26+$0x0], $0xffff;
	[tilespmem:s7+$0xC020] =	vst v39  }
0x326: {  	v56 =	vor.u32 s11, v34;
	v40 =	vld.idx.msk [tilespmem:v61+s26+$0x0], $0xffff;
	[tilespmem:s30+$0xC020] =	vst v62  }
0x327: {  	v57 =	vor.u32 s18, v34;
	[tilespmem:s1+$0xC030] =	vst v63;
	v58 =	vld.idx.msk [tilespmem:v52+s26+$0x0], $0xffff  }
0x328: {  	v60 =	vor.u32 s0, v34;
	[tilespmem:s4+$0xC030] =	vst v46;
	v59 =	vld.idx.msk [tilespmem:v53+s26+$0x0], $0xffff  }
0x329: {  	v61 =	vor.u32 s16, v35;
	[tilespmem:s3+$0xC030] =	vst v44;
	v47 =	vld.idx.msk [tilespmem:v55+s26+$0x0], $0xffff  }
0x32a: {  	v63 =	vor.u32 s29, v35;
	[tilespmem:s5+$0xC030] =	vst v38;
	v45 =	vld.idx.msk [tilespmem:v54+s26+$0x0], $0xffff  }
0x32b: {  	v62 =	vor.u32 s24, v35;
	v39 =	vld.idx.msk [tilespmem:v56+s26+$0x0], $0xffff;
	[tilespmem:s7+$0xC030] =	vst v40  }
0x32c: {  	v52 =	vor.u32 s11, v35;
	v41 =	vld.idx.msk [tilespmem:v57+s26+$0x0], $0xffff;
	[tilespmem:s30+$0xC030] =	vst v58  }
0x32d: {  	v53 =	vor.u32 s18, v35;
	[tilespmem:s1+$0xC040] =	vst v59;
	v54 =	vld.idx.msk [tilespmem:v60+s26+$0x0], $0xffff  }
0x32e: {  	v56 =	vor.u32 s0, v35;
	[tilespmem:s4+$0xC040] =	vst v47;
	v55 =	vld.idx.msk [tilespmem:v61+s26+$0x0], $0xffff  }
0x32f: {  	v57 =	vor.u32 s16, v36;
	[tilespmem:s3+$0xC040] =	vst v45;
	v38 =	vld.idx.msk [tilespmem:v63+s26+$0x0], $0xffff  }
0x330: {  	v59 =	vor.u32 s29, v36;
	[tilespmem:s5+$0xC040] =	vst v39;
	v46 =	vld.idx.msk [tilespmem:v62+s26+$0x0], $0xffff  }
0x331: {  	v58 =	vor.u32 s24, v36;
	v40 =	vld.idx.msk [tilespmem:v52+s26+$0x0], $0xffff;
	[tilespmem:s7+$0xC040] =	vst v41  }
0x332: {  	v60 =	vor.u32 s11, v36;
	v42 =	vld.idx.msk [tilespmem:v53+s26+$0x0], $0xffff;
	[tilespmem:s30+$0xC040] =	vst v54  }
0x333: {  	v61 =	vor.u32 s18, v36;
	[tilespmem:s1+$0xC050] =	vst v55;
	v62 =	vld.idx.msk [tilespmem:v56+s26+$0x0], $0xffff  }
0x334: {  	v52 =	vor.u32 s0, v36;
	[tilespmem:s4+$0xC050] =	vst v38;
	v63 =	vld.idx.msk [tilespmem:v57+s26+$0x0], $0xffff  }
0x335: {  	v53 =	vor.u32 s16, v37;
	[tilespmem:s3+$0xC050] =	vst v46;
	v39 =	vld.idx.msk [tilespmem:v59+s26+$0x0], $0xffff  }
0x336: {  	v55 =	vor.u32 s29, v37;
	[tilespmem:s5+$0xC050] =	vst v40;
	v47 =	vld.idx.msk [tilespmem:v58+s26+$0x0], $0xffff  }
0x337: {  	v54 =	vor.u32 s24, v37;
	v41 =	vld.idx.msk [tilespmem:v60+s26+$0x0], $0xffff;
	[tilespmem:s7+$0xC050] =	vst v42  }
0x338: {  	v56 =	vor.u32 s11, v37;
	v43 =	vld.idx.msk [tilespmem:v61+s26+$0x0], $0xffff;
	[tilespmem:s30+$0xC050] =	vst v62  }
0x339: {  	v57 =	vor.u32 s18, v37;
	[tilespmem:s1+$0xC060] =	vst v63;
	v58 =	vld.idx.msk [tilespmem:v52+s26+$0x0], $0xffff  }
0x33a: {  	v59 =	vor.u32 s0, v37;
	[tilespmem:s4+$0xC060] =	vst v39;
	v60 =	vld.idx.msk [tilespmem:v53+s26+$0x0], $0xffff  }
0x33b: {  	[tilespmem:s3+$0xC060] =	vst v47;
	v39 =	vld.idx.msk [tilespmem:v55+s26+$0x0], $0xffff  }
0x33c: {  	[tilespmem:s5+$0xC060] =	vst v41;
	v38 =	vld.idx.msk [tilespmem:v54+s26+$0x0], $0xffff  }
0x33d: {  	[tilespmem:s7+$0xC060] =	vst v43;
	v61 =	vld.idx.msk [tilespmem:v56+s26+$0x0], $0xffff  }
0x33e: {  	v62 =	vld.idx.msk [tilespmem:v57+s26+$0x0], $0xffff;
	[tilespmem:s30+$0xC060] =	vst v58  }
0x33f: {  	p4 =	por p3, p3;
	[tilespmem:s1+$0xC070] =	vst v60;
	v63 =	vld.idx.msk [tilespmem:v59+s26+$0x0], $0xffff  }
.Ltmp10:
0x340: {  	[tilespmem:s4+$0xC070] =	vst v39;
	(pc) =	sbr.rel @p4 .LBB2_20-.Ltmp10, $4  }
0x341: {  	[tilespmem:s3+$0xC070] =	vst v38  }
0x342: {  	[tilespmem:s5+$0xC070] =	vst v61  }
0x343: {  	[tilespmem:s7+$0xC070] =	vst v62  }
0x344: {  	p3 =	por $0x0, $0x0;
	s3 =	simm.s32 $0x10;
	[tilespmem:s30+$0xC070] =	vst v63  }
0x345: {  	s0 =	sadd.s32 s15, s25  }
0x346: {  	s1 =	sshll.u32 s8, $0x13;
	s0 =	sshll.u32 s0, $0xA  }
0x347: {  	s0 =	sadd.s32 s1, s0  }
0x348: {  	s0 =	sshrl.u32 s0, $0x3  }
0x349: {  	s19 =	simm.s32 $0x20000;
	s3 =	simm.s32 $0xC000;
	s0 =	sadd.s32 s23, s0  }
0x34a: {  	[hbm4b:s0+s17] =	stream.strided.scatter [tilespmem:s3], [sflag:$0x7], $0x1000, s19, s17, $0x38;
	[tilespmem:$0x15380] =	vst v63  }
0x34b: {  	p3 =	sne.s32 s13, $0x31;
	p4 =	seq.s32 s13, $0x31;
	s0 =	simm.s32 $0x1  }
0x34c: {  	s8 =	sadd.s32 $0x1, s13;
	p5 =	seq.s32 @!p3 s14, $0x3;
	s0 =	simm.s32 @!p4 $0x0  }
0x34d: {  	s8 =	simm.s32 @p4 $0x0;
	p3 =	por p3, !p5;
	s25 =	sadd.s32 s0, s14  }
0x34e: {  	s0 =	sshll.u32 @p3 s8, $0x9;
	s1 =	sshll.u32 @p3 s25, $0xC  }
0x34f: {  	s3 =	sshll.u32 @p3 s8, $0x7;
	s0 =	sand.u32 @p3 $0xFFFFF000, s0;
	s1 =	sshra.s32 @p3 s1, $0x2  }
0x350: {  	s3 =	sand.u32 @p3 $0x380, s3;
	s0 =	sadd.s32 @p3 s1, s0  }
0x351: {  	s0 =	sor.u32 @p3 s3, s0  }
0x352: {  	v30 =	vld @p3 [tilespmem:s0+$0xE000];
	_ =	sdelay $0x4  }
0x353: {  	v30 =	vshrl.u32 @p3 v30, $0x2  }
0x354: {  	[tilespmem:$0x15000] =	vst @p3 v30  }
0x355: {  	v30 =	vld @p3 [tilespmem:s0+$0xE010];
	_ =	sdelay $0x4  }
0x356: {  	v30 =	vshrl.u32 @p3 v30, $0x2  }
0x357: {  	[tilespmem:$0x15010] =	vst @p3 v30  }
0x358: {  	v30 =	vld @p3 [tilespmem:s0+$0xE020];
	_ =	sdelay $0x4  }
0x359: {  	v30 =	vshrl.u32 @p3 v30, $0x2  }
0x35a: {  	[tilespmem:$0x15020] =	vst @p3 v30  }
0x35b: {  	v30 =	vld @p3 [tilespmem:s0+$0xE030];
	_ =	sdelay $0x4  }
0x35c: {  	v30 =	vshrl.u32 @p3 v30, $0x2  }
0x35d: {  	[tilespmem:$0x15030] =	vst @p3 v30  }
0x35e: {  	v30 =	vld @p3 [tilespmem:s0+$0xE040];
	_ =	sdelay $0x4  }
0x35f: {  	v30 =	vshrl.u32 @p3 v30, $0x2  }
0x360: {  	[tilespmem:$0x15040] =	vst @p3 v30  }
0x361: {  	v30 =	vld @p3 [tilespmem:s0+$0xE050];
	_ =	sdelay $0x4  }
0x362: {  	v30 =	vshrl.u32 @p3 v30, $0x2  }
0x363: {  	[tilespmem:$0x15050] =	vst @p3 v30  }
0x364: {  	v30 =	vld @p3 [tilespmem:s0+$0xE060];
	_ =	sdelay $0x4  }
0x365: {  	v30 =	vshrl.u32 @p3 v30, $0x2  }
0x366: {  	[tilespmem:$0x15060] =	vst @p3 v30  }
0x367: {  	v30 =	vld @p3 [tilespmem:s0+$0xE070];
	_ =	sdelay $0x4  }
0x368: {  	v30 =	vshrl.u32 @p3 v30, $0x2  }
0x369: {  	s1 =	simm.s32 @p3 $0x15000;
	s0 =	simm.s32 @p3 $0x80;
	[tilespmem:$0x15070] =	vst @p3 v30  }
0x36a: {  	[tilespmem:s26], [sflag:$0x5] =	stream.indirect.gather @p3 [hbm4b:s6+s0], $0x80, s1, s0, $0xb8;
	[tilespmem:$0x15380] =	vst v63  }
0x36b: {  	_ =	swait.ge [sflag:s10], $0x4000  }
0x36c: {  	s21 =	sshll.u32 s13, $0x9;
	s24 =	sshll.u32 s14, $0xC;
	[sflag:s10] =	ssyncset.done $0x0  }
0x36d: {  	s4 =	sshll.u32 s13, $0x7;
	s0 =	simm.s32 @!p2 $0x8;
	[sflag:s10] =	ssyncadd.s32 $0xFFFFC000  }
0x36e: {  	s3 =	sshra.s32 s24, $0x2;
	s1 =	sand.u32 $0xFFFFF000, s21;
	_ =	swait.ge @!p2 [sflag:s0], $0x1000  }
0x36f: {  	s29 =	sand.u32 $0x380, s4;
	s1 =	sadd.s32 s3, s1;
	[sflag:s0] =	ssyncset.done @!p2 $0x0  }
0x370: {  	s30 =	sor.u32 s29, s1;
	[sflag:s0] =	ssyncadd.s32 @!p2 $0xFFFFF000  }
0x371: {  	v30 =	vld [tilespmem:s30+$0xE000]  }
0x372: {  	v31 =	vld [tilespmem:s30+$0xE010]  }
0x373: {  	v32 =	vld [tilespmem:s30+$0xE020]  }
0x374: {  	v33 =	vld [tilespmem:s30+$0xE030]  }
0x375: {  	v34 =	vld [tilespmem:s30+$0xE040]  }
0x376: {  	v35 =	vld [tilespmem:s30+$0xE050]  }
0x377: {  	v36 =	vld [tilespmem:s30+$0xE060]  }
0x378: {  	v37 =	vld [tilespmem:s30+$0xE070];
	_ =	sdelay $0x2  }
0x379: {  	v30 =	vshll.u32 v30, $0x5;
	v31 =	vshll.u32 v31, $0x5;
	v32 =	vshll.u32 v32, $0x5  }
0x37a: {  	v33 =	vshll.u32 v33, $0x5;
	v34 =	vshll.u32 v34, $0x5;
	v35 =	vshll.u32 v35, $0x5  }
0x37b: {  	v36 =	vshll.u32 v36, $0x5;
	v37 =	vshll.u32 v37, $0x5;
	v30 =	vand.u32 $0x60, v30  }
0x37c: {  	v31 =	vand.u32 $0x60, v31;
	v32 =	vand.u32 $0x60, v32;
	v33 =	vand.u32 $0x60, v33  }
0x37d: {  	v34 =	vand.u32 $0x60, v34;
	v35 =	vand.u32 $0x60, v35;
	v36 =	vand.u32 $0x60, v36  }
0x37e: {  	v37 =	vand.u32 $0x60, v37;
	v30 =	vor.u32 v22, v30;
	v31 =	vor.u32 v23, v31  }
0x37f: {  	v32 =	vor.u32 v24, v32;
	v33 =	vor.u32 v25, v33;
	v34 =	vor.u32 v26, v34  }
0x380: {  	s3 =	simm.s32 $0x0;
	p2 =	por $0x1, $0x1;
	v35 =	vor.u32 v27, v35;
	v36 =	vor.u32 v28, v36;
	v37 =	vor.u32 v29, v37  }
.LBB2_22:
0x381: {  	v38 =	vor.u32 s3, v30;
	s16 =	sor.u32 $0x1, s3  }
0x382: {  	s7 =	sor.u32 $0x2, s3;
	v39 =	vor.u32 s16, v30  }
0x383: {  	s11 =	sor.u32 $0x3, s3;
	v40 =	vor.u32 s7, v30  }
0x384: {  	v41 =	vor.u32 s11, v30;
	_ =	sdelay $0x1  }
0x385: {  	v38 =	vld.idx.msk [tilespmem:v38+s26+$0x0], $0xffff  }
0x386: {  	v42 =	vor.u32 s3, v31;
	v39 =	vld.idx.msk [tilespmem:v39+s26+$0x0], $0xffff  }
0x387: {  	v43 =	vor.u32 s16, v31;
	v40 =	vld.idx.msk [tilespmem:v40+s26+$0x0], $0xffff  }
0x388: {  	s0 =	sshll.u32 s3, $0x7;
	v44 =	vor.u32 s7, v31;
	v41 =	vld.idx.msk [tilespmem:v41+s26+$0x0], $0xffff  }
0x389: {  	s0 =	sand.u32 $0x3FFFFF80, s0;
	s1 =	sshll.u32 s16, $0x7;
	v45 =	vor.u32 s11, v31  }
0x38a: {  	s4 =	sshll.u32 s7, $0x7;
	s1 =	sand.u32 $0x3FFFFF80, s1;
	[tilespmem:s0+$0xD000] =	vst v38  }
0x38b: {  	s5 =	sshll.u32 s11, $0x7;
	s4 =	sand.u32 $0x3FFFFF80, s4;
	v38 =	vld.idx.msk [tilespmem:v42+s26+$0x0], $0xffff;
	[tilespmem:s1+$0xD000] =	vst v39  }
0x38c: {  	v58 =	vor.u32 s3, v32;
	s5 =	sand.u32 $0x3FFFFF80, s5;
	[tilespmem:s4+$0xD000] =	vst v40;
	v59 =	vld.idx.msk [tilespmem:v43+s26+$0x0], $0xffff  }
0x38d: {  	v60 =	vor.u32 s16, v32;
	[tilespmem:s5+$0xD000] =	vst v41;
	v61 =	vld.idx.msk [tilespmem:v44+s26+$0x0], $0xffff  }
0x38e: {  	v62 =	vor.u32 s7, v32;
	v63 =	vld.idx.msk [tilespmem:v45+s26+$0x0], $0xffff  }
0x38f: {  	v48 =	vor.u32 s11, v32  }
0x390: {  	[tilespmem:s0+$0xD010] =	vst v38  }
0x391: {  	v38 =	vld.idx.msk [tilespmem:v58+s26+$0x0], $0xffff;
	[tilespmem:s1+$0xD010] =	vst v59  }
0x392: {  	v49 =	vor.u32 s3, v33;
	[tilespmem:s4+$0xD010] =	vst v61;
	v40 =	vld.idx.msk [tilespmem:v60+s26+$0x0], $0xffff  }
0x393: {  	v50 =	vor.u32 s16, v33;
	[tilespmem:s5+$0xD010] =	vst v63;
	v41 =	vld.idx.msk [tilespmem:v62+s26+$0x0], $0xffff  }
0x394: {  	v51 =	vor.u32 s7, v33;
	v44 =	vld.idx.msk [tilespmem:v48+s26+$0x0], $0xffff  }
0x395: {  	v52 =	vor.u32 s11, v33  }
0x396: {  	[tilespmem:s0+$0xD020] =	vst v38  }
0x397: {  	v38 =	vld.idx.msk [tilespmem:v49+s26+$0x0], $0xffff;
	[tilespmem:s1+$0xD020] =	vst v40  }
0x398: {  	v53 =	vor.u32 s3, v34;
	[tilespmem:s4+$0xD020] =	vst v41;
	v40 =	vld.idx.msk [tilespmem:v50+s26+$0x0], $0xffff  }
0x399: {  	v54 =	vor.u32 s16, v34;
	[tilespmem:s5+$0xD020] =	vst v44;
	v55 =	vld.idx.msk [tilespmem:v51+s26+$0x0], $0xffff  }
0x39a: {  	v56 =	vor.u32 s7, v34;
	v44 =	vld.idx.msk [tilespmem:v52+s26+$0x0], $0xffff  }
0x39b: {  	v57 =	vor.u32 s11, v34  }
0x39c: {  	[tilespmem:s0+$0xD030] =	vst v38  }
0x39d: {  	v38 =	vld.idx.msk [tilespmem:v53+s26+$0x0], $0xffff;
	[tilespmem:s1+$0xD030] =	vst v40  }
0x39e: {  	v58 =	vor.u32 s3, v35;
	[tilespmem:s4+$0xD030] =	vst v55;
	v40 =	vld.idx.msk [tilespmem:v54+s26+$0x0], $0xffff  }
0x39f: {  	v59 =	vor.u32 s16, v35;
	[tilespmem:s5+$0xD030] =	vst v44;
	v42 =	vld.idx.msk [tilespmem:v56+s26+$0x0], $0xffff  }
0x3a0: {  	v60 =	vor.u32 s7, v35;
	v44 =	vld.idx.msk [tilespmem:v57+s26+$0x0], $0xffff  }
0x3a1: {  	v61 =	vor.u32 s11, v35  }
0x3a2: {  	[tilespmem:s0+$0xD040] =	vst v38  }
0x3a3: {  	v38 =	vld.idx.msk [tilespmem:v58+s26+$0x0], $0xffff;
	[tilespmem:s1+$0xD040] =	vst v40  }
0x3a4: {  	v62 =	vor.u32 s3, v36;
	[tilespmem:s4+$0xD040] =	vst v42;
	v40 =	vld.idx.msk [tilespmem:v59+s26+$0x0], $0xffff  }
0x3a5: {  	v63 =	vor.u32 s16, v36;
	[tilespmem:s5+$0xD040] =	vst v44;
	v42 =	vld.idx.msk [tilespmem:v60+s26+$0x0], $0xffff  }
0x3a6: {  	v48 =	vor.u32 s7, v36;
	v44 =	vld.idx.msk [tilespmem:v61+s26+$0x0], $0xffff  }
0x3a7: {  	v49 =	vor.u32 s11, v36  }
0x3a8: {  	[tilespmem:s0+$0xD050] =	vst v38  }
0x3a9: {  	v38 =	vld.idx.msk [tilespmem:v62+s26+$0x0], $0xffff;
	[tilespmem:s1+$0xD050] =	vst v40  }
0x3aa: {  	v50 =	vor.u32 s3, v37;
	[tilespmem:s4+$0xD050] =	vst v42;
	v40 =	vld.idx.msk [tilespmem:v63+s26+$0x0], $0xffff  }
0x3ab: {  	v51 =	vor.u32 s16, v37;
	[tilespmem:s5+$0xD050] =	vst v44;
	v42 =	vld.idx.msk [tilespmem:v48+s26+$0x0], $0xffff  }
0x3ac: {  	v52 =	vor.u32 s7, v37;
	v44 =	vld.idx.msk [tilespmem:v49+s26+$0x0], $0xffff  }
0x3ad: {  	v53 =	vor.u32 s11, v37;
	s11 =	sor.u32 $0x4, s3  }
0x3ae: {  	s16 =	sor.u32 $0x5, s3;
	v54 =	vor.u32 s11, v30;
	[tilespmem:s0+$0xD060] =	vst v38  }
0x3af: {  	s24 =	sor.u32 $0x7, s3;
	v55 =	vor.u32 s16, v30;
	v39 =	vld.idx.msk [tilespmem:v50+s26+$0x0], $0xffff;
	[tilespmem:s1+$0xD060] =	vst v40  }
0x3b0: {  	s18 =	sor.u32 $0x6, s3;
	v57 =	vor.u32 s24, v30;
	[tilespmem:s4+$0xD060] =	vst v42;
	v41 =	vld.idx.msk [tilespmem:v51+s26+$0x0], $0xffff  }
0x3b1: {  	s29 =	sor.u32 $0x8, s3;
	v56 =	vor.u32 s18, v30;
	[tilespmem:s5+$0xD060] =	vst v44;
	v43 =	vld.idx.msk [tilespmem:v52+s26+$0x0], $0xffff  }
0x3b2: {  	s21 =	sor.u32 $0x9, s3;
	v46 =	vor.u32 s29, v30;
	v45 =	vld.idx.msk [tilespmem:v53+s26+$0x0], $0xffff  }
0x3b3: {  	v47 =	vor.u32 s21, v30;
	v38 =	vld.idx.msk [tilespmem:v54+s26+$0x0], $0xffff  }
0x3b4: {  	v58 =	vor.u32 s11, v31;
	v40 =	vld.idx.msk [tilespmem:v55+s26+$0x0], $0xffff;
	[tilespmem:s0+$0xD070] =	vst v39  }
0x3b5: {  	v59 =	vor.u32 s16, v31;
	v44 =	vld.idx.msk [tilespmem:v57+s26+$0x0], $0xffff;
	[tilespmem:s1+$0xD070] =	vst v41  }
0x3b6: {  	s19 =	sshll.u32 s11, $0x7;
	v61 =	vor.u32 s24, v31;
	v42 =	vld.idx.msk [tilespmem:v56+s26+$0x0], $0xffff;
	[tilespmem:s4+$0xD070] =	vst v43  }
0x3b7: {  	v46 =	vld.idx.msk [tilespmem:v46+s26+$0x0], $0xffff;
	s30 =	sshll.u32 s16, $0x7;
	v60 =	vor.u32 s18, v31;
	s0 =	sand.u32 $0x3FFFFF80, s19;
	[tilespmem:s5+$0xD070] =	vst v45  }
0x3b8: {  	v47 =	vld.idx.msk [tilespmem:v47+s26+$0x0], $0xffff;
	s7 =	sshll.u32 s24, $0x7;
	v62 =	vor.u32 s29, v31;
	[tilespmem:s0+$0xD000] =	vst v38;
	s5 =	sand.u32 $0x3FFFFF80, s30  }
0x3b9: {  	v63 =	vor.u32 s21, v31;
	s4 =	sshll.u32 s18, $0x7;
	s1 =	sand.u32 $0x3FFFFF80, s7;
	v39 =	vld.idx.msk [tilespmem:v58+s26+$0x0], $0xffff;
	[tilespmem:s5+$0xD000] =	vst v40  }
0x3ba: {  	s9 =	sshll.u32 s29, $0x7;
	v48 =	vor.u32 s11, v32;
	s19 =	sand.u32 $0x3FFFFF80, s4;
	[tilespmem:s1+$0xD000] =	vst v44;
	v41 =	vld.idx.msk [tilespmem:v59+s26+$0x0], $0xffff  }
0x3bb: {  	v52 =	vor.u32 s16, v32;
	s30 =	sshll.u32 s21, $0x7;
	s4 =	sand.u32 $0x3FFFFF80, s9;
	[tilespmem:s19+$0xD000] =	vst v42;
	v45 =	vld.idx.msk [tilespmem:v61+s26+$0x0], $0xffff  }
0x3bc: {  	v54 =	vor.u32 s24, v32;
	s7 =	sand.u32 $0x3FFFFF80, s30;
	[tilespmem:s4+$0xD000] =	vst v46;
	v43 =	vld.idx.msk [tilespmem:v60+s26+$0x0], $0xffff  }
0x3bd: {  	v53 =	vor.u32 s18, v32;
	[tilespmem:s7+$0xD000] =	vst v47;
	v38 =	vld.idx.msk [tilespmem:v62+s26+$0x0], $0xffff  }
0x3be: {  	v55 =	vor.u32 s29, v32;
	v40 =	vld.idx.msk [tilespmem:v63+s26+$0x0], $0xffff;
	[tilespmem:s0+$0xD010] =	vst v39  }
0x3bf: {  	v57 =	vor.u32 s21, v32;
	v56 =	vld.idx.msk [tilespmem:v48+s26+$0x0], $0xffff;
	[tilespmem:s5+$0xD010] =	vst v41  }
0x3c0: {  	v58 =	vor.u32 s11, v33;
	[tilespmem:s1+$0xD010] =	vst v45;
	v42 =	vld.idx.msk [tilespmem:v52+s26+$0x0], $0xffff  }
0x3c1: {  	v59 =	vor.u32 s16, v33;
	[tilespmem:s19+$0xD010] =	vst v43;
	v46 =	vld.idx.msk [tilespmem:v54+s26+$0x0], $0xffff  }
0x3c2: {  	v61 =	vor.u32 s24, v33;
	[tilespmem:s4+$0xD010] =	vst v38;
	v44 =	vld.idx.msk [tilespmem:v53+s26+$0x0], $0xffff  }
0x3c3: {  	v60 =	vor.u32 s18, v33;
	[tilespmem:s7+$0xD010] =	vst v40;
	v39 =	vld.idx.msk [tilespmem:v55+s26+$0x0], $0xffff  }
0x3c4: {  	v62 =	vor.u32 s29, v33;
	v41 =	vld.idx.msk [tilespmem:v57+s26+$0x0], $0xffff;
	[tilespmem:s0+$0xD020] =	vst v56  }
0x3c5: {  	v63 =	vor.u32 s21, v33;
	v47 =	vld.idx.msk [tilespmem:v58+s26+$0x0], $0xffff;
	[tilespmem:s5+$0xD020] =	vst v42  }
0x3c6: {  	v52 =	vor.u32 s11, v34;
	[tilespmem:s1+$0xD020] =	vst v46;
	v43 =	vld.idx.msk [tilespmem:v59+s26+$0x0], $0xffff  }
0x3c7: {  	v53 =	vor.u32 s16, v34;
	[tilespmem:s19+$0xD020] =	vst v44;
	v38 =	vld.idx.msk [tilespmem:v61+s26+$0x0], $0xffff  }
0x3c8: {  	v55 =	vor.u32 s24, v34;
	[tilespmem:s4+$0xD020] =	vst v39;
	v45 =	vld.idx.msk [tilespmem:v60+s26+$0x0], $0xffff  }
0x3c9: {  	v54 =	vor.u32 s18, v34;
	[tilespmem:s7+$0xD020] =	vst v41;
	v40 =	vld.idx.msk [tilespmem:v62+s26+$0x0], $0xffff  }
0x3ca: {  	v56 =	vor.u32 s29, v34;
	v42 =	vld.idx.msk [tilespmem:v63+s26+$0x0], $0xffff;
	[tilespmem:s0+$0xD030] =	vst v47  }
0x3cb: {  	v57 =	vor.u32 s21, v34;
	v47 =	vld.idx.msk [tilespmem:v52+s26+$0x0], $0xffff;
	[tilespmem:s5+$0xD030] =	vst v43  }
0x3cc: {  	v58 =	vor.u32 s11, v35;
	[tilespmem:s1+$0xD030] =	vst v38;
	v44 =	vld.idx.msk [tilespmem:v53+s26+$0x0], $0xffff  }
0x3cd: {  	v59 =	vor.u32 s16, v35;
	[tilespmem:s19+$0xD030] =	vst v45;
	v39 =	vld.idx.msk [tilespmem:v55+s26+$0x0], $0xffff  }
0x3ce: {  	v61 =	vor.u32 s24, v35;
	[tilespmem:s4+$0xD030] =	vst v40;
	v46 =	vld.idx.msk [tilespmem:v54+s26+$0x0], $0xffff  }
0x3cf: {  	v60 =	vor.u32 s18, v35;
	[tilespmem:s7+$0xD030] =	vst v42;
	v41 =	vld.idx.msk [tilespmem:v56+s26+$0x0], $0xffff  }
0x3d0: {  	v62 =	vor.u32 s29, v35;
	v43 =	vld.idx.msk [tilespmem:v57+s26+$0x0], $0xffff;
	[tilespmem:s0+$0xD040] =	vst v47  }
0x3d1: {  	v63 =	vor.u32 s21, v35;
	v47 =	vld.idx.msk [tilespmem:v58+s26+$0x0], $0xffff;
	[tilespmem:s5+$0xD040] =	vst v44  }
0x3d2: {  	v52 =	vor.u32 s11, v36;
	[tilespmem:s1+$0xD040] =	vst v39;
	v45 =	vld.idx.msk [tilespmem:v59+s26+$0x0], $0xffff  }
0x3d3: {  	v53 =	vor.u32 s16, v36;
	[tilespmem:s19+$0xD040] =	vst v46;
	v40 =	vld.idx.msk [tilespmem:v61+s26+$0x0], $0xffff  }
0x3d4: {  	v55 =	vor.u32 s24, v36;
	[tilespmem:s4+$0xD040] =	vst v41;
	v38 =	vld.idx.msk [tilespmem:v60+s26+$0x0], $0xffff  }
0x3d5: {  	v54 =	vor.u32 s18, v36;
	[tilespmem:s7+$0xD040] =	vst v43;
	v42 =	vld.idx.msk [tilespmem:v62+s26+$0x0], $0xffff  }
0x3d6: {  	v56 =	vor.u32 s29, v36;
	v44 =	vld.idx.msk [tilespmem:v63+s26+$0x0], $0xffff;
	[tilespmem:s0+$0xD050] =	vst v47  }
0x3d7: {  	v57 =	vor.u32 s21, v36;
	v47 =	vld.idx.msk [tilespmem:v52+s26+$0x0], $0xffff;
	[tilespmem:s5+$0xD050] =	vst v45  }
0x3d8: {  	v58 =	vor.u32 s11, v37;
	[tilespmem:s1+$0xD050] =	vst v40;
	v46 =	vld.idx.msk [tilespmem:v53+s26+$0x0], $0xffff  }
0x3d9: {  	v59 =	vor.u32 s16, v37;
	[tilespmem:s19+$0xD050] =	vst v38;
	v41 =	vld.idx.msk [tilespmem:v55+s26+$0x0], $0xffff  }
0x3da: {  	v61 =	vor.u32 s24, v37;
	[tilespmem:s4+$0xD050] =	vst v42;
	v39 =	vld.idx.msk [tilespmem:v54+s26+$0x0], $0xffff  }
0x3db: {  	v60 =	vor.u32 s18, v37;
	[tilespmem:s7+$0xD050] =	vst v44;
	v43 =	vld.idx.msk [tilespmem:v56+s26+$0x0], $0xffff  }
0x3dc: {  	v62 =	vor.u32 s29, v37;
	v45 =	vld.idx.msk [tilespmem:v57+s26+$0x0], $0xffff;
	[tilespmem:s0+$0xD060] =	vst v47  }
0x3dd: {  	s16 =	sor.u32 $0xA, s3;
	v63 =	vor.u32 s21, v37;
	v47 =	vld.idx.msk [tilespmem:v58+s26+$0x0], $0xffff;
	[tilespmem:s5+$0xD060] =	vst v46  }
0x3de: {  	v48 =	vor.u32 s16, v30;
	s29 =	sor.u32 $0xC, s3;
	[tilespmem:s1+$0xD060] =	vst v41;
	v38 =	vld.idx.msk [tilespmem:v59+s26+$0x0], $0xffff  }
0x3df: {  	s24 =	sor.u32 $0xB, s3;
	v50 =	vor.u32 s29, v30;
	[tilespmem:s19+$0xD060] =	vst v39;
	v42 =	vld.idx.msk [tilespmem:v61+s26+$0x0], $0xffff  }
0x3e0: {  	s11 =	sor.u32 $0xD, s3;
	v49 =	vor.u32 s24, v30;
	[tilespmem:s4+$0xD060] =	vst v43;
	v40 =	vld.idx.msk [tilespmem:v60+s26+$0x0], $0xffff  }
0x3e1: {  	v51 =	vor.u32 s11, v30;
	s18 =	sor.u32 $0xE, s3;
	[tilespmem:s7+$0xD060] =	vst v45;
	v44 =	vld.idx.msk [tilespmem:v62+s26+$0x0], $0xffff  }
0x3e2: {  	v52 =	vor.u32 s18, v30;
	v46 =	vld.idx.msk [tilespmem:v63+s26+$0x0], $0xffff;
	[tilespmem:s0+$0xD070] =	vst v47;
	s0 =	sor.u32 $0xF, s3  }
0x3e3: {  	v53 =	vld.idx.msk [tilespmem:v48+s26+$0x0], $0xffff;
	[tilespmem:s5+$0xD070] =	vst v38;
	v54 =	vor.u32 s0, v30  }
0x3e4: {  	v55 =	vor.u32 s16, v31;
	v43 =	vld.idx.msk [tilespmem:v50+s26+$0x0], $0xffff;
	[tilespmem:s1+$0xD070] =	vst v42  }
0x3e5: {  	v57 =	vor.u32 s29, v31;
	v41 =	vld.idx.msk [tilespmem:v49+s26+$0x0], $0xffff;
	[tilespmem:s19+$0xD070] =	vst v40  }
0x3e6: {  	v56 =	vor.u32 s24, v31;
	v45 =	vld.idx.msk [tilespmem:v51+s26+$0x0], $0xffff;
	s5 =	sshll.u32 s16, $0x7;
	[tilespmem:s4+$0xD070] =	vst v44  }
0x3e7: {  	s9 =	sshll.u32 s29, $0x7;
	v58 =	vor.u32 s11, v31;
	v47 =	vld.idx.msk [tilespmem:v52+s26+$0x0], $0xffff;
	[tilespmem:s7+$0xD070] =	vst v46;
	s1 =	sand.u32 $0x3FFFFF80, s5  }
0x3e8: {  	v59 =	vor.u32 s18, v31;
	s7 =	sshll.u32 s24, $0x7;
	s4 =	sand.u32 $0x3FFFFF80, s9;
	[tilespmem:s1+$0xD000] =	vst v53;
	v39 =	vld.idx.msk [tilespmem:v54+s26+$0x0], $0xffff  }
0x3e9: {  	v60 =	vor.u32 s0, v31;
	s19 =	sshll.u32 s11, $0x7;
	s3 =	sand.u32 $0x3FFFFF80, s7;
	[tilespmem:s4+$0xD000] =	vst v43;
	v40 =	vld.idx.msk [tilespmem:v55+s26+$0x0], $0xffff  }
0x3ea: {  	s21 =	sshll.u32 s18, $0x7;
	v61 =	vor.u32 s16, v32;
	s5 =	sand.u32 $0x3FFFFF80, s19;
	[tilespmem:s3+$0xD000] =	vst v41;
	v44 =	vld.idx.msk [tilespmem:v57+s26+$0x0], $0xffff  }
0x3eb: {  	v63 =	vor.u32 s29, v32;
	s9 =	sshll.u32 s0, $0x7;
	s7 =	sand.u32 $0x3FFFFF80, s21;
	[tilespmem:s5+$0xD000] =	vst v45;
	v42 =	vld.idx.msk [tilespmem:v56+s26+$0x0], $0xffff  }
0x3ec: {  	v62 =	vor.u32 s24, v32;
	s30 =	sand.u32 $0x3FFFFF80, s9;
	v46 =	vld.idx.msk [tilespmem:v58+s26+$0x0], $0xffff;
	[tilespmem:s7+$0xD000] =	vst v47  }
0x3ed: {  	v52 =	vor.u32 s11, v32;
	v38 =	vld.idx.msk [tilespmem:v59+s26+$0x0], $0xffff;
	[tilespmem:s30+$0xD000] =	vst v39  }
0x3ee: {  	v53 =	vor.u32 s18, v32;
	[tilespmem:s1+$0xD010] =	vst v40;
	v54 =	vld.idx.msk [tilespmem:v60+s26+$0x0], $0xffff  }
0x3ef: {  	v56 =	vor.u32 s0, v32;
	[tilespmem:s4+$0xD010] =	vst v44;
	v55 =	vld.idx.msk [tilespmem:v61+s26+$0x0], $0xffff  }
0x3f0: {  	v57 =	vor.u32 s16, v33;
	[tilespmem:s3+$0xD010] =	vst v42;
	v45 =	vld.idx.msk [tilespmem:v63+s26+$0x0], $0xffff  }
0x3f1: {  	v59 =	vor.u32 s29, v33;
	[tilespmem:s5+$0xD010] =	vst v46;
	v43 =	vld.idx.msk [tilespmem:v62+s26+$0x0], $0xffff  }
0x3f2: {  	v58 =	vor.u32 s24, v33;
	v47 =	vld.idx.msk [tilespmem:v52+s26+$0x0], $0xffff;
	[tilespmem:s7+$0xD010] =	vst v38  }
0x3f3: {  	v60 =	vor.u32 s11, v33;
	v39 =	vld.idx.msk [tilespmem:v53+s26+$0x0], $0xffff;
	[tilespmem:s30+$0xD010] =	vst v54  }
0x3f4: {  	v61 =	vor.u32 s18, v33;
	[tilespmem:s1+$0xD020] =	vst v55;
	v62 =	vld.idx.msk [tilespmem:v56+s26+$0x0], $0xffff  }
0x3f5: {  	v52 =	vor.u32 s0, v33;
	[tilespmem:s4+$0xD020] =	vst v45;
	v63 =	vld.idx.msk [tilespmem:v57+s26+$0x0], $0xffff  }
0x3f6: {  	v53 =	vor.u32 s16, v34;
	[tilespmem:s3+$0xD020] =	vst v43;
	v46 =	vld.idx.msk [tilespmem:v59+s26+$0x0], $0xffff  }
0x3f7: {  	v55 =	vor.u32 s29, v34;
	[tilespmem:s5+$0xD020] =	vst v47;
	v44 =	vld.idx.msk [tilespmem:v58+s26+$0x0], $0xffff  }
0x3f8: {  	v54 =	vor.u32 s24, v34;
	v38 =	vld.idx.msk [tilespmem:v60+s26+$0x0], $0xffff;
	[tilespmem:s7+$0xD020] =	vst v39  }
0x3f9: {  	v56 =	vor.u32 s11, v34;
	v40 =	vld.idx.msk [tilespmem:v61+s26+$0x0], $0xffff;
	[tilespmem:s30+$0xD020] =	vst v62  }
0x3fa: {  	v57 =	vor.u32 s18, v34;
	[tilespmem:s1+$0xD030] =	vst v63;
	v58 =	vld.idx.msk [tilespmem:v52+s26+$0x0], $0xffff  }
0x3fb: {  	v60 =	vor.u32 s0, v34;
	[tilespmem:s4+$0xD030] =	vst v46;
	v59 =	vld.idx.msk [tilespmem:v53+s26+$0x0], $0xffff  }
0x3fc: {  	v61 =	vor.u32 s16, v35;
	[tilespmem:s3+$0xD030] =	vst v44;
	v47 =	vld.idx.msk [tilespmem:v55+s26+$0x0], $0xffff  }
0x3fd: {  	v63 =	vor.u32 s29, v35;
	[tilespmem:s5+$0xD030] =	vst v38;
	v45 =	vld.idx.msk [tilespmem:v54+s26+$0x0], $0xffff  }
0x3fe: {  	v62 =	vor.u32 s24, v35;
	v39 =	vld.idx.msk [tilespmem:v56+s26+$0x0], $0xffff;
	[tilespmem:s7+$0xD030] =	vst v40  }
0x3ff: {  	v52 =	vor.u32 s11, v35;
	v41 =	vld.idx.msk [tilespmem:v57+s26+$0x0], $0xffff;
	[tilespmem:s30+$0xD030] =	vst v58  }
0x400: {  	v53 =	vor.u32 s18, v35;
	[tilespmem:s1+$0xD040] =	vst v59;
	v54 =	vld.idx.msk [tilespmem:v60+s26+$0x0], $0xffff  }
0x401: {  	v56 =	vor.u32 s0, v35;
	[tilespmem:s4+$0xD040] =	vst v47;
	v55 =	vld.idx.msk [tilespmem:v61+s26+$0x0], $0xffff  }
0x402: {  	v57 =	vor.u32 s16, v36;
	[tilespmem:s3+$0xD040] =	vst v45;
	v38 =	vld.idx.msk [tilespmem:v63+s26+$0x0], $0xffff  }
0x403: {  	v59 =	vor.u32 s29, v36;
	[tilespmem:s5+$0xD040] =	vst v39;
	v46 =	vld.idx.msk [tilespmem:v62+s26+$0x0], $0xffff  }
0x404: {  	v58 =	vor.u32 s24, v36;
	v40 =	vld.idx.msk [tilespmem:v52+s26+$0x0], $0xffff;
	[tilespmem:s7+$0xD040] =	vst v41  }
0x405: {  	v60 =	vor.u32 s11, v36;
	v42 =	vld.idx.msk [tilespmem:v53+s26+$0x0], $0xffff;
	[tilespmem:s30+$0xD040] =	vst v54  }
0x406: {  	v61 =	vor.u32 s18, v36;
	[tilespmem:s1+$0xD050] =	vst v55;
	v62 =	vld.idx.msk [tilespmem:v56+s26+$0x0], $0xffff  }
0x407: {  	v52 =	vor.u32 s0, v36;
	[tilespmem:s4+$0xD050] =	vst v38;
	v63 =	vld.idx.msk [tilespmem:v57+s26+$0x0], $0xffff  }
0x408: {  	v53 =	vor.u32 s16, v37;
	[tilespmem:s3+$0xD050] =	vst v46;
	v39 =	vld.idx.msk [tilespmem:v59+s26+$0x0], $0xffff  }
0x409: {  	v55 =	vor.u32 s29, v37;
	[tilespmem:s5+$0xD050] =	vst v40;
	v47 =	vld.idx.msk [tilespmem:v58+s26+$0x0], $0xffff  }
0x40a: {  	v54 =	vor.u32 s24, v37;
	v41 =	vld.idx.msk [tilespmem:v60+s26+$0x0], $0xffff;
	[tilespmem:s7+$0xD050] =	vst v42  }
0x40b: {  	v56 =	vor.u32 s11, v37;
	v43 =	vld.idx.msk [tilespmem:v61+s26+$0x0], $0xffff;
	[tilespmem:s30+$0xD050] =	vst v62  }
0x40c: {  	v57 =	vor.u32 s18, v37;
	[tilespmem:s1+$0xD060] =	vst v63;
	v58 =	vld.idx.msk [tilespmem:v52+s26+$0x0], $0xffff  }
0x40d: {  	v59 =	vor.u32 s0, v37;
	[tilespmem:s4+$0xD060] =	vst v39;
	v60 =	vld.idx.msk [tilespmem:v53+s26+$0x0], $0xffff  }
0x40e: {  	[tilespmem:s3+$0xD060] =	vst v47;
	v39 =	vld.idx.msk [tilespmem:v55+s26+$0x0], $0xffff  }
0x40f: {  	[tilespmem:s5+$0xD060] =	vst v41;
	v38 =	vld.idx.msk [tilespmem:v54+s26+$0x0], $0xffff  }
0x410: {  	[tilespmem:s7+$0xD060] =	vst v43;
	v61 =	vld.idx.msk [tilespmem:v56+s26+$0x0], $0xffff  }
0x411: {  	v62 =	vld.idx.msk [tilespmem:v57+s26+$0x0], $0xffff;
	[tilespmem:s30+$0xD060] =	vst v58  }
0x412: {  	p3 =	por p2, p2;
	[tilespmem:s1+$0xD070] =	vst v60;
	v63 =	vld.idx.msk [tilespmem:v59+s26+$0x0], $0xffff  }
.Ltmp11:
0x413: {  	[tilespmem:s4+$0xD070] =	vst v39;
	(pc) =	sbr.rel @p3 .LBB2_22-.Ltmp11, $4  }
0x414: {  	[tilespmem:s3+$0xD070] =	vst v38  }
0x415: {  	[tilespmem:s5+$0xD070] =	vst v61  }
0x416: {  	[tilespmem:s7+$0xD070] =	vst v62  }
0x417: {  	p2 =	por $0x0, $0x0;
	s3 =	simm.s32 $0x10;
	[tilespmem:s30+$0xD070] =	vst v63  }
0x418: {  	s12 =	sadd.s32 $0x1, s12  }
0x419: {  	s0 =	sadd.s32 s15, s14;
	p2 =	sne.s32 s12, $0x64  }
.Ltmp12:
0x41a: {  	s1 =	sshll.u32 s13, $0x13;
	s0 =	sshll.u32 s0, $0xA;
	(pc) =	sbr.rel @p2 .LBB2_19-.Ltmp12, $4  }
0x41b: {  	s0 =	sadd.s32 s1, s0  }
0x41c: {  	s0 =	sshrl.u32 s0, $0x3  }
0x41d: {  	s30 =	simm.s32 $0x20000;
	s3 =	simm.s32 $0xD000;
	s0 =	sadd.s32 s23, s0  }
0x41e: {  	[hbm4b:s0+s17] =	stream.strided.scatter [tilespmem:s3], [sflag:$0x8], $0x1000, s30, s17, $0x38;
	[tilespmem:$0x15380] =	vst v63  }
0x41f: {  	s0 =	simm.s32 $0x7  }
0x420: {  	_ =	swait.ge [sflag:s0], $0x1000  }
0x421: {  	[sflag:s0] =	ssyncset.done $0x0  }
0x422: {  	s1 =	simm.s32 $0x8;
	[sflag:s0] =	ssyncadd.s32 $0xFFFFF000  }
0x423: {  	_ =	swait.ge [sflag:s1], $0x1000  }
0x424: {  	s3 =	rddreg [dreg:$0x10]  }
0x425: {  	s30 =	rddreg [dreg:$0xf];
	s3 =	sadd.s32 $0x1, s3  }
0x426: {  	p2 =	sne.s32 s3, s30  }
.Ltmp13:
0x427: {  	_ = 	snop;
	(pc) =	sbr.rel @p2 .LBB2_1-.Ltmp13, $3  }
0x428: {  	_ =	sdelay $0x1  }
0x429: {  	[sflag:s1] =	ssyncset.done $0x0  }
0x42a: {  	[sflag:s1] =	ssyncadd.s32 $0xFFFFF000  }
0x42b: {  	_ =	sfence.sel $0x180000  }
0x42c: {  	[bflag:$0x0] =	sbarrier.arrive $0xFFFF  }
0x42d: {  	_ =	strace $0x90000047  }
0x42e: {  	s0 =	stileid.u32;
	[bflag:$0x2] =	sbarrier.arrive $0xFFFF  }
0x42f: {  	p0 =	sne.s32 s0, $0x0;
	s0 =	rddreg [dreg:$0x4]  }
0x430: {  	s0 =	sadd.s32 @!p0 $0x100000, s0  }
0x431: {  	[sflag:s0] =	ssyncadd.tile.s32 @!p0 $0x1;
	_ =	shalt  }
.Lfunc_end2:
_tile_overlayer_lowered:
.L_overlay_start_2:
0x432: {  	(tag) =	ssettag $0x2  }
0x433: {  	s0 =	rddreg [dreg:$0x0];
	s2 =	stileid.u32  }
0x434: {  	s1 =	rddreg [dreg:$0x1];
	p0 =	sne.s32 s2, $0x0  }
0x435: {  	s3 =	rddreg [dreg:$0x2];
	[bflag:$0x3] =	sbarrier.arrive $0xFFFF;
	s2 =	simm.s32 @!p0 $0x1C09  }
0x436: {  	[timem:s3], [sflag:s2] =	dma.local @!p0 [hbm:s0], s1  }
0x437: {  	s0 =	simm.s32 @!p0 $0x9  }
0x438: {  	_ =	swait.ge @!p0 [sflag:s0], s1  }
0x439: {  	s1 =	ssub.s32 @!p0 $0x0, s1;
	[sflag:s0] =	ssyncset.done @!p0 $0x0  }
0x43a: {  	[sflag:s0] =	ssyncadd.s32 @!p0 s1  }
0x43b: {  	[bflag:$0x3] =	sbarrier.arrive $0xFFFF  }
0x43c: {  	_ =	shalt  }

</sc_bundles>
